<compile_context>
chip_gen: v7x
topology: tpu7x:2x2x1
jax: 0.10.2.dev20260603
libtpu: 0.0.44.dev20260713+nightly
codegen_flags: <defaults>
</compile_context>

<pallas_src>
import functools

import jax
import jax.numpy as jnp
from jax import lax
from jax.experimental import pallas as pl
from jax.experimental.pallas import tpu as pltpu
from jax.experimental.pallas import tpu_sc as plsc

N = 10000
E = 320000
F = 128
C = 64
K = 10

NC = 2
NS = 16
NW = NC * NS
EPW = E // NW
CHUNK = 80
EPW_PAD = 10000
NCHUNK = EPW_PAD // CHUNK
NP = N + 8
RPW = 624
REM = N - NS * RPW

_mesh = functools.partial(
    plsc.VectorSubcoreMesh, core_axis_name="c", subcore_axis_name="s")


@functools.partial(
    pl.kernel,
    out_type=jax.ShapeDtypeStruct((NW, N), jnp.float32),
    mesh=_mesh(),
    scratch_types=[
        pltpu.VMEM((EPW,), jnp.int32),
        pltpu.VMEM((N,), jnp.float32),
    ],
    compiler_params=pltpu.CompilerParams(needs_layout_passes=False),
)
def _deg_kernel(dst_hbm, out_hbm, idx_v, deg_v):
    cid = lax.axis_index("c")
    sid = lax.axis_index("s")
    wid = sid * NC + cid
    pltpu.sync_copy(dst_hbm.at[pl.ds(wid * EPW, EPW)], idx_v)

    def zero_body(i, carry):
        deg_v[pl.ds(i * 16, 16)] = jnp.zeros((16,), jnp.float32)
        return carry

    lax.fori_loop(0, N // 16, zero_body, 0)

    ones = jnp.ones((16,), jnp.float32)

    def acc_body(i, carry):
        d = idx_v[pl.ds(i * 16, 16)]
        plsc.addupdate_scatter(deg_v, [d], ones)
        return carry

    lax.fori_loop(0, EPW // 16, acc_body, 0)
    pltpu.sync_copy(deg_v, out_hbm.at[wid])


@functools.partial(
    pl.kernel,
    out_type=jax.ShapeDtypeStruct((NC, N, F), jnp.float32),
    mesh=_mesh(),
    scratch_types=[
        pltpu.VMEM((NCHUNK, CHUNK), jnp.int32),
        pltpu.VMEM((NCHUNK, CHUNK), jnp.int32),
        pltpu.VMEM((CHUNK, F), jnp.float32),
        pltpu.VMEM_SHARED((NP, F), jnp.float32),
        pltpu.SemaphoreType.DMA,
        pltpu.SemaphoreType.DMA,
        pltpu.SemaphoreType.DMA,
    ],
)
def _prop_kernel(hs_hbm, src_hbm, dst_hbm, zeros_hbm, out_hbm,
                 src_v, dst_v, rows_v, agg_sh, sem_src, sem_dst, sem_g):
    cid = lax.axis_index("c")
    sid = lax.axis_index("s")
    wid = sid * NC + cid

    pltpu.async_copy(src_hbm.at[wid], src_v, sem_src)
    pltpu.async_copy(dst_hbm.at[wid], dst_v, sem_dst)

    pltpu.sync_copy(zeros_hbm.at[pl.ds(sid * RPW, RPW)],
                    agg_sh.at[pl.ds(sid * RPW, RPW)])

    @pl.when(sid == NS - 1)
    def _():
        pltpu.sync_copy(zeros_hbm.at[pl.ds(NS * RPW, REM + 8)],
                        agg_sh.at[pl.ds(NS * RPW, REM + 8)])

    pltpu.make_async_copy(src_hbm.at[wid], src_v, sem_src).wait()
    pltpu.make_async_copy(dst_hbm.at[wid], dst_v, sem_dst).wait()
    plsc.subcore_barrier()

    def body(c, carry):
        pltpu.async_copy(
            hs_hbm.at[src_v.at[c]], rows_v, sem_g).wait()
        pltpu.sync_copy(rows_v, agg_sh.at[dst_v.at[c]], add=True)
        return carry

    lax.fori_loop(0, NCHUNK, body, 0)
    plsc.subcore_barrier()
    pltpu.sync_copy(agg_sh.at[pl.ds(sid * RPW, RPW)],
                    out_hbm.at[cid, pl.ds(sid * RPW, RPW)])

    @pl.when(sid == NS - 1)
    def _():
        pltpu.sync_copy(agg_sh.at[pl.ds(NS * RPW, REM)],
                        out_hbm.at[cid, pl.ds(NS * RPW, REM)])


def _tc_pre_body(feat_ref, w0_ref, b0_ref, wy_ref, wg_ref, bg_ref, degp_ref,
                 h0_ref, hs_ref, alpha_ref, norm_ref):
    feat = feat_ref[...]
    h0 = jnp.dot(feat, w0_ref[...], preferred_element_type=jnp.float32)
    h0 = jnp.maximum(h0 + b0_ref[...], 0.0)
    ylog = jnp.dot(feat, wy_ref[...], preferred_element_type=jnp.float32)
    ylog = ylog - jnp.max(ylog, axis=1, keepdims=True)
    e = jnp.exp(ylog)
    logits = e / jnp.sum(e, axis=1, keepdims=True)
    gate = jnp.dot(logits, wg_ref[...], preferred_element_type=jnp.float32)
    alpha = jax.nn.sigmoid(gate + bg_ref[...])
    deg = jnp.sum(degp_ref[...], axis=0, keepdims=True)
    norm = lax.rsqrt(jnp.maximum(deg, 1.0)).reshape(N, 1)
    h0_ref[...] = h0
    hs_ref[pl.ds(0, N), :] = h0 * norm
    hs_ref[pl.ds(N, 8), :] = jnp.zeros((8, F), jnp.float32)
    alpha_ref[...] = alpha
    norm_ref[...] = norm


_tc_pre = pl.pallas_call(
    _tc_pre_body,
    out_shape=[
        jax.ShapeDtypeStruct((N, F), jnp.float32),
        jax.ShapeDtypeStruct((NP, F), jnp.float32),
        jax.ShapeDtypeStruct((N, 1), jnp.float32),
        jax.ShapeDtypeStruct((N, 1), jnp.float32),
    ],
)


def _tc_upd_body(parts_ref, alpha_ref, norm_ref, h0_ref, h_ref, hs_ref):
    norm = norm_ref[...]
    alpha = alpha_ref[...]
    agg = (parts_ref[0] + parts_ref[1]) * norm
    h = (1.0 - alpha) * agg + alpha * h0_ref[...]
    h_ref[...] = h
    hs_ref[pl.ds(0, N), :] = h * norm
    hs_ref[pl.ds(N, 8), :] = jnp.zeros((8, F), jnp.float32)


_tc_upd = pl.pallas_call(
    _tc_upd_body,
    out_shape=[
        jax.ShapeDtypeStruct((N, F), jnp.float32),
        jax.ShapeDtypeStruct((NP, F), jnp.float32),
    ],
)


def kernel(features, edge_index, W0, b0, Wy, W_gate, b_gate):
    src = edge_index[0].reshape(NW, EPW)
    dst = edge_index[1].reshape(NW, EPW)
    pad = jnp.full((NW, EPW_PAD - EPW), N, jnp.int32)
    srcp = jnp.concatenate([src, pad], axis=1).reshape(NW, NCHUNK, CHUNK)
    dstp = jnp.concatenate([dst, pad], axis=1).reshape(NW, NCHUNK, CHUNK)

    deg_parts = _deg_kernel(edge_index[1])
    h0, hs, alpha, norm = _tc_pre(
        features, W0, b0.reshape(1, F), Wy, W_gate, b_gate.reshape(1, 1),
        deg_parts)

    zeros = jnp.zeros((NP, F), jnp.float32)
    h = h0
    for _ in range(K):
        parts = _prop_kernel(hs, srcp, dstp, zeros)
        h, hs = _tc_upd(parts, alpha, norm, h0)
    return h

# --- scband reference (transcript-rebuilt; emitter-appended) ---
"""Pipeline reference for scband-ada-appnp-86964497809759 (READ-ONLY COPY).

The authoritative reference and input builder live on the scoring server;
editing this copy changes nothing except your own understanding.
"""

import jax, jax.numpy as jnp
import numpy as np

N = 10000
E = 320000
IN_FEATS = 128
N_HIDDEN = 128
N_CLASSES = 64
K_LAYERS = 10


def setup_inputs(seed: int = 0) -> dict:
    key = jax.random.key(seed)
    ks = jax.random.split(key, 8)
    features = jax.random.normal(ks[0], (N, IN_FEATS), dtype=jnp.float32)
    edge_index = jax.random.randint(ks[1], (2, E), 0, N, dtype=jnp.int32)
    # Linear(in_feats, n_hidden), xavier-ish init
    W0 = jax.random.normal(ks[2], (IN_FEATS, N_HIDDEN), dtype=jnp.float32) * np.sqrt(2.0 / (IN_FEATS + N_HIDDEN))
    b0 = jnp.zeros((N_HIDDEN,), dtype=jnp.float32)
    # init_weight_y: non-trainable parameter mapping feats -> class logits [in_feats, n_classes]
    Wy = jax.random.normal(ks[3], (IN_FEATS, N_CLASSES), dtype=jnp.float32) * 0.05
    # Gating params of GatedAPPNPConv: per-node teleport alpha from class logits
    W_gate = jax.random.normal(ks[4], (N_CLASSES, 1), dtype=jnp.float32) * 0.1
    b_gate = jnp.zeros((1,), dtype=jnp.float32)
    return {"features": features, "edge_index": edge_index, "W0": W0, "b0": b0,
            "Wy": Wy, "W_gate": W_gate, "b_gate": b_gate}


def _propagate(h, logits, edge_index, W_gate, b_gate):
    src = edge_index[0]
    dst = edge_index[1]
    # symmetric-style degree normalization (eval mode, edge_drop=0)
    deg = jax.ops.segment_sum(jnp.ones((E,), dtype=jnp.float32), dst, num_segments=N)
    norm = jnp.clip(deg, 1.0, None) ** -0.5
    # adaptive per-node teleport probability from class logits
    alpha = jax.nn.sigmoid(logits @ W_gate + b_gate)  # [N, 1]
    h0 = h
    for _ in range(K_LAYERS):
        m = (h * norm[:, None])[src]              # gather + src norm
        agg = jax.ops.segment_sum(m, dst, num_segments=N)  # scatter-add
        agg = agg * norm[:, None]                 # dst norm
        h = (1.0 - alpha) * agg + alpha * h0
    return h


def reference(features, edge_index, W0, b0, Wy, W_gate, b_gate):
    # feat_drop is identity in eval mode
    h = features @ W0 + b0
    h = jax.nn.relu(h)
    logits = jax.nn.softmax(features @ Wy, axis=1)
    h = _propagate(h, logits, edge_index, W_gate, b_gate)
    return h

if __name__ == "__main__":
    import jax
    _d = setup_inputs()
    print(jax.jit(kernel)(*tuple(_d.values())))

</pallas_src>

<mosaic_0001>
#map = affine_map<(d0, d1) -> (0, 0)>
#map1 = affine_map<(d0, d1) -> (0, 0, 0)>
module attributes {stable_mosaic.version = 14 : i64} {
  func.func @_prop_kernel(%arg0: i32, %arg1: i32, %arg2: memref<10008x128xf32, #tpu.memory_space<hbm>>, %arg3: memref<32x125x80xi32, #tpu.memory_space<hbm>>, %arg4: memref<32x125x80xi32, #tpu.memory_space<hbm>>, %arg5: memref<10008x128xf32, #tpu.memory_space<hbm>>, %arg6: memref<2x10000x128xf32, #tpu.memory_space<hbm>>, %arg7: memref<125x80xi32, #tpu.memory_space<vmem>>, %arg8: memref<125x80xi32, #tpu.memory_space<vmem>>, %arg9: memref<80x128xf32, #tpu.memory_space<vmem>>, %arg10: memref<10008x128xf32, #tpu.memory_space<vmem_shared>>, %arg11: memref<!tpu.dma_semaphore, #tpu.memory_space<semaphore_mem>>, %arg12: memref<!tpu.dma_semaphore, #tpu.memory_space<semaphore_mem>>, %arg13: memref<!tpu.dma_semaphore, #tpu.memory_space<semaphore_mem>>) attributes {dimension_semantics = [#tpu.dimension_semantics<core_parallel>, #tpu.dimension_semantics<subcore_parallel>], iteration_bounds = array<i64: 2, 16>, scalar_prefetch = 0 : i64, scratch_operands = 7 : i64, tpu.core_type = #tpu.core_type<sc_vector_subcore>, window_params = [{transform_indices = #map}, {transform_indices = #map1}, {transform_indices = #map1}, {transform_indices = #map}, {transform_indices = #map1}]} {
    %mul3A = arith.constant 2 : i32
    %mul3A_0 = arith.muli %arg1, %mul3A : i32
    %add3A = arith.addi %mul3A_0, %arg0 : i32
    %dma_start3A = arith.constant 0 : i32
    %dma_start3A_1 = arith.constant 0 : i32
    %dma_start3A_2 = tpu.memref_slice %arg3[%add3A, %dma_start3A, %dma_start3A_1] : memref<32x125x80xi32, #tpu.memory_space<hbm>> -> memref<1x125x80xi32, #tpu.memory_space<hbm>>
    %dma_start3A_3 = tpu.memref_squeeze %dma_start3A_2 : memref<1x125x80xi32, #tpu.memory_space<hbm>> -> memref<125x80xi32, #tpu.memory_space<hbm>>
    %dma_start3A_4 = arith.constant 0 : i32
    %dma_start3A_5 = arith.constant 0 : i32
    %dma_start3A_6 = tpu.memref_slice %arg3[%add3A, %dma_start3A_4, %dma_start3A_5] : memref<32x125x80xi32, #tpu.memory_space<hbm>> -> memref<1x125x80xi32, #tpu.memory_space<hbm>>
    %dma_start3A_7 = tpu.memref_squeeze %dma_start3A_6 : memref<1x125x80xi32, #tpu.memory_space<hbm>> -> memref<125x80xi32, #tpu.memory_space<hbm>>
    tpu.enqueue_dma source(%dma_start3A_7 : memref<125x80xi32, #tpu.memory_space<hbm>>) target(%arg7 : memref<125x80xi32, #tpu.memory_space<vmem>>) target_semaphore(%arg11 : memref<!tpu.dma_semaphore, #tpu.memory_space<semaphore_mem>>)
    %dma_start3A_8 = arith.constant 0 : i32
    %dma_start3A_9 = arith.constant 0 : i32
    %dma_start3A_10 = tpu.memref_slice %arg4[%add3A, %dma_start3A_8, %dma_start3A_9] : memref<32x125x80xi32, #tpu.memory_space<hbm>> -> memref<1x125x80xi32, #tpu.memory_space<hbm>>
    %dma_start3A_11 = tpu.memref_squeeze %dma_start3A_10 : memref<1x125x80xi32, #tpu.memory_space<hbm>> -> memref<125x80xi32, #tpu.memory_space<hbm>>
    %dma_start3A_12 = arith.constant 0 : i32
    %dma_start3A_13 = arith.constant 0 : i32
    %dma_start3A_14 = tpu.memref_slice %arg4[%add3A, %dma_start3A_12, %dma_start3A_13] : memref<32x125x80xi32, #tpu.memory_space<hbm>> -> memref<1x125x80xi32, #tpu.memory_space<hbm>>
    %dma_start3A_15 = tpu.memref_squeeze %dma_start3A_14 : memref<1x125x80xi32, #tpu.memory_space<hbm>> -> memref<125x80xi32, #tpu.memory_space<hbm>>
    tpu.enqueue_dma source(%dma_start3A_15 : memref<125x80xi32, #tpu.memory_space<hbm>>) target(%arg8 : memref<125x80xi32, #tpu.memory_space<vmem>>) target_semaphore(%arg12 : memref<!tpu.dma_semaphore, #tpu.memory_space<semaphore_mem>>)
    %mul3A_16 = arith.constant 624 : i32
    %mul3A_17 = arith.muli %arg1, %mul3A_16 : i32
    %mul3A_18 = arith.constant 624 : i32
    %mul3A_19 = arith.muli %arg1, %mul3A_18 : i32
    "tpu.region"() ({
      %run_scoped3A = tpu.sem_alloc : memref<!tpu.dma_semaphore, #tpu.memory_space<semaphore_mem>>
      %dma_start3A_52 = arith.constant 0 : i32
      %dma_start3A_53 = tpu.memref_slice %arg10[%mul3A_19, %dma_start3A_52] : memref<10008x128xf32, #tpu.memory_space<vmem_shared>> -> memref<624x128xf32, #tpu.memory_space<vmem_shared>>
      %dma_start3A_54 = arith.constant 0 : i32
      %dma_start3A_55 = tpu.memref_slice %arg5[%mul3A_17, %dma_start3A_54] : memref<10008x128xf32, #tpu.memory_space<hbm>> -> memref<624x128xf32, #tpu.memory_space<hbm>>
      tpu.enqueue_dma source(%dma_start3A_55 : memref<624x128xf32, #tpu.memory_space<hbm>>) target(%dma_start3A_53 : memref<624x128xf32, #tpu.memory_space<vmem_shared>>) target_semaphore(%run_scoped3A : memref<!tpu.dma_semaphore, #tpu.memory_space<semaphore_mem>>)
      %dma_wait3A_56 = arith.constant 0 : i32
      %dma_wait3A_57 = tpu.memref_slice %arg10[%mul3A_19, %dma_wait3A_56] : memref<10008x128xf32, #tpu.memory_space<vmem_shared>> -> memref<624x128xf32, #tpu.memory_space<vmem_shared>>
      %dma_wait3A_58 = arith.constant 0 : i32
      %dma_wait3A_59 = tpu.memref_slice %arg5[%mul3A_17, %dma_wait3A_58] : memref<10008x128xf32, #tpu.memory_space<hbm>> -> memref<624x128xf32, #tpu.memory_space<hbm>>
      tpu.wait_dma2 semaphore(%run_scoped3A : memref<!tpu.dma_semaphore, #tpu.memory_space<semaphore_mem>>) src(%dma_wait3A_59 : memref<624x128xf32, #tpu.memory_space<hbm>>) dst(%dma_wait3A_57 : memref<624x128xf32, #tpu.memory_space<vmem_shared>>)
      tpu.yield
    }) : () -> ()
    %eq3A = arith.constant 15 : i32
    %eq3A_20 = arith.cmpi eq, %arg1, %eq3A : i32
    %convert_element_type3A = arith.extui %eq3A_20 : i1 to i32
    %cond3A = arith.constant 0 : i32
    %cond3A_21 = arith.cmpi ne, %convert_element_type3A, %cond3A : i32
    scf.if %cond3A_21 {
      "tpu.region"() ({
        %run_scoped3A = tpu.sem_alloc : memref<!tpu.dma_semaphore, #tpu.memory_space<semaphore_mem>>
        %dma_start3A_52 = arith.constant 9984 : i32
        %dma_start3A_53 = arith.constant 0 : i32
        %dma_start3A_54 = tpu.memref_slice %arg10[%dma_start3A_52, %dma_start3A_53] : memref<10008x128xf32, #tpu.memory_space<vmem_shared>> -> memref<24x128xf32, #tpu.memory_space<vmem_shared>>
        %dma_start3A_55 = arith.constant 9984 : i32
        %dma_start3A_56 = arith.constant 0 : i32
        %dma_start3A_57 = tpu.memref_slice %arg5[%dma_start3A_55, %dma_start3A_56] : memref<10008x128xf32, #tpu.memory_space<hbm>> -> memref<24x128xf32, #tpu.memory_space<hbm>>
        tpu.enqueue_dma source(%dma_start3A_57 : memref<24x128xf32, #tpu.memory_space<hbm>>) target(%dma_start3A_54 : memref<24x128xf32, #tpu.memory_space<vmem_shared>>) target_semaphore(%run_scoped3A : memref<!tpu.dma_semaphore, #tpu.memory_space<semaphore_mem>>)
        %dma_wait3A_58 = arith.constant 9984 : i32
        %dma_wait3A_59 = arith.constant 0 : i32
        %dma_wait3A_60 = tpu.memref_slice %arg10[%dma_wait3A_58, %dma_wait3A_59] : memref<10008x128xf32, #tpu.memory_space<vmem_shared>> -> memref<24x128xf32, #tpu.memory_space<vmem_shared>>
        %dma_wait3A_61 = arith.constant 9984 : i32
        %dma_wait3A_62 = arith.constant 0 : i32
        %dma_wait3A_63 = tpu.memref_slice %arg5[%dma_wait3A_61, %dma_wait3A_62] : memref<10008x128xf32, #tpu.memory_space<hbm>> -> memref<24x128xf32, #tpu.memory_space<hbm>>
        tpu.wait_dma2 semaphore(%run_scoped3A : memref<!tpu.dma_semaphore, #tpu.memory_space<semaphore_mem>>) src(%dma_wait3A_63 : memref<24x128xf32, #tpu.memory_space<hbm>>) dst(%dma_wait3A_60 : memref<24x128xf32, #tpu.memory_space<vmem_shared>>)
        tpu.yield
      }) : () -> ()
    } else {
    }
    %dma_wait3A = arith.constant 0 : i32
    %dma_wait3A_22 = arith.constant 0 : i32
    %dma_wait3A_23 = tpu.memref_slice %arg3[%add3A, %dma_wait3A, %dma_wait3A_22] : memref<32x125x80xi32, #tpu.memory_space<hbm>> -> memref<1x125x80xi32, #tpu.memory_space<hbm>>
    %dma_wait3A_24 = tpu.memref_squeeze %dma_wait3A_23 : memref<1x125x80xi32, #tpu.memory_space<hbm>> -> memref<125x80xi32, #tpu.memory_space<hbm>>
    %dma_wait3A_25 = arith.constant 0 : i32
    %dma_wait3A_26 = arith.constant 0 : i32
    %dma_wait3A_27 = tpu.memref_slice %arg3[%add3A, %dma_wait3A_25, %dma_wait3A_26] : memref<32x125x80xi32, #tpu.memory_space<hbm>> -> memref<1x125x80xi32, #tpu.memory_space<hbm>>
    %dma_wait3A_28 = tpu.memref_squeeze %dma_wait3A_27 : memref<1x125x80xi32, #tpu.memory_space<hbm>> -> memref<125x80xi32, #tpu.memory_space<hbm>>
    tpu.wait_dma2 semaphore(%arg11 : memref<!tpu.dma_semaphore, #tpu.memory_space<semaphore_mem>>) src(%dma_wait3A_28 : memref<125x80xi32, #tpu.memory_space<hbm>>) dst(%arg7 : memref<125x80xi32, #tpu.memory_space<vmem>>)
    %dma_wait3A_29 = arith.constant 0 : i32
    %dma_wait3A_30 = arith.constant 0 : i32
    %dma_wait3A_31 = tpu.memref_slice %arg4[%add3A, %dma_wait3A_29, %dma_wait3A_30] : memref<32x125x80xi32, #tpu.memory_space<hbm>> -> memref<1x125x80xi32, #tpu.memory_space<hbm>>
    %dma_wait3A_32 = tpu.memref_squeeze %dma_wait3A_31 : memref<1x125x80xi32, #tpu.memory_space<hbm>> -> memref<125x80xi32, #tpu.memory_space<hbm>>
    %dma_wait3A_33 = arith.constant 0 : i32
    %dma_wait3A_34 = arith.constant 0 : i32
    %dma_wait3A_35 = tpu.memref_slice %arg4[%add3A, %dma_wait3A_33, %dma_wait3A_34] : memref<32x125x80xi32, #tpu.memory_space<hbm>> -> memref<1x125x80xi32, #tpu.memory_space<hbm>>
    %dma_wait3A_36 = tpu.memref_squeeze %dma_wait3A_35 : memref<1x125x80xi32, #tpu.memory_space<hbm>> -> memref<125x80xi32, #tpu.memory_space<hbm>>
    tpu.wait_dma2 semaphore(%arg12 : memref<!tpu.dma_semaphore, #tpu.memory_space<semaphore_mem>>) src(%dma_wait3A_36 : memref<125x80xi32, #tpu.memory_space<hbm>>) dst(%arg8 : memref<125x80xi32, #tpu.memory_space<vmem>>)
    %barrier3A = arith.constant 0 : index
    tpu.barrier barrier_id(%barrier3A)
    %scan3A = arith.constant 0 : i32
    %scan3A_37 = arith.constant 0 : i32
    %scan3A_38 = arith.constant 125 : i32
    %scan3A_39 = arith.addi %scan3A_37, %scan3A_38 : i32
    %scan3A_40 = arith.constant 1 : i32
    scf.for %scan3A_52 = %scan3A_37 to %scan3A_39 step %scan3A_40  : i32 {
      %dma_start3A_53 = arith.constant 0 : i32
      %dma_start3A_54 = tpu.memref_slice %arg7[%scan3A_52, %dma_start3A_53] : memref<125x80xi32, #tpu.memory_space<vmem>> -> memref<1x80xi32, #tpu.memory_space<vmem>>
      %dma_start3A_55 = tpu.memref_squeeze %dma_start3A_54 : memref<1x80xi32, #tpu.memory_space<vmem>> -> memref<80xi32, #tpu.memory_space<vmem>>
      %dma_start3A_56 = arith.constant 0 : i32
      %dma_start3A_57 = arith.constant 0 : i32
      %dma_start3A_58 = tpu.memref_slice %arg2[%dma_start3A_56, %dma_start3A_57] : memref<10008x128xf32, #tpu.memory_space<hbm>> -> memref<10008x128xf32, #tpu.memory_space<hbm>>
      tpu.enqueue_indirect_dma source(%dma_start3A_58 : memref<10008x128xf32, #tpu.memory_space<hbm>>) target(%arg9 : memref<80x128xf32, #tpu.memory_space<vmem>>) offsets(%dma_start3A_55 : memref<80xi32, #tpu.memory_space<vmem>>) semaphore(%arg13 : memref<!tpu.dma_semaphore, #tpu.memory_space<semaphore_mem>>)
      %dma_wait3A_59 = arith.constant 0 : i32
      %dma_wait3A_60 = tpu.memref_slice %arg7[%scan3A_52, %dma_wait3A_59] : memref<125x80xi32, #tpu.memory_space<vmem>> -> memref<1x80xi32, #tpu.memory_space<vmem>>
      %dma_wait3A_61 = tpu.memref_squeeze %dma_wait3A_60 : memref<1x80xi32, #tpu.memory_space<vmem>> -> memref<80xi32, #tpu.memory_space<vmem>>
      %dma_wait3A_62 = arith.constant 0 : i32
      %dma_wait3A_63 = arith.constant 0 : i32
      %dma_wait3A_64 = tpu.memref_slice %arg2[%dma_wait3A_62, %dma_wait3A_63] : memref<10008x128xf32, #tpu.memory_space<hbm>> -> memref<10008x128xf32, #tpu.memory_space<hbm>>
      tpu.wait_indirect_dma semaphore(%arg13 : memref<!tpu.dma_semaphore, #tpu.memory_space<semaphore_mem>>) src(%dma_wait3A_64 : memref<10008x128xf32, #tpu.memory_space<hbm>>) dst(%arg9 : memref<80x128xf32, #tpu.memory_space<vmem>>)
      "tpu.region"() ({
        %run_scoped3A = tpu.sem_alloc : memref<!tpu.dma_semaphore, #tpu.memory_space<semaphore_mem>>
        %dma_start3A_65 = arith.constant 0 : i32
        %dma_start3A_66 = tpu.memref_slice %arg8[%scan3A_52, %dma_start3A_65] : memref<125x80xi32, #tpu.memory_space<vmem>> -> memref<1x80xi32, #tpu.memory_space<vmem>>
        %dma_start3A_67 = tpu.memref_squeeze %dma_start3A_66 : memref<1x80xi32, #tpu.memory_space<vmem>> -> memref<80xi32, #tpu.memory_space<vmem>>
        %dma_start3A_68 = arith.constant 0 : i32
        %dma_start3A_69 = arith.constant 0 : i32
        %dma_start3A_70 = tpu.memref_slice %arg10[%dma_start3A_68, %dma_start3A_69] : memref<10008x128xf32, #tpu.memory_space<vmem_shared>> -> memref<10008x128xf32, #tpu.memory_space<vmem_shared>>
        tpu.enqueue_indirect_dma source(%arg9 : memref<80x128xf32, #tpu.memory_space<vmem>>) target(%dma_start3A_70 : memref<10008x128xf32, #tpu.memory_space<vmem_shared>>) offsets(%dma_start3A_67 : memref<80xi32, #tpu.memory_space<vmem>>) semaphore(%run_scoped3A : memref<!tpu.dma_semaphore, #tpu.memory_space<semaphore_mem>>) {add = true}
        %dma_wait3A_71 = arith.constant 0 : i32
        %dma_wait3A_72 = tpu.memref_slice %arg8[%scan3A_52, %dma_wait3A_71] : memref<125x80xi32, #tpu.memory_space<vmem>> -> memref<1x80xi32, #tpu.memory_space<vmem>>
        %dma_wait3A_73 = tpu.memref_squeeze %dma_wait3A_72 : memref<1x80xi32, #tpu.memory_space<vmem>> -> memref<80xi32, #tpu.memory_space<vmem>>
        %dma_wait3A_74 = arith.constant 0 : i32
        %dma_wait3A_75 = arith.constant 0 : i32
        %dma_wait3A_76 = tpu.memref_slice %arg10[%dma_wait3A_74, %dma_wait3A_75] : memref<10008x128xf32, #tpu.memory_space<vmem_shared>> -> memref<10008x128xf32, #tpu.memory_space<vmem_shared>>
        tpu.wait_indirect_dma semaphore(%run_scoped3A : memref<!tpu.dma_semaphore, #tpu.memory_space<semaphore_mem>>) src(%arg9 : memref<80x128xf32, #tpu.memory_space<vmem>>) dst(%dma_wait3A_76 : memref<10008x128xf32, #tpu.memory_space<vmem_shared>>)
        tpu.yield
      }) : () -> ()
    }
    %scan3A_41 = arith.constant 125 : i32
    %barrier3A_42 = arith.constant 0 : index
    tpu.barrier barrier_id(%barrier3A_42)
    %mul3A_43 = arith.constant 624 : i32
    %mul3A_44 = arith.muli %arg1, %mul3A_43 : i32
    %mul3A_45 = arith.constant 624 : i32
    %mul3A_46 = arith.muli %arg1, %mul3A_45 : i32
    "tpu.region"() ({
      %run_scoped3A = tpu.sem_alloc : memref<!tpu.dma_semaphore, #tpu.memory_space<semaphore_mem>>
      %dma_start3A_52 = arith.constant 0 : i32
      %dma_start3A_53 = tpu.memref_slice %arg6[%arg0, %mul3A_46, %dma_start3A_52] : memref<2x10000x128xf32, #tpu.memory_space<hbm>> -> memref<1x624x128xf32, #tpu.memory_space<hbm>>
      %dma_start3A_54 = tpu.memref_squeeze %dma_start3A_53 : memref<1x624x128xf32, #tpu.memory_space<hbm>> -> memref<624x128xf32, #tpu.memory_space<hbm>>
      %dma_start3A_55 = arith.constant 0 : i32
      %dma_start3A_56 = tpu.memref_slice %arg10[%mul3A_44, %dma_start3A_55] : memref<10008x128xf32, #tpu.memory_space<vmem_shared>> -> memref<624x128xf32, #tpu.memory_space<vmem_shared>>
      tpu.enqueue_dma source(%dma_start3A_56 : memref<624x128xf32, #tpu.memory_space<vmem_shared>>) target(%dma_start3A_54 : memref<624x128xf32, #tpu.memory_space<hbm>>) target_semaphore(%run_scoped3A : memref<!tpu.dma_semaphore, #tpu.memory_space<semaphore_mem>>)
      %dma_wait3A_57 = arith.constant 0 : i32
      %dma_wait3A_58 = tpu.memref_slice %arg6[%arg0, %mul3A_46, %dma_wait3A_57] : memref<2x10000x128xf32, #tpu.memory_space<hbm>> -> memref<1x624x128xf32, #tpu.memory_space<hbm>>
      %dma_wait3A_59 = tpu.memref_squeeze %dma_wait3A_58 : memref<1x624x128xf32, #tpu.memory_space<hbm>> -> memref<624x128xf32, #tpu.memory_space<hbm>>
      %dma_wait3A_60 = arith.constant 0 : i32
      %dma_wait3A_61 = tpu.memref_slice %arg10[%mul3A_44, %dma_wait3A_60] : memref<10008x128xf32, #tpu.memory_space<vmem_shared>> -> memref<624x128xf32, #tpu.memory_space<vmem_shared>>
      tpu.wait_dma2 semaphore(%run_scoped3A : memref<!tpu.dma_semaphore, #tpu.memory_space<semaphore_mem>>) src(%dma_wait3A_61 : memref<624x128xf32, #tpu.memory_space<vmem_shared>>) dst(%dma_wait3A_59 : memref<624x128xf32, #tpu.memory_space<hbm>>)
      tpu.yield
    }) : () -> ()
    %eq3A_47 = arith.constant 15 : i32
    %eq3A_48 = arith.cmpi eq, %arg1, %eq3A_47 : i32
    %convert_element_type3A_49 = arith.extui %eq3A_48 : i1 to i32
    %cond3A_50 = arith.constant 0 : i32
    %cond3A_51 = arith.cmpi ne, %convert_element_type3A_49, %cond3A_50 : i32
    scf.if %cond3A_51 {
      "tpu.region"() ({
        %run_scoped3A = tpu.sem_alloc : memref<!tpu.dma_semaphore, #tpu.memory_space<semaphore_mem>>
        %dma_start3A_52 = arith.constant 9984 : i32
        %dma_start3A_53 = arith.constant 0 : i32
        %dma_start3A_54 = tpu.memref_slice %arg6[%arg0, %dma_start3A_52, %dma_start3A_53] : memref<2x10000x128xf32, #tpu.memory_space<hbm>> -> memref<1x16x128xf32, #tpu.memory_space<hbm>>
        %dma_start3A_55 = tpu.memref_squeeze %dma_start3A_54 : memref<1x16x128xf32, #tpu.memory_space<hbm>> -> memref<16x128xf32, #tpu.memory_space<hbm>>
        %dma_start3A_56 = arith.constant 9984 : i32
        %dma_start3A_57 = arith.constant 0 : i32
        %dma_start3A_58 = tpu.memref_slice %arg10[%dma_start3A_56, %dma_start3A_57] : memref<10008x128xf32, #tpu.memory_space<vmem_shared>> -> memref<16x128xf32, #tpu.memory_space<vmem_shared>>
        tpu.enqueue_dma source(%dma_start3A_58 : memref<16x128xf32, #tpu.memory_space<vmem_shared>>) target(%dma_start3A_55 : memref<16x128xf32, #tpu.memory_space<hbm>>) target_semaphore(%run_scoped3A : memref<!tpu.dma_semaphore, #tpu.memory_space<semaphore_mem>>)
        %dma_wait3A_59 = arith.constant 9984 : i32
        %dma_wait3A_60 = arith.constant 0 : i32
        %dma_wait3A_61 = tpu.memref_slice %arg6[%arg0, %dma_wait3A_59, %dma_wait3A_60] : memref<2x10000x128xf32, #tpu.memory_space<hbm>> -> memref<1x16x128xf32, #tpu.memory_space<hbm>>
        %dma_wait3A_62 = tpu.memref_squeeze %dma_wait3A_61 : memref<1x16x128xf32, #tpu.memory_space<hbm>> -> memref<16x128xf32, #tpu.memory_space<hbm>>
        %dma_wait3A_63 = arith.constant 9984 : i32
        %dma_wait3A_64 = arith.constant 0 : i32
        %dma_wait3A_65 = tpu.memref_slice %arg10[%dma_wait3A_63, %dma_wait3A_64] : memref<10008x128xf32, #tpu.memory_space<vmem_shared>> -> memref<16x128xf32, #tpu.memory_space<vmem_shared>>
        tpu.wait_dma2 semaphore(%run_scoped3A : memref<!tpu.dma_semaphore, #tpu.memory_space<semaphore_mem>>) src(%dma_wait3A_65 : memref<16x128xf32, #tpu.memory_space<vmem_shared>>) dst(%dma_wait3A_62 : memref<16x128xf32, #tpu.memory_space<hbm>>)
        tpu.yield
      }) : () -> ()
    } else {
    }
    return
  }
}

#map = affine_map<(d0, d1) -> (0)>
#map1 = affine_map<(d0, d1) -> (0, 0)>
module attributes {stable_mosaic.version = 14 : i64} {
  func.func @_deg_kernel(%arg0: i32, %arg1: i32, %arg2: memref<320000xi32, #tpu.memory_space<hbm>>, %arg3: memref<32x10000xf32, #tpu.memory_space<hbm>>, %arg4: memref<10000xi32, #tpu.memory_space<vmem>>, %arg5: memref<10000xf32, #tpu.memory_space<vmem>>) attributes {dimension_semantics = [#tpu.dimension_semantics<core_parallel>, #tpu.dimension_semantics<subcore_parallel>], iteration_bounds = array<i64: 2, 16>, scalar_prefetch = 0 : i64, scratch_operands = 2 : i64, tpu.core_type = #tpu.core_type<sc_vector_subcore>, window_params = [{transform_indices = #map}, {transform_indices = #map1}]} {
    %mul3A = arith.constant 2 : i32
    %mul3A_0 = arith.muli %arg1, %mul3A : i32
    %add3A = arith.addi %mul3A_0, %arg0 : i32
    %mul3A_1 = arith.constant 10000 : i32
    %mul3A_2 = arith.muli %add3A, %mul3A_1 : i32
    "tpu.region"() ({
      %run_scoped3A = tpu.sem_alloc : memref<!tpu.dma_semaphore, #tpu.memory_space<semaphore_mem>>
      %dma_start3A = tpu.memref_slice %arg2[%mul3A_2] : memref<320000xi32, #tpu.memory_space<hbm>> -> memref<10000xi32, #tpu.memory_space<hbm>>
      %dma_start3A_15 = tpu.memref_slice %arg2[%mul3A_2] : memref<320000xi32, #tpu.memory_space<hbm>> -> memref<10000xi32, #tpu.memory_space<hbm>>
      tpu.enqueue_dma source(%dma_start3A_15 : memref<10000xi32, #tpu.memory_space<hbm>>) target(%arg4 : memref<10000xi32, #tpu.memory_space<vmem>>) target_semaphore(%run_scoped3A : memref<!tpu.dma_semaphore, #tpu.memory_space<semaphore_mem>>)
      %dma_wait3A = tpu.memref_slice %arg2[%mul3A_2] : memref<320000xi32, #tpu.memory_space<hbm>> -> memref<10000xi32, #tpu.memory_space<hbm>>
      %dma_wait3A_16 = tpu.memref_slice %arg2[%mul3A_2] : memref<320000xi32, #tpu.memory_space<hbm>> -> memref<10000xi32, #tpu.memory_space<hbm>>
      tpu.wait_dma2 semaphore(%run_scoped3A : memref<!tpu.dma_semaphore, #tpu.memory_space<semaphore_mem>>) src(%dma_wait3A_16 : memref<10000xi32, #tpu.memory_space<hbm>>) dst(%arg4 : memref<10000xi32, #tpu.memory_space<vmem>>)
      tpu.yield
    }) : () -> ()
    %scan3A = arith.constant 0 : i32
    %scan3A_3 = arith.constant 0 : i32
    %scan3A_4 = arith.constant 625 : i32
    %scan3A_5 = arith.addi %scan3A_3, %scan3A_4 : i32
    %scan3A_6 = arith.constant 1 : i32
    scf.for %scan3A_15 = %scan3A_3 to %scan3A_5 step %scan3A_6  : i32 {
      %broadcast_in_dim3A_16 = arith.constant 0.000000e+00 : f32
      %broadcast_in_dim3A_17 = vector.broadcast %broadcast_in_dim3A_16 : f32 to vector<16xf32>
      %mul3A_18 = arith.constant 16 : i32
      %mul3A_19 = arith.muli %scan3A_15, %mul3A_18 : i32
      %swap3A = arith.index_cast %mul3A_19 : i32 to index
      %swap3A_20 = tpu.vector_load %arg5[%swap3A] {strides = array<i32>} : memref<10000xf32, #tpu.memory_space<vmem>>, vector<16xf32>,
      tpu.vector_store %arg5[%swap3A], %broadcast_in_dim3A_17 {strides = array<i32>} : memref<10000xf32, #tpu.memory_space<vmem>>, vector<16xf32>,
    }
    %scan3A_7 = arith.constant 625 : i32
    %broadcast_in_dim3A = arith.constant 1.000000e+00 : f32
    %broadcast_in_dim3A_8 = vector.broadcast %broadcast_in_dim3A : f32 to vector<16xf32>
    %scan3A_9 = arith.constant 0 : i32
    %scan3A_10 = arith.constant 0 : i32
    %scan3A_11 = arith.constant 625 : i32
    %scan3A_12 = arith.addi %scan3A_10, %scan3A_11 : i32
    %scan3A_13 = arith.constant 1 : i32
    scf.for %scan3A_15 = %scan3A_10 to %scan3A_12 step %scan3A_13  : i32 {
      %mul3A_16 = arith.constant 16 : i32
      %mul3A_17 = arith.muli %scan3A_15, %mul3A_16 : i32
      %get3A = arith.index_cast %mul3A_17 : i32 to index
      %get3A_18 = tpu.vector_load %arg4[%get3A] {strides = array<i32>} : memref<10000xi32, #tpu.memory_space<vmem>>, vector<16xi32>,
      tpu.vector_store_idx %arg5[%get3A_18], %broadcast_in_dim3A_8 {add = true} : memref<10000xf32, #tpu.memory_space<vmem>>[vector<16xi32>], vector<16xf32>,
    }
    %scan3A_14 = arith.constant 625 : i32
    "tpu.region"() ({
      %run_scoped3A = tpu.sem_alloc : memref<!tpu.dma_semaphore, #tpu.memory_space<semaphore_mem>>
      %dma_start3A = arith.constant 0 : i32
      %dma_start3A_15 = tpu.memref_slice %arg3[%add3A, %dma_start3A] : memref<32x10000xf32, #tpu.memory_space<hbm>> -> memref<1x10000xf32, #tpu.memory_space<hbm>>
      %dma_start3A_16 = tpu.memref_squeeze %dma_start3A_15 : memref<1x10000xf32, #tpu.memory_space<hbm>> -> memref<10000xf32, #tpu.memory_space<hbm>>
      %dma_start3A_17 = arith.constant 0 : i32
      %dma_start3A_18 = tpu.memref_slice %arg3[%add3A, %dma_start3A_17] : memref<32x10000xf32, #tpu.memory_space<hbm>> -> memref<1x10000xf32, #tpu.memory_space<hbm>>
      %dma_start3A_19 = tpu.memref_squeeze %dma_start3A_18 : memref<1x10000xf32, #tpu.memory_space<hbm>> -> memref<10000xf32, #tpu.memory_space<hbm>>
      tpu.enqueue_dma source(%arg5 : memref<10000xf32, #tpu.memory_space<vmem>>) target(%dma_start3A_19 : memref<10000xf32, #tpu.memory_space<hbm>>) target_semaphore(%run_scoped3A : memref<!tpu.dma_semaphore, #tpu.memory_space<semaphore_mem>>)
      %dma_wait3A = arith.constant 0 : i32
      %dma_wait3A_20 = tpu.memref_slice %arg3[%add3A, %dma_wait3A] : memref<32x10000xf32, #tpu.memory_space<hbm>> -> memref<1x10000xf32, #tpu.memory_space<hbm>>
      %dma_wait3A_21 = tpu.memref_squeeze %dma_wait3A_20 : memref<1x10000xf32, #tpu.memory_space<hbm>> -> memref<10000xf32, #tpu.memory_space<hbm>>
      %dma_wait3A_22 = arith.constant 0 : i32
      %dma_wait3A_23 = tpu.memref_slice %arg3[%add3A, %dma_wait3A_22] : memref<32x10000xf32, #tpu.memory_space<hbm>> -> memref<1x10000xf32, #tpu.memory_space<hbm>>
      %dma_wait3A_24 = tpu.memref_squeeze %dma_wait3A_23 : memref<1x10000xf32, #tpu.memory_space<hbm>> -> memref<10000xf32, #tpu.memory_space<hbm>>
      tpu.wait_dma2 semaphore(%run_scoped3A : memref<!tpu.dma_semaphore, #tpu.memory_space<semaphore_mem>>) src(%arg5 : memref<10000xf32, #tpu.memory_space<vmem>>) dst(%dma_wait3A_24 : memref<10000xf32, #tpu.memory_space<hbm>>)
      tpu.yield
    }) : () -> ()
    return
  }
}

#map = affine_map<(d0, d1) -> (0, 0)>
#map1 = affine_map<(d0, d1) -> (0, 0, 0)>
module attributes {stable_mosaic.version = 14 : i64} {
  func.func @_prop_kernel(%arg0: i32, %arg1: i32, %arg2: memref<10008x128xf32, #tpu.memory_space<hbm>>, %arg3: memref<32x125x80xi32, #tpu.memory_space<hbm>>, %arg4: memref<32x125x80xi32, #tpu.memory_space<hbm>>, %arg5: memref<10008x128xf32, #tpu.memory_space<hbm>>, %arg6: memref<2x10000x128xf32, #tpu.memory_space<hbm>>, %arg7: memref<125x80xi32, #tpu.memory_space<vmem>>, %arg8: memref<125x80xi32, #tpu.memory_space<vmem>>, %arg9: memref<80x128xf32, #tpu.memory_space<vmem>>, %arg10: memref<10008x128xf32, #tpu.memory_space<vmem_shared>>, %arg11: memref<!tpu.dma_semaphore, #tpu.memory_space<semaphore_mem>>, %arg12: memref<!tpu.dma_semaphore, #tpu.memory_space<semaphore_mem>>, %arg13: memref<!tpu.dma_semaphore, #tpu.memory_space<semaphore_mem>>) attributes {dimension_semantics = [#tpu.dimension_semantics<core_parallel>, #tpu.dimension_semantics<subcore_parallel>], iteration_bounds = array<i64: 2, 16>, scalar_prefetch = 0 : i64, scratch_operands = 7 : i64, tpu.core_type = #tpu.core_type<sc_vector_subcore>, window_params = [{transform_indices = #map}, {transform_indices = #map1}, {transform_indices = #map1}, {transform_indices = #map}, {transform_indices = #map1}]} {
    %mul3A = arith.constant 2 : i32
    %mul3A_0 = arith.muli %arg1, %mul3A : i32
    %add3A = arith.addi %mul3A_0, %arg0 : i32
    %dma_start3A = arith.constant 0 : i32
    %dma_start3A_1 = arith.constant 0 : i32
    %dma_start3A_2 = tpu.memref_slice %arg3[%add3A, %dma_start3A, %dma_start3A_1] : memref<32x125x80xi32, #tpu.memory_space<hbm>> -> memref<1x125x80xi32, #tpu.memory_space<hbm>>
    %dma_start3A_3 = tpu.memref_squeeze %dma_start3A_2 : memref<1x125x80xi32, #tpu.memory_space<hbm>> -> memref<125x80xi32, #tpu.memory_space<hbm>>
    %dma_start3A_4 = arith.constant 0 : i32
    %dma_start3A_5 = arith.constant 0 : i32
    %dma_start3A_6 = tpu.memref_slice %arg3[%add3A, %dma_start3A_4, %dma_start3A_5] : memref<32x125x80xi32, #tpu.memory_space<hbm>> -> memref<1x125x80xi32, #tpu.memory_space<hbm>>
    %dma_start3A_7 = tpu.memref_squeeze %dma_start3A_6 : memref<1x125x80xi32, #tpu.memory_space<hbm>> -> memref<125x80xi32, #tpu.memory_space<hbm>>
    tpu.enqueue_dma source(%dma_start3A_7 : memref<125x80xi32, #tpu.memory_space<hbm>>) target(%arg7 : memref<125x80xi32, #tpu.memory_space<vmem>>) target_semaphore(%arg11 : memref<!tpu.dma_semaphore, #tpu.memory_space<semaphore_mem>>)
    %dma_start3A_8 = arith.constant 0 : i32
    %dma_start3A_9 = arith.constant 0 : i32
    %dma_start3A_10 = tpu.memref_slice %arg4[%add3A, %dma_start3A_8, %dma_start3A_9] : memref<32x125x80xi32, #tpu.memory_space<hbm>> -> memref<1x125x80xi32, #tpu.memory_space<hbm>>
    %dma_start3A_11 = tpu.memref_squeeze %dma_start3A_10 : memref<1x125x80xi32, #tpu.memory_space<hbm>> -> memref<125x80xi32, #tpu.memory_space<hbm>>
    %dma_start3A_12 = arith.constant 0 : i32
    %dma_start3A_13 = arith.constant 0 : i32
    %dma_start3A_14 = tpu.memref_slice %arg4[%add3A, %dma_start3A_12, %dma_start3A_13] : memref<32x125x80xi32, #tpu.memory_space<hbm>> -> memref<1x125x80xi32, #tpu.memory_space<hbm>>
    %dma_start3A_15 = tpu.memref_squeeze %dma_start3A_14 : memref<1x125x80xi32, #tpu.memory_space<hbm>> -> memref<125x80xi32, #tpu.memory_space<hbm>>
    tpu.enqueue_dma source(%dma_start3A_15 : memref<125x80xi32, #tpu.memory_space<hbm>>) target(%arg8 : memref<125x80xi32, #tpu.memory_space<vmem>>) target_semaphore(%arg12 : memref<!tpu.dma_semaphore, #tpu.memory_space<semaphore_mem>>)
    %mul3A_16 = arith.constant 624 : i32
    %mul3A_17 = arith.muli %arg1, %mul3A_16 : i32
    %mul3A_18 = arith.constant 624 : i32
    %mul3A_19 = arith.muli %arg1, %mul3A_18 : i32
    "tpu.region"() ({
      %run_scoped3A = tpu.sem_alloc : memref<!tpu.dma_semaphore, #tpu.memory_space<semaphore_mem>>
      %dma_start3A_52 = arith.constant 0 : i32
      %dma_start3A_53 = tpu.memref_slice %arg10[%mul3A_19, %dma_start3A_52] : memref<10008x128xf32, #tpu.memory_space<vmem_shared>> -> memref<624x128xf32, #tpu.memory_space<vmem_shared>>
      %dma_start3A_54 = arith.constant 0 : i32
      %dma_start3A_55 = tpu.memref_slice %arg5[%mul3A_17, %dma_start3A_54] : memref<10008x128xf32, #tpu.memory_space<hbm>> -> memref<624x128xf32, #tpu.memory_space<hbm>>
      tpu.enqueue_dma source(%dma_start3A_55 : memref<624x128xf32, #tpu.memory_space<hbm>>) target(%dma_start3A_53 : memref<624x128xf32, #tpu.memory_space<vmem_shared>>) target_semaphore(%run_scoped3A : memref<!tpu.dma_semaphore, #tpu.memory_space<semaphore_mem>>)
      %dma_wait3A_56 = arith.constant 0 : i32
      %dma_wait3A_57 = tpu.memref_slice %arg10[%mul3A_19, %dma_wait3A_56] : memref<10008x128xf32, #tpu.memory_space<vmem_shared>> -> memref<624x128xf32, #tpu.memory_space<vmem_shared>>
      %dma_wait3A_58 = arith.constant 0 : i32
      %dma_wait3A_59 = tpu.memref_slice %arg5[%mul3A_17, %dma_wait3A_58] : memref<10008x128xf32, #tpu.memory_space<hbm>> -> memref<624x128xf32, #tpu.memory_space<hbm>>
      tpu.wait_dma2 semaphore(%run_scoped3A : memref<!tpu.dma_semaphore, #tpu.memory_space<semaphore_mem>>) src(%dma_wait3A_59 : memref<624x128xf32, #tpu.memory_space<hbm>>) dst(%dma_wait3A_57 : memref<624x128xf32, #tpu.memory_space<vmem_shared>>)
      tpu.yield
    }) : () -> ()
    %eq3A = arith.constant 15 : i32
    %eq3A_20 = arith.cmpi eq, %arg1, %eq3A : i32
    %convert_element_type3A = arith.extui %eq3A_20 : i1 to i32
    %cond3A = arith.constant 0 : i32
    %cond3A_21 = arith.cmpi ne, %convert_element_type3A, %cond3A : i32
    scf.if %cond3A_21 {
      "tpu.region"() ({
        %run_scoped3A = tpu.sem_alloc : memref<!tpu.dma_semaphore, #tpu.memory_space<semaphore_mem>>
        %dma_start3A_52 = arith.constant 9984 : i32
        %dma_start3A_53 = arith.constant 0 : i32
        %dma_start3A_54 = tpu.memref_slice %arg10[%dma_start3A_52, %dma_start3A_53] : memref<10008x128xf32, #tpu.memory_space<vmem_shared>> -> memref<24x128xf32, #tpu.memory_space<vmem_shared>>
        %dma_start3A_55 = arith.constant 9984 : i32
        %dma_start3A_56 = arith.constant 0 : i32
        %dma_start3A_57 = tpu.memref_slice %arg5[%dma_start3A_55, %dma_start3A_56] : memref<10008x128xf32, #tpu.memory_space<hbm>> -> memref<24x128xf32, #tpu.memory_space<hbm>>
        tpu.enqueue_dma source(%dma_start3A_57 : memref<24x128xf32, #tpu.memory_space<hbm>>) target(%dma_start3A_54 : memref<24x128xf32, #tpu.memory_space<vmem_shared>>) target_semaphore(%run_scoped3A : memref<!tpu.dma_semaphore, #tpu.memory_space<semaphore_mem>>)
        %dma_wait3A_58 = arith.constant 9984 : i32
        %dma_wait3A_59 = arith.constant 0 : i32
        %dma_wait3A_60 = tpu.memref_slice %arg10[%dma_wait3A_58, %dma_wait3A_59] : memref<10008x128xf32, #tpu.memory_space<vmem_shared>> -> memref<24x128xf32, #tpu.memory_space<vmem_shared>>
        %dma_wait3A_61 = arith.constant 9984 : i32
        %dma_wait3A_62 = arith.constant 0 : i32
        %dma_wait3A_63 = tpu.memref_slice %arg5[%dma_wait3A_61, %dma_wait3A_62] : memref<10008x128xf32, #tpu.memory_space<hbm>> -> memref<24x128xf32, #tpu.memory_space<hbm>>
        tpu.wait_dma2 semaphore(%run_scoped3A : memref<!tpu.dma_semaphore, #tpu.memory_space<semaphore_mem>>) src(%dma_wait3A_63 : memref<24x128xf32, #tpu.memory_space<hbm>>) dst(%dma_wait3A_60 : memref<24x128xf32, #tpu.memory_space<vmem_shared>>)
        tpu.yield
      }) : () -> ()
    } else {
    }
    %dma_wait3A = arith.constant 0 : i32
    %dma_wait3A_22 = arith.constant 0 : i32
    %dma_wait3A_23 = tpu.memref_slice %arg3[%add3A, %dma_wait3A, %dma_wait3A_22] : memref<32x125x80xi32, #tpu.memory_space<hbm>> -> memref<1x125x80xi32, #tpu.memory_space<hbm>>
    %dma_wait3A_24 = tpu.memref_squeeze %dma_wait3A_23 : memref<1x125x80xi32, #tpu.memory_space<hbm>> -> memref<125x80xi32, #tpu.memory_space<hbm>>
    %dma_wait3A_25 = arith.constant 0 : i32
    %dma_wait3A_26 = arith.constant 0 : i32
    %dma_wait3A_27 = tpu.memref_slice %arg3[%add3A, %dma_wait3A_25, %dma_wait3A_26] : memref<32x125x80xi32, #tpu.memory_space<hbm>> -> memref<1x125x80xi32, #tpu.memory_space<hbm>>
    %dma_wait3A_28 = tpu.memref_squeeze %dma_wait3A_27 : memref<1x125x80xi32, #tpu.memory_space<hbm>> -> memref<125x80xi32, #tpu.memory_space<hbm>>
    tpu.wait_dma2 semaphore(%arg11 : memref<!tpu.dma_semaphore, #tpu.memory_space<semaphore_mem>>) src(%dma_wait3A_28 : memref<125x80xi32, #tpu.memory_space<hbm>>) dst(%arg7 : memref<125x80xi32, #tpu.memory_space<vmem>>)
    %dma_wait3A_29 = arith.constant 0 : i32
    %dma_wait3A_30 = arith.constant 0 : i32
    %dma_wait3A_31 = tpu.memref_slice %arg4[%add3A, %dma_wait3A_29, %dma_wait3A_30] : memref<32x125x80xi32, #tpu.memory_space<hbm>> -> memref<1x125x80xi32, #tpu.memory_space<hbm>>
    %dma_wait3A_32 = tpu.memref_squeeze %dma_wait3A_31 : memref<1x125x80xi32, #tpu.memory_space<hbm>> -> memref<125x80xi32, #tpu.memory_space<hbm>>
    %dma_wait3A_33 = arith.constant 0 : i32
    %dma_wait3A_34 = arith.constant 0 : i32
    %dma_wait3A_35 = tpu.memref_slice %arg4[%add3A, %dma_wait3A_33, %dma_wait3A_34] : memref<32x125x80xi32, #tpu.memory_space<hbm>> -> memref<1x125x80xi32, #tpu.memory_space<hbm>>
    %dma_wait3A_36 = tpu.memref_squeeze %dma_wait3A_35 : memref<1x125x80xi32, #tpu.memory_space<hbm>> -> memref<125x80xi32, #tpu.memory_space<hbm>>
    tpu.wait_dma2 semaphore(%arg12 : memref<!tpu.dma_semaphore, #tpu.memory_space<semaphore_mem>>) src(%dma_wait3A_36 : memref<125x80xi32, #tpu.memory_space<hbm>>) dst(%arg8 : memref<125x80xi32, #tpu.memory_space<vmem>>)
    %barrier3A = arith.constant 0 : index
    tpu.barrier barrier_id(%barrier3A)
    %scan3A = arith.constant 0 : i32
    %scan3A_37 = arith.constant 0 : i32
    %scan3A_38 = arith.constant 125 : i32
    %scan3A_39 = arith.addi %scan3A_37, %scan3A_38 : i32
    %scan3A_40 = arith.constant 1 : i32
    scf.for %scan3A_52 = %scan3A_37 to %scan3A_39 step %scan3A_40  : i32 {
      %dma_start3A_53 = arith.constant 0 : i32
      %dma_start3A_54 = tpu.memref_slice %arg7[%scan3A_52, %dma_start3A_53] : memref<125x80xi32, #tpu.memory_space<vmem>> -> memref<1x80xi32, #tpu.memory_space<vmem>>
      %dma_start3A_55 = tpu.memref_squeeze %dma_start3A_54 : memref<1x80xi32, #tpu.memory_space<vmem>> -> memref<80xi32, #tpu.memory_space<vmem>>
      %dma_start3A_56 = arith.constant 0 : i32
      %dma_start3A_57 = arith.constant 0 : i32
      %dma_start3A_58 = tpu.memref_slice %arg2[%dma_start3A_56, %dma_start3A_57] : memref<10008x128xf32, #tpu.memory_space<hbm>> -> memref<10008x128xf32, #tpu.memory_space<hbm>>
      tpu.enqueue_indirect_dma source(%dma_start3A_58 : memref<10008x128xf32, #tpu.memory_space<hbm>>) target(%arg9 : memref<80x128xf32, #tpu.memory_space<vmem>>) offsets(%dma_start3A_55 : memref<80xi32, #tpu.memory_space<vmem>>) semaphore(%arg13 : memref<!tpu.dma_semaphore, #tpu.memory_space<semaphore_mem>>)
      %dma_wait3A_59 = arith.constant 0 : i32
      %dma_wait3A_60 = tpu.memref_slice %arg7[%scan3A_52, %dma_wait3A_59] : memref<125x80xi32, #tpu.memory_space<vmem>> -> memref<1x80xi32, #tpu.memory_space<vmem>>
      %dma_wait3A_61 = tpu.memref_squeeze %dma_wait3A_60 : memref<1x80xi32, #tpu.memory_space<vmem>> -> memref<80xi32, #tpu.memory_space<vmem>>
      %dma_wait3A_62 = arith.constant 0 : i32
      %dma_wait3A_63 = arith.constant 0 : i32
      %dma_wait3A_64 = tpu.memref_slice %arg2[%dma_wait3A_62, %dma_wait3A_63] : memref<10008x128xf32, #tpu.memory_space<hbm>> -> memref<10008x128xf32, #tpu.memory_space<hbm>>
      tpu.wait_indirect_dma semaphore(%arg13 : memref<!tpu.dma_semaphore, #tpu.memory_space<semaphore_mem>>) src(%dma_wait3A_64 : memref<10008x128xf32, #tpu.memory_space<hbm>>) dst(%arg9 : memref<80x128xf32, #tpu.memory_space<vmem>>)
      "tpu.region"() ({
        %run_scoped3A = tpu.sem_alloc : memref<!tpu.dma_semaphore, #tpu.memory_space<semaphore_mem>>
        %dma_start3A_65 = arith.constant 0 : i32
        %dma_start3A_66 = tpu.memref_slice %arg8[%scan3A_52, %dma_start3A_65] : memref<125x80xi32, #tpu.memory_space<vmem>> -> memref<1x80xi32, #tpu.memory_space<vmem>>
        %dma_start3A_67 = tpu.memref_squeeze %dma_start3A_66 : memref<1x80xi32, #tpu.memory_space<vmem>> -> memref<80xi32, #tpu.memory_space<vmem>>
        %dma_start3A_68 = arith.constant 0 : i32
        %dma_start3A_69 = arith.constant 0 : i32
        %dma_start3A_70 = tpu.memref_slice %arg10[%dma_start3A_68, %dma_start3A_69] : memref<10008x128xf32, #tpu.memory_space<vmem_shared>> -> memref<10008x128xf32, #tpu.memory_space<vmem_shared>>
        tpu.enqueue_indirect_dma source(%arg9 : memref<80x128xf32, #tpu.memory_space<vmem>>) target(%dma_start3A_70 : memref<10008x128xf32, #tpu.memory_space<vmem_shared>>) offsets(%dma_start3A_67 : memref<80xi32, #tpu.memory_space<vmem>>) semaphore(%run_scoped3A : memref<!tpu.dma_semaphore, #tpu.memory_space<semaphore_mem>>) {add = true}
        %dma_wait3A_71 = arith.constant 0 : i32
        %dma_wait3A_72 = tpu.memref_slice %arg8[%scan3A_52, %dma_wait3A_71] : memref<125x80xi32, #tpu.memory_space<vmem>> -> memref<1x80xi32, #tpu.memory_space<vmem>>
        %dma_wait3A_73 = tpu.memref_squeeze %dma_wait3A_72 : memref<1x80xi32, #tpu.memory_space<vmem>> -> memref<80xi32, #tpu.memory_space<vmem>>
        %dma_wait3A_74 = arith.constant 0 : i32
        %dma_wait3A_75 = arith.constant 0 : i32
        %dma_wait3A_76 = tpu.memref_slice %arg10[%dma_wait3A_74, %dma_wait3A_75] : memref<10008x128xf32, #tpu.memory_space<vmem_shared>> -> memref<10008x128xf32, #tpu.memory_space<vmem_shared>>
        tpu.wait_indirect_dma semaphore(%run_scoped3A : memref<!tpu.dma_semaphore, #tpu.memory_space<semaphore_mem>>) src(%arg9 : memref<80x128xf32, #tpu.memory_space<vmem>>) dst(%dma_wait3A_76 : memref<10008x128xf32, #tpu.memory_space<vmem_shared>>)
        tpu.yield
      }) : () -> ()
    }
    %scan3A_41 = arith.constant 125 : i32
    %barrier3A_42 = arith.constant 0 : index
    tpu.barrier barrier_id(%barrier3A_42)
    %mul3A_43 = arith.constant 624 : i32
    %mul3A_44 = arith.muli %arg1, %mul3A_43 : i32
    %mul3A_45 = arith.constant 624 : i32
    %mul3A_46 = arith.muli %arg1, %mul3A_45 : i32
    "tpu.region"() ({
      %run_scoped3A = tpu.sem_alloc : memref<!tpu.dma_semaphore, #tpu.memory_space<semaphore_mem>>
      %dma_start3A_52 = arith.constant 0 : i32
      %dma_start3A_53 = tpu.memref_slice %arg6[%arg0, %mul3A_46, %dma_start3A_52] : memref<2x10000x128xf32, #tpu.memory_space<hbm>> -> memref<1x624x128xf32, #tpu.memory_space<hbm>>
      %dma_start3A_54 = tpu.memref_squeeze %dma_start3A_53 : memref<1x624x128xf32, #tpu.memory_space<hbm>> -> memref<624x128xf32, #tpu.memory_space<hbm>>
      %dma_start3A_55 = arith.constant 0 : i32
      %dma_start3A_56 = tpu.memref_slice %arg10[%mul3A_44, %dma_start3A_55] : memref<10008x128xf32, #tpu.memory_space<vmem_shared>> -> memref<624x128xf32, #tpu.memory_space<vmem_shared>>
      tpu.enqueue_dma source(%dma_start3A_56 : memref<624x128xf32, #tpu.memory_space<vmem_shared>>) target(%dma_start3A_54 : memref<624x128xf32, #tpu.memory_space<hbm>>) target_semaphore(%run_scoped3A : memref<!tpu.dma_semaphore, #tpu.memory_space<semaphore_mem>>)
      %dma_wait3A_57 = arith.constant 0 : i32
      %dma_wait3A_58 = tpu.memref_slice %arg6[%arg0, %mul3A_46, %dma_wait3A_57] : memref<2x10000x128xf32, #tpu.memory_space<hbm>> -> memref<1x624x128xf32, #tpu.memory_space<hbm>>
      %dma_wait3A_59 = tpu.memref_squeeze %dma_wait3A_58 : memref<1x624x128xf32, #tpu.memory_space<hbm>> -> memref<624x128xf32, #tpu.memory_space<hbm>>
      %dma_wait3A_60 = arith.constant 0 : i32
      %dma_wait3A_61 = tpu.memref_slice %arg10[%mul3A_44, %dma_wait3A_60] : memref<10008x128xf32, #tpu.memory_space<vmem_shared>> -> memref<624x128xf32, #tpu.memory_space<vmem_shared>>
      tpu.wait_dma2 semaphore(%run_scoped3A : memref<!tpu.dma_semaphore, #tpu.memory_space<semaphore_mem>>) src(%dma_wait3A_61 : memref<624x128xf32, #tpu.memory_space<vmem_shared>>) dst(%dma_wait3A_59 : memref<624x128xf32, #tpu.memory_space<hbm>>)
      tpu.yield
    }) : () -> ()
    %eq3A_47 = arith.constant 15 : i32
    %eq3A_48 = arith.cmpi eq, %arg1, %eq3A_47 : i32
    %convert_element_type3A_49 = arith.extui %eq3A_48 : i1 to i32
    %cond3A_50 = arith.constant 0 : i32
    %cond3A_51 = arith.cmpi ne, %convert_element_type3A_49, %cond3A_50 : i32
    scf.if %cond3A_51 {
      "tpu.region"() ({
        %run_scoped3A = tpu.sem_alloc : memref<!tpu.dma_semaphore, #tpu.memory_space<semaphore_mem>>
        %dma_start3A_52 = arith.constant 9984 : i32
        %dma_start3A_53 = arith.constant 0 : i32
        %dma_start3A_54 = tpu.memref_slice %arg6[%arg0, %dma_start3A_52, %dma_start3A_53] : memref<2x10000x128xf32, #tpu.memory_space<hbm>> -> memref<1x16x128xf32, #tpu.memory_space<hbm>>
        %dma_start3A_55 = tpu.memref_squeeze %dma_start3A_54 : memref<1x16x128xf32, #tpu.memory_space<hbm>> -> memref<16x128xf32, #tpu.memory_space<hbm>>
        %dma_start3A_56 = arith.constant 9984 : i32
        %dma_start3A_57 = arith.constant 0 : i32
        %dma_start3A_58 = tpu.memref_slice %arg10[%dma_start3A_56, %dma_start3A_57] : memref<10008x128xf32, #tpu.memory_space<vmem_shared>> -> memref<16x128xf32, #tpu.memory_space<vmem_shared>>
        tpu.enqueue_dma source(%dma_start3A_58 : memref<16x128xf32, #tpu.memory_space<vmem_shared>>) target(%dma_start3A_55 : memref<16x128xf32, #tpu.memory_space<hbm>>) target_semaphore(%run_scoped3A : memref<!tpu.dma_semaphore, #tpu.memory_space<semaphore_mem>>)
        %dma_wait3A_59 = arith.constant 9984 : i32
        %dma_wait3A_60 = arith.constant 0 : i32
        %dma_wait3A_61 = tpu.memref_slice %arg6[%arg0, %dma_wait3A_59, %dma_wait3A_60] : memref<2x10000x128xf32, #tpu.memory_space<hbm>> -> memref<1x16x128xf32, #tpu.memory_space<hbm>>
        %dma_wait3A_62 = tpu.memref_squeeze %dma_wait3A_61 : memref<1x16x128xf32, #tpu.memory_space<hbm>> -> memref<16x128xf32, #tpu.memory_space<hbm>>
        %dma_wait3A_63 = arith.constant 9984 : i32
        %dma_wait3A_64 = arith.constant 0 : i32
        %dma_wait3A_65 = tpu.memref_slice %arg10[%dma_wait3A_63, %dma_wait3A_64] : memref<10008x128xf32, #tpu.memory_space<vmem_shared>> -> memref<16x128xf32, #tpu.memory_space<vmem_shared>>
        tpu.wait_dma2 semaphore(%run_scoped3A : memref<!tpu.dma_semaphore, #tpu.memory_space<semaphore_mem>>) src(%dma_wait3A_65 : memref<16x128xf32, #tpu.memory_space<vmem_shared>>) dst(%dma_wait3A_62 : memref<16x128xf32, #tpu.memory_space<hbm>>)
        tpu.yield
      }) : () -> ()
    } else {
    }
    return
  }
}

#map = affine_map<(d0, d1) -> (0, 0)>
#map1 = affine_map<(d0, d1) -> (0, 0, 0)>
module attributes {stable_mosaic.version = 14 : i64} {
  func.func @_prop_kernel(%arg0: i32, %arg1: i32, %arg2: memref<10008x128xf32, #tpu.memory_space<hbm>>, %arg3: memref<32x125x80xi32, #tpu.memory_space<hbm>>, %arg4: memref<32x125x80xi32, #tpu.memory_space<hbm>>, %arg5: memref<10008x128xf32, #tpu.memory_space<hbm>>, %arg6: memref<2x10000x128xf32, #tpu.memory_space<hbm>>, %arg7: memref<125x80xi32, #tpu.memory_space<vmem>>, %arg8: memref<125x80xi32, #tpu.memory_space<vmem>>, %arg9: memref<80x128xf32, #tpu.memory_space<vmem>>, %arg10: memref<10008x128xf32, #tpu.memory_space<vmem_shared>>, %arg11: memref<!tpu.dma_semaphore, #tpu.memory_space<semaphore_mem>>, %arg12: memref<!tpu.dma_semaphore, #tpu.memory_space<semaphore_mem>>, %arg13: memref<!tpu.dma_semaphore, #tpu.memory_space<semaphore_mem>>) attributes {dimension_semantics = [#tpu.dimension_semantics<core_parallel>, #tpu.dimension_semantics<subcore_parallel>], iteration_bounds = array<i64: 2, 16>, scalar_prefetch = 0 : i64, scratch_operands = 7 : i64, tpu.core_type = #tpu.core_type<sc_vector_subcore>, window_params = [{transform_indices = #map}, {transform_indices = #map1}, {transform_indices = #map1}, {transform_indices = #map}, {transform_indices = #map1}]} {
    %mul3A = arith.constant 2 : i32
    %mul3A_0 = arith.muli %arg1, %mul3A : i32
    %add3A = arith.addi %mul3A_0, %arg0 : i32
    %dma_start3A = arith.constant 0 : i32
    %dma_start3A_1 = arith.constant 0 : i32
    %dma_start3A_2 = tpu.memref_slice %arg3[%add3A, %dma_start3A, %dma_start3A_1] : memref<32x125x80xi32, #tpu.memory_space<hbm>> -> memref<1x125x80xi32, #tpu.memory_space<hbm>>
    %dma_start3A_3 = tpu.memref_squeeze %dma_start3A_2 : memref<1x125x80xi32, #tpu.memory_space<hbm>> -> memref<125x80xi32, #tpu.memory_space<hbm>>
    %dma_start3A_4 = arith.constant 0 : i32
    %dma_start3A_5 = arith.constant 0 : i32
    %dma_start3A_6 = tpu.memref_slice %arg3[%add3A, %dma_start3A_4, %dma_start3A_5] : memref<32x125x80xi32, #tpu.memory_space<hbm>> -> memref<1x125x80xi32, #tpu.memory_space<hbm>>
    %dma_start3A_7 = tpu.memref_squeeze %dma_start3A_6 : memref<1x125x80xi32, #tpu.memory_space<hbm>> -> memref<125x80xi32, #tpu.memory_space<hbm>>
    tpu.enqueue_dma source(%dma_start3A_7 : memref<125x80xi32, #tpu.memory_space<hbm>>) target(%arg7 : memref<125x80xi32, #tpu.memory_space<vmem>>) target_semaphore(%arg11 : memref<!tpu.dma_semaphore, #tpu.memory_space<semaphore_mem>>)
    %dma_start3A_8 = arith.constant 0 : i32
    %dma_start3A_9 = arith.constant 0 : i32
    %dma_start3A_10 = tpu.memref_slice %arg4[%add3A, %dma_start3A_8, %dma_start3A_9] : memref<32x125x80xi32, #tpu.memory_space<hbm>> -> memref<1x125x80xi32, #tpu.memory_space<hbm>>
    %dma_start3A_11 = tpu.memref_squeeze %dma_start3A_10 : memref<1x125x80xi32, #tpu.memory_space<hbm>> -> memref<125x80xi32, #tpu.memory_space<hbm>>
    %dma_start3A_12 = arith.constant 0 : i32
    %dma_start3A_13 = arith.constant 0 : i32
    %dma_start3A_14 = tpu.memref_slice %arg4[%add3A, %dma_start3A_12, %dma_start3A_13] : memref<32x125x80xi32, #tpu.memory_space<hbm>> -> memref<1x125x80xi32, #tpu.memory_space<hbm>>
    %dma_start3A_15 = tpu.memref_squeeze %dma_start3A_14 : memref<1x125x80xi32, #tpu.memory_space<hbm>> -> memref<125x80xi32, #tpu.memory_space<hbm>>
    tpu.enqueue_dma source(%dma_start3A_15 : memref<125x80xi32, #tpu.memory_space<hbm>>) target(%arg8 : memref<125x80xi32, #tpu.memory_space<vmem>>) target_semaphore(%arg12 : memref<!tpu.dma_semaphore, #tpu.memory_space<semaphore_mem>>)
    %mul3A_16 = arith.constant 624 : i32
    %mul3A_17 = arith.muli %arg1, %mul3A_16 : i32
    %mul3A_18 = arith.constant 624 : i32
    %mul3A_19 = arith.muli %arg1, %mul3A_18 : i32
    "tpu.region"() ({
      %run_scoped3A = tpu.sem_alloc : memref<!tpu.dma_semaphore, #tpu.memory_space<semaphore_mem>>
      %dma_start3A_52 = arith.constant 0 : i32
      %dma_start3A_53 = tpu.memref_slice %arg10[%mul3A_19, %dma_start3A_52] : memref<10008x128xf32, #tpu.memory_space<vmem_shared>> -> memref<624x128xf32, #tpu.memory_space<vmem_shared>>
      %dma_start3A_54 = arith.constant 0 : i32
      %dma_start3A_55 = tpu.memref_slice %arg5[%mul3A_17, %dma_start3A_54] : memref<10008x128xf32, #tpu.memory_space<hbm>> -> memref<624x128xf32, #tpu.memory_space<hbm>>
      tpu.enqueue_dma source(%dma_start3A_55 : memref<624x128xf32, #tpu.memory_space<hbm>>) target(%dma_start3A_53 : memref<624x128xf32, #tpu.memory_space<vmem_shared>>) target_semaphore(%run_scoped3A : memref<!tpu.dma_semaphore, #tpu.memory_space<semaphore_mem>>)
      %dma_wait3A_56 = arith.constant 0 : i32
      %dma_wait3A_57 = tpu.memref_slice %arg10[%mul3A_19, %dma_wait3A_56] : memref<10008x128xf32, #tpu.memory_space<vmem_shared>> -> memref<624x128xf32, #tpu.memory_space<vmem_shared>>
      %dma_wait3A_58 = arith.constant 0 : i32
      %dma_wait3A_59 = tpu.memref_slice %arg5[%mul3A_17, %dma_wait3A_58] : memref<10008x128xf32, #tpu.memory_space<hbm>> -> memref<624x128xf32, #tpu.memory_space<hbm>>
      tpu.wait_dma2 semaphore(%run_scoped3A : memref<!tpu.dma_semaphore, #tpu.memory_space<semaphore_mem>>) src(%dma_wait3A_59 : memref<624x128xf32, #tpu.memory_space<hbm>>) dst(%dma_wait3A_57 : memref<624x128xf32, #tpu.memory_space<vmem_shared>>)
      tpu.yield
    }) : () -> ()
    %eq3A = arith.constant 15 : i32
    %eq3A_20 = arith.cmpi eq, %arg1, %eq3A : i32
    %convert_element_type3A = arith.extui %eq3A_20 : i1 to i32
    %cond3A = arith.constant 0 : i32
    %cond3A_21 = arith.cmpi ne, %convert_element_type3A, %cond3A : i32
    scf.if %cond3A_21 {
      "tpu.region"() ({
        %run_scoped3A = tpu.sem_alloc : memref<!tpu.dma_semaphore, #tpu.memory_space<semaphore_mem>>
        %dma_start3A_52 = arith.constant 9984 : i32
        %dma_start3A_53 = arith.constant 0 : i32
        %dma_start3A_54 = tpu.memref_slice %arg10[%dma_start3A_52, %dma_start3A_53] : memref<10008x128xf32, #tpu.memory_space<vmem_shared>> -> memref<24x128xf32, #tpu.memory_space<vmem_shared>>
        %dma_start3A_55 = arith.constant 9984 : i32
        %dma_start3A_56 = arith.constant 0 : i32
        %dma_start3A_57 = tpu.memref_slice %arg5[%dma_start3A_55, %dma_start3A_56] : memref<10008x128xf32, #tpu.memory_space<hbm>> -> memref<24x128xf32, #tpu.memory_space<hbm>>
        tpu.enqueue_dma source(%dma_start3A_57 : memref<24x128xf32, #tpu.memory_space<hbm>>) target(%dma_start3A_54 : memref<24x128xf32, #tpu.memory_space<vmem_shared>>) target_semaphore(%run_scoped3A : memref<!tpu.dma_semaphore, #tpu.memory_space<semaphore_mem>>)
        %dma_wait3A_58 = arith.constant 9984 : i32
        %dma_wait3A_59 = arith.constant 0 : i32
        %dma_wait3A_60 = tpu.memref_slice %arg10[%dma_wait3A_58, %dma_wait3A_59] : memref<10008x128xf32, #tpu.memory_space<vmem_shared>> -> memref<24x128xf32, #tpu.memory_space<vmem_shared>>
        %dma_wait3A_61 = arith.constant 9984 : i32
        %dma_wait3A_62 = arith.constant 0 : i32
        %dma_wait3A_63 = tpu.memref_slice %arg5[%dma_wait3A_61, %dma_wait3A_62] : memref<10008x128xf32, #tpu.memory_space<hbm>> -> memref<24x128xf32, #tpu.memory_space<hbm>>
        tpu.wait_dma2 semaphore(%run_scoped3A : memref<!tpu.dma_semaphore, #tpu.memory_space<semaphore_mem>>) src(%dma_wait3A_63 : memref<24x128xf32, #tpu.memory_space<hbm>>) dst(%dma_wait3A_60 : memref<24x128xf32, #tpu.memory_space<vmem_shared>>)
        tpu.yield
      }) : () -> ()
    } else {
    }
    %dma_wait3A = arith.constant 0 : i32
    %dma_wait3A_22 = arith.constant 0 : i32
    %dma_wait3A_23 = tpu.memref_slice %arg3[%add3A, %dma_wait3A, %dma_wait3A_22] : memref<32x125x80xi32, #tpu.memory_space<hbm>> -> memref<1x125x80xi32, #tpu.memory_space<hbm>>
    %dma_wait3A_24 = tpu.memref_squeeze %dma_wait3A_23 : memref<1x125x80xi32, #tpu.memory_space<hbm>> -> memref<125x80xi32, #tpu.memory_space<hbm>>
    %dma_wait3A_25 = arith.constant 0 : i32
    %dma_wait3A_26 = arith.constant 0 : i32
    %dma_wait3A_27 = tpu.memref_slice %arg3[%add3A, %dma_wait3A_25, %dma_wait3A_26] : memref<32x125x80xi32, #tpu.memory_space<hbm>> -> memref<1x125x80xi32, #tpu.memory_space<hbm>>
    %dma_wait3A_28 = tpu.memref_squeeze %dma_wait3A_27 : memref<1x125x80xi32, #tpu.memory_space<hbm>> -> memref<125x80xi32, #tpu.memory_space<hbm>>
    tpu.wait_dma2 semaphore(%arg11 : memref<!tpu.dma_semaphore, #tpu.memory_space<semaphore_mem>>) src(%dma_wait3A_28 : memref<125x80xi32, #tpu.memory_space<hbm>>) dst(%arg7 : memref<125x80xi32, #tpu.memory_space<vmem>>)
    %dma_wait3A_29 = arith.constant 0 : i32
    %dma_wait3A_30 = arith.constant 0 : i32
    %dma_wait3A_31 = tpu.memref_slice %arg4[%add3A, %dma_wait3A_29, %dma_wait3A_30] : memref<32x125x80xi32, #tpu.memory_space<hbm>> -> memref<1x125x80xi32, #tpu.memory_space<hbm>>
    %dma_wait3A_32 = tpu.memref_squeeze %dma_wait3A_31 : memref<1x125x80xi32, #tpu.memory_space<hbm>> -> memref<125x80xi32, #tpu.memory_space<hbm>>
    %dma_wait3A_33 = arith.constant 0 : i32
    %dma_wait3A_34 = arith.constant 0 : i32
    %dma_wait3A_35 = tpu.memref_slice %arg4[%add3A, %dma_wait3A_33, %dma_wait3A_34] : memref<32x125x80xi32, #tpu.memory_space<hbm>> -> memref<1x125x80xi32, #tpu.memory_space<hbm>>
    %dma_wait3A_36 = tpu.memref_squeeze %dma_wait3A_35 : memref<1x125x80xi32, #tpu.memory_space<hbm>> -> memref<125x80xi32, #tpu.memory_space<hbm>>
    tpu.wait_dma2 semaphore(%arg12 : memref<!tpu.dma_semaphore, #tpu.memory_space<semaphore_mem>>) src(%dma_wait3A_36 : memref<125x80xi32, #tpu.memory_space<hbm>>) dst(%arg8 : memref<125x80xi32, #tpu.memory_space<vmem>>)
    %barrier3A = arith.constant 0 : index
    tpu.barrier barrier_id(%barrier3A)
    %scan3A = arith.constant 0 : i32
    %scan3A_37 = arith.constant 0 : i32
    %scan3A_38 = arith.constant 125 : i32
    %scan3A_39 = arith.addi %scan3A_37, %scan3A_38 : i32
    %scan3A_40 = arith.constant 1 : i32
    scf.for %scan3A_52 = %scan3A_37 to %scan3A_39 step %scan3A_40  : i32 {
      %dma_start3A_53 = arith.constant 0 : i32
      %dma_start3A_54 = tpu.memref_slice %arg7[%scan3A_52, %dma_start3A_53] : memref<125x80xi32, #tpu.memory_space<vmem>> -> memref<1x80xi32, #tpu.memory_space<vmem>>
      %dma_start3A_55 = tpu.memref_squeeze %dma_start3A_54 : memref<1x80xi32, #tpu.memory_space<vmem>> -> memref<80xi32, #tpu.memory_space<vmem>>
      %dma_start3A_56 = arith.constant 0 : i32
      %dma_start3A_57 = arith.constant 0 : i32
      %dma_start3A_58 = tpu.memref_slice %arg2[%dma_start3A_56, %dma_start3A_57] : memref<10008x128xf32, #tpu.memory_space<hbm>> -> memref<10008x128xf32, #tpu.memory_space<hbm>>
      tpu.enqueue_indirect_dma source(%dma_start3A_58 : memref<10008x128xf32, #tpu.memory_space<hbm>>) target(%arg9 : memref<80x128xf32, #tpu.memory_space<vmem>>) offsets(%dma_start3A_55 : memref<80xi32, #tpu.memory_space<vmem>>) semaphore(%arg13 : memref<!tpu.dma_semaphore, #tpu.memory_space<semaphore_mem>>)
      %dma_wait3A_59 = arith.constant 0 : i32
      %dma_wait3A_60 = tpu.memref_slice %arg7[%scan3A_52, %dma_wait3A_59] : memref<125x80xi32, #tpu.memory_space<vmem>> -> memref<1x80xi32, #tpu.memory_space<vmem>>
      %dma_wait3A_61 = tpu.memref_squeeze %dma_wait3A_60 : memref<1x80xi32, #tpu.memory_space<vmem>> -> memref<80xi32, #tpu.memory_space<vmem>>
      %dma_wait3A_62 = arith.constant 0 : i32
      %dma_wait3A_63 = arith.constant 0 : i32
      %dma_wait3A_64 = tpu.memref_slice %arg2[%dma_wait3A_62, %dma_wait3A_63] : memref<10008x128xf32, #tpu.memory_space<hbm>> -> memref<10008x128xf32, #tpu.memory_space<hbm>>
      tpu.wait_indirect_dma semaphore(%arg13 : memref<!tpu.dma_semaphore, #tpu.memory_space<semaphore_mem>>) src(%dma_wait3A_64 : memref<10008x128xf32, #tpu.memory_space<hbm>>) dst(%arg9 : memref<80x128xf32, #tpu.memory_space<vmem>>)
      "tpu.region"() ({
        %run_scoped3A = tpu.sem_alloc : memref<!tpu.dma_semaphore, #tpu.memory_space<semaphore_mem>>
        %dma_start3A_65 = arith.constant 0 : i32
        %dma_start3A_66 = tpu.memref_slice %arg8[%scan3A_52, %dma_start3A_65] : memref<125x80xi32, #tpu.memory_space<vmem>> -> memref<1x80xi32, #tpu.memory_space<vmem>>
        %dma_start3A_67 = tpu.memref_squeeze %dma_start3A_66 : memref<1x80xi32, #tpu.memory_space<vmem>> -> memref<80xi32, #tpu.memory_space<vmem>>
        %dma_start3A_68 = arith.constant 0 : i32
        %dma_start3A_69 = arith.constant 0 : i32
        %dma_start3A_70 = tpu.memref_slice %arg10[%dma_start3A_68, %dma_start3A_69] : memref<10008x128xf32, #tpu.memory_space<vmem_shared>> -> memref<10008x128xf32, #tpu.memory_space<vmem_shared>>
        tpu.enqueue_indirect_dma source(%arg9 : memref<80x128xf32, #tpu.memory_space<vmem>>) target(%dma_start3A_70 : memref<10008x128xf32, #tpu.memory_space<vmem_shared>>) offsets(%dma_start3A_67 : memref<80xi32, #tpu.memory_space<vmem>>) semaphore(%run_scoped3A : memref<!tpu.dma_semaphore, #tpu.memory_space<semaphore_mem>>) {add = true}
        %dma_wait3A_71 = arith.constant 0 : i32
        %dma_wait3A_72 = tpu.memref_slice %arg8[%scan3A_52, %dma_wait3A_71] : memref<125x80xi32, #tpu.memory_space<vmem>> -> memref<1x80xi32, #tpu.memory_space<vmem>>
        %dma_wait3A_73 = tpu.memref_squeeze %dma_wait3A_72 : memref<1x80xi32, #tpu.memory_space<vmem>> -> memref<80xi32, #tpu.memory_space<vmem>>
        %dma_wait3A_74 = arith.constant 0 : i32
        %dma_wait3A_75 = arith.constant 0 : i32
        %dma_wait3A_76 = tpu.memref_slice %arg10[%dma_wait3A_74, %dma_wait3A_75] : memref<10008x128xf32, #tpu.memory_space<vmem_shared>> -> memref<10008x128xf32, #tpu.memory_space<vmem_shared>>
        tpu.wait_indirect_dma semaphore(%run_scoped3A : memref<!tpu.dma_semaphore, #tpu.memory_space<semaphore_mem>>) src(%arg9 : memref<80x128xf32, #tpu.memory_space<vmem>>) dst(%dma_wait3A_76 : memref<10008x128xf32, #tpu.memory_space<vmem_shared>>)
        tpu.yield
      }) : () -> ()
    }
    %scan3A_41 = arith.constant 125 : i32
    %barrier3A_42 = arith.constant 0 : index
    tpu.barrier barrier_id(%barrier3A_42)
    %mul3A_43 = arith.constant 624 : i32
    %mul3A_44 = arith.muli %arg1, %mul3A_43 : i32
    %mul3A_45 = arith.constant 624 : i32
    %mul3A_46 = arith.muli %arg1, %mul3A_45 : i32
    "tpu.region"() ({
      %run_scoped3A = tpu.sem_alloc : memref<!tpu.dma_semaphore, #tpu.memory_space<semaphore_mem>>
      %dma_start3A_52 = arith.constant 0 : i32
      %dma_start3A_53 = tpu.memref_slice %arg6[%arg0, %mul3A_46, %dma_start3A_52] : memref<2x10000x128xf32, #tpu.memory_space<hbm>> -> memref<1x624x128xf32, #tpu.memory_space<hbm>>
      %dma_start3A_54 = tpu.memref_squeeze %dma_start3A_53 : memref<1x624x128xf32, #tpu.memory_space<hbm>> -> memref<624x128xf32, #tpu.memory_space<hbm>>
      %dma_start3A_55 = arith.constant 0 : i32
      %dma_start3A_56 = tpu.memref_slice %arg10[%mul3A_44, %dma_start3A_55] : memref<10008x128xf32, #tpu.memory_space<vmem_shared>> -> memref<624x128xf32, #tpu.memory_space<vmem_shared>>
      tpu.enqueue_dma source(%dma_start3A_56 : memref<624x128xf32, #tpu.memory_space<vmem_shared>>) target(%dma_start3A_54 : memref<624x128xf32, #tpu.memory_space<hbm>>) target_semaphore(%run_scoped3A : memref<!tpu.dma_semaphore, #tpu.memory_space<semaphore_mem>>)
      %dma_wait3A_57 = arith.constant 0 : i32
      %dma_wait3A_58 = tpu.memref_slice %arg6[%arg0, %mul3A_46, %dma_wait3A_57] : memref<2x10000x128xf32, #tpu.memory_space<hbm>> -> memref<1x624x128xf32, #tpu.memory_space<hbm>>
      %dma_wait3A_59 = tpu.memref_squeeze %dma_wait3A_58 : memref<1x624x128xf32, #tpu.memory_space<hbm>> -> memref<624x128xf32, #tpu.memory_space<hbm>>
      %dma_wait3A_60 = arith.constant 0 : i32
      %dma_wait3A_61 = tpu.memref_slice %arg10[%mul3A_44, %dma_wait3A_60] : memref<10008x128xf32, #tpu.memory_space<vmem_shared>> -> memref<624x128xf32, #tpu.memory_space<vmem_shared>>
      tpu.wait_dma2 semaphore(%run_scoped3A : memref<!tpu.dma_semaphore, #tpu.memory_space<semaphore_mem>>) src(%dma_wait3A_61 : memref<624x128xf32, #tpu.memory_space<vmem_shared>>) dst(%dma_wait3A_59 : memref<624x128xf32, #tpu.memory_space<hbm>>)
      tpu.yield
    }) : () -> ()
    %eq3A_47 = arith.constant 15 : i32
    %eq3A_48 = arith.cmpi eq, %arg1, %eq3A_47 : i32
    %convert_element_type3A_49 = arith.extui %eq3A_48 : i1 to i32
    %cond3A_50 = arith.constant 0 : i32
    %cond3A_51 = arith.cmpi ne, %convert_element_type3A_49, %cond3A_50 : i32
    scf.if %cond3A_51 {
      "tpu.region"() ({
        %run_scoped3A = tpu.sem_alloc : memref<!tpu.dma_semaphore, #tpu.memory_space<semaphore_mem>>
        %dma_start3A_52 = arith.constant 9984 : i32
        %dma_start3A_53 = arith.constant 0 : i32
        %dma_start3A_54 = tpu.memref_slice %arg6[%arg0, %dma_start3A_52, %dma_start3A_53] : memref<2x10000x128xf32, #tpu.memory_space<hbm>> -> memref<1x16x128xf32, #tpu.memory_space<hbm>>
        %dma_start3A_55 = tpu.memref_squeeze %dma_start3A_54 : memref<1x16x128xf32, #tpu.memory_space<hbm>> -> memref<16x128xf32, #tpu.memory_space<hbm>>
        %dma_start3A_56 = arith.constant 9984 : i32
        %dma_start3A_57 = arith.constant 0 : i32
        %dma_start3A_58 = tpu.memref_slice %arg10[%dma_start3A_56, %dma_start3A_57] : memref<10008x128xf32, #tpu.memory_space<vmem_shared>> -> memref<16x128xf32, #tpu.memory_space<vmem_shared>>
        tpu.enqueue_dma source(%dma_start3A_58 : memref<16x128xf32, #tpu.memory_space<vmem_shared>>) target(%dma_start3A_55 : memref<16x128xf32, #tpu.memory_space<hbm>>) target_semaphore(%run_scoped3A : memref<!tpu.dma_semaphore, #tpu.memory_space<semaphore_mem>>)
        %dma_wait3A_59 = arith.constant 9984 : i32
        %dma_wait3A_60 = arith.constant 0 : i32
        %dma_wait3A_61 = tpu.memref_slice %arg6[%arg0, %dma_wait3A_59, %dma_wait3A_60] : memref<2x10000x128xf32, #tpu.memory_space<hbm>> -> memref<1x16x128xf32, #tpu.memory_space<hbm>>
        %dma_wait3A_62 = tpu.memref_squeeze %dma_wait3A_61 : memref<1x16x128xf32, #tpu.memory_space<hbm>> -> memref<16x128xf32, #tpu.memory_space<hbm>>
        %dma_wait3A_63 = arith.constant 9984 : i32
        %dma_wait3A_64 = arith.constant 0 : i32
        %dma_wait3A_65 = tpu.memref_slice %arg10[%dma_wait3A_63, %dma_wait3A_64] : memref<10008x128xf32, #tpu.memory_space<vmem_shared>> -> memref<16x128xf32, #tpu.memory_space<vmem_shared>>
        tpu.wait_dma2 semaphore(%run_scoped3A : memref<!tpu.dma_semaphore, #tpu.memory_space<semaphore_mem>>) src(%dma_wait3A_65 : memref<16x128xf32, #tpu.memory_space<vmem_shared>>) dst(%dma_wait3A_62 : memref<16x128xf32, #tpu.memory_space<hbm>>)
        tpu.yield
      }) : () -> ()
    } else {
    }
    return
  }
}

#map = affine_map<(d0, d1) -> (0, 0)>
#map1 = affine_map<(d0, d1) -> (0, 0, 0)>
module attributes {stable_mosaic.version = 14 : i64} {
  func.func @_prop_kernel(%arg0: i32, %arg1: i32, %arg2: memref<10008x128xf32, #tpu.memory_space<hbm>>, %arg3: memref<32x125x80xi32, #tpu.memory_space<hbm>>, %arg4: memref<32x125x80xi32, #tpu.memory_space<hbm>>, %arg5: memref<10008x128xf32, #tpu.memory_space<hbm>>, %arg6: memref<2x10000x128xf32, #tpu.memory_space<hbm>>, %arg7: memref<125x80xi32, #tpu.memory_space<vmem>>, %arg8: memref<125x80xi32, #tpu.memory_space<vmem>>, %arg9: memref<80x128xf32, #tpu.memory_space<vmem>>, %arg10: memref<10008x128xf32, #tpu.memory_space<vmem_shared>>, %arg11: memref<!tpu.dma_semaphore, #tpu.memory_space<semaphore_mem>>, %arg12: memref<!tpu.dma_semaphore, #tpu.memory_space<semaphore_mem>>, %arg13: memref<!tpu.dma_semaphore, #tpu.memory_space<semaphore_mem>>) attributes {dimension_semantics = [#tpu.dimension_semantics<core_parallel>, #tpu.dimension_semantics<subcore_parallel>], iteration_bounds = array<i64: 2, 16>, scalar_prefetch = 0 : i64, scratch_operands = 7 : i64, tpu.core_type = #tpu.core_type<sc_vector_subcore>, window_params = [{transform_indices = #map}, {transform_indices = #map1}, {transform_indices = #map1}, {transform_indices = #map}, {transform_indices = #map1}]} {
    %mul3A = arith.constant 2 : i32
    %mul3A_0 = arith.muli %arg1, %mul3A : i32
    %add3A = arith.addi %mul3A_0, %arg0 : i32
    %dma_start3A = arith.constant 0 : i32
    %dma_start3A_1 = arith.constant 0 : i32
    %dma_start3A_2 = tpu.memref_slice %arg3[%add3A, %dma_start3A, %dma_start3A_1] : memref<32x125x80xi32, #tpu.memory_space<hbm>> -> memref<1x125x80xi32, #tpu.memory_space<hbm>>
    %dma_start3A_3 = tpu.memref_squeeze %dma_start3A_2 : memref<1x125x80xi32, #tpu.memory_space<hbm>> -> memref<125x80xi32, #tpu.memory_space<hbm>>
    %dma_start3A_4 = arith.constant 0 : i32
    %dma_start3A_5 = arith.constant 0 : i32
    %dma_start3A_6 = tpu.memref_slice %arg3[%add3A, %dma_start3A_4, %dma_start3A_5] : memref<32x125x80xi32, #tpu.memory_space<hbm>> -> memref<1x125x80xi32, #tpu.memory_space<hbm>>
    %dma_start3A_7 = tpu.memref_squeeze %dma_start3A_6 : memref<1x125x80xi32, #tpu.memory_space<hbm>> -> memref<125x80xi32, #tpu.memory_space<hbm>>
    tpu.enqueue_dma source(%dma_start3A_7 : memref<125x80xi32, #tpu.memory_space<hbm>>) target(%arg7 : memref<125x80xi32, #tpu.memory_space<vmem>>) target_semaphore(%arg11 : memref<!tpu.dma_semaphore, #tpu.memory_space<semaphore_mem>>)
    %dma_start3A_8 = arith.constant 0 : i32
    %dma_start3A_9 = arith.constant 0 : i32
    %dma_start3A_10 = tpu.memref_slice %arg4[%add3A, %dma_start3A_8, %dma_start3A_9] : memref<32x125x80xi32, #tpu.memory_space<hbm>> -> memref<1x125x80xi32, #tpu.memory_space<hbm>>
    %dma_start3A_11 = tpu.memref_squeeze %dma_start3A_10 : memref<1x125x80xi32, #tpu.memory_space<hbm>> -> memref<125x80xi32, #tpu.memory_space<hbm>>
    %dma_start3A_12 = arith.constant 0 : i32
    %dma_start3A_13 = arith.constant 0 : i32
    %dma_start3A_14 = tpu.memref_slice %arg4[%add3A, %dma_start3A_12, %dma_start3A_13] : memref<32x125x80xi32, #tpu.memory_space<hbm>> -> memref<1x125x80xi32, #tpu.memory_space<hbm>>
    %dma_start3A_15 = tpu.memref_squeeze %dma_start3A_14 : memref<1x125x80xi32, #tpu.memory_space<hbm>> -> memref<125x80xi32, #tpu.memory_space<hbm>>
    tpu.enqueue_dma source(%dma_start3A_15 : memref<125x80xi32, #tpu.memory_space<hbm>>) target(%arg8 : memref<125x80xi32, #tpu.memory_space<vmem>>) target_semaphore(%arg12 : memref<!tpu.dma_semaphore, #tpu.memory_space<semaphore_mem>>)
    %mul3A_16 = arith.constant 624 : i32
    %mul3A_17 = arith.muli %arg1, %mul3A_16 : i32
    %mul3A_18 = arith.constant 624 : i32
    %mul3A_19 = arith.muli %arg1, %mul3A_18 : i32
    "tpu.region"() ({
      %run_scoped3A = tpu.sem_alloc : memref<!tpu.dma_semaphore, #tpu.memory_space<semaphore_mem>>
      %dma_start3A_52 = arith.constant 0 : i32
      %dma_start3A_53 = tpu.memref_slice %arg10[%mul3A_19, %dma_start3A_52] : memref<10008x128xf32, #tpu.memory_space<vmem_shared>> -> memref<624x128xf32, #tpu.memory_space<vmem_shared>>
      %dma_start3A_54 = arith.constant 0 : i32
      %dma_start3A_55 = tpu.memref_slice %arg5[%mul3A_17, %dma_start3A_54] : memref<10008x128xf32, #tpu.memory_space<hbm>> -> memref<624x128xf32, #tpu.memory_space<hbm>>
      tpu.enqueue_dma source(%dma_start3A_55 : memref<624x128xf32, #tpu.memory_space<hbm>>) target(%dma_start3A_53 : memref<624x128xf32, #tpu.memory_space<vmem_shared>>) target_semaphore(%run_scoped3A : memref<!tpu.dma_semaphore, #tpu.memory_space<semaphore_mem>>)
      %dma_wait3A_56 = arith.constant 0 : i32
      %dma_wait3A_57 = tpu.memref_slice %arg10[%mul3A_19, %dma_wait3A_56] : memref<10008x128xf32, #tpu.memory_space<vmem_shared>> -> memref<624x128xf32, #tpu.memory_space<vmem_shared>>
      %dma_wait3A_58 = arith.constant 0 : i32
      %dma_wait3A_59 = tpu.memref_slice %arg5[%mul3A_17, %dma_wait3A_58] : memref<10008x128xf32, #tpu.memory_space<hbm>> -> memref<624x128xf32, #tpu.memory_space<hbm>>
      tpu.wait_dma2 semaphore(%run_scoped3A : memref<!tpu.dma_semaphore, #tpu.memory_space<semaphore_mem>>) src(%dma_wait3A_59 : memref<624x128xf32, #tpu.memory_space<hbm>>) dst(%dma_wait3A_57 : memref<624x128xf32, #tpu.memory_space<vmem_shared>>)
      tpu.yield
    }) : () -> ()
    %eq3A = arith.constant 15 : i32
    %eq3A_20 = arith.cmpi eq, %arg1, %eq3A : i32
    %convert_element_type3A = arith.extui %eq3A_20 : i1 to i32
    %cond3A = arith.constant 0 : i32
    %cond3A_21 = arith.cmpi ne, %convert_element_type3A, %cond3A : i32
    scf.if %cond3A_21 {
      "tpu.region"() ({
        %run_scoped3A = tpu.sem_alloc : memref<!tpu.dma_semaphore, #tpu.memory_space<semaphore_mem>>
        %dma_start3A_52 = arith.constant 9984 : i32
        %dma_start3A_53 = arith.constant 0 : i32
        %dma_start3A_54 = tpu.memref_slice %arg10[%dma_start3A_52, %dma_start3A_53] : memref<10008x128xf32, #tpu.memory_space<vmem_shared>> -> memref<24x128xf32, #tpu.memory_space<vmem_shared>>
        %dma_start3A_55 = arith.constant 9984 : i32
        %dma_start3A_56 = arith.constant 0 : i32
        %dma_start3A_57 = tpu.memref_slice %arg5[%dma_start3A_55, %dma_start3A_56] : memref<10008x128xf32, #tpu.memory_space<hbm>> -> memref<24x128xf32, #tpu.memory_space<hbm>>
        tpu.enqueue_dma source(%dma_start3A_57 : memref<24x128xf32, #tpu.memory_space<hbm>>) target(%dma_start3A_54 : memref<24x128xf32, #tpu.memory_space<vmem_shared>>) target_semaphore(%run_scoped3A : memref<!tpu.dma_semaphore, #tpu.memory_space<semaphore_mem>>)
        %dma_wait3A_58 = arith.constant 9984 : i32
        %dma_wait3A_59 = arith.constant 0 : i32
        %dma_wait3A_60 = tpu.memref_slice %arg10[%dma_wait3A_58, %dma_wait3A_59] : memref<10008x128xf32, #tpu.memory_space<vmem_shared>> -> memref<24x128xf32, #tpu.memory_space<vmem_shared>>
        %dma_wait3A_61 = arith.constant 9984 : i32
        %dma_wait3A_62 = arith.constant 0 : i32
        %dma_wait3A_63 = tpu.memref_slice %arg5[%dma_wait3A_61, %dma_wait3A_62] : memref<10008x128xf32, #tpu.memory_space<hbm>> -> memref<24x128xf32, #tpu.memory_space<hbm>>
        tpu.wait_dma2 semaphore(%run_scoped3A : memref<!tpu.dma_semaphore, #tpu.memory_space<semaphore_mem>>) src(%dma_wait3A_63 : memref<24x128xf32, #tpu.memory_space<hbm>>) dst(%dma_wait3A_60 : memref<24x128xf32, #tpu.memory_space<vmem_shared>>)
        tpu.yield
      }) : () -> ()
    } else {
    }
    %dma_wait3A = arith.constant 0 : i32
    %dma_wait3A_22 = arith.constant 0 : i32
    %dma_wait3A_23 = tpu.memref_slice %arg3[%add3A, %dma_wait3A, %dma_wait3A_22] : memref<32x125x80xi32, #tpu.memory_space<hbm>> -> memref<1x125x80xi32, #tpu.memory_space<hbm>>
    %dma_wait3A_24 = tpu.memref_squeeze %dma_wait3A_23 : memref<1x125x80xi32, #tpu.memory_space<hbm>> -> memref<125x80xi32, #tpu.memory_space<hbm>>
    %dma_wait3A_25 = arith.constant 0 : i32
    %dma_wait3A_26 = arith.constant 0 : i32
    %dma_wait3A_27 = tpu.memref_slice %arg3[%add3A, %dma_wait3A_25, %dma_wait3A_26] : memref<32x125x80xi32, #tpu.memory_space<hbm>> -> memref<1x125x80xi32, #tpu.memory_space<hbm>>
    %dma_wait3A_28 = tpu.memref_squeeze %dma_wait3A_27 : memref<1x125x80xi32, #tpu.memory_space<hbm>> -> memref<125x80xi32, #tpu.memory_space<hbm>>
    tpu.wait_dma2 semaphore(%arg11 : memref<!tpu.dma_semaphore, #tpu.memory_space<semaphore_mem>>) src(%dma_wait3A_28 : memref<125x80xi32, #tpu.memory_space<hbm>>) dst(%arg7 : memref<125x80xi32, #tpu.memory_space<vmem>>)
    %dma_wait3A_29 = arith.constant 0 : i32
    %dma_wait3A_30 = arith.constant 0 : i32
    %dma_wait3A_31 = tpu.memref_slice %arg4[%add3A, %dma_wait3A_29, %dma_wait3A_30] : memref<32x125x80xi32, #tpu.memory_space<hbm>> -> memref<1x125x80xi32, #tpu.memory_space<hbm>>
    %dma_wait3A_32 = tpu.memref_squeeze %dma_wait3A_31 : memref<1x125x80xi32, #tpu.memory_space<hbm>> -> memref<125x80xi32, #tpu.memory_space<hbm>>
    %dma_wait3A_33 = arith.constant 0 : i32
    %dma_wait3A_34 = arith.constant 0 : i32
    %dma_wait3A_35 = tpu.memref_slice %arg4[%add3A, %dma_wait3A_33, %dma_wait3A_34] : memref<32x125x80xi32, #tpu.memory_space<hbm>> -> memref<1x125x80xi32, #tpu.memory_space<hbm>>
    %dma_wait3A_36 = tpu.memref_squeeze %dma_wait3A_35 : memref<1x125x80xi32, #tpu.memory_space<hbm>> -> memref<125x80xi32, #tpu.memory_space<hbm>>
    tpu.wait_dma2 semaphore(%arg12 : memref<!tpu.dma_semaphore, #tpu.memory_space<semaphore_mem>>) src(%dma_wait3A_36 : memref<125x80xi32, #tpu.memory_space<hbm>>) dst(%arg8 : memref<125x80xi32, #tpu.memory_space<vmem>>)
    %barrier3A = arith.constant 0 : index
    tpu.barrier barrier_id(%barrier3A)
    %scan3A = arith.constant 0 : i32
    %scan3A_37 = arith.constant 0 : i32
    %scan3A_38 = arith.constant 125 : i32
    %scan3A_39 = arith.addi %scan3A_37, %scan3A_38 : i32
    %scan3A_40 = arith.constant 1 : i32
    scf.for %scan3A_52 = %scan3A_37 to %scan3A_39 step %scan3A_40  : i32 {
      %dma_start3A_53 = arith.constant 0 : i32
      %dma_start3A_54 = tpu.memref_slice %arg7[%scan3A_52, %dma_start3A_53] : memref<125x80xi32, #tpu.memory_space<vmem>> -> memref<1x80xi32, #tpu.memory_space<vmem>>
      %dma_start3A_55 = tpu.memref_squeeze %dma_start3A_54 : memref<1x80xi32, #tpu.memory_space<vmem>> -> memref<80xi32, #tpu.memory_space<vmem>>
      %dma_start3A_56 = arith.constant 0 : i32
      %dma_start3A_57 = arith.constant 0 : i32
      %dma_start3A_58 = tpu.memref_slice %arg2[%dma_start3A_56, %dma_start3A_57] : memref<10008x128xf32, #tpu.memory_space<hbm>> -> memref<10008x128xf32, #tpu.memory_space<hbm>>
      tpu.enqueue_indirect_dma source(%dma_start3A_58 : memref<10008x128xf32, #tpu.memory_space<hbm>>) target(%arg9 : memref<80x128xf32, #tpu.memory_space<vmem>>) offsets(%dma_start3A_55 : memref<80xi32, #tpu.memory_space<vmem>>) semaphore(%arg13 : memref<!tpu.dma_semaphore, #tpu.memory_space<semaphore_mem>>)
      %dma_wait3A_59 = arith.constant 0 : i32
      %dma_wait3A_60 = tpu.memref_slice %arg7[%scan3A_52, %dma_wait3A_59] : memref<125x80xi32, #tpu.memory_space<vmem>> -> memref<1x80xi32, #tpu.memory_space<vmem>>
      %dma_wait3A_61 = tpu.memref_squeeze %dma_wait3A_60 : memref<1x80xi32, #tpu.memory_space<vmem>> -> memref<80xi32, #tpu.memory_space<vmem>>
      %dma_wait3A_62 = arith.constant 0 : i32
      %dma_wait3A_63 = arith.constant 0 : i32
      %dma_wait3A_64 = tpu.memref_slice %arg2[%dma_wait3A_62, %dma_wait3A_63] : memref<10008x128xf32, #tpu.memory_space<hbm>> -> memref<10008x128xf32, #tpu.memory_space<hbm>>
      tpu.wait_indirect_dma semaphore(%arg13 : memref<!tpu.dma_semaphore, #tpu.memory_space<semaphore_mem>>) src(%dma_wait3A_64 : memref<10008x128xf32, #tpu.memory_space<hbm>>) dst(%arg9 : memref<80x128xf32, #tpu.memory_space<vmem>>)
      "tpu.region"() ({
        %run_scoped3A = tpu.sem_alloc : memref<!tpu.dma_semaphore, #tpu.memory_space<semaphore_mem>>
        %dma_start3A_65 = arith.constant 0 : i32
        %dma_start3A_66 = tpu.memref_slice %arg8[%scan3A_52, %dma_start3A_65] : memref<125x80xi32, #tpu.memory_space<vmem>> -> memref<1x80xi32, #tpu.memory_space<vmem>>
        %dma_start3A_67 = tpu.memref_squeeze %dma_start3A_66 : memref<1x80xi32, #tpu.memory_space<vmem>> -> memref<80xi32, #tpu.memory_space<vmem>>
        %dma_start3A_68 = arith.constant 0 : i32
        %dma_start3A_69 = arith.constant 0 : i32
        %dma_start3A_70 = tpu.memref_slice %arg10[%dma_start3A_68, %dma_start3A_69] : memref<10008x128xf32, #tpu.memory_space<vmem_shared>> -> memref<10008x128xf32, #tpu.memory_space<vmem_shared>>
        tpu.enqueue_indirect_dma source(%arg9 : memref<80x128xf32, #tpu.memory_space<vmem>>) target(%dma_start3A_70 : memref<10008x128xf32, #tpu.memory_space<vmem_shared>>) offsets(%dma_start3A_67 : memref<80xi32, #tpu.memory_space<vmem>>) semaphore(%run_scoped3A : memref<!tpu.dma_semaphore, #tpu.memory_space<semaphore_mem>>) {add = true}
        %dma_wait3A_71 = arith.constant 0 : i32
        %dma_wait3A_72 = tpu.memref_slice %arg8[%scan3A_52, %dma_wait3A_71] : memref<125x80xi32, #tpu.memory_space<vmem>> -> memref<1x80xi32, #tpu.memory_space<vmem>>
        %dma_wait3A_73 = tpu.memref_squeeze %dma_wait3A_72 : memref<1x80xi32, #tpu.memory_space<vmem>> -> memref<80xi32, #tpu.memory_space<vmem>>
        %dma_wait3A_74 = arith.constant 0 : i32
        %dma_wait3A_75 = arith.constant 0 : i32
        %dma_wait3A_76 = tpu.memref_slice %arg10[%dma_wait3A_74, %dma_wait3A_75] : memref<10008x128xf32, #tpu.memory_space<vmem_shared>> -> memref<10008x128xf32, #tpu.memory_space<vmem_shared>>
        tpu.wait_indirect_dma semaphore(%run_scoped3A : memref<!tpu.dma_semaphore, #tpu.memory_space<semaphore_mem>>) src(%arg9 : memref<80x128xf32, #tpu.memory_space<vmem>>) dst(%dma_wait3A_76 : memref<10008x128xf32, #tpu.memory_space<vmem_shared>>)
        tpu.yield
      }) : () -> ()
    }
    %scan3A_41 = arith.constant 125 : i32
    %barrier3A_42 = arith.constant 0 : index
    tpu.barrier barrier_id(%barrier3A_42)
    %mul3A_43 = arith.constant 624 : i32
    %mul3A_44 = arith.muli %arg1, %mul3A_43 : i32
    %mul3A_45 = arith.constant 624 : i32
    %mul3A_46 = arith.muli %arg1, %mul3A_45 : i32
    "tpu.region"() ({
      %run_scoped3A = tpu.sem_alloc : memref<!tpu.dma_semaphore, #tpu.memory_space<semaphore_mem>>
      %dma_start3A_52 = arith.constant 0 : i32
      %dma_start3A_53 = tpu.memref_slice %arg6[%arg0, %mul3A_46, %dma_start3A_52] : memref<2x10000x128xf32, #tpu.memory_space<hbm>> -> memref<1x624x128xf32, #tpu.memory_space<hbm>>
      %dma_start3A_54 = tpu.memref_squeeze %dma_start3A_53 : memref<1x624x128xf32, #tpu.memory_space<hbm>> -> memref<624x128xf32, #tpu.memory_space<hbm>>
      %dma_start3A_55 = arith.constant 0 : i32
      %dma_start3A_56 = tpu.memref_slice %arg10[%mul3A_44, %dma_start3A_55] : memref<10008x128xf32, #tpu.memory_space<vmem_shared>> -> memref<624x128xf32, #tpu.memory_space<vmem_shared>>
      tpu.enqueue_dma source(%dma_start3A_56 : memref<624x128xf32, #tpu.memory_space<vmem_shared>>) target(%dma_start3A_54 : memref<624x128xf32, #tpu.memory_space<hbm>>) target_semaphore(%run_scoped3A : memref<!tpu.dma_semaphore, #tpu.memory_space<semaphore_mem>>)
      %dma_wait3A_57 = arith.constant 0 : i32
      %dma_wait3A_58 = tpu.memref_slice %arg6[%arg0, %mul3A_46, %dma_wait3A_57] : memref<2x10000x128xf32, #tpu.memory_space<hbm>> -> memref<1x624x128xf32, #tpu.memory_space<hbm>>
      %dma_wait3A_59 = tpu.memref_squeeze %dma_wait3A_58 : memref<1x624x128xf32, #tpu.memory_space<hbm>> -> memref<624x128xf32, #tpu.memory_space<hbm>>
      %dma_wait3A_60 = arith.constant 0 : i32
      %dma_wait3A_61 = tpu.memref_slice %arg10[%mul3A_44, %dma_wait3A_60] : memref<10008x128xf32, #tpu.memory_space<vmem_shared>> -> memref<624x128xf32, #tpu.memory_space<vmem_shared>>
      tpu.wait_dma2 semaphore(%run_scoped3A : memref<!tpu.dma_semaphore, #tpu.memory_space<semaphore_mem>>) src(%dma_wait3A_61 : memref<624x128xf32, #tpu.memory_space<vmem_shared>>) dst(%dma_wait3A_59 : memref<624x128xf32, #tpu.memory_space<hbm>>)
      tpu.yield
    }) : () -> ()
    %eq3A_47 = arith.constant 15 : i32
    %eq3A_48 = arith.cmpi eq, %arg1, %eq3A_47 : i32
    %convert_element_type3A_49 = arith.extui %eq3A_48 : i1 to i32
    %cond3A_50 = arith.constant 0 : i32
    %cond3A_51 = arith.cmpi ne, %convert_element_type3A_49, %cond3A_50 : i32
    scf.if %cond3A_51 {
      "tpu.region"() ({
        %run_scoped3A = tpu.sem_alloc : memref<!tpu.dma_semaphore, #tpu.memory_space<semaphore_mem>>
        %dma_start3A_52 = arith.constant 9984 : i32
        %dma_start3A_53 = arith.constant 0 : i32
        %dma_start3A_54 = tpu.memref_slice %arg6[%arg0, %dma_start3A_52, %dma_start3A_53] : memref<2x10000x128xf32, #tpu.memory_space<hbm>> -> memref<1x16x128xf32, #tpu.memory_space<hbm>>
        %dma_start3A_55 = tpu.memref_squeeze %dma_start3A_54 : memref<1x16x128xf32, #tpu.memory_space<hbm>> -> memref<16x128xf32, #tpu.memory_space<hbm>>
        %dma_start3A_56 = arith.constant 9984 : i32
        %dma_start3A_57 = arith.constant 0 : i32
        %dma_start3A_58 = tpu.memref_slice %arg10[%dma_start3A_56, %dma_start3A_57] : memref<10008x128xf32, #tpu.memory_space<vmem_shared>> -> memref<16x128xf32, #tpu.memory_space<vmem_shared>>
        tpu.enqueue_dma source(%dma_start3A_58 : memref<16x128xf32, #tpu.memory_space<vmem_shared>>) target(%dma_start3A_55 : memref<16x128xf32, #tpu.memory_space<hbm>>) target_semaphore(%run_scoped3A : memref<!tpu.dma_semaphore, #tpu.memory_space<semaphore_mem>>)
        %dma_wait3A_59 = arith.constant 9984 : i32
        %dma_wait3A_60 = arith.constant 0 : i32
        %dma_wait3A_61 = tpu.memref_slice %arg6[%arg0, %dma_wait3A_59, %dma_wait3A_60] : memref<2x10000x128xf32, #tpu.memory_space<hbm>> -> memref<1x16x128xf32, #tpu.memory_space<hbm>>
        %dma_wait3A_62 = tpu.memref_squeeze %dma_wait3A_61 : memref<1x16x128xf32, #tpu.memory_space<hbm>> -> memref<16x128xf32, #tpu.memory_space<hbm>>
        %dma_wait3A_63 = arith.constant 9984 : i32
        %dma_wait3A_64 = arith.constant 0 : i32
        %dma_wait3A_65 = tpu.memref_slice %arg10[%dma_wait3A_63, %dma_wait3A_64] : memref<10008x128xf32, #tpu.memory_space<vmem_shared>> -> memref<16x128xf32, #tpu.memory_space<vmem_shared>>
        tpu.wait_dma2 semaphore(%run_scoped3A : memref<!tpu.dma_semaphore, #tpu.memory_space<semaphore_mem>>) src(%dma_wait3A_65 : memref<16x128xf32, #tpu.memory_space<vmem_shared>>) dst(%dma_wait3A_62 : memref<16x128xf32, #tpu.memory_space<hbm>>)
        tpu.yield
      }) : () -> ()
    } else {
    }
    return
  }
}

#map = affine_map<(d0, d1) -> (0, 0)>
#map1 = affine_map<(d0, d1) -> (0, 0, 0)>
module attributes {stable_mosaic.version = 14 : i64} {
  func.func @_prop_kernel(%arg0: i32, %arg1: i32, %arg2: memref<10008x128xf32, #tpu.memory_space<hbm>>, %arg3: memref<32x125x80xi32, #tpu.memory_space<hbm>>, %arg4: memref<32x125x80xi32, #tpu.memory_space<hbm>>, %arg5: memref<10008x128xf32, #tpu.memory_space<hbm>>, %arg6: memref<2x10000x128xf32, #tpu.memory_space<hbm>>, %arg7: memref<125x80xi32, #tpu.memory_space<vmem>>, %arg8: memref<125x80xi32, #tpu.memory_space<vmem>>, %arg9: memref<80x128xf32, #tpu.memory_space<vmem>>, %arg10: memref<10008x128xf32, #tpu.memory_space<vmem_shared>>, %arg11: memref<!tpu.dma_semaphore, #tpu.memory_space<semaphore_mem>>, %arg12: memref<!tpu.dma_semaphore, #tpu.memory_space<semaphore_mem>>, %arg13: memref<!tpu.dma_semaphore, #tpu.memory_space<semaphore_mem>>) attributes {dimension_semantics = [#tpu.dimension_semantics<core_parallel>, #tpu.dimension_semantics<subcore_parallel>], iteration_bounds = array<i64: 2, 16>, scalar_prefetch = 0 : i64, scratch_operands = 7 : i64, tpu.core_type = #tpu.core_type<sc_vector_subcore>, window_params = [{transform_indices = #map}, {transform_indices = #map1}, {transform_indices = #map1}, {transform_indices = #map}, {transform_indices = #map1}]} {
    %mul3A = arith.constant 2 : i32
    %mul3A_0 = arith.muli %arg1, %mul3A : i32
    %add3A = arith.addi %mul3A_0, %arg0 : i32
    %dma_start3A = arith.constant 0 : i32
    %dma_start3A_1 = arith.constant 0 : i32
    %dma_start3A_2 = tpu.memref_slice %arg3[%add3A, %dma_start3A, %dma_start3A_1] : memref<32x125x80xi32, #tpu.memory_space<hbm>> -> memref<1x125x80xi32, #tpu.memory_space<hbm>>
    %dma_start3A_3 = tpu.memref_squeeze %dma_start3A_2 : memref<1x125x80xi32, #tpu.memory_space<hbm>> -> memref<125x80xi32, #tpu.memory_space<hbm>>
    %dma_start3A_4 = arith.constant 0 : i32
    %dma_start3A_5 = arith.constant 0 : i32
    %dma_start3A_6 = tpu.memref_slice %arg3[%add3A, %dma_start3A_4, %dma_start3A_5] : memref<32x125x80xi32, #tpu.memory_space<hbm>> -> memref<1x125x80xi32, #tpu.memory_space<hbm>>
    %dma_start3A_7 = tpu.memref_squeeze %dma_start3A_6 : memref<1x125x80xi32, #tpu.memory_space<hbm>> -> memref<125x80xi32, #tpu.memory_space<hbm>>
    tpu.enqueue_dma source(%dma_start3A_7 : memref<125x80xi32, #tpu.memory_space<hbm>>) target(%arg7 : memref<125x80xi32, #tpu.memory_space<vmem>>) target_semaphore(%arg11 : memref<!tpu.dma_semaphore, #tpu.memory_space<semaphore_mem>>)
    %dma_start3A_8 = arith.constant 0 : i32
    %dma_start3A_9 = arith.constant 0 : i32
    %dma_start3A_10 = tpu.memref_slice %arg4[%add3A, %dma_start3A_8, %dma_start3A_9] : memref<32x125x80xi32, #tpu.memory_space<hbm>> -> memref<1x125x80xi32, #tpu.memory_space<hbm>>
    %dma_start3A_11 = tpu.memref_squeeze %dma_start3A_10 : memref<1x125x80xi32, #tpu.memory_space<hbm>> -> memref<125x80xi32, #tpu.memory_space<hbm>>
    %dma_start3A_12 = arith.constant 0 : i32
    %dma_start3A_13 = arith.constant 0 : i32
    %dma_start3A_14 = tpu.memref_slice %arg4[%add3A, %dma_start3A_12, %dma_start3A_13] : memref<32x125x80xi32, #tpu.memory_space<hbm>> -> memref<1x125x80xi32, #tpu.memory_space<hbm>>
    %dma_start3A_15 = tpu.memref_squeeze %dma_start3A_14 : memref<1x125x80xi32, #tpu.memory_space<hbm>> -> memref<125x80xi32, #tpu.memory_space<hbm>>
    tpu.enqueue_dma source(%dma_start3A_15 : memref<125x80xi32, #tpu.memory_space<hbm>>) target(%arg8 : memref<125x80xi32, #tpu.memory_space<vmem>>) target_semaphore(%arg12 : memref<!tpu.dma_semaphore, #tpu.memory_space<semaphore_mem>>)
    %mul3A_16 = arith.constant 624 : i32
    %mul3A_17 = arith.muli %arg1, %mul3A_16 : i32
    %mul3A_18 = arith.constant 624 : i32
    %mul3A_19 = arith.muli %arg1, %mul3A_18 : i32
    "tpu.region"() ({
      %run_scoped3A = tpu.sem_alloc : memref<!tpu.dma_semaphore, #tpu.memory_space<semaphore_mem>>
      %dma_start3A_52 = arith.constant 0 : i32
      %dma_start3A_53 = tpu.memref_slice %arg10[%mul3A_19, %dma_start3A_52] : memref<10008x128xf32, #tpu.memory_space<vmem_shared>> -> memref<624x128xf32, #tpu.memory_space<vmem_shared>>
      %dma_start3A_54 = arith.constant 0 : i32
      %dma_start3A_55 = tpu.memref_slice %arg5[%mul3A_17, %dma_start3A_54] : memref<10008x128xf32, #tpu.memory_space<hbm>> -> memref<624x128xf32, #tpu.memory_space<hbm>>
      tpu.enqueue_dma source(%dma_start3A_55 : memref<624x128xf32, #tpu.memory_space<hbm>>) target(%dma_start3A_53 : memref<624x128xf32, #tpu.memory_space<vmem_shared>>) target_semaphore(%run_scoped3A : memref<!tpu.dma_semaphore, #tpu.memory_space<semaphore_mem>>)
      %dma_wait3A_56 = arith.constant 0 : i32
      %dma_wait3A_57 = tpu.memref_slice %arg10[%mul3A_19, %dma_wait3A_56] : memref<10008x128xf32, #tpu.memory_space<vmem_shared>> -> memref<624x128xf32, #tpu.memory_space<vmem_shared>>
      %dma_wait3A_58 = arith.constant 0 : i32
      %dma_wait3A_59 = tpu.memref_slice %arg5[%mul3A_17, %dma_wait3A_58] : memref<10008x128xf32, #tpu.memory_space<hbm>> -> memref<624x128xf32, #tpu.memory_space<hbm>>
      tpu.wait_dma2 semaphore(%run_scoped3A : memref<!tpu.dma_semaphore, #tpu.memory_space<semaphore_mem>>) src(%dma_wait3A_59 : memref<624x128xf32, #tpu.memory_space<hbm>>) dst(%dma_wait3A_57 : memref<624x128xf32, #tpu.memory_space<vmem_shared>>)
      tpu.yield
    }) : () -> ()
    %eq3A = arith.constant 15 : i32
    %eq3A_20 = arith.cmpi eq, %arg1, %eq3A : i32
    %convert_element_type3A = arith.extui %eq3A_20 : i1 to i32
    %cond3A = arith.constant 0 : i32
    %cond3A_21 = arith.cmpi ne, %convert_element_type3A, %cond3A : i32
    scf.if %cond3A_21 {
      "tpu.region"() ({
        %run_scoped3A = tpu.sem_alloc : memref<!tpu.dma_semaphore, #tpu.memory_space<semaphore_mem>>
        %dma_start3A_52 = arith.constant 9984 : i32
        %dma_start3A_53 = arith.constant 0 : i32
        %dma_start3A_54 = tpu.memref_slice %arg10[%dma_start3A_52, %dma_start3A_53] : memref<10008x128xf32, #tpu.memory_space<vmem_shared>> -> memref<24x128xf32, #tpu.memory_space<vmem_shared>>
        %dma_start3A_55 = arith.constant 9984 : i32
        %dma_start3A_56 = arith.constant 0 : i32
        %dma_start3A_57 = tpu.memref_slice %arg5[%dma_start3A_55, %dma_start3A_56] : memref<10008x128xf32, #tpu.memory_space<hbm>> -> memref<24x128xf32, #tpu.memory_space<hbm>>
        tpu.enqueue_dma source(%dma_start3A_57 : memref<24x128xf32, #tpu.memory_space<hbm>>) target(%dma_start3A_54 : memref<24x128xf32, #tpu.memory_space<vmem_shared>>) target_semaphore(%run_scoped3A : memref<!tpu.dma_semaphore, #tpu.memory_space<semaphore_mem>>)
        %dma_wait3A_58 = arith.constant 9984 : i32
        %dma_wait3A_59 = arith.constant 0 : i32
        %dma_wait3A_60 = tpu.memref_slice %arg10[%dma_wait3A_58, %dma_wait3A_59] : memref<10008x128xf32, #tpu.memory_space<vmem_shared>> -> memref<24x128xf32, #tpu.memory_space<vmem_shared>>
        %dma_wait3A_61 = arith.constant 9984 : i32
        %dma_wait3A_62 = arith.constant 0 : i32
        %dma_wait3A_63 = tpu.memref_slice %arg5[%dma_wait3A_61, %dma_wait3A_62] : memref<10008x128xf32, #tpu.memory_space<hbm>> -> memref<24x128xf32, #tpu.memory_space<hbm>>
        tpu.wait_dma2 semaphore(%run_scoped3A : memref<!tpu.dma_semaphore, #tpu.memory_space<semaphore_mem>>) src(%dma_wait3A_63 : memref<24x128xf32, #tpu.memory_space<hbm>>) dst(%dma_wait3A_60 : memref<24x128xf32, #tpu.memory_space<vmem_shared>>)
        tpu.yield
      }) : () -> ()
    } else {
    }
    %dma_wait3A = arith.constant 0 : i32
    %dma_wait3A_22 = arith.constant 0 : i32
    %dma_wait3A_23 = tpu.memref_slice %arg3[%add3A, %dma_wait3A, %dma_wait3A_22] : memref<32x125x80xi32, #tpu.memory_space<hbm>> -> memref<1x125x80xi32, #tpu.memory_space<hbm>>
    %dma_wait3A_24 = tpu.memref_squeeze %dma_wait3A_23 : memref<1x125x80xi32, #tpu.memory_space<hbm>> -> memref<125x80xi32, #tpu.memory_space<hbm>>
    %dma_wait3A_25 = arith.constant 0 : i32
    %dma_wait3A_26 = arith.constant 0 : i32
    %dma_wait3A_27 = tpu.memref_slice %arg3[%add3A, %dma_wait3A_25, %dma_wait3A_26] : memref<32x125x80xi32, #tpu.memory_space<hbm>> -> memref<1x125x80xi32, #tpu.memory_space<hbm>>
    %dma_wait3A_28 = tpu.memref_squeeze %dma_wait3A_27 : memref<1x125x80xi32, #tpu.memory_space<hbm>> -> memref<125x80xi32, #tpu.memory_space<hbm>>
    tpu.wait_dma2 semaphore(%arg11 : memref<!tpu.dma_semaphore, #tpu.memory_space<semaphore_mem>>) src(%dma_wait3A_28 : memref<125x80xi32, #tpu.memory_space<hbm>>) dst(%arg7 : memref<125x80xi32, #tpu.memory_space<vmem>>)
    %dma_wait3A_29 = arith.constant 0 : i32
    %dma_wait3A_30 = arith.constant 0 : i32
    %dma_wait3A_31 = tpu.memref_slice %arg4[%add3A, %dma_wait3A_29, %dma_wait3A_30] : memref<32x125x80xi32, #tpu.memory_space<hbm>> -> memref<1x125x80xi32, #tpu.memory_space<hbm>>
    %dma_wait3A_32 = tpu.memref_squeeze %dma_wait3A_31 : memref<1x125x80xi32, #tpu.memory_space<hbm>> -> memref<125x80xi32, #tpu.memory_space<hbm>>
    %dma_wait3A_33 = arith.constant 0 : i32
    %dma_wait3A_34 = arith.constant 0 : i32
    %dma_wait3A_35 = tpu.memref_slice %arg4[%add3A, %dma_wait3A_33, %dma_wait3A_34] : memref<32x125x80xi32, #tpu.memory_space<hbm>> -> memref<1x125x80xi32, #tpu.memory_space<hbm>>
    %dma_wait3A_36 = tpu.memref_squeeze %dma_wait3A_35 : memref<1x125x80xi32, #tpu.memory_space<hbm>> -> memref<125x80xi32, #tpu.memory_space<hbm>>
    tpu.wait_dma2 semaphore(%arg12 : memref<!tpu.dma_semaphore, #tpu.memory_space<semaphore_mem>>) src(%dma_wait3A_36 : memref<125x80xi32, #tpu.memory_space<hbm>>) dst(%arg8 : memref<125x80xi32, #tpu.memory_space<vmem>>)
    %barrier3A = arith.constant 0 : index
    tpu.barrier barrier_id(%barrier3A)
    %scan3A = arith.constant 0 : i32
    %scan3A_37 = arith.constant 0 : i32
    %scan3A_38 = arith.constant 125 : i32
    %scan3A_39 = arith.addi %scan3A_37, %scan3A_38 : i32
    %scan3A_40 = arith.constant 1 : i32
    scf.for %scan3A_52 = %scan3A_37 to %scan3A_39 step %scan3A_40  : i32 {
      %dma_start3A_53 = arith.constant 0 : i32
      %dma_start3A_54 = tpu.memref_slice %arg7[%scan3A_52, %dma_start3A_53] : memref<125x80xi32, #tpu.memory_space<vmem>> -> memref<1x80xi32, #tpu.memory_space<vmem>>
      %dma_start3A_55 = tpu.memref_squeeze %dma_start3A_54 : memref<1x80xi32, #tpu.memory_space<vmem>> -> memref<80xi32, #tpu.memory_space<vmem>>
      %dma_start3A_56 = arith.constant 0 : i32
      %dma_start3A_57 = arith.constant 0 : i32
      %dma_start3A_58 = tpu.memref_slice %arg2[%dma_start3A_56, %dma_start3A_57] : memref<10008x128xf32, #tpu.memory_space<hbm>> -> memref<10008x128xf32, #tpu.memory_space<hbm>>
      tpu.enqueue_indirect_dma source(%dma_start3A_58 : memref<10008x128xf32, #tpu.memory_space<hbm>>) target(%arg9 : memref<80x128xf32, #tpu.memory_space<vmem>>) offsets(%dma_start3A_55 : memref<80xi32, #tpu.memory_space<vmem>>) semaphore(%arg13 : memref<!tpu.dma_semaphore, #tpu.memory_space<semaphore_mem>>)
      %dma_wait3A_59 = arith.constant 0 : i32
      %dma_wait3A_60 = tpu.memref_slice %arg7[%scan3A_52, %dma_wait3A_59] : memref<125x80xi32, #tpu.memory_space<vmem>> -> memref<1x80xi32, #tpu.memory_space<vmem>>
      %dma_wait3A_61 = tpu.memref_squeeze %dma_wait3A_60 : memref<1x80xi32, #tpu.memory_space<vmem>> -> memref<80xi32, #tpu.memory_space<vmem>>
      %dma_wait3A_62 = arith.constant 0 : i32
      %dma_wait3A_63 = arith.constant 0 : i32
      %dma_wait3A_64 = tpu.memref_slice %arg2[%dma_wait3A_62, %dma_wait3A_63] : memref<10008x128xf32, #tpu.memory_space<hbm>> -> memref<10008x128xf32, #tpu.memory_space<hbm>>
      tpu.wait_indirect_dma semaphore(%arg13 : memref<!tpu.dma_semaphore, #tpu.memory_space<semaphore_mem>>) src(%dma_wait3A_64 : memref<10008x128xf32, #tpu.memory_space<hbm>>) dst(%arg9 : memref<80x128xf32, #tpu.memory_space<vmem>>)
      "tpu.region"() ({
        %run_scoped3A = tpu.sem_alloc : memref<!tpu.dma_semaphore, #tpu.memory_space<semaphore_mem>>
        %dma_start3A_65 = arith.constant 0 : i32
        %dma_start3A_66 = tpu.memref_slice %arg8[%scan3A_52, %dma_start3A_65] : memref<125x80xi32, #tpu.memory_space<vmem>> -> memref<1x80xi32, #tpu.memory_space<vmem>>
        %dma_start3A_67 = tpu.memref_squeeze %dma_start3A_66 : memref<1x80xi32, #tpu.memory_space<vmem>> -> memref<80xi32, #tpu.memory_space<vmem>>
        %dma_start3A_68 = arith.constant 0 : i32
        %dma_start3A_69 = arith.constant 0 : i32
        %dma_start3A_70 = tpu.memref_slice %arg10[%dma_start3A_68, %dma_start3A_69] : memref<10008x128xf32, #tpu.memory_space<vmem_shared>> -> memref<10008x128xf32, #tpu.memory_space<vmem_shared>>
        tpu.enqueue_indirect_dma source(%arg9 : memref<80x128xf32, #tpu.memory_space<vmem>>) target(%dma_start3A_70 : memref<10008x128xf32, #tpu.memory_space<vmem_shared>>) offsets(%dma_start3A_67 : memref<80xi32, #tpu.memory_space<vmem>>) semaphore(%run_scoped3A : memref<!tpu.dma_semaphore, #tpu.memory_space<semaphore_mem>>) {add = true}
        %dma_wait3A_71 = arith.constant 0 : i32
        %dma_wait3A_72 = tpu.memref_slice %arg8[%scan3A_52, %dma_wait3A_71] : memref<125x80xi32, #tpu.memory_space<vmem>> -> memref<1x80xi32, #tpu.memory_space<vmem>>
        %dma_wait3A_73 = tpu.memref_squeeze %dma_wait3A_72 : memref<1x80xi32, #tpu.memory_space<vmem>> -> memref<80xi32, #tpu.memory_space<vmem>>
        %dma_wait3A_74 = arith.constant 0 : i32
        %dma_wait3A_75 = arith.constant 0 : i32
        %dma_wait3A_76 = tpu.memref_slice %arg10[%dma_wait3A_74, %dma_wait3A_75] : memref<10008x128xf32, #tpu.memory_space<vmem_shared>> -> memref<10008x128xf32, #tpu.memory_space<vmem_shared>>
        tpu.wait_indirect_dma semaphore(%run_scoped3A : memref<!tpu.dma_semaphore, #tpu.memory_space<semaphore_mem>>) src(%arg9 : memref<80x128xf32, #tpu.memory_space<vmem>>) dst(%dma_wait3A_76 : memref<10008x128xf32, #tpu.memory_space<vmem_shared>>)
        tpu.yield
      }) : () -> ()
    }
    %scan3A_41 = arith.constant 125 : i32
    %barrier3A_42 = arith.constant 0 : index
    tpu.barrier barrier_id(%barrier3A_42)
    %mul3A_43 = arith.constant 624 : i32
    %mul3A_44 = arith.muli %arg1, %mul3A_43 : i32
    %mul3A_45 = arith.constant 624 : i32
    %mul3A_46 = arith.muli %arg1, %mul3A_45 : i32
    "tpu.region"() ({
      %run_scoped3A = tpu.sem_alloc : memref<!tpu.dma_semaphore, #tpu.memory_space<semaphore_mem>>
      %dma_start3A_52 = arith.constant 0 : i32
      %dma_start3A_53 = tpu.memref_slice %arg6[%arg0, %mul3A_46, %dma_start3A_52] : memref<2x10000x128xf32, #tpu.memory_space<hbm>> -> memref<1x624x128xf32, #tpu.memory_space<hbm>>
      %dma_start3A_54 = tpu.memref_squeeze %dma_start3A_53 : memref<1x624x128xf32, #tpu.memory_space<hbm>> -> memref<624x128xf32, #tpu.memory_space<hbm>>
      %dma_start3A_55 = arith.constant 0 : i32
      %dma_start3A_56 = tpu.memref_slice %arg10[%mul3A_44, %dma_start3A_55] : memref<10008x128xf32, #tpu.memory_space<vmem_shared>> -> memref<624x128xf32, #tpu.memory_space<vmem_shared>>
      tpu.enqueue_dma source(%dma_start3A_56 : memref<624x128xf32, #tpu.memory_space<vmem_shared>>) target(%dma_start3A_54 : memref<624x128xf32, #tpu.memory_space<hbm>>) target_semaphore(%run_scoped3A : memref<!tpu.dma_semaphore, #tpu.memory_space<semaphore_mem>>)
      %dma_wait3A_57 = arith.constant 0 : i32
      %dma_wait3A_58 = tpu.memref_slice %arg6[%arg0, %mul3A_46, %dma_wait3A_57] : memref<2x10000x128xf32, #tpu.memory_space<hbm>> -> memref<1x624x128xf32, #tpu.memory_space<hbm>>
      %dma_wait3A_59 = tpu.memref_squeeze %dma_wait3A_58 : memref<1x624x128xf32, #tpu.memory_space<hbm>> -> memref<624x128xf32, #tpu.memory_space<hbm>>
      %dma_wait3A_60 = arith.constant 0 : i32
      %dma_wait3A_61 = tpu.memref_slice %arg10[%mul3A_44, %dma_wait3A_60] : memref<10008x128xf32, #tpu.memory_space<vmem_shared>> -> memref<624x128xf32, #tpu.memory_space<vmem_shared>>
      tpu.wait_dma2 semaphore(%run_scoped3A : memref<!tpu.dma_semaphore, #tpu.memory_space<semaphore_mem>>) src(%dma_wait3A_61 : memref<624x128xf32, #tpu.memory_space<vmem_shared>>) dst(%dma_wait3A_59 : memref<624x128xf32, #tpu.memory_space<hbm>>)
      tpu.yield
    }) : () -> ()
    %eq3A_47 = arith.constant 15 : i32
    %eq3A_48 = arith.cmpi eq, %arg1, %eq3A_47 : i32
    %convert_element_type3A_49 = arith.extui %eq3A_48 : i1 to i32
    %cond3A_50 = arith.constant 0 : i32
    %cond3A_51 = arith.cmpi ne, %convert_element_type3A_49, %cond3A_50 : i32
    scf.if %cond3A_51 {
      "tpu.region"() ({
        %run_scoped3A = tpu.sem_alloc : memref<!tpu.dma_semaphore, #tpu.memory_space<semaphore_mem>>
        %dma_start3A_52 = arith.constant 9984 : i32
        %dma_start3A_53 = arith.constant 0 : i32
        %dma_start3A_54 = tpu.memref_slice %arg6[%arg0, %dma_start3A_52, %dma_start3A_53] : memref<2x10000x128xf32, #tpu.memory_space<hbm>> -> memref<1x16x128xf32, #tpu.memory_space<hbm>>
        %dma_start3A_55 = tpu.memref_squeeze %dma_start3A_54 : memref<1x16x128xf32, #tpu.memory_space<hbm>> -> memref<16x128xf32, #tpu.memory_space<hbm>>
        %dma_start3A_56 = arith.constant 9984 : i32
        %dma_start3A_57 = arith.constant 0 : i32
        %dma_start3A_58 = tpu.memref_slice %arg10[%dma_start3A_56, %dma_start3A_57] : memref<10008x128xf32, #tpu.memory_space<vmem_shared>> -> memref<16x128xf32, #tpu.memory_space<vmem_shared>>
        tpu.enqueue_dma source(%dma_start3A_58 : memref<16x128xf32, #tpu.memory_space<vmem_shared>>) target(%dma_start3A_55 : memref<16x128xf32, #tpu.memory_space<hbm>>) target_semaphore(%run_scoped3A : memref<!tpu.dma_semaphore, #tpu.memory_space<semaphore_mem>>)
        %dma_wait3A_59 = arith.constant 9984 : i32
        %dma_wait3A_60 = arith.constant 0 : i32
        %dma_wait3A_61 = tpu.memref_slice %arg6[%arg0, %dma_wait3A_59, %dma_wait3A_60] : memref<2x10000x128xf32, #tpu.memory_space<hbm>> -> memref<1x16x128xf32, #tpu.memory_space<hbm>>
        %dma_wait3A_62 = tpu.memref_squeeze %dma_wait3A_61 : memref<1x16x128xf32, #tpu.memory_space<hbm>> -> memref<16x128xf32, #tpu.memory_space<hbm>>
        %dma_wait3A_63 = arith.constant 9984 : i32
        %dma_wait3A_64 = arith.constant 0 : i32
        %dma_wait3A_65 = tpu.memref_slice %arg10[%dma_wait3A_63, %dma_wait3A_64] : memref<10008x128xf32, #tpu.memory_space<vmem_shared>> -> memref<16x128xf32, #tpu.memory_space<vmem_shared>>
        tpu.wait_dma2 semaphore(%run_scoped3A : memref<!tpu.dma_semaphore, #tpu.memory_space<semaphore_mem>>) src(%dma_wait3A_65 : memref<16x128xf32, #tpu.memory_space<vmem_shared>>) dst(%dma_wait3A_62 : memref<16x128xf32, #tpu.memory_space<hbm>>)
        tpu.yield
      }) : () -> ()
    } else {
    }
    return
  }
}

#map = affine_map<(d0, d1) -> (0, 0)>
#map1 = affine_map<(d0, d1) -> (0, 0, 0)>
module attributes {stable_mosaic.version = 14 : i64} {
  func.func @_prop_kernel(%arg0: i32, %arg1: i32, %arg2: memref<10008x128xf32, #tpu.memory_space<hbm>>, %arg3: memref<32x125x80xi32, #tpu.memory_space<hbm>>, %arg4: memref<32x125x80xi32, #tpu.memory_space<hbm>>, %arg5: memref<10008x128xf32, #tpu.memory_space<hbm>>, %arg6: memref<2x10000x128xf32, #tpu.memory_space<hbm>>, %arg7: memref<125x80xi32, #tpu.memory_space<vmem>>, %arg8: memref<125x80xi32, #tpu.memory_space<vmem>>, %arg9: memref<80x128xf32, #tpu.memory_space<vmem>>, %arg10: memref<10008x128xf32, #tpu.memory_space<vmem_shared>>, %arg11: memref<!tpu.dma_semaphore, #tpu.memory_space<semaphore_mem>>, %arg12: memref<!tpu.dma_semaphore, #tpu.memory_space<semaphore_mem>>, %arg13: memref<!tpu.dma_semaphore, #tpu.memory_space<semaphore_mem>>) attributes {dimension_semantics = [#tpu.dimension_semantics<core_parallel>, #tpu.dimension_semantics<subcore_parallel>], iteration_bounds = array<i64: 2, 16>, scalar_prefetch = 0 : i64, scratch_operands = 7 : i64, tpu.core_type = #tpu.core_type<sc_vector_subcore>, window_params = [{transform_indices = #map}, {transform_indices = #map1}, {transform_indices = #map1}, {transform_indices = #map}, {transform_indices = #map1}]} {
    %mul3A = arith.constant 2 : i32
    %mul3A_0 = arith.muli %arg1, %mul3A : i32
    %add3A = arith.addi %mul3A_0, %arg0 : i32
    %dma_start3A = arith.constant 0 : i32
    %dma_start3A_1 = arith.constant 0 : i32
    %dma_start3A_2 = tpu.memref_slice %arg3[%add3A, %dma_start3A, %dma_start3A_1] : memref<32x125x80xi32, #tpu.memory_space<hbm>> -> memref<1x125x80xi32, #tpu.memory_space<hbm>>
    %dma_start3A_3 = tpu.memref_squeeze %dma_start3A_2 : memref<1x125x80xi32, #tpu.memory_space<hbm>> -> memref<125x80xi32, #tpu.memory_space<hbm>>
    %dma_start3A_4 = arith.constant 0 : i32
    %dma_start3A_5 = arith.constant 0 : i32
    %dma_start3A_6 = tpu.memref_slice %arg3[%add3A, %dma_start3A_4, %dma_start3A_5] : memref<32x125x80xi32, #tpu.memory_space<hbm>> -> memref<1x125x80xi32, #tpu.memory_space<hbm>>
    %dma_start3A_7 = tpu.memref_squeeze %dma_start3A_6 : memref<1x125x80xi32, #tpu.memory_space<hbm>> -> memref<125x80xi32, #tpu.memory_space<hbm>>
    tpu.enqueue_dma source(%dma_start3A_7 : memref<125x80xi32, #tpu.memory_space<hbm>>) target(%arg7 : memref<125x80xi32, #tpu.memory_space<vmem>>) target_semaphore(%arg11 : memref<!tpu.dma_semaphore, #tpu.memory_space<semaphore_mem>>)
    %dma_start3A_8 = arith.constant 0 : i32
    %dma_start3A_9 = arith.constant 0 : i32
    %dma_start3A_10 = tpu.memref_slice %arg4[%add3A, %dma_start3A_8, %dma_start3A_9] : memref<32x125x80xi32, #tpu.memory_space<hbm>> -> memref<1x125x80xi32, #tpu.memory_space<hbm>>
    %dma_start3A_11 = tpu.memref_squeeze %dma_start3A_10 : memref<1x125x80xi32, #tpu.memory_space<hbm>> -> memref<125x80xi32, #tpu.memory_space<hbm>>
    %dma_start3A_12 = arith.constant 0 : i32
    %dma_start3A_13 = arith.constant 0 : i32
    %dma_start3A_14 = tpu.memref_slice %arg4[%add3A, %dma_start3A_12, %dma_start3A_13] : memref<32x125x80xi32, #tpu.memory_space<hbm>> -> memref<1x125x80xi32, #tpu.memory_space<hbm>>
    %dma_start3A_15 = tpu.memref_squeeze %dma_start3A_14 : memref<1x125x80xi32, #tpu.memory_space<hbm>> -> memref<125x80xi32, #tpu.memory_space<hbm>>
    tpu.enqueue_dma source(%dma_start3A_15 : memref<125x80xi32, #tpu.memory_space<hbm>>) target(%arg8 : memref<125x80xi32, #tpu.memory_space<vmem>>) target_semaphore(%arg12 : memref<!tpu.dma_semaphore, #tpu.memory_space<semaphore_mem>>)
    %mul3A_16 = arith.constant 624 : i32
    %mul3A_17 = arith.muli %arg1, %mul3A_16 : i32
    %mul3A_18 = arith.constant 624 : i32
    %mul3A_19 = arith.muli %arg1, %mul3A_18 : i32
    "tpu.region"() ({
      %run_scoped3A = tpu.sem_alloc : memref<!tpu.dma_semaphore, #tpu.memory_space<semaphore_mem>>
      %dma_start3A_52 = arith.constant 0 : i32
      %dma_start3A_53 = tpu.memref_slice %arg10[%mul3A_19, %dma_start3A_52] : memref<10008x128xf32, #tpu.memory_space<vmem_shared>> -> memref<624x128xf32, #tpu.memory_space<vmem_shared>>
      %dma_start3A_54 = arith.constant 0 : i32
      %dma_start3A_55 = tpu.memref_slice %arg5[%mul3A_17, %dma_start3A_54] : memref<10008x128xf32, #tpu.memory_space<hbm>> -> memref<624x128xf32, #tpu.memory_space<hbm>>
      tpu.enqueue_dma source(%dma_start3A_55 : memref<624x128xf32, #tpu.memory_space<hbm>>) target(%dma_start3A_53 : memref<624x128xf32, #tpu.memory_space<vmem_shared>>) target_semaphore(%run_scoped3A : memref<!tpu.dma_semaphore, #tpu.memory_space<semaphore_mem>>)
      %dma_wait3A_56 = arith.constant 0 : i32
      %dma_wait3A_57 = tpu.memref_slice %arg10[%mul3A_19, %dma_wait3A_56] : memref<10008x128xf32, #tpu.memory_space<vmem_shared>> -> memref<624x128xf32, #tpu.memory_space<vmem_shared>>
      %dma_wait3A_58 = arith.constant 0 : i32
      %dma_wait3A_59 = tpu.memref_slice %arg5[%mul3A_17, %dma_wait3A_58] : memref<10008x128xf32, #tpu.memory_space<hbm>> -> memref<624x128xf32, #tpu.memory_space<hbm>>
      tpu.wait_dma2 semaphore(%run_scoped3A : memref<!tpu.dma_semaphore, #tpu.memory_space<semaphore_mem>>) src(%dma_wait3A_59 : memref<624x128xf32, #tpu.memory_space<hbm>>) dst(%dma_wait3A_57 : memref<624x128xf32, #tpu.memory_space<vmem_shared>>)
      tpu.yield
    }) : () -> ()
    %eq3A = arith.constant 15 : i32
    %eq3A_20 = arith.cmpi eq, %arg1, %eq3A : i32
    %convert_element_type3A = arith.extui %eq3A_20 : i1 to i32
    %cond3A = arith.constant 0 : i32
    %cond3A_21 = arith.cmpi ne, %convert_element_type3A, %cond3A : i32
    scf.if %cond3A_21 {
      "tpu.region"() ({
        %run_scoped3A = tpu.sem_alloc : memref<!tpu.dma_semaphore, #tpu.memory_space<semaphore_mem>>
        %dma_start3A_52 = arith.constant 9984 : i32
        %dma_start3A_53 = arith.constant 0 : i32
        %dma_start3A_54 = tpu.memref_slice %arg10[%dma_start3A_52, %dma_start3A_53] : memref<10008x128xf32, #tpu.memory_space<vmem_shared>> -> memref<24x128xf32, #tpu.memory_space<vmem_shared>>
        %dma_start3A_55 = arith.constant 9984 : i32
        %dma_start3A_56 = arith.constant 0 : i32
        %dma_start3A_57 = tpu.memref_slice %arg5[%dma_start3A_55, %dma_start3A_56] : memref<10008x128xf32, #tpu.memory_space<hbm>> -> memref<24x128xf32, #tpu.memory_space<hbm>>
        tpu.enqueue_dma source(%dma_start3A_57 : memref<24x128xf32, #tpu.memory_space<hbm>>) target(%dma_start3A_54 : memref<24x128xf32, #tpu.memory_space<vmem_shared>>) target_semaphore(%run_scoped3A : memref<!tpu.dma_semaphore, #tpu.memory_space<semaphore_mem>>)
        %dma_wait3A_58 = arith.constant 9984 : i32
        %dma_wait3A_59 = arith.constant 0 : i32
        %dma_wait3A_60 = tpu.memref_slice %arg10[%dma_wait3A_58, %dma_wait3A_59] : memref<10008x128xf32, #tpu.memory_space<vmem_shared>> -> memref<24x128xf32, #tpu.memory_space<vmem_shared>>
        %dma_wait3A_61 = arith.constant 9984 : i32
        %dma_wait3A_62 = arith.constant 0 : i32
        %dma_wait3A_63 = tpu.memref_slice %arg5[%dma_wait3A_61, %dma_wait3A_62] : memref<10008x128xf32, #tpu.memory_space<hbm>> -> memref<24x128xf32, #tpu.memory_space<hbm>>
        tpu.wait_dma2 semaphore(%run_scoped3A : memref<!tpu.dma_semaphore, #tpu.memory_space<semaphore_mem>>) src(%dma_wait3A_63 : memref<24x128xf32, #tpu.memory_space<hbm>>) dst(%dma_wait3A_60 : memref<24x128xf32, #tpu.memory_space<vmem_shared>>)
        tpu.yield
      }) : () -> ()
    } else {
    }
    %dma_wait3A = arith.constant 0 : i32
    %dma_wait3A_22 = arith.constant 0 : i32
    %dma_wait3A_23 = tpu.memref_slice %arg3[%add3A, %dma_wait3A, %dma_wait3A_22] : memref<32x125x80xi32, #tpu.memory_space<hbm>> -> memref<1x125x80xi32, #tpu.memory_space<hbm>>
    %dma_wait3A_24 = tpu.memref_squeeze %dma_wait3A_23 : memref<1x125x80xi32, #tpu.memory_space<hbm>> -> memref<125x80xi32, #tpu.memory_space<hbm>>
    %dma_wait3A_25 = arith.constant 0 : i32
    %dma_wait3A_26 = arith.constant 0 : i32
    %dma_wait3A_27 = tpu.memref_slice %arg3[%add3A, %dma_wait3A_25, %dma_wait3A_26] : memref<32x125x80xi32, #tpu.memory_space<hbm>> -> memref<1x125x80xi32, #tpu.memory_space<hbm>>
    %dma_wait3A_28 = tpu.memref_squeeze %dma_wait3A_27 : memref<1x125x80xi32, #tpu.memory_space<hbm>> -> memref<125x80xi32, #tpu.memory_space<hbm>>
    tpu.wait_dma2 semaphore(%arg11 : memref<!tpu.dma_semaphore, #tpu.memory_space<semaphore_mem>>) src(%dma_wait3A_28 : memref<125x80xi32, #tpu.memory_space<hbm>>) dst(%arg7 : memref<125x80xi32, #tpu.memory_space<vmem>>)
    %dma_wait3A_29 = arith.constant 0 : i32
    %dma_wait3A_30 = arith.constant 0 : i32
    %dma_wait3A_31 = tpu.memref_slice %arg4[%add3A, %dma_wait3A_29, %dma_wait3A_30] : memref<32x125x80xi32, #tpu.memory_space<hbm>> -> memref<1x125x80xi32, #tpu.memory_space<hbm>>
    %dma_wait3A_32 = tpu.memref_squeeze %dma_wait3A_31 : memref<1x125x80xi32, #tpu.memory_space<hbm>> -> memref<125x80xi32, #tpu.memory_space<hbm>>
    %dma_wait3A_33 = arith.constant 0 : i32
    %dma_wait3A_34 = arith.constant 0 : i32
    %dma_wait3A_35 = tpu.memref_slice %arg4[%add3A, %dma_wait3A_33, %dma_wait3A_34] : memref<32x125x80xi32, #tpu.memory_space<hbm>> -> memref<1x125x80xi32, #tpu.memory_space<hbm>>
    %dma_wait3A_36 = tpu.memref_squeeze %dma_wait3A_35 : memref<1x125x80xi32, #tpu.memory_space<hbm>> -> memref<125x80xi32, #tpu.memory_space<hbm>>
    tpu.wait_dma2 semaphore(%arg12 : memref<!tpu.dma_semaphore, #tpu.memory_space<semaphore_mem>>) src(%dma_wait3A_36 : memref<125x80xi32, #tpu.memory_space<hbm>>) dst(%arg8 : memref<125x80xi32, #tpu.memory_space<vmem>>)
    %barrier3A = arith.constant 0 : index
    tpu.barrier barrier_id(%barrier3A)
    %scan3A = arith.constant 0 : i32
    %scan3A_37 = arith.constant 0 : i32
    %scan3A_38 = arith.constant 125 : i32
    %scan3A_39 = arith.addi %scan3A_37, %scan3A_38 : i32
    %scan3A_40 = arith.constant 1 : i32
    scf.for %scan3A_52 = %scan3A_37 to %scan3A_39 step %scan3A_40  : i32 {
      %dma_start3A_53 = arith.constant 0 : i32
      %dma_start3A_54 = tpu.memref_slice %arg7[%scan3A_52, %dma_start3A_53] : memref<125x80xi32, #tpu.memory_space<vmem>> -> memref<1x80xi32, #tpu.memory_space<vmem>>
      %dma_start3A_55 = tpu.memref_squeeze %dma_start3A_54 : memref<1x80xi32, #tpu.memory_space<vmem>> -> memref<80xi32, #tpu.memory_space<vmem>>
      %dma_start3A_56 = arith.constant 0 : i32
      %dma_start3A_57 = arith.constant 0 : i32
      %dma_start3A_58 = tpu.memref_slice %arg2[%dma_start3A_56, %dma_start3A_57] : memref<10008x128xf32, #tpu.memory_space<hbm>> -> memref<10008x128xf32, #tpu.memory_space<hbm>>
      tpu.enqueue_indirect_dma source(%dma_start3A_58 : memref<10008x128xf32, #tpu.memory_space<hbm>>) target(%arg9 : memref<80x128xf32, #tpu.memory_space<vmem>>) offsets(%dma_start3A_55 : memref<80xi32, #tpu.memory_space<vmem>>) semaphore(%arg13 : memref<!tpu.dma_semaphore, #tpu.memory_space<semaphore_mem>>)
      %dma_wait3A_59 = arith.constant 0 : i32
      %dma_wait3A_60 = tpu.memref_slice %arg7[%scan3A_52, %dma_wait3A_59] : memref<125x80xi32, #tpu.memory_space<vmem>> -> memref<1x80xi32, #tpu.memory_space<vmem>>
      %dma_wait3A_61 = tpu.memref_squeeze %dma_wait3A_60 : memref<1x80xi32, #tpu.memory_space<vmem>> -> memref<80xi32, #tpu.memory_space<vmem>>
      %dma_wait3A_62 = arith.constant 0 : i32
      %dma_wait3A_63 = arith.constant 0 : i32
      %dma_wait3A_64 = tpu.memref_slice %arg2[%dma_wait3A_62, %dma_wait3A_63] : memref<10008x128xf32, #tpu.memory_space<hbm>> -> memref<10008x128xf32, #tpu.memory_space<hbm>>
      tpu.wait_indirect_dma semaphore(%arg13 : memref<!tpu.dma_semaphore, #tpu.memory_space<semaphore_mem>>) src(%dma_wait3A_64 : memref<10008x128xf32, #tpu.memory_space<hbm>>) dst(%arg9 : memref<80x128xf32, #tpu.memory_space<vmem>>)
      "tpu.region"() ({
        %run_scoped3A = tpu.sem_alloc : memref<!tpu.dma_semaphore, #tpu.memory_space<semaphore_mem>>
        %dma_start3A_65 = arith.constant 0 : i32
        %dma_start3A_66 = tpu.memref_slice %arg8[%scan3A_52, %dma_start3A_65] : memref<125x80xi32, #tpu.memory_space<vmem>> -> memref<1x80xi32, #tpu.memory_space<vmem>>
        %dma_start3A_67 = tpu.memref_squeeze %dma_start3A_66 : memref<1x80xi32, #tpu.memory_space<vmem>> -> memref<80xi32, #tpu.memory_space<vmem>>
        %dma_start3A_68 = arith.constant 0 : i32
        %dma_start3A_69 = arith.constant 0 : i32
        %dma_start3A_70 = tpu.memref_slice %arg10[%dma_start3A_68, %dma_start3A_69] : memref<10008x128xf32, #tpu.memory_space<vmem_shared>> -> memref<10008x128xf32, #tpu.memory_space<vmem_shared>>
        tpu.enqueue_indirect_dma source(%arg9 : memref<80x128xf32, #tpu.memory_space<vmem>>) target(%dma_start3A_70 : memref<10008x128xf32, #tpu.memory_space<vmem_shared>>) offsets(%dma_start3A_67 : memref<80xi32, #tpu.memory_space<vmem>>) semaphore(%run_scoped3A : memref<!tpu.dma_semaphore, #tpu.memory_space<semaphore_mem>>) {add = true}
        %dma_wait3A_71 = arith.constant 0 : i32
        %dma_wait3A_72 = tpu.memref_slice %arg8[%scan3A_52, %dma_wait3A_71] : memref<125x80xi32, #tpu.memory_space<vmem>> -> memref<1x80xi32, #tpu.memory_space<vmem>>
        %dma_wait3A_73 = tpu.memref_squeeze %dma_wait3A_72 : memref<1x80xi32, #tpu.memory_space<vmem>> -> memref<80xi32, #tpu.memory_space<vmem>>
        %dma_wait3A_74 = arith.constant 0 : i32
        %dma_wait3A_75 = arith.constant 0 : i32
        %dma_wait3A_76 = tpu.memref_slice %arg10[%dma_wait3A_74, %dma_wait3A_75] : memref<10008x128xf32, #tpu.memory_space<vmem_shared>> -> memref<10008x128xf32, #tpu.memory_space<vmem_shared>>
        tpu.wait_indirect_dma semaphore(%run_scoped3A : memref<!tpu.dma_semaphore, #tpu.memory_space<semaphore_mem>>) src(%arg9 : memref<80x128xf32, #tpu.memory_space<vmem>>) dst(%dma_wait3A_76 : memref<10008x128xf32, #tpu.memory_space<vmem_shared>>)
        tpu.yield
      }) : () -> ()
    }
    %scan3A_41 = arith.constant 125 : i32
    %barrier3A_42 = arith.constant 0 : index
    tpu.barrier barrier_id(%barrier3A_42)
    %mul3A_43 = arith.constant 624 : i32
    %mul3A_44 = arith.muli %arg1, %mul3A_43 : i32
    %mul3A_45 = arith.constant 624 : i32
    %mul3A_46 = arith.muli %arg1, %mul3A_45 : i32
    "tpu.region"() ({
      %run_scoped3A = tpu.sem_alloc : memref<!tpu.dma_semaphore, #tpu.memory_space<semaphore_mem>>
      %dma_start3A_52 = arith.constant 0 : i32
      %dma_start3A_53 = tpu.memref_slice %arg6[%arg0, %mul3A_46, %dma_start3A_52] : memref<2x10000x128xf32, #tpu.memory_space<hbm>> -> memref<1x624x128xf32, #tpu.memory_space<hbm>>
      %dma_start3A_54 = tpu.memref_squeeze %dma_start3A_53 : memref<1x624x128xf32, #tpu.memory_space<hbm>> -> memref<624x128xf32, #tpu.memory_space<hbm>>
      %dma_start3A_55 = arith.constant 0 : i32
      %dma_start3A_56 = tpu.memref_slice %arg10[%mul3A_44, %dma_start3A_55] : memref<10008x128xf32, #tpu.memory_space<vmem_shared>> -> memref<624x128xf32, #tpu.memory_space<vmem_shared>>
      tpu.enqueue_dma source(%dma_start3A_56 : memref<624x128xf32, #tpu.memory_space<vmem_shared>>) target(%dma_start3A_54 : memref<624x128xf32, #tpu.memory_space<hbm>>) target_semaphore(%run_scoped3A : memref<!tpu.dma_semaphore, #tpu.memory_space<semaphore_mem>>)
      %dma_wait3A_57 = arith.constant 0 : i32
      %dma_wait3A_58 = tpu.memref_slice %arg6[%arg0, %mul3A_46, %dma_wait3A_57] : memref<2x10000x128xf32, #tpu.memory_space<hbm>> -> memref<1x624x128xf32, #tpu.memory_space<hbm>>
      %dma_wait3A_59 = tpu.memref_squeeze %dma_wait3A_58 : memref<1x624x128xf32, #tpu.memory_space<hbm>> -> memref<624x128xf32, #tpu.memory_space<hbm>>
      %dma_wait3A_60 = arith.constant 0 : i32
      %dma_wait3A_61 = tpu.memref_slice %arg10[%mul3A_44, %dma_wait3A_60] : memref<10008x128xf32, #tpu.memory_space<vmem_shared>> -> memref<624x128xf32, #tpu.memory_space<vmem_shared>>
      tpu.wait_dma2 semaphore(%run_scoped3A : memref<!tpu.dma_semaphore, #tpu.memory_space<semaphore_mem>>) src(%dma_wait3A_61 : memref<624x128xf32, #tpu.memory_space<vmem_shared>>) dst(%dma_wait3A_59 : memref<624x128xf32, #tpu.memory_space<hbm>>)
      tpu.yield
    }) : () -> ()
    %eq3A_47 = arith.constant 15 : i32
    %eq3A_48 = arith.cmpi eq, %arg1, %eq3A_47 : i32
    %convert_element_type3A_49 = arith.extui %eq3A_48 : i1 to i32
    %cond3A_50 = arith.constant 0 : i32
    %cond3A_51 = arith.cmpi ne, %convert_element_type3A_49, %cond3A_50 : i32
    scf.if %cond3A_51 {
      "tpu.region"() ({
        %run_scoped3A = tpu.sem_alloc : memref<!tpu.dma_semaphore, #tpu.memory_space<semaphore_mem>>
        %dma_start3A_52 = arith.constant 9984 : i32
        %dma_start3A_53 = arith.constant 0 : i32
        %dma_start3A_54 = tpu.memref_slice %arg6[%arg0, %dma_start3A_52, %dma_start3A_53] : memref<2x10000x128xf32, #tpu.memory_space<hbm>> -> memref<1x16x128xf32, #tpu.memory_space<hbm>>
        %dma_start3A_55 = tpu.memref_squeeze %dma_start3A_54 : memref<1x16x128xf32, #tpu.memory_space<hbm>> -> memref<16x128xf32, #tpu.memory_space<hbm>>
        %dma_start3A_56 = arith.constant 9984 : i32
        %dma_start3A_57 = arith.constant 0 : i32
        %dma_start3A_58 = tpu.memref_slice %arg10[%dma_start3A_56, %dma_start3A_57] : memref<10008x128xf32, #tpu.memory_space<vmem_shared>> -> memref<16x128xf32, #tpu.memory_space<vmem_shared>>
        tpu.enqueue_dma source(%dma_start3A_58 : memref<16x128xf32, #tpu.memory_space<vmem_shared>>) target(%dma_start3A_55 : memref<16x128xf32, #tpu.memory_space<hbm>>) target_semaphore(%run_scoped3A : memref<!tpu.dma_semaphore, #tpu.memory_space<semaphore_mem>>)
        %dma_wait3A_59 = arith.constant 9984 : i32
        %dma_wait3A_60 = arith.constant 0 : i32
        %dma_wait3A_61 = tpu.memref_slice %arg6[%arg0, %dma_wait3A_59, %dma_wait3A_60] : memref<2x10000x128xf32, #tpu.memory_space<hbm>> -> memref<1x16x128xf32, #tpu.memory_space<hbm>>
        %dma_wait3A_62 = tpu.memref_squeeze %dma_wait3A_61 : memref<1x16x128xf32, #tpu.memory_space<hbm>> -> memref<16x128xf32, #tpu.memory_space<hbm>>
        %dma_wait3A_63 = arith.constant 9984 : i32
        %dma_wait3A_64 = arith.constant 0 : i32
        %dma_wait3A_65 = tpu.memref_slice %arg10[%dma_wait3A_63, %dma_wait3A_64] : memref<10008x128xf32, #tpu.memory_space<vmem_shared>> -> memref<16x128xf32, #tpu.memory_space<vmem_shared>>
        tpu.wait_dma2 semaphore(%run_scoped3A : memref<!tpu.dma_semaphore, #tpu.memory_space<semaphore_mem>>) src(%dma_wait3A_65 : memref<16x128xf32, #tpu.memory_space<vmem_shared>>) dst(%dma_wait3A_62 : memref<16x128xf32, #tpu.memory_space<hbm>>)
        tpu.yield
      }) : () -> ()
    } else {
    }
    return
  }
}

#map = affine_map<(d0, d1) -> (0, 0)>
#map1 = affine_map<(d0, d1) -> (0, 0, 0)>
module attributes {stable_mosaic.version = 14 : i64} {
  func.func @_prop_kernel(%arg0: i32, %arg1: i32, %arg2: memref<10008x128xf32, #tpu.memory_space<hbm>>, %arg3: memref<32x125x80xi32, #tpu.memory_space<hbm>>, %arg4: memref<32x125x80xi32, #tpu.memory_space<hbm>>, %arg5: memref<10008x128xf32, #tpu.memory_space<hbm>>, %arg6: memref<2x10000x128xf32, #tpu.memory_space<hbm>>, %arg7: memref<125x80xi32, #tpu.memory_space<vmem>>, %arg8: memref<125x80xi32, #tpu.memory_space<vmem>>, %arg9: memref<80x128xf32, #tpu.memory_space<vmem>>, %arg10: memref<10008x128xf32, #tpu.memory_space<vmem_shared>>, %arg11: memref<!tpu.dma_semaphore, #tpu.memory_space<semaphore_mem>>, %arg12: memref<!tpu.dma_semaphore, #tpu.memory_space<semaphore_mem>>, %arg13: memref<!tpu.dma_semaphore, #tpu.memory_space<semaphore_mem>>) attributes {dimension_semantics = [#tpu.dimension_semantics<core_parallel>, #tpu.dimension_semantics<subcore_parallel>], iteration_bounds = array<i64: 2, 16>, scalar_prefetch = 0 : i64, scratch_operands = 7 : i64, tpu.core_type = #tpu.core_type<sc_vector_subcore>, window_params = [{transform_indices = #map}, {transform_indices = #map1}, {transform_indices = #map1}, {transform_indices = #map}, {transform_indices = #map1}]} {
    %mul3A = arith.constant 2 : i32
    %mul3A_0 = arith.muli %arg1, %mul3A : i32
    %add3A = arith.addi %mul3A_0, %arg0 : i32
    %dma_start3A = arith.constant 0 : i32
    %dma_start3A_1 = arith.constant 0 : i32
    %dma_start3A_2 = tpu.memref_slice %arg3[%add3A, %dma_start3A, %dma_start3A_1] : memref<32x125x80xi32, #tpu.memory_space<hbm>> -> memref<1x125x80xi32, #tpu.memory_space<hbm>>
    %dma_start3A_3 = tpu.memref_squeeze %dma_start3A_2 : memref<1x125x80xi32, #tpu.memory_space<hbm>> -> memref<125x80xi32, #tpu.memory_space<hbm>>
    %dma_start3A_4 = arith.constant 0 : i32
    %dma_start3A_5 = arith.constant 0 : i32
    %dma_start3A_6 = tpu.memref_slice %arg3[%add3A, %dma_start3A_4, %dma_start3A_5] : memref<32x125x80xi32, #tpu.memory_space<hbm>> -> memref<1x125x80xi32, #tpu.memory_space<hbm>>
    %dma_start3A_7 = tpu.memref_squeeze %dma_start3A_6 : memref<1x125x80xi32, #tpu.memory_space<hbm>> -> memref<125x80xi32, #tpu.memory_space<hbm>>
    tpu.enqueue_dma source(%dma_start3A_7 : memref<125x80xi32, #tpu.memory_space<hbm>>) target(%arg7 : memref<125x80xi32, #tpu.memory_space<vmem>>) target_semaphore(%arg11 : memref<!tpu.dma_semaphore, #tpu.memory_space<semaphore_mem>>)
    %dma_start3A_8 = arith.constant 0 : i32
    %dma_start3A_9 = arith.constant 0 : i32
    %dma_start3A_10 = tpu.memref_slice %arg4[%add3A, %dma_start3A_8, %dma_start3A_9] : memref<32x125x80xi32, #tpu.memory_space<hbm>> -> memref<1x125x80xi32, #tpu.memory_space<hbm>>
    %dma_start3A_11 = tpu.memref_squeeze %dma_start3A_10 : memref<1x125x80xi32, #tpu.memory_space<hbm>> -> memref<125x80xi32, #tpu.memory_space<hbm>>
    %dma_start3A_12 = arith.constant 0 : i32
    %dma_start3A_13 = arith.constant 0 : i32
    %dma_start3A_14 = tpu.memref_slice %arg4[%add3A, %dma_start3A_12, %dma_start3A_13] : memref<32x125x80xi32, #tpu.memory_space<hbm>> -> memref<1x125x80xi32, #tpu.memory_space<hbm>>
    %dma_start3A_15 = tpu.memref_squeeze %dma_start3A_14 : memref<1x125x80xi32, #tpu.memory_space<hbm>> -> memref<125x80xi32, #tpu.memory_space<hbm>>
    tpu.enqueue_dma source(%dma_start3A_15 : memref<125x80xi32, #tpu.memory_space<hbm>>) target(%arg8 : memref<125x80xi32, #tpu.memory_space<vmem>>) target_semaphore(%arg12 : memref<!tpu.dma_semaphore, #tpu.memory_space<semaphore_mem>>)
    %mul3A_16 = arith.constant 624 : i32
    %mul3A_17 = arith.muli %arg1, %mul3A_16 : i32
    %mul3A_18 = arith.constant 624 : i32
    %mul3A_19 = arith.muli %arg1, %mul3A_18 : i32
    "tpu.region"() ({
      %run_scoped3A = tpu.sem_alloc : memref<!tpu.dma_semaphore, #tpu.memory_space<semaphore_mem>>
      %dma_start3A_52 = arith.constant 0 : i32
      %dma_start3A_53 = tpu.memref_slice %arg10[%mul3A_19, %dma_start3A_52] : memref<10008x128xf32, #tpu.memory_space<vmem_shared>> -> memref<624x128xf32, #tpu.memory_space<vmem_shared>>
      %dma_start3A_54 = arith.constant 0 : i32
      %dma_start3A_55 = tpu.memref_slice %arg5[%mul3A_17, %dma_start3A_54] : memref<10008x128xf32, #tpu.memory_space<hbm>> -> memref<624x128xf32, #tpu.memory_space<hbm>>
      tpu.enqueue_dma source(%dma_start3A_55 : memref<624x128xf32, #tpu.memory_space<hbm>>) target(%dma_start3A_53 : memref<624x128xf32, #tpu.memory_space<vmem_shared>>) target_semaphore(%run_scoped3A : memref<!tpu.dma_semaphore, #tpu.memory_space<semaphore_mem>>)
      %dma_wait3A_56 = arith.constant 0 : i32
      %dma_wait3A_57 = tpu.memref_slice %arg10[%mul3A_19, %dma_wait3A_56] : memref<10008x128xf32, #tpu.memory_space<vmem_shared>> -> memref<624x128xf32, #tpu.memory_space<vmem_shared>>
      %dma_wait3A_58 = arith.constant 0 : i32
      %dma_wait3A_59 = tpu.memref_slice %arg5[%mul3A_17, %dma_wait3A_58] : memref<10008x128xf32, #tpu.memory_space<hbm>> -> memref<624x128xf32, #tpu.memory_space<hbm>>
      tpu.wait_dma2 semaphore(%run_scoped3A : memref<!tpu.dma_semaphore, #tpu.memory_space<semaphore_mem>>) src(%dma_wait3A_59 : memref<624x128xf32, #tpu.memory_space<hbm>>) dst(%dma_wait3A_57 : memref<624x128xf32, #tpu.memory_space<vmem_shared>>)
      tpu.yield
    }) : () -> ()
    %eq3A = arith.constant 15 : i32
    %eq3A_20 = arith.cmpi eq, %arg1, %eq3A : i32
    %convert_element_type3A = arith.extui %eq3A_20 : i1 to i32
    %cond3A = arith.constant 0 : i32
    %cond3A_21 = arith.cmpi ne, %convert_element_type3A, %cond3A : i32
    scf.if %cond3A_21 {
      "tpu.region"() ({
        %run_scoped3A = tpu.sem_alloc : memref<!tpu.dma_semaphore, #tpu.memory_space<semaphore_mem>>
        %dma_start3A_52 = arith.constant 9984 : i32
        %dma_start3A_53 = arith.constant 0 : i32
        %dma_start3A_54 = tpu.memref_slice %arg10[%dma_start3A_52, %dma_start3A_53] : memref<10008x128xf32, #tpu.memory_space<vmem_shared>> -> memref<24x128xf32, #tpu.memory_space<vmem_shared>>
        %dma_start3A_55 = arith.constant 9984 : i32
        %dma_start3A_56 = arith.constant 0 : i32
        %dma_start3A_57 = tpu.memref_slice %arg5[%dma_start3A_55, %dma_start3A_56] : memref<10008x128xf32, #tpu.memory_space<hbm>> -> memref<24x128xf32, #tpu.memory_space<hbm>>
        tpu.enqueue_dma source(%dma_start3A_57 : memref<24x128xf32, #tpu.memory_space<hbm>>) target(%dma_start3A_54 : memref<24x128xf32, #tpu.memory_space<vmem_shared>>) target_semaphore(%run_scoped3A : memref<!tpu.dma_semaphore, #tpu.memory_space<semaphore_mem>>)
        %dma_wait3A_58 = arith.constant 9984 : i32
        %dma_wait3A_59 = arith.constant 0 : i32
        %dma_wait3A_60 = tpu.memref_slice %arg10[%dma_wait3A_58, %dma_wait3A_59] : memref<10008x128xf32, #tpu.memory_space<vmem_shared>> -> memref<24x128xf32, #tpu.memory_space<vmem_shared>>
        %dma_wait3A_61 = arith.constant 9984 : i32
        %dma_wait3A_62 = arith.constant 0 : i32
        %dma_wait3A_63 = tpu.memref_slice %arg5[%dma_wait3A_61, %dma_wait3A_62] : memref<10008x128xf32, #tpu.memory_space<hbm>> -> memref<24x128xf32, #tpu.memory_space<hbm>>
        tpu.wait_dma2 semaphore(%run_scoped3A : memref<!tpu.dma_semaphore, #tpu.memory_space<semaphore_mem>>) src(%dma_wait3A_63 : memref<24x128xf32, #tpu.memory_space<hbm>>) dst(%dma_wait3A_60 : memref<24x128xf32, #tpu.memory_space<vmem_shared>>)
        tpu.yield
      }) : () -> ()
    } else {
    }
    %dma_wait3A = arith.constant 0 : i32
    %dma_wait3A_22 = arith.constant 0 : i32
    %dma_wait3A_23 = tpu.memref_slice %arg3[%add3A, %dma_wait3A, %dma_wait3A_22] : memref<32x125x80xi32, #tpu.memory_space<hbm>> -> memref<1x125x80xi32, #tpu.memory_space<hbm>>
    %dma_wait3A_24 = tpu.memref_squeeze %dma_wait3A_23 : memref<1x125x80xi32, #tpu.memory_space<hbm>> -> memref<125x80xi32, #tpu.memory_space<hbm>>
    %dma_wait3A_25 = arith.constant 0 : i32
    %dma_wait3A_26 = arith.constant 0 : i32
    %dma_wait3A_27 = tpu.memref_slice %arg3[%add3A, %dma_wait3A_25, %dma_wait3A_26] : memref<32x125x80xi32, #tpu.memory_space<hbm>> -> memref<1x125x80xi32, #tpu.memory_space<hbm>>
    %dma_wait3A_28 = tpu.memref_squeeze %dma_wait3A_27 : memref<1x125x80xi32, #tpu.memory_space<hbm>> -> memref<125x80xi32, #tpu.memory_space<hbm>>
    tpu.wait_dma2 semaphore(%arg11 : memref<!tpu.dma_semaphore, #tpu.memory_space<semaphore_mem>>) src(%dma_wait3A_28 : memref<125x80xi32, #tpu.memory_space<hbm>>) dst(%arg7 : memref<125x80xi32, #tpu.memory_space<vmem>>)
    %dma_wait3A_29 = arith.constant 0 : i32
    %dma_wait3A_30 = arith.constant 0 : i32
    %dma_wait3A_31 = tpu.memref_slice %arg4[%add3A, %dma_wait3A_29, %dma_wait3A_30] : memref<32x125x80xi32, #tpu.memory_space<hbm>> -> memref<1x125x80xi32, #tpu.memory_space<hbm>>
    %dma_wait3A_32 = tpu.memref_squeeze %dma_wait3A_31 : memref<1x125x80xi32, #tpu.memory_space<hbm>> -> memref<125x80xi32, #tpu.memory_space<hbm>>
    %dma_wait3A_33 = arith.constant 0 : i32
    %dma_wait3A_34 = arith.constant 0 : i32
    %dma_wait3A_35 = tpu.memref_slice %arg4[%add3A, %dma_wait3A_33, %dma_wait3A_34] : memref<32x125x80xi32, #tpu.memory_space<hbm>> -> memref<1x125x80xi32, #tpu.memory_space<hbm>>
    %dma_wait3A_36 = tpu.memref_squeeze %dma_wait3A_35 : memref<1x125x80xi32, #tpu.memory_space<hbm>> -> memref<125x80xi32, #tpu.memory_space<hbm>>
    tpu.wait_dma2 semaphore(%arg12 : memref<!tpu.dma_semaphore, #tpu.memory_space<semaphore_mem>>) src(%dma_wait3A_36 : memref<125x80xi32, #tpu.memory_space<hbm>>) dst(%arg8 : memref<125x80xi32, #tpu.memory_space<vmem>>)
    %barrier3A = arith.constant 0 : index
    tpu.barrier barrier_id(%barrier3A)
    %scan3A = arith.constant 0 : i32
    %scan3A_37 = arith.constant 0 : i32
    %scan3A_38 = arith.constant 125 : i32
    %scan3A_39 = arith.addi %scan3A_37, %scan3A_38 : i32
    %scan3A_40 = arith.constant 1 : i32
    scf.for %scan3A_52 = %scan3A_37 to %scan3A_39 step %scan3A_40  : i32 {
      %dma_start3A_53 = arith.constant 0 : i32
      %dma_start3A_54 = tpu.memref_slice %arg7[%scan3A_52, %dma_start3A_53] : memref<125x80xi32, #tpu.memory_space<vmem>> -> memref<1x80xi32, #tpu.memory_space<vmem>>
      %dma_start3A_55 = tpu.memref_squeeze %dma_start3A_54 : memref<1x80xi32, #tpu.memory_space<vmem>> -> memref<80xi32, #tpu.memory_space<vmem>>
      %dma_start3A_56 = arith.constant 0 : i32
      %dma_start3A_57 = arith.constant 0 : i32
      %dma_start3A_58 = tpu.memref_slice %arg2[%dma_start3A_56, %dma_start3A_57] : memref<10008x128xf32, #tpu.memory_space<hbm>> -> memref<10008x128xf32, #tpu.memory_space<hbm>>
      tpu.enqueue_indirect_dma source(%dma_start3A_58 : memref<10008x128xf32, #tpu.memory_space<hbm>>) target(%arg9 : memref<80x128xf32, #tpu.memory_space<vmem>>) offsets(%dma_start3A_55 : memref<80xi32, #tpu.memory_space<vmem>>) semaphore(%arg13 : memref<!tpu.dma_semaphore, #tpu.memory_space<semaphore_mem>>)
      %dma_wait3A_59 = arith.constant 0 : i32
      %dma_wait3A_60 = tpu.memref_slice %arg7[%scan3A_52, %dma_wait3A_59] : memref<125x80xi32, #tpu.memory_space<vmem>> -> memref<1x80xi32, #tpu.memory_space<vmem>>
      %dma_wait3A_61 = tpu.memref_squeeze %dma_wait3A_60 : memref<1x80xi32, #tpu.memory_space<vmem>> -> memref<80xi32, #tpu.memory_space<vmem>>
      %dma_wait3A_62 = arith.constant 0 : i32
      %dma_wait3A_63 = arith.constant 0 : i32
      %dma_wait3A_64 = tpu.memref_slice %arg2[%dma_wait3A_62, %dma_wait3A_63] : memref<10008x128xf32, #tpu.memory_space<hbm>> -> memref<10008x128xf32, #tpu.memory_space<hbm>>
      tpu.wait_indirect_dma semaphore(%arg13 : memref<!tpu.dma_semaphore, #tpu.memory_space<semaphore_mem>>) src(%dma_wait3A_64 : memref<10008x128xf32, #tpu.memory_space<hbm>>) dst(%arg9 : memref<80x128xf32, #tpu.memory_space<vmem>>)
      "tpu.region"() ({
        %run_scoped3A = tpu.sem_alloc : memref<!tpu.dma_semaphore, #tpu.memory_space<semaphore_mem>>
        %dma_start3A_65 = arith.constant 0 : i32
        %dma_start3A_66 = tpu.memref_slice %arg8[%scan3A_52, %dma_start3A_65] : memref<125x80xi32, #tpu.memory_space<vmem>> -> memref<1x80xi32, #tpu.memory_space<vmem>>
        %dma_start3A_67 = tpu.memref_squeeze %dma_start3A_66 : memref<1x80xi32, #tpu.memory_space<vmem>> -> memref<80xi32, #tpu.memory_space<vmem>>
        %dma_start3A_68 = arith.constant 0 : i32
        %dma_start3A_69 = arith.constant 0 : i32
        %dma_start3A_70 = tpu.memref_slice %arg10[%dma_start3A_68, %dma_start3A_69] : memref<10008x128xf32, #tpu.memory_space<vmem_shared>> -> memref<10008x128xf32, #tpu.memory_space<vmem_shared>>
        tpu.enqueue_indirect_dma source(%arg9 : memref<80x128xf32, #tpu.memory_space<vmem>>) target(%dma_start3A_70 : memref<10008x128xf32, #tpu.memory_space<vmem_shared>>) offsets(%dma_start3A_67 : memref<80xi32, #tpu.memory_space<vmem>>) semaphore(%run_scoped3A : memref<!tpu.dma_semaphore, #tpu.memory_space<semaphore_mem>>) {add = true}
        %dma_wait3A_71 = arith.constant 0 : i32
        %dma_wait3A_72 = tpu.memref_slice %arg8[%scan3A_52, %dma_wait3A_71] : memref<125x80xi32, #tpu.memory_space<vmem>> -> memref<1x80xi32, #tpu.memory_space<vmem>>
        %dma_wait3A_73 = tpu.memref_squeeze %dma_wait3A_72 : memref<1x80xi32, #tpu.memory_space<vmem>> -> memref<80xi32, #tpu.memory_space<vmem>>
        %dma_wait3A_74 = arith.constant 0 : i32
        %dma_wait3A_75 = arith.constant 0 : i32
        %dma_wait3A_76 = tpu.memref_slice %arg10[%dma_wait3A_74, %dma_wait3A_75] : memref<10008x128xf32, #tpu.memory_space<vmem_shared>> -> memref<10008x128xf32, #tpu.memory_space<vmem_shared>>
        tpu.wait_indirect_dma semaphore(%run_scoped3A : memref<!tpu.dma_semaphore, #tpu.memory_space<semaphore_mem>>) src(%arg9 : memref<80x128xf32, #tpu.memory_space<vmem>>) dst(%dma_wait3A_76 : memref<10008x128xf32, #tpu.memory_space<vmem_shared>>)
        tpu.yield
      }) : () -> ()
    }
    %scan3A_41 = arith.constant 125 : i32
    %barrier3A_42 = arith.constant 0 : index
    tpu.barrier barrier_id(%barrier3A_42)
    %mul3A_43 = arith.constant 624 : i32
    %mul3A_44 = arith.muli %arg1, %mul3A_43 : i32
    %mul3A_45 = arith.constant 624 : i32
    %mul3A_46 = arith.muli %arg1, %mul3A_45 : i32
    "tpu.region"() ({
      %run_scoped3A = tpu.sem_alloc : memref<!tpu.dma_semaphore, #tpu.memory_space<semaphore_mem>>
      %dma_start3A_52 = arith.constant 0 : i32
      %dma_start3A_53 = tpu.memref_slice %arg6[%arg0, %mul3A_46, %dma_start3A_52] : memref<2x10000x128xf32, #tpu.memory_space<hbm>> -> memref<1x624x128xf32, #tpu.memory_space<hbm>>
      %dma_start3A_54 = tpu.memref_squeeze %dma_start3A_53 : memref<1x624x128xf32, #tpu.memory_space<hbm>> -> memref<624x128xf32, #tpu.memory_space<hbm>>
      %dma_start3A_55 = arith.constant 0 : i32
      %dma_start3A_56 = tpu.memref_slice %arg10[%mul3A_44, %dma_start3A_55] : memref<10008x128xf32, #tpu.memory_space<vmem_shared>> -> memref<624x128xf32, #tpu.memory_space<vmem_shared>>
      tpu.enqueue_dma source(%dma_start3A_56 : memref<624x128xf32, #tpu.memory_space<vmem_shared>>) target(%dma_start3A_54 : memref<624x128xf32, #tpu.memory_space<hbm>>) target_semaphore(%run_scoped3A : memref<!tpu.dma_semaphore, #tpu.memory_space<semaphore_mem>>)
      %dma_wait3A_57 = arith.constant 0 : i32
      %dma_wait3A_58 = tpu.memref_slice %arg6[%arg0, %mul3A_46, %dma_wait3A_57] : memref<2x10000x128xf32, #tpu.memory_space<hbm>> -> memref<1x624x128xf32, #tpu.memory_space<hbm>>
      %dma_wait3A_59 = tpu.memref_squeeze %dma_wait3A_58 : memref<1x624x128xf32, #tpu.memory_space<hbm>> -> memref<624x128xf32, #tpu.memory_space<hbm>>
      %dma_wait3A_60 = arith.constant 0 : i32
      %dma_wait3A_61 = tpu.memref_slice %arg10[%mul3A_44, %dma_wait3A_60] : memref<10008x128xf32, #tpu.memory_space<vmem_shared>> -> memref<624x128xf32, #tpu.memory_space<vmem_shared>>
      tpu.wait_dma2 semaphore(%run_scoped3A : memref<!tpu.dma_semaphore, #tpu.memory_space<semaphore_mem>>) src(%dma_wait3A_61 : memref<624x128xf32, #tpu.memory_space<vmem_shared>>) dst(%dma_wait3A_59 : memref<624x128xf32, #tpu.memory_space<hbm>>)
      tpu.yield
    }) : () -> ()
    %eq3A_47 = arith.constant 15 : i32
    %eq3A_48 = arith.cmpi eq, %arg1, %eq3A_47 : i32
    %convert_element_type3A_49 = arith.extui %eq3A_48 : i1 to i32
    %cond3A_50 = arith.constant 0 : i32
    %cond3A_51 = arith.cmpi ne, %convert_element_type3A_49, %cond3A_50 : i32
    scf.if %cond3A_51 {
      "tpu.region"() ({
        %run_scoped3A = tpu.sem_alloc : memref<!tpu.dma_semaphore, #tpu.memory_space<semaphore_mem>>
        %dma_start3A_52 = arith.constant 9984 : i32
        %dma_start3A_53 = arith.constant 0 : i32
        %dma_start3A_54 = tpu.memref_slice %arg6[%arg0, %dma_start3A_52, %dma_start3A_53] : memref<2x10000x128xf32, #tpu.memory_space<hbm>> -> memref<1x16x128xf32, #tpu.memory_space<hbm>>
        %dma_start3A_55 = tpu.memref_squeeze %dma_start3A_54 : memref<1x16x128xf32, #tpu.memory_space<hbm>> -> memref<16x128xf32, #tpu.memory_space<hbm>>
        %dma_start3A_56 = arith.constant 9984 : i32
        %dma_start3A_57 = arith.constant 0 : i32
        %dma_start3A_58 = tpu.memref_slice %arg10[%dma_start3A_56, %dma_start3A_57] : memref<10008x128xf32, #tpu.memory_space<vmem_shared>> -> memref<16x128xf32, #tpu.memory_space<vmem_shared>>
        tpu.enqueue_dma source(%dma_start3A_58 : memref<16x128xf32, #tpu.memory_space<vmem_shared>>) target(%dma_start3A_55 : memref<16x128xf32, #tpu.memory_space<hbm>>) target_semaphore(%run_scoped3A : memref<!tpu.dma_semaphore, #tpu.memory_space<semaphore_mem>>)
        %dma_wait3A_59 = arith.constant 9984 : i32
        %dma_wait3A_60 = arith.constant 0 : i32
        %dma_wait3A_61 = tpu.memref_slice %arg6[%arg0, %dma_wait3A_59, %dma_wait3A_60] : memref<2x10000x128xf32, #tpu.memory_space<hbm>> -> memref<1x16x128xf32, #tpu.memory_space<hbm>>
        %dma_wait3A_62 = tpu.memref_squeeze %dma_wait3A_61 : memref<1x16x128xf32, #tpu.memory_space<hbm>> -> memref<16x128xf32, #tpu.memory_space<hbm>>
        %dma_wait3A_63 = arith.constant 9984 : i32
        %dma_wait3A_64 = arith.constant 0 : i32
        %dma_wait3A_65 = tpu.memref_slice %arg10[%dma_wait3A_63, %dma_wait3A_64] : memref<10008x128xf32, #tpu.memory_space<vmem_shared>> -> memref<16x128xf32, #tpu.memory_space<vmem_shared>>
        tpu.wait_dma2 semaphore(%run_scoped3A : memref<!tpu.dma_semaphore, #tpu.memory_space<semaphore_mem>>) src(%dma_wait3A_65 : memref<16x128xf32, #tpu.memory_space<vmem_shared>>) dst(%dma_wait3A_62 : memref<16x128xf32, #tpu.memory_space<hbm>>)
        tpu.yield
      }) : () -> ()
    } else {
    }
    return
  }
}

#map = affine_map<(d0, d1) -> (0, 0)>
#map1 = affine_map<(d0, d1) -> (0, 0, 0)>
module attributes {stable_mosaic.version = 14 : i64} {
  func.func @_prop_kernel(%arg0: i32, %arg1: i32, %arg2: memref<10008x128xf32, #tpu.memory_space<hbm>>, %arg3: memref<32x125x80xi32, #tpu.memory_space<hbm>>, %arg4: memref<32x125x80xi32, #tpu.memory_space<hbm>>, %arg5: memref<10008x128xf32, #tpu.memory_space<hbm>>, %arg6: memref<2x10000x128xf32, #tpu.memory_space<hbm>>, %arg7: memref<125x80xi32, #tpu.memory_space<vmem>>, %arg8: memref<125x80xi32, #tpu.memory_space<vmem>>, %arg9: memref<80x128xf32, #tpu.memory_space<vmem>>, %arg10: memref<10008x128xf32, #tpu.memory_space<vmem_shared>>, %arg11: memref<!tpu.dma_semaphore, #tpu.memory_space<semaphore_mem>>, %arg12: memref<!tpu.dma_semaphore, #tpu.memory_space<semaphore_mem>>, %arg13: memref<!tpu.dma_semaphore, #tpu.memory_space<semaphore_mem>>) attributes {dimension_semantics = [#tpu.dimension_semantics<core_parallel>, #tpu.dimension_semantics<subcore_parallel>], iteration_bounds = array<i64: 2, 16>, scalar_prefetch = 0 : i64, scratch_operands = 7 : i64, tpu.core_type = #tpu.core_type<sc_vector_subcore>, window_params = [{transform_indices = #map}, {transform_indices = #map1}, {transform_indices = #map1}, {transform_indices = #map}, {transform_indices = #map1}]} {
    %mul3A = arith.constant 2 : i32
    %mul3A_0 = arith.muli %arg1, %mul3A : i32
    %add3A = arith.addi %mul3A_0, %arg0 : i32
    %dma_start3A = arith.constant 0 : i32
    %dma_start3A_1 = arith.constant 0 : i32
    %dma_start3A_2 = tpu.memref_slice %arg3[%add3A, %dma_start3A, %dma_start3A_1] : memref<32x125x80xi32, #tpu.memory_space<hbm>> -> memref<1x125x80xi32, #tpu.memory_space<hbm>>
    %dma_start3A_3 = tpu.memref_squeeze %dma_start3A_2 : memref<1x125x80xi32, #tpu.memory_space<hbm>> -> memref<125x80xi32, #tpu.memory_space<hbm>>
    %dma_start3A_4 = arith.constant 0 : i32
    %dma_start3A_5 = arith.constant 0 : i32
    %dma_start3A_6 = tpu.memref_slice %arg3[%add3A, %dma_start3A_4, %dma_start3A_5] : memref<32x125x80xi32, #tpu.memory_space<hbm>> -> memref<1x125x80xi32, #tpu.memory_space<hbm>>
    %dma_start3A_7 = tpu.memref_squeeze %dma_start3A_6 : memref<1x125x80xi32, #tpu.memory_space<hbm>> -> memref<125x80xi32, #tpu.memory_space<hbm>>
    tpu.enqueue_dma source(%dma_start3A_7 : memref<125x80xi32, #tpu.memory_space<hbm>>) target(%arg7 : memref<125x80xi32, #tpu.memory_space<vmem>>) target_semaphore(%arg11 : memref<!tpu.dma_semaphore, #tpu.memory_space<semaphore_mem>>)
    %dma_start3A_8 = arith.constant 0 : i32
    %dma_start3A_9 = arith.constant 0 : i32
    %dma_start3A_10 = tpu.memref_slice %arg4[%add3A, %dma_start3A_8, %dma_start3A_9] : memref<32x125x80xi32, #tpu.memory_space<hbm>> -> memref<1x125x80xi32, #tpu.memory_space<hbm>>
    %dma_start3A_11 = tpu.memref_squeeze %dma_start3A_10 : memref<1x125x80xi32, #tpu.memory_space<hbm>> -> memref<125x80xi32, #tpu.memory_space<hbm>>
    %dma_start3A_12 = arith.constant 0 : i32
    %dma_start3A_13 = arith.constant 0 : i32
    %dma_start3A_14 = tpu.memref_slice %arg4[%add3A, %dma_start3A_12, %dma_start3A_13] : memref<32x125x80xi32, #tpu.memory_space<hbm>> -> memref<1x125x80xi32, #tpu.memory_space<hbm>>
    %dma_start3A_15 = tpu.memref_squeeze %dma_start3A_14 : memref<1x125x80xi32, #tpu.memory_space<hbm>> -> memref<125x80xi32, #tpu.memory_space<hbm>>
    tpu.enqueue_dma source(%dma_start3A_15 : memref<125x80xi32, #tpu.memory_space<hbm>>) target(%arg8 : memref<125x80xi32, #tpu.memory_space<vmem>>) target_semaphore(%arg12 : memref<!tpu.dma_semaphore, #tpu.memory_space<semaphore_mem>>)
    %mul3A_16 = arith.constant 624 : i32
    %mul3A_17 = arith.muli %arg1, %mul3A_16 : i32
    %mul3A_18 = arith.constant 624 : i32
    %mul3A_19 = arith.muli %arg1, %mul3A_18 : i32
    "tpu.region"() ({
      %run_scoped3A = tpu.sem_alloc : memref<!tpu.dma_semaphore, #tpu.memory_space<semaphore_mem>>
      %dma_start3A_52 = arith.constant 0 : i32
      %dma_start3A_53 = tpu.memref_slice %arg10[%mul3A_19, %dma_start3A_52] : memref<10008x128xf32, #tpu.memory_space<vmem_shared>> -> memref<624x128xf32, #tpu.memory_space<vmem_shared>>
      %dma_start3A_54 = arith.constant 0 : i32
      %dma_start3A_55 = tpu.memref_slice %arg5[%mul3A_17, %dma_start3A_54] : memref<10008x128xf32, #tpu.memory_space<hbm>> -> memref<624x128xf32, #tpu.memory_space<hbm>>
      tpu.enqueue_dma source(%dma_start3A_55 : memref<624x128xf32, #tpu.memory_space<hbm>>) target(%dma_start3A_53 : memref<624x128xf32, #tpu.memory_space<vmem_shared>>) target_semaphore(%run_scoped3A : memref<!tpu.dma_semaphore, #tpu.memory_space<semaphore_mem>>)
      %dma_wait3A_56 = arith.constant 0 : i32
      %dma_wait3A_57 = tpu.memref_slice %arg10[%mul3A_19, %dma_wait3A_56] : memref<10008x128xf32, #tpu.memory_space<vmem_shared>> -> memref<624x128xf32, #tpu.memory_space<vmem_shared>>
      %dma_wait3A_58 = arith.constant 0 : i32
      %dma_wait3A_59 = tpu.memref_slice %arg5[%mul3A_17, %dma_wait3A_58] : memref<10008x128xf32, #tpu.memory_space<hbm>> -> memref<624x128xf32, #tpu.memory_space<hbm>>
      tpu.wait_dma2 semaphore(%run_scoped3A : memref<!tpu.dma_semaphore, #tpu.memory_space<semaphore_mem>>) src(%dma_wait3A_59 : memref<624x128xf32, #tpu.memory_space<hbm>>) dst(%dma_wait3A_57 : memref<624x128xf32, #tpu.memory_space<vmem_shared>>)
      tpu.yield
    }) : () -> ()
    %eq3A = arith.constant 15 : i32
    %eq3A_20 = arith.cmpi eq, %arg1, %eq3A : i32
    %convert_element_type3A = arith.extui %eq3A_20 : i1 to i32
    %cond3A = arith.constant 0 : i32
    %cond3A_21 = arith.cmpi ne, %convert_element_type3A, %cond3A : i32
    scf.if %cond3A_21 {
      "tpu.region"() ({
        %run_scoped3A = tpu.sem_alloc : memref<!tpu.dma_semaphore, #tpu.memory_space<semaphore_mem>>
        %dma_start3A_52 = arith.constant 9984 : i32
        %dma_start3A_53 = arith.constant 0 : i32
        %dma_start3A_54 = tpu.memref_slice %arg10[%dma_start3A_52, %dma_start3A_53] : memref<10008x128xf32, #tpu.memory_space<vmem_shared>> -> memref<24x128xf32, #tpu.memory_space<vmem_shared>>
        %dma_start3A_55 = arith.constant 9984 : i32
        %dma_start3A_56 = arith.constant 0 : i32
        %dma_start3A_57 = tpu.memref_slice %arg5[%dma_start3A_55, %dma_start3A_56] : memref<10008x128xf32, #tpu.memory_space<hbm>> -> memref<24x128xf32, #tpu.memory_space<hbm>>
        tpu.enqueue_dma source(%dma_start3A_57 : memref<24x128xf32, #tpu.memory_space<hbm>>) target(%dma_start3A_54 : memref<24x128xf32, #tpu.memory_space<vmem_shared>>) target_semaphore(%run_scoped3A : memref<!tpu.dma_semaphore, #tpu.memory_space<semaphore_mem>>)
        %dma_wait3A_58 = arith.constant 9984 : i32
        %dma_wait3A_59 = arith.constant 0 : i32
        %dma_wait3A_60 = tpu.memref_slice %arg10[%dma_wait3A_58, %dma_wait3A_59] : memref<10008x128xf32, #tpu.memory_space<vmem_shared>> -> memref<24x128xf32, #tpu.memory_space<vmem_shared>>
        %dma_wait3A_61 = arith.constant 9984 : i32
        %dma_wait3A_62 = arith.constant 0 : i32
        %dma_wait3A_63 = tpu.memref_slice %arg5[%dma_wait3A_61, %dma_wait3A_62] : memref<10008x128xf32, #tpu.memory_space<hbm>> -> memref<24x128xf32, #tpu.memory_space<hbm>>
        tpu.wait_dma2 semaphore(%run_scoped3A : memref<!tpu.dma_semaphore, #tpu.memory_space<semaphore_mem>>) src(%dma_wait3A_63 : memref<24x128xf32, #tpu.memory_space<hbm>>) dst(%dma_wait3A_60 : memref<24x128xf32, #tpu.memory_space<vmem_shared>>)
        tpu.yield
      }) : () -> ()
    } else {
    }
    %dma_wait3A = arith.constant 0 : i32
    %dma_wait3A_22 = arith.constant 0 : i32
    %dma_wait3A_23 = tpu.memref_slice %arg3[%add3A, %dma_wait3A, %dma_wait3A_22] : memref<32x125x80xi32, #tpu.memory_space<hbm>> -> memref<1x125x80xi32, #tpu.memory_space<hbm>>
    %dma_wait3A_24 = tpu.memref_squeeze %dma_wait3A_23 : memref<1x125x80xi32, #tpu.memory_space<hbm>> -> memref<125x80xi32, #tpu.memory_space<hbm>>
    %dma_wait3A_25 = arith.constant 0 : i32
    %dma_wait3A_26 = arith.constant 0 : i32
    %dma_wait3A_27 = tpu.memref_slice %arg3[%add3A, %dma_wait3A_25, %dma_wait3A_26] : memref<32x125x80xi32, #tpu.memory_space<hbm>> -> memref<1x125x80xi32, #tpu.memory_space<hbm>>
    %dma_wait3A_28 = tpu.memref_squeeze %dma_wait3A_27 : memref<1x125x80xi32, #tpu.memory_space<hbm>> -> memref<125x80xi32, #tpu.memory_space<hbm>>
    tpu.wait_dma2 semaphore(%arg11 : memref<!tpu.dma_semaphore, #tpu.memory_space<semaphore_mem>>) src(%dma_wait3A_28 : memref<125x80xi32, #tpu.memory_space<hbm>>) dst(%arg7 : memref<125x80xi32, #tpu.memory_space<vmem>>)
    %dma_wait3A_29 = arith.constant 0 : i32
    %dma_wait3A_30 = arith.constant 0 : i32
    %dma_wait3A_31 = tpu.memref_slice %arg4[%add3A, %dma_wait3A_29, %dma_wait3A_30] : memref<32x125x80xi32, #tpu.memory_space<hbm>> -> memref<1x125x80xi32, #tpu.memory_space<hbm>>
    %dma_wait3A_32 = tpu.memref_squeeze %dma_wait3A_31 : memref<1x125x80xi32, #tpu.memory_space<hbm>> -> memref<125x80xi32, #tpu.memory_space<hbm>>
    %dma_wait3A_33 = arith.constant 0 : i32
    %dma_wait3A_34 = arith.constant 0 : i32
    %dma_wait3A_35 = tpu.memref_slice %arg4[%add3A, %dma_wait3A_33, %dma_wait3A_34] : memref<32x125x80xi32, #tpu.memory_space<hbm>> -> memref<1x125x80xi32, #tpu.memory_space<hbm>>
    %dma_wait3A_36 = tpu.memref_squeeze %dma_wait3A_35 : memref<1x125x80xi32, #tpu.memory_space<hbm>> -> memref<125x80xi32, #tpu.memory_space<hbm>>
    tpu.wait_dma2 semaphore(%arg12 : memref<!tpu.dma_semaphore, #tpu.memory_space<semaphore_mem>>) src(%dma_wait3A_36 : memref<125x80xi32, #tpu.memory_space<hbm>>) dst(%arg8 : memref<125x80xi32, #tpu.memory_space<vmem>>)
    %barrier3A = arith.constant 0 : index
    tpu.barrier barrier_id(%barrier3A)
    %scan3A = arith.constant 0 : i32
    %scan3A_37 = arith.constant 0 : i32
    %scan3A_38 = arith.constant 125 : i32
    %scan3A_39 = arith.addi %scan3A_37, %scan3A_38 : i32
    %scan3A_40 = arith.constant 1 : i32
    scf.for %scan3A_52 = %scan3A_37 to %scan3A_39 step %scan3A_40  : i32 {
      %dma_start3A_53 = arith.constant 0 : i32
      %dma_start3A_54 = tpu.memref_slice %arg7[%scan3A_52, %dma_start3A_53] : memref<125x80xi32, #tpu.memory_space<vmem>> -> memref<1x80xi32, #tpu.memory_space<vmem>>
      %dma_start3A_55 = tpu.memref_squeeze %dma_start3A_54 : memref<1x80xi32, #tpu.memory_space<vmem>> -> memref<80xi32, #tpu.memory_space<vmem>>
      %dma_start3A_56 = arith.constant 0 : i32
      %dma_start3A_57 = arith.constant 0 : i32
      %dma_start3A_58 = tpu.memref_slice %arg2[%dma_start3A_56, %dma_start3A_57] : memref<10008x128xf32, #tpu.memory_space<hbm>> -> memref<10008x128xf32, #tpu.memory_space<hbm>>
      tpu.enqueue_indirect_dma source(%dma_start3A_58 : memref<10008x128xf32, #tpu.memory_space<hbm>>) target(%arg9 : memref<80x128xf32, #tpu.memory_space<vmem>>) offsets(%dma_start3A_55 : memref<80xi32, #tpu.memory_space<vmem>>) semaphore(%arg13 : memref<!tpu.dma_semaphore, #tpu.memory_space<semaphore_mem>>)
      %dma_wait3A_59 = arith.constant 0 : i32
      %dma_wait3A_60 = tpu.memref_slice %arg7[%scan3A_52, %dma_wait3A_59] : memref<125x80xi32, #tpu.memory_space<vmem>> -> memref<1x80xi32, #tpu.memory_space<vmem>>
      %dma_wait3A_61 = tpu.memref_squeeze %dma_wait3A_60 : memref<1x80xi32, #tpu.memory_space<vmem>> -> memref<80xi32, #tpu.memory_space<vmem>>
      %dma_wait3A_62 = arith.constant 0 : i32
      %dma_wait3A_63 = arith.constant 0 : i32
      %dma_wait3A_64 = tpu.memref_slice %arg2[%dma_wait3A_62, %dma_wait3A_63] : memref<10008x128xf32, #tpu.memory_space<hbm>> -> memref<10008x128xf32, #tpu.memory_space<hbm>>
      tpu.wait_indirect_dma semaphore(%arg13 : memref<!tpu.dma_semaphore, #tpu.memory_space<semaphore_mem>>) src(%dma_wait3A_64 : memref<10008x128xf32, #tpu.memory_space<hbm>>) dst(%arg9 : memref<80x128xf32, #tpu.memory_space<vmem>>)
      "tpu.region"() ({
        %run_scoped3A = tpu.sem_alloc : memref<!tpu.dma_semaphore, #tpu.memory_space<semaphore_mem>>
        %dma_start3A_65 = arith.constant 0 : i32
        %dma_start3A_66 = tpu.memref_slice %arg8[%scan3A_52, %dma_start3A_65] : memref<125x80xi32, #tpu.memory_space<vmem>> -> memref<1x80xi32, #tpu.memory_space<vmem>>
        %dma_start3A_67 = tpu.memref_squeeze %dma_start3A_66 : memref<1x80xi32, #tpu.memory_space<vmem>> -> memref<80xi32, #tpu.memory_space<vmem>>
        %dma_start3A_68 = arith.constant 0 : i32
        %dma_start3A_69 = arith.constant 0 : i32
        %dma_start3A_70 = tpu.memref_slice %arg10[%dma_start3A_68, %dma_start3A_69] : memref<10008x128xf32, #tpu.memory_space<vmem_shared>> -> memref<10008x128xf32, #tpu.memory_space<vmem_shared>>
        tpu.enqueue_indirect_dma source(%arg9 : memref<80x128xf32, #tpu.memory_space<vmem>>) target(%dma_start3A_70 : memref<10008x128xf32, #tpu.memory_space<vmem_shared>>) offsets(%dma_start3A_67 : memref<80xi32, #tpu.memory_space<vmem>>) semaphore(%run_scoped3A : memref<!tpu.dma_semaphore, #tpu.memory_space<semaphore_mem>>) {add = true}
        %dma_wait3A_71 = arith.constant 0 : i32
        %dma_wait3A_72 = tpu.memref_slice %arg8[%scan3A_52, %dma_wait3A_71] : memref<125x80xi32, #tpu.memory_space<vmem>> -> memref<1x80xi32, #tpu.memory_space<vmem>>
        %dma_wait3A_73 = tpu.memref_squeeze %dma_wait3A_72 : memref<1x80xi32, #tpu.memory_space<vmem>> -> memref<80xi32, #tpu.memory_space<vmem>>
        %dma_wait3A_74 = arith.constant 0 : i32
        %dma_wait3A_75 = arith.constant 0 : i32
        %dma_wait3A_76 = tpu.memref_slice %arg10[%dma_wait3A_74, %dma_wait3A_75] : memref<10008x128xf32, #tpu.memory_space<vmem_shared>> -> memref<10008x128xf32, #tpu.memory_space<vmem_shared>>
        tpu.wait_indirect_dma semaphore(%run_scoped3A : memref<!tpu.dma_semaphore, #tpu.memory_space<semaphore_mem>>) src(%arg9 : memref<80x128xf32, #tpu.memory_space<vmem>>) dst(%dma_wait3A_76 : memref<10008x128xf32, #tpu.memory_space<vmem_shared>>)
        tpu.yield
      }) : () -> ()
    }
    %scan3A_41 = arith.constant 125 : i32
    %barrier3A_42 = arith.constant 0 : index
    tpu.barrier barrier_id(%barrier3A_42)
    %mul3A_43 = arith.constant 624 : i32
    %mul3A_44 = arith.muli %arg1, %mul3A_43 : i32
    %mul3A_45 = arith.constant 624 : i32
    %mul3A_46 = arith.muli %arg1, %mul3A_45 : i32
    "tpu.region"() ({
      %run_scoped3A = tpu.sem_alloc : memref<!tpu.dma_semaphore, #tpu.memory_space<semaphore_mem>>
      %dma_start3A_52 = arith.constant 0 : i32
      %dma_start3A_53 = tpu.memref_slice %arg6[%arg0, %mul3A_46, %dma_start3A_52] : memref<2x10000x128xf32, #tpu.memory_space<hbm>> -> memref<1x624x128xf32, #tpu.memory_space<hbm>>
      %dma_start3A_54 = tpu.memref_squeeze %dma_start3A_53 : memref<1x624x128xf32, #tpu.memory_space<hbm>> -> memref<624x128xf32, #tpu.memory_space<hbm>>
      %dma_start3A_55 = arith.constant 0 : i32
      %dma_start3A_56 = tpu.memref_slice %arg10[%mul3A_44, %dma_start3A_55] : memref<10008x128xf32, #tpu.memory_space<vmem_shared>> -> memref<624x128xf32, #tpu.memory_space<vmem_shared>>
      tpu.enqueue_dma source(%dma_start3A_56 : memref<624x128xf32, #tpu.memory_space<vmem_shared>>) target(%dma_start3A_54 : memref<624x128xf32, #tpu.memory_space<hbm>>) target_semaphore(%run_scoped3A : memref<!tpu.dma_semaphore, #tpu.memory_space<semaphore_mem>>)
      %dma_wait3A_57 = arith.constant 0 : i32
      %dma_wait3A_58 = tpu.memref_slice %arg6[%arg0, %mul3A_46, %dma_wait3A_57] : memref<2x10000x128xf32, #tpu.memory_space<hbm>> -> memref<1x624x128xf32, #tpu.memory_space<hbm>>
      %dma_wait3A_59 = tpu.memref_squeeze %dma_wait3A_58 : memref<1x624x128xf32, #tpu.memory_space<hbm>> -> memref<624x128xf32, #tpu.memory_space<hbm>>
      %dma_wait3A_60 = arith.constant 0 : i32
      %dma_wait3A_61 = tpu.memref_slice %arg10[%mul3A_44, %dma_wait3A_60] : memref<10008x128xf32, #tpu.memory_space<vmem_shared>> -> memref<624x128xf32, #tpu.memory_space<vmem_shared>>
      tpu.wait_dma2 semaphore(%run_scoped3A : memref<!tpu.dma_semaphore, #tpu.memory_space<semaphore_mem>>) src(%dma_wait3A_61 : memref<624x128xf32, #tpu.memory_space<vmem_shared>>) dst(%dma_wait3A_59 : memref<624x128xf32, #tpu.memory_space<hbm>>)
      tpu.yield
    }) : () -> ()
    %eq3A_47 = arith.constant 15 : i32
    %eq3A_48 = arith.cmpi eq, %arg1, %eq3A_47 : i32
    %convert_element_type3A_49 = arith.extui %eq3A_48 : i1 to i32
    %cond3A_50 = arith.constant 0 : i32
    %cond3A_51 = arith.cmpi ne, %convert_element_type3A_49, %cond3A_50 : i32
    scf.if %cond3A_51 {
      "tpu.region"() ({
        %run_scoped3A = tpu.sem_alloc : memref<!tpu.dma_semaphore, #tpu.memory_space<semaphore_mem>>
        %dma_start3A_52 = arith.constant 9984 : i32
        %dma_start3A_53 = arith.constant 0 : i32
        %dma_start3A_54 = tpu.memref_slice %arg6[%arg0, %dma_start3A_52, %dma_start3A_53] : memref<2x10000x128xf32, #tpu.memory_space<hbm>> -> memref<1x16x128xf32, #tpu.memory_space<hbm>>
        %dma_start3A_55 = tpu.memref_squeeze %dma_start3A_54 : memref<1x16x128xf32, #tpu.memory_space<hbm>> -> memref<16x128xf32, #tpu.memory_space<hbm>>
        %dma_start3A_56 = arith.constant 9984 : i32
        %dma_start3A_57 = arith.constant 0 : i32
        %dma_start3A_58 = tpu.memref_slice %arg10[%dma_start3A_56, %dma_start3A_57] : memref<10008x128xf32, #tpu.memory_space<vmem_shared>> -> memref<16x128xf32, #tpu.memory_space<vmem_shared>>
        tpu.enqueue_dma source(%dma_start3A_58 : memref<16x128xf32, #tpu.memory_space<vmem_shared>>) target(%dma_start3A_55 : memref<16x128xf32, #tpu.memory_space<hbm>>) target_semaphore(%run_scoped3A : memref<!tpu.dma_semaphore, #tpu.memory_space<semaphore_mem>>)
        %dma_wait3A_59 = arith.constant 9984 : i32
        %dma_wait3A_60 = arith.constant 0 : i32
        %dma_wait3A_61 = tpu.memref_slice %arg6[%arg0, %dma_wait3A_59, %dma_wait3A_60] : memref<2x10000x128xf32, #tpu.memory_space<hbm>> -> memref<1x16x128xf32, #tpu.memory_space<hbm>>
        %dma_wait3A_62 = tpu.memref_squeeze %dma_wait3A_61 : memref<1x16x128xf32, #tpu.memory_space<hbm>> -> memref<16x128xf32, #tpu.memory_space<hbm>>
        %dma_wait3A_63 = arith.constant 9984 : i32
        %dma_wait3A_64 = arith.constant 0 : i32
        %dma_wait3A_65 = tpu.memref_slice %arg10[%dma_wait3A_63, %dma_wait3A_64] : memref<10008x128xf32, #tpu.memory_space<vmem_shared>> -> memref<16x128xf32, #tpu.memory_space<vmem_shared>>
        tpu.wait_dma2 semaphore(%run_scoped3A : memref<!tpu.dma_semaphore, #tpu.memory_space<semaphore_mem>>) src(%dma_wait3A_65 : memref<16x128xf32, #tpu.memory_space<vmem_shared>>) dst(%dma_wait3A_62 : memref<16x128xf32, #tpu.memory_space<hbm>>)
        tpu.yield
      }) : () -> ()
    } else {
    }
    return
  }
}

#map = affine_map<(d0, d1) -> (0, 0)>
#map1 = affine_map<(d0, d1) -> (0, 0, 0)>
module attributes {stable_mosaic.version = 14 : i64} {
  func.func @_prop_kernel(%arg0: i32, %arg1: i32, %arg2: memref<10008x128xf32, #tpu.memory_space<hbm>>, %arg3: memref<32x125x80xi32, #tpu.memory_space<hbm>>, %arg4: memref<32x125x80xi32, #tpu.memory_space<hbm>>, %arg5: memref<10008x128xf32, #tpu.memory_space<hbm>>, %arg6: memref<2x10000x128xf32, #tpu.memory_space<hbm>>, %arg7: memref<125x80xi32, #tpu.memory_space<vmem>>, %arg8: memref<125x80xi32, #tpu.memory_space<vmem>>, %arg9: memref<80x128xf32, #tpu.memory_space<vmem>>, %arg10: memref<10008x128xf32, #tpu.memory_space<vmem_shared>>, %arg11: memref<!tpu.dma_semaphore, #tpu.memory_space<semaphore_mem>>, %arg12: memref<!tpu.dma_semaphore, #tpu.memory_space<semaphore_mem>>, %arg13: memref<!tpu.dma_semaphore, #tpu.memory_space<semaphore_mem>>) attributes {dimension_semantics = [#tpu.dimension_semantics<core_parallel>, #tpu.dimension_semantics<subcore_parallel>], iteration_bounds = array<i64: 2, 16>, scalar_prefetch = 0 : i64, scratch_operands = 7 : i64, tpu.core_type = #tpu.core_type<sc_vector_subcore>, window_params = [{transform_indices = #map}, {transform_indices = #map1}, {transform_indices = #map1}, {transform_indices = #map}, {transform_indices = #map1}]} {
    %mul3A = arith.constant 2 : i32
    %mul3A_0 = arith.muli %arg1, %mul3A : i32
    %add3A = arith.addi %mul3A_0, %arg0 : i32
    %dma_start3A = arith.constant 0 : i32
    %dma_start3A_1 = arith.constant 0 : i32
    %dma_start3A_2 = tpu.memref_slice %arg3[%add3A, %dma_start3A, %dma_start3A_1] : memref<32x125x80xi32, #tpu.memory_space<hbm>> -> memref<1x125x80xi32, #tpu.memory_space<hbm>>
    %dma_start3A_3 = tpu.memref_squeeze %dma_start3A_2 : memref<1x125x80xi32, #tpu.memory_space<hbm>> -> memref<125x80xi32, #tpu.memory_space<hbm>>
    %dma_start3A_4 = arith.constant 0 : i32
    %dma_start3A_5 = arith.constant 0 : i32
    %dma_start3A_6 = tpu.memref_slice %arg3[%add3A, %dma_start3A_4, %dma_start3A_5] : memref<32x125x80xi32, #tpu.memory_space<hbm>> -> memref<1x125x80xi32, #tpu.memory_space<hbm>>
    %dma_start3A_7 = tpu.memref_squeeze %dma_start3A_6 : memref<1x125x80xi32, #tpu.memory_space<hbm>> -> memref<125x80xi32, #tpu.memory_space<hbm>>
    tpu.enqueue_dma source(%dma_start3A_7 : memref<125x80xi32, #tpu.memory_space<hbm>>) target(%arg7 : memref<125x80xi32, #tpu.memory_space<vmem>>) target_semaphore(%arg11 : memref<!tpu.dma_semaphore, #tpu.memory_space<semaphore_mem>>)
    %dma_start3A_8 = arith.constant 0 : i32
    %dma_start3A_9 = arith.constant 0 : i32
    %dma_start3A_10 = tpu.memref_slice %arg4[%add3A, %dma_start3A_8, %dma_start3A_9] : memref<32x125x80xi32, #tpu.memory_space<hbm>> -> memref<1x125x80xi32, #tpu.memory_space<hbm>>
    %dma_start3A_11 = tpu.memref_squeeze %dma_start3A_10 : memref<1x125x80xi32, #tpu.memory_space<hbm>> -> memref<125x80xi32, #tpu.memory_space<hbm>>
    %dma_start3A_12 = arith.constant 0 : i32
    %dma_start3A_13 = arith.constant 0 : i32
    %dma_start3A_14 = tpu.memref_slice %arg4[%add3A, %dma_start3A_12, %dma_start3A_13] : memref<32x125x80xi32, #tpu.memory_space<hbm>> -> memref<1x125x80xi32, #tpu.memory_space<hbm>>
    %dma_start3A_15 = tpu.memref_squeeze %dma_start3A_14 : memref<1x125x80xi32, #tpu.memory_space<hbm>> -> memref<125x80xi32, #tpu.memory_space<hbm>>
    tpu.enqueue_dma source(%dma_start3A_15 : memref<125x80xi32, #tpu.memory_space<hbm>>) target(%arg8 : memref<125x80xi32, #tpu.memory_space<vmem>>) target_semaphore(%arg12 : memref<!tpu.dma_semaphore, #tpu.memory_space<semaphore_mem>>)
    %mul3A_16 = arith.constant 624 : i32
    %mul3A_17 = arith.muli %arg1, %mul3A_16 : i32
    %mul3A_18 = arith.constant 624 : i32
    %mul3A_19 = arith.muli %arg1, %mul3A_18 : i32
    "tpu.region"() ({
      %run_scoped3A = tpu.sem_alloc : memref<!tpu.dma_semaphore, #tpu.memory_space<semaphore_mem>>
      %dma_start3A_52 = arith.constant 0 : i32
      %dma_start3A_53 = tpu.memref_slice %arg10[%mul3A_19, %dma_start3A_52] : memref<10008x128xf32, #tpu.memory_space<vmem_shared>> -> memref<624x128xf32, #tpu.memory_space<vmem_shared>>
      %dma_start3A_54 = arith.constant 0 : i32
      %dma_start3A_55 = tpu.memref_slice %arg5[%mul3A_17, %dma_start3A_54] : memref<10008x128xf32, #tpu.memory_space<hbm>> -> memref<624x128xf32, #tpu.memory_space<hbm>>
      tpu.enqueue_dma source(%dma_start3A_55 : memref<624x128xf32, #tpu.memory_space<hbm>>) target(%dma_start3A_53 : memref<624x128xf32, #tpu.memory_space<vmem_shared>>) target_semaphore(%run_scoped3A : memref<!tpu.dma_semaphore, #tpu.memory_space<semaphore_mem>>)
      %dma_wait3A_56 = arith.constant 0 : i32
      %dma_wait3A_57 = tpu.memref_slice %arg10[%mul3A_19, %dma_wait3A_56] : memref<10008x128xf32, #tpu.memory_space<vmem_shared>> -> memref<624x128xf32, #tpu.memory_space<vmem_shared>>
      %dma_wait3A_58 = arith.constant 0 : i32
      %dma_wait3A_59 = tpu.memref_slice %arg5[%mul3A_17, %dma_wait3A_58] : memref<10008x128xf32, #tpu.memory_space<hbm>> -> memref<624x128xf32, #tpu.memory_space<hbm>>
      tpu.wait_dma2 semaphore(%run_scoped3A : memref<!tpu.dma_semaphore, #tpu.memory_space<semaphore_mem>>) src(%dma_wait3A_59 : memref<624x128xf32, #tpu.memory_space<hbm>>) dst(%dma_wait3A_57 : memref<624x128xf32, #tpu.memory_space<vmem_shared>>)
      tpu.yield
    }) : () -> ()
    %eq3A = arith.constant 15 : i32
    %eq3A_20 = arith.cmpi eq, %arg1, %eq3A : i32
    %convert_element_type3A = arith.extui %eq3A_20 : i1 to i32
    %cond3A = arith.constant 0 : i32
    %cond3A_21 = arith.cmpi ne, %convert_element_type3A, %cond3A : i32
    scf.if %cond3A_21 {
      "tpu.region"() ({
        %run_scoped3A = tpu.sem_alloc : memref<!tpu.dma_semaphore, #tpu.memory_space<semaphore_mem>>
        %dma_start3A_52 = arith.constant 9984 : i32
        %dma_start3A_53 = arith.constant 0 : i32
        %dma_start3A_54 = tpu.memref_slice %arg10[%dma_start3A_52, %dma_start3A_53] : memref<10008x128xf32, #tpu.memory_space<vmem_shared>> -> memref<24x128xf32, #tpu.memory_space<vmem_shared>>
        %dma_start3A_55 = arith.constant 9984 : i32
        %dma_start3A_56 = arith.constant 0 : i32
        %dma_start3A_57 = tpu.memref_slice %arg5[%dma_start3A_55, %dma_start3A_56] : memref<10008x128xf32, #tpu.memory_space<hbm>> -> memref<24x128xf32, #tpu.memory_space<hbm>>
        tpu.enqueue_dma source(%dma_start3A_57 : memref<24x128xf32, #tpu.memory_space<hbm>>) target(%dma_start3A_54 : memref<24x128xf32, #tpu.memory_space<vmem_shared>>) target_semaphore(%run_scoped3A : memref<!tpu.dma_semaphore, #tpu.memory_space<semaphore_mem>>)
        %dma_wait3A_58 = arith.constant 9984 : i32
        %dma_wait3A_59 = arith.constant 0 : i32
        %dma_wait3A_60 = tpu.memref_slice %arg10[%dma_wait3A_58, %dma_wait3A_59] : memref<10008x128xf32, #tpu.memory_space<vmem_shared>> -> memref<24x128xf32, #tpu.memory_space<vmem_shared>>
        %dma_wait3A_61 = arith.constant 9984 : i32
        %dma_wait3A_62 = arith.constant 0 : i32
        %dma_wait3A_63 = tpu.memref_slice %arg5[%dma_wait3A_61, %dma_wait3A_62] : memref<10008x128xf32, #tpu.memory_space<hbm>> -> memref<24x128xf32, #tpu.memory_space<hbm>>
        tpu.wait_dma2 semaphore(%run_scoped3A : memref<!tpu.dma_semaphore, #tpu.memory_space<semaphore_mem>>) src(%dma_wait3A_63 : memref<24x128xf32, #tpu.memory_space<hbm>>) dst(%dma_wait3A_60 : memref<24x128xf32, #tpu.memory_space<vmem_shared>>)
        tpu.yield
      }) : () -> ()
    } else {
    }
    %dma_wait3A = arith.constant 0 : i32
    %dma_wait3A_22 = arith.constant 0 : i32
    %dma_wait3A_23 = tpu.memref_slice %arg3[%add3A, %dma_wait3A, %dma_wait3A_22] : memref<32x125x80xi32, #tpu.memory_space<hbm>> -> memref<1x125x80xi32, #tpu.memory_space<hbm>>
    %dma_wait3A_24 = tpu.memref_squeeze %dma_wait3A_23 : memref<1x125x80xi32, #tpu.memory_space<hbm>> -> memref<125x80xi32, #tpu.memory_space<hbm>>
    %dma_wait3A_25 = arith.constant 0 : i32
    %dma_wait3A_26 = arith.constant 0 : i32
    %dma_wait3A_27 = tpu.memref_slice %arg3[%add3A, %dma_wait3A_25, %dma_wait3A_26] : memref<32x125x80xi32, #tpu.memory_space<hbm>> -> memref<1x125x80xi32, #tpu.memory_space<hbm>>
    %dma_wait3A_28 = tpu.memref_squeeze %dma_wait3A_27 : memref<1x125x80xi32, #tpu.memory_space<hbm>> -> memref<125x80xi32, #tpu.memory_space<hbm>>
    tpu.wait_dma2 semaphore(%arg11 : memref<!tpu.dma_semaphore, #tpu.memory_space<semaphore_mem>>) src(%dma_wait3A_28 : memref<125x80xi32, #tpu.memory_space<hbm>>) dst(%arg7 : memref<125x80xi32, #tpu.memory_space<vmem>>)
    %dma_wait3A_29 = arith.constant 0 : i32
    %dma_wait3A_30 = arith.constant 0 : i32
    %dma_wait3A_31 = tpu.memref_slice %arg4[%add3A, %dma_wait3A_29, %dma_wait3A_30] : memref<32x125x80xi32, #tpu.memory_space<hbm>> -> memref<1x125x80xi32, #tpu.memory_space<hbm>>
    %dma_wait3A_32 = tpu.memref_squeeze %dma_wait3A_31 : memref<1x125x80xi32, #tpu.memory_space<hbm>> -> memref<125x80xi32, #tpu.memory_space<hbm>>
    %dma_wait3A_33 = arith.constant 0 : i32
    %dma_wait3A_34 = arith.constant 0 : i32
    %dma_wait3A_35 = tpu.memref_slice %arg4[%add3A, %dma_wait3A_33, %dma_wait3A_34] : memref<32x125x80xi32, #tpu.memory_space<hbm>> -> memref<1x125x80xi32, #tpu.memory_space<hbm>>
    %dma_wait3A_36 = tpu.memref_squeeze %dma_wait3A_35 : memref<1x125x80xi32, #tpu.memory_space<hbm>> -> memref<125x80xi32, #tpu.memory_space<hbm>>
    tpu.wait_dma2 semaphore(%arg12 : memref<!tpu.dma_semaphore, #tpu.memory_space<semaphore_mem>>) src(%dma_wait3A_36 : memref<125x80xi32, #tpu.memory_space<hbm>>) dst(%arg8 : memref<125x80xi32, #tpu.memory_space<vmem>>)
    %barrier3A = arith.constant 0 : index
    tpu.barrier barrier_id(%barrier3A)
    %scan3A = arith.constant 0 : i32
    %scan3A_37 = arith.constant 0 : i32
    %scan3A_38 = arith.constant 125 : i32
    %scan3A_39 = arith.addi %scan3A_37, %scan3A_38 : i32
    %scan3A_40 = arith.constant 1 : i32
    scf.for %scan3A_52 = %scan3A_37 to %scan3A_39 step %scan3A_40  : i32 {
      %dma_start3A_53 = arith.constant 0 : i32
      %dma_start3A_54 = tpu.memref_slice %arg7[%scan3A_52, %dma_start3A_53] : memref<125x80xi32, #tpu.memory_space<vmem>> -> memref<1x80xi32, #tpu.memory_space<vmem>>
      %dma_start3A_55 = tpu.memref_squeeze %dma_start3A_54 : memref<1x80xi32, #tpu.memory_space<vmem>> -> memref<80xi32, #tpu.memory_space<vmem>>
      %dma_start3A_56 = arith.constant 0 : i32
      %dma_start3A_57 = arith.constant 0 : i32
      %dma_start3A_58 = tpu.memref_slice %arg2[%dma_start3A_56, %dma_start3A_57] : memref<10008x128xf32, #tpu.memory_space<hbm>> -> memref<10008x128xf32, #tpu.memory_space<hbm>>
      tpu.enqueue_indirect_dma source(%dma_start3A_58 : memref<10008x128xf32, #tpu.memory_space<hbm>>) target(%arg9 : memref<80x128xf32, #tpu.memory_space<vmem>>) offsets(%dma_start3A_55 : memref<80xi32, #tpu.memory_space<vmem>>) semaphore(%arg13 : memref<!tpu.dma_semaphore, #tpu.memory_space<semaphore_mem>>)
      %dma_wait3A_59 = arith.constant 0 : i32
      %dma_wait3A_60 = tpu.memref_slice %arg7[%scan3A_52, %dma_wait3A_59] : memref<125x80xi32, #tpu.memory_space<vmem>> -> memref<1x80xi32, #tpu.memory_space<vmem>>
      %dma_wait3A_61 = tpu.memref_squeeze %dma_wait3A_60 : memref<1x80xi32, #tpu.memory_space<vmem>> -> memref<80xi32, #tpu.memory_space<vmem>>
      %dma_wait3A_62 = arith.constant 0 : i32
      %dma_wait3A_63 = arith.constant 0 : i32
      %dma_wait3A_64 = tpu.memref_slice %arg2[%dma_wait3A_62, %dma_wait3A_63] : memref<10008x128xf32, #tpu.memory_space<hbm>> -> memref<10008x128xf32, #tpu.memory_space<hbm>>
      tpu.wait_indirect_dma semaphore(%arg13 : memref<!tpu.dma_semaphore, #tpu.memory_space<semaphore_mem>>) src(%dma_wait3A_64 : memref<10008x128xf32, #tpu.memory_space<hbm>>) dst(%arg9 : memref<80x128xf32, #tpu.memory_space<vmem>>)
      "tpu.region"() ({
        %run_scoped3A = tpu.sem_alloc : memref<!tpu.dma_semaphore, #tpu.memory_space<semaphore_mem>>
        %dma_start3A_65 = arith.constant 0 : i32
        %dma_start3A_66 = tpu.memref_slice %arg8[%scan3A_52, %dma_start3A_65] : memref<125x80xi32, #tpu.memory_space<vmem>> -> memref<1x80xi32, #tpu.memory_space<vmem>>
        %dma_start3A_67 = tpu.memref_squeeze %dma_start3A_66 : memref<1x80xi32, #tpu.memory_space<vmem>> -> memref<80xi32, #tpu.memory_space<vmem>>
        %dma_start3A_68 = arith.constant 0 : i32
        %dma_start3A_69 = arith.constant 0 : i32
        %dma_start3A_70 = tpu.memref_slice %arg10[%dma_start3A_68, %dma_start3A_69] : memref<10008x128xf32, #tpu.memory_space<vmem_shared>> -> memref<10008x128xf32, #tpu.memory_space<vmem_shared>>
        tpu.enqueue_indirect_dma source(%arg9 : memref<80x128xf32, #tpu.memory_space<vmem>>) target(%dma_start3A_70 : memref<10008x128xf32, #tpu.memory_space<vmem_shared>>) offsets(%dma_start3A_67 : memref<80xi32, #tpu.memory_space<vmem>>) semaphore(%run_scoped3A : memref<!tpu.dma_semaphore, #tpu.memory_space<semaphore_mem>>) {add = true}
        %dma_wait3A_71 = arith.constant 0 : i32
        %dma_wait3A_72 = tpu.memref_slice %arg8[%scan3A_52, %dma_wait3A_71] : memref<125x80xi32, #tpu.memory_space<vmem>> -> memref<1x80xi32, #tpu.memory_space<vmem>>
        %dma_wait3A_73 = tpu.memref_squeeze %dma_wait3A_72 : memref<1x80xi32, #tpu.memory_space<vmem>> -> memref<80xi32, #tpu.memory_space<vmem>>
        %dma_wait3A_74 = arith.constant 0 : i32
        %dma_wait3A_75 = arith.constant 0 : i32
        %dma_wait3A_76 = tpu.memref_slice %arg10[%dma_wait3A_74, %dma_wait3A_75] : memref<10008x128xf32, #tpu.memory_space<vmem_shared>> -> memref<10008x128xf32, #tpu.memory_space<vmem_shared>>
        tpu.wait_indirect_dma semaphore(%run_scoped3A : memref<!tpu.dma_semaphore, #tpu.memory_space<semaphore_mem>>) src(%arg9 : memref<80x128xf32, #tpu.memory_space<vmem>>) dst(%dma_wait3A_76 : memref<10008x128xf32, #tpu.memory_space<vmem_shared>>)
        tpu.yield
      }) : () -> ()
    }
    %scan3A_41 = arith.constant 125 : i32
    %barrier3A_42 = arith.constant 0 : index
    tpu.barrier barrier_id(%barrier3A_42)
    %mul3A_43 = arith.constant 624 : i32
    %mul3A_44 = arith.muli %arg1, %mul3A_43 : i32
    %mul3A_45 = arith.constant 624 : i32
    %mul3A_46 = arith.muli %arg1, %mul3A_45 : i32
    "tpu.region"() ({
      %run_scoped3A = tpu.sem_alloc : memref<!tpu.dma_semaphore, #tpu.memory_space<semaphore_mem>>
      %dma_start3A_52 = arith.constant 0 : i32
      %dma_start3A_53 = tpu.memref_slice %arg6[%arg0, %mul3A_46, %dma_start3A_52] : memref<2x10000x128xf32, #tpu.memory_space<hbm>> -> memref<1x624x128xf32, #tpu.memory_space<hbm>>
      %dma_start3A_54 = tpu.memref_squeeze %dma_start3A_53 : memref<1x624x128xf32, #tpu.memory_space<hbm>> -> memref<624x128xf32, #tpu.memory_space<hbm>>
      %dma_start3A_55 = arith.constant 0 : i32
      %dma_start3A_56 = tpu.memref_slice %arg10[%mul3A_44, %dma_start3A_55] : memref<10008x128xf32, #tpu.memory_space<vmem_shared>> -> memref<624x128xf32, #tpu.memory_space<vmem_shared>>
      tpu.enqueue_dma source(%dma_start3A_56 : memref<624x128xf32, #tpu.memory_space<vmem_shared>>) target(%dma_start3A_54 : memref<624x128xf32, #tpu.memory_space<hbm>>) target_semaphore(%run_scoped3A : memref<!tpu.dma_semaphore, #tpu.memory_space<semaphore_mem>>)
      %dma_wait3A_57 = arith.constant 0 : i32
      %dma_wait3A_58 = tpu.memref_slice %arg6[%arg0, %mul3A_46, %dma_wait3A_57] : memref<2x10000x128xf32, #tpu.memory_space<hbm>> -> memref<1x624x128xf32, #tpu.memory_space<hbm>>
      %dma_wait3A_59 = tpu.memref_squeeze %dma_wait3A_58 : memref<1x624x128xf32, #tpu.memory_space<hbm>> -> memref<624x128xf32, #tpu.memory_space<hbm>>
      %dma_wait3A_60 = arith.constant 0 : i32
      %dma_wait3A_61 = tpu.memref_slice %arg10[%mul3A_44, %dma_wait3A_60] : memref<10008x128xf32, #tpu.memory_space<vmem_shared>> -> memref<624x128xf32, #tpu.memory_space<vmem_shared>>
      tpu.wait_dma2 semaphore(%run_scoped3A : memref<!tpu.dma_semaphore, #tpu.memory_space<semaphore_mem>>) src(%dma_wait3A_61 : memref<624x128xf32, #tpu.memory_space<vmem_shared>>) dst(%dma_wait3A_59 : memref<624x128xf32, #tpu.memory_space<hbm>>)
      tpu.yield
    }) : () -> ()
    %eq3A_47 = arith.constant 15 : i32
    %eq3A_48 = arith.cmpi eq, %arg1, %eq3A_47 : i32
    %convert_element_type3A_49 = arith.extui %eq3A_48 : i1 to i32
    %cond3A_50 = arith.constant 0 : i32
    %cond3A_51 = arith.cmpi ne, %convert_element_type3A_49, %cond3A_50 : i32
    scf.if %cond3A_51 {
      "tpu.region"() ({
        %run_scoped3A = tpu.sem_alloc : memref<!tpu.dma_semaphore, #tpu.memory_space<semaphore_mem>>
        %dma_start3A_52 = arith.constant 9984 : i32
        %dma_start3A_53 = arith.constant 0 : i32
        %dma_start3A_54 = tpu.memref_slice %arg6[%arg0, %dma_start3A_52, %dma_start3A_53] : memref<2x10000x128xf32, #tpu.memory_space<hbm>> -> memref<1x16x128xf32, #tpu.memory_space<hbm>>
        %dma_start3A_55 = tpu.memref_squeeze %dma_start3A_54 : memref<1x16x128xf32, #tpu.memory_space<hbm>> -> memref<16x128xf32, #tpu.memory_space<hbm>>
        %dma_start3A_56 = arith.constant 9984 : i32
        %dma_start3A_57 = arith.constant 0 : i32
        %dma_start3A_58 = tpu.memref_slice %arg10[%dma_start3A_56, %dma_start3A_57] : memref<10008x128xf32, #tpu.memory_space<vmem_shared>> -> memref<16x128xf32, #tpu.memory_space<vmem_shared>>
        tpu.enqueue_dma source(%dma_start3A_58 : memref<16x128xf32, #tpu.memory_space<vmem_shared>>) target(%dma_start3A_55 : memref<16x128xf32, #tpu.memory_space<hbm>>) target_semaphore(%run_scoped3A : memref<!tpu.dma_semaphore, #tpu.memory_space<semaphore_mem>>)
        %dma_wait3A_59 = arith.constant 9984 : i32
        %dma_wait3A_60 = arith.constant 0 : i32
        %dma_wait3A_61 = tpu.memref_slice %arg6[%arg0, %dma_wait3A_59, %dma_wait3A_60] : memref<2x10000x128xf32, #tpu.memory_space<hbm>> -> memref<1x16x128xf32, #tpu.memory_space<hbm>>
        %dma_wait3A_62 = tpu.memref_squeeze %dma_wait3A_61 : memref<1x16x128xf32, #tpu.memory_space<hbm>> -> memref<16x128xf32, #tpu.memory_space<hbm>>
        %dma_wait3A_63 = arith.constant 9984 : i32
        %dma_wait3A_64 = arith.constant 0 : i32
        %dma_wait3A_65 = tpu.memref_slice %arg10[%dma_wait3A_63, %dma_wait3A_64] : memref<10008x128xf32, #tpu.memory_space<vmem_shared>> -> memref<16x128xf32, #tpu.memory_space<vmem_shared>>
        tpu.wait_dma2 semaphore(%run_scoped3A : memref<!tpu.dma_semaphore, #tpu.memory_space<semaphore_mem>>) src(%dma_wait3A_65 : memref<16x128xf32, #tpu.memory_space<vmem_shared>>) dst(%dma_wait3A_62 : memref<16x128xf32, #tpu.memory_space<hbm>>)
        tpu.yield
      }) : () -> ()
    } else {
    }
    return
  }
}

#map = affine_map<(d0, d1) -> (0, 0)>
#map1 = affine_map<(d0, d1) -> (0, 0, 0)>
module attributes {stable_mosaic.version = 14 : i64} {
  func.func @_prop_kernel(%arg0: i32, %arg1: i32, %arg2: memref<10008x128xf32, #tpu.memory_space<hbm>>, %arg3: memref<32x125x80xi32, #tpu.memory_space<hbm>>, %arg4: memref<32x125x80xi32, #tpu.memory_space<hbm>>, %arg5: memref<10008x128xf32, #tpu.memory_space<hbm>>, %arg6: memref<2x10000x128xf32, #tpu.memory_space<hbm>>, %arg7: memref<125x80xi32, #tpu.memory_space<vmem>>, %arg8: memref<125x80xi32, #tpu.memory_space<vmem>>, %arg9: memref<80x128xf32, #tpu.memory_space<vmem>>, %arg10: memref<10008x128xf32, #tpu.memory_space<vmem_shared>>, %arg11: memref<!tpu.dma_semaphore, #tpu.memory_space<semaphore_mem>>, %arg12: memref<!tpu.dma_semaphore, #tpu.memory_space<semaphore_mem>>, %arg13: memref<!tpu.dma_semaphore, #tpu.memory_space<semaphore_mem>>) attributes {dimension_semantics = [#tpu.dimension_semantics<core_parallel>, #tpu.dimension_semantics<subcore_parallel>], iteration_bounds = array<i64: 2, 16>, scalar_prefetch = 0 : i64, scratch_operands = 7 : i64, tpu.core_type = #tpu.core_type<sc_vector_subcore>, window_params = [{transform_indices = #map}, {transform_indices = #map1}, {transform_indices = #map1}, {transform_indices = #map}, {transform_indices = #map1}]} {
    %mul3A = arith.constant 2 : i32
    %mul3A_0 = arith.muli %arg1, %mul3A : i32
    %add3A = arith.addi %mul3A_0, %arg0 : i32
    %dma_start3A = arith.constant 0 : i32
    %dma_start3A_1 = arith.constant 0 : i32
    %dma_start3A_2 = tpu.memref_slice %arg3[%add3A, %dma_start3A, %dma_start3A_1] : memref<32x125x80xi32, #tpu.memory_space<hbm>> -> memref<1x125x80xi32, #tpu.memory_space<hbm>>
    %dma_start3A_3 = tpu.memref_squeeze %dma_start3A_2 : memref<1x125x80xi32, #tpu.memory_space<hbm>> -> memref<125x80xi32, #tpu.memory_space<hbm>>
    %dma_start3A_4 = arith.constant 0 : i32
    %dma_start3A_5 = arith.constant 0 : i32
    %dma_start3A_6 = tpu.memref_slice %arg3[%add3A, %dma_start3A_4, %dma_start3A_5] : memref<32x125x80xi32, #tpu.memory_space<hbm>> -> memref<1x125x80xi32, #tpu.memory_space<hbm>>
    %dma_start3A_7 = tpu.memref_squeeze %dma_start3A_6 : memref<1x125x80xi32, #tpu.memory_space<hbm>> -> memref<125x80xi32, #tpu.memory_space<hbm>>
    tpu.enqueue_dma source(%dma_start3A_7 : memref<125x80xi32, #tpu.memory_space<hbm>>) target(%arg7 : memref<125x80xi32, #tpu.memory_space<vmem>>) target_semaphore(%arg11 : memref<!tpu.dma_semaphore, #tpu.memory_space<semaphore_mem>>)
    %dma_start3A_8 = arith.constant 0 : i32
    %dma_start3A_9 = arith.constant 0 : i32
    %dma_start3A_10 = tpu.memref_slice %arg4[%add3A, %dma_start3A_8, %dma_start3A_9] : memref<32x125x80xi32, #tpu.memory_space<hbm>> -> memref<1x125x80xi32, #tpu.memory_space<hbm>>
    %dma_start3A_11 = tpu.memref_squeeze %dma_start3A_10 : memref<1x125x80xi32, #tpu.memory_space<hbm>> -> memref<125x80xi32, #tpu.memory_space<hbm>>
    %dma_start3A_12 = arith.constant 0 : i32
    %dma_start3A_13 = arith.constant 0 : i32
    %dma_start3A_14 = tpu.memref_slice %arg4[%add3A, %dma_start3A_12, %dma_start3A_13] : memref<32x125x80xi32, #tpu.memory_space<hbm>> -> memref<1x125x80xi32, #tpu.memory_space<hbm>>
    %dma_start3A_15 = tpu.memref_squeeze %dma_start3A_14 : memref<1x125x80xi32, #tpu.memory_space<hbm>> -> memref<125x80xi32, #tpu.memory_space<hbm>>
    tpu.enqueue_dma source(%dma_start3A_15 : memref<125x80xi32, #tpu.memory_space<hbm>>) target(%arg8 : memref<125x80xi32, #tpu.memory_space<vmem>>) target_semaphore(%arg12 : memref<!tpu.dma_semaphore, #tpu.memory_space<semaphore_mem>>)
    %mul3A_16 = arith.constant 624 : i32
    %mul3A_17 = arith.muli %arg1, %mul3A_16 : i32
    %mul3A_18 = arith.constant 624 : i32
    %mul3A_19 = arith.muli %arg1, %mul3A_18 : i32
    "tpu.region"() ({
      %run_scoped3A = tpu.sem_alloc : memref<!tpu.dma_semaphore, #tpu.memory_space<semaphore_mem>>
      %dma_start3A_52 = arith.constant 0 : i32
      %dma_start3A_53 = tpu.memref_slice %arg10[%mul3A_19, %dma_start3A_52] : memref<10008x128xf32, #tpu.memory_space<vmem_shared>> -> memref<624x128xf32, #tpu.memory_space<vmem_shared>>
      %dma_start3A_54 = arith.constant 0 : i32
      %dma_start3A_55 = tpu.memref_slice %arg5[%mul3A_17, %dma_start3A_54] : memref<10008x128xf32, #tpu.memory_space<hbm>> -> memref<624x128xf32, #tpu.memory_space<hbm>>
      tpu.enqueue_dma source(%dma_start3A_55 : memref<624x128xf32, #tpu.memory_space<hbm>>) target(%dma_start3A_53 : memref<624x128xf32, #tpu.memory_space<vmem_shared>>) target_semaphore(%run_scoped3A : memref<!tpu.dma_semaphore, #tpu.memory_space<semaphore_mem>>)
      %dma_wait3A_56 = arith.constant 0 : i32
      %dma_wait3A_57 = tpu.memref_slice %arg10[%mul3A_19, %dma_wait3A_56] : memref<10008x128xf32, #tpu.memory_space<vmem_shared>> -> memref<624x128xf32, #tpu.memory_space<vmem_shared>>
      %dma_wait3A_58 = arith.constant 0 : i32
      %dma_wait3A_59 = tpu.memref_slice %arg5[%mul3A_17, %dma_wait3A_58] : memref<10008x128xf32, #tpu.memory_space<hbm>> -> memref<624x128xf32, #tpu.memory_space<hbm>>
      tpu.wait_dma2 semaphore(%run_scoped3A : memref<!tpu.dma_semaphore, #tpu.memory_space<semaphore_mem>>) src(%dma_wait3A_59 : memref<624x128xf32, #tpu.memory_space<hbm>>) dst(%dma_wait3A_57 : memref<624x128xf32, #tpu.memory_space<vmem_shared>>)
      tpu.yield
    }) : () -> ()
    %eq3A = arith.constant 15 : i32
    %eq3A_20 = arith.cmpi eq, %arg1, %eq3A : i32
    %convert_element_type3A = arith.extui %eq3A_20 : i1 to i32
    %cond3A = arith.constant 0 : i32
    %cond3A_21 = arith.cmpi ne, %convert_element_type3A, %cond3A : i32
    scf.if %cond3A_21 {
      "tpu.region"() ({
        %run_scoped3A = tpu.sem_alloc : memref<!tpu.dma_semaphore, #tpu.memory_space<semaphore_mem>>
        %dma_start3A_52 = arith.constant 9984 : i32
        %dma_start3A_53 = arith.constant 0 : i32
        %dma_start3A_54 = tpu.memref_slice %arg10[%dma_start3A_52, %dma_start3A_53] : memref<10008x128xf32, #tpu.memory_space<vmem_shared>> -> memref<24x128xf32, #tpu.memory_space<vmem_shared>>
        %dma_start3A_55 = arith.constant 9984 : i32
        %dma_start3A_56 = arith.constant 0 : i32
        %dma_start3A_57 = tpu.memref_slice %arg5[%dma_start3A_55, %dma_start3A_56] : memref<10008x128xf32, #tpu.memory_space<hbm>> -> memref<24x128xf32, #tpu.memory_space<hbm>>
        tpu.enqueue_dma source(%dma_start3A_57 : memref<24x128xf32, #tpu.memory_space<hbm>>) target(%dma_start3A_54 : memref<24x128xf32, #tpu.memory_space<vmem_shared>>) target_semaphore(%run_scoped3A : memref<!tpu.dma_semaphore, #tpu.memory_space<semaphore_mem>>)
        %dma_wait3A_58 = arith.constant 9984 : i32
        %dma_wait3A_59 = arith.constant 0 : i32
        %dma_wait3A_60 = tpu.memref_slice %arg10[%dma_wait3A_58, %dma_wait3A_59] : memref<10008x128xf32, #tpu.memory_space<vmem_shared>> -> memref<24x128xf32, #tpu.memory_space<vmem_shared>>
        %dma_wait3A_61 = arith.constant 9984 : i32
        %dma_wait3A_62 = arith.constant 0 : i32
        %dma_wait3A_63 = tpu.memref_slice %arg5[%dma_wait3A_61, %dma_wait3A_62] : memref<10008x128xf32, #tpu.memory_space<hbm>> -> memref<24x128xf32, #tpu.memory_space<hbm>>
        tpu.wait_dma2 semaphore(%run_scoped3A : memref<!tpu.dma_semaphore, #tpu.memory_space<semaphore_mem>>) src(%dma_wait3A_63 : memref<24x128xf32, #tpu.memory_space<hbm>>) dst(%dma_wait3A_60 : memref<24x128xf32, #tpu.memory_space<vmem_shared>>)
        tpu.yield
      }) : () -> ()
    } else {
    }
    %dma_wait3A = arith.constant 0 : i32
    %dma_wait3A_22 = arith.constant 0 : i32
    %dma_wait3A_23 = tpu.memref_slice %arg3[%add3A, %dma_wait3A, %dma_wait3A_22] : memref<32x125x80xi32, #tpu.memory_space<hbm>> -> memref<1x125x80xi32, #tpu.memory_space<hbm>>
    %dma_wait3A_24 = tpu.memref_squeeze %dma_wait3A_23 : memref<1x125x80xi32, #tpu.memory_space<hbm>> -> memref<125x80xi32, #tpu.memory_space<hbm>>
    %dma_wait3A_25 = arith.constant 0 : i32
    %dma_wait3A_26 = arith.constant 0 : i32
    %dma_wait3A_27 = tpu.memref_slice %arg3[%add3A, %dma_wait3A_25, %dma_wait3A_26] : memref<32x125x80xi32, #tpu.memory_space<hbm>> -> memref<1x125x80xi32, #tpu.memory_space<hbm>>
    %dma_wait3A_28 = tpu.memref_squeeze %dma_wait3A_27 : memref<1x125x80xi32, #tpu.memory_space<hbm>> -> memref<125x80xi32, #tpu.memory_space<hbm>>
    tpu.wait_dma2 semaphore(%arg11 : memref<!tpu.dma_semaphore, #tpu.memory_space<semaphore_mem>>) src(%dma_wait3A_28 : memref<125x80xi32, #tpu.memory_space<hbm>>) dst(%arg7 : memref<125x80xi32, #tpu.memory_space<vmem>>)
    %dma_wait3A_29 = arith.constant 0 : i32
    %dma_wait3A_30 = arith.constant 0 : i32
    %dma_wait3A_31 = tpu.memref_slice %arg4[%add3A, %dma_wait3A_29, %dma_wait3A_30] : memref<32x125x80xi32, #tpu.memory_space<hbm>> -> memref<1x125x80xi32, #tpu.memory_space<hbm>>
    %dma_wait3A_32 = tpu.memref_squeeze %dma_wait3A_31 : memref<1x125x80xi32, #tpu.memory_space<hbm>> -> memref<125x80xi32, #tpu.memory_space<hbm>>
    %dma_wait3A_33 = arith.constant 0 : i32
    %dma_wait3A_34 = arith.constant 0 : i32
    %dma_wait3A_35 = tpu.memref_slice %arg4[%add3A, %dma_wait3A_33, %dma_wait3A_34] : memref<32x125x80xi32, #tpu.memory_space<hbm>> -> memref<1x125x80xi32, #tpu.memory_space<hbm>>
    %dma_wait3A_36 = tpu.memref_squeeze %dma_wait3A_35 : memref<1x125x80xi32, #tpu.memory_space<hbm>> -> memref<125x80xi32, #tpu.memory_space<hbm>>
    tpu.wait_dma2 semaphore(%arg12 : memref<!tpu.dma_semaphore, #tpu.memory_space<semaphore_mem>>) src(%dma_wait3A_36 : memref<125x80xi32, #tpu.memory_space<hbm>>) dst(%arg8 : memref<125x80xi32, #tpu.memory_space<vmem>>)
    %barrier3A = arith.constant 0 : index
    tpu.barrier barrier_id(%barrier3A)
    %scan3A = arith.constant 0 : i32
    %scan3A_37 = arith.constant 0 : i32
    %scan3A_38 = arith.constant 125 : i32
    %scan3A_39 = arith.addi %scan3A_37, %scan3A_38 : i32
    %scan3A_40 = arith.constant 1 : i32
    scf.for %scan3A_52 = %scan3A_37 to %scan3A_39 step %scan3A_40  : i32 {
      %dma_start3A_53 = arith.constant 0 : i32
      %dma_start3A_54 = tpu.memref_slice %arg7[%scan3A_52, %dma_start3A_53] : memref<125x80xi32, #tpu.memory_space<vmem>> -> memref<1x80xi32, #tpu.memory_space<vmem>>
      %dma_start3A_55 = tpu.memref_squeeze %dma_start3A_54 : memref<1x80xi32, #tpu.memory_space<vmem>> -> memref<80xi32, #tpu.memory_space<vmem>>
      %dma_start3A_56 = arith.constant 0 : i32
      %dma_start3A_57 = arith.constant 0 : i32
      %dma_start3A_58 = tpu.memref_slice %arg2[%dma_start3A_56, %dma_start3A_57] : memref<10008x128xf32, #tpu.memory_space<hbm>> -> memref<10008x128xf32, #tpu.memory_space<hbm>>
      tpu.enqueue_indirect_dma source(%dma_start3A_58 : memref<10008x128xf32, #tpu.memory_space<hbm>>) target(%arg9 : memref<80x128xf32, #tpu.memory_space<vmem>>) offsets(%dma_start3A_55 : memref<80xi32, #tpu.memory_space<vmem>>) semaphore(%arg13 : memref<!tpu.dma_semaphore, #tpu.memory_space<semaphore_mem>>)
      %dma_wait3A_59 = arith.constant 0 : i32
      %dma_wait3A_60 = tpu.memref_slice %arg7[%scan3A_52, %dma_wait3A_59] : memref<125x80xi32, #tpu.memory_space<vmem>> -> memref<1x80xi32, #tpu.memory_space<vmem>>
      %dma_wait3A_61 = tpu.memref_squeeze %dma_wait3A_60 : memref<1x80xi32, #tpu.memory_space<vmem>> -> memref<80xi32, #tpu.memory_space<vmem>>
      %dma_wait3A_62 = arith.constant 0 : i32
      %dma_wait3A_63 = arith.constant 0 : i32
      %dma_wait3A_64 = tpu.memref_slice %arg2[%dma_wait3A_62, %dma_wait3A_63] : memref<10008x128xf32, #tpu.memory_space<hbm>> -> memref<10008x128xf32, #tpu.memory_space<hbm>>
      tpu.wait_indirect_dma semaphore(%arg13 : memref<!tpu.dma_semaphore, #tpu.memory_space<semaphore_mem>>) src(%dma_wait3A_64 : memref<10008x128xf32, #tpu.memory_space<hbm>>) dst(%arg9 : memref<80x128xf32, #tpu.memory_space<vmem>>)
      "tpu.region"() ({
        %run_scoped3A = tpu.sem_alloc : memref<!tpu.dma_semaphore, #tpu.memory_space<semaphore_mem>>
        %dma_start3A_65 = arith.constant 0 : i32
        %dma_start3A_66 = tpu.memref_slice %arg8[%scan3A_52, %dma_start3A_65] : memref<125x80xi32, #tpu.memory_space<vmem>> -> memref<1x80xi32, #tpu.memory_space<vmem>>
        %dma_start3A_67 = tpu.memref_squeeze %dma_start3A_66 : memref<1x80xi32, #tpu.memory_space<vmem>> -> memref<80xi32, #tpu.memory_space<vmem>>
        %dma_start3A_68 = arith.constant 0 : i32
        %dma_start3A_69 = arith.constant 0 : i32
        %dma_start3A_70 = tpu.memref_slice %arg10[%dma_start3A_68, %dma_start3A_69] : memref<10008x128xf32, #tpu.memory_space<vmem_shared>> -> memref<10008x128xf32, #tpu.memory_space<vmem_shared>>
        tpu.enqueue_indirect_dma source(%arg9 : memref<80x128xf32, #tpu.memory_space<vmem>>) target(%dma_start3A_70 : memref<10008x128xf32, #tpu.memory_space<vmem_shared>>) offsets(%dma_start3A_67 : memref<80xi32, #tpu.memory_space<vmem>>) semaphore(%run_scoped3A : memref<!tpu.dma_semaphore, #tpu.memory_space<semaphore_mem>>) {add = true}
        %dma_wait3A_71 = arith.constant 0 : i32
        %dma_wait3A_72 = tpu.memref_slice %arg8[%scan3A_52, %dma_wait3A_71] : memref<125x80xi32, #tpu.memory_space<vmem>> -> memref<1x80xi32, #tpu.memory_space<vmem>>
        %dma_wait3A_73 = tpu.memref_squeeze %dma_wait3A_72 : memref<1x80xi32, #tpu.memory_space<vmem>> -> memref<80xi32, #tpu.memory_space<vmem>>
        %dma_wait3A_74 = arith.constant 0 : i32
        %dma_wait3A_75 = arith.constant 0 : i32
        %dma_wait3A_76 = tpu.memref_slice %arg10[%dma_wait3A_74, %dma_wait3A_75] : memref<10008x128xf32, #tpu.memory_space<vmem_shared>> -> memref<10008x128xf32, #tpu.memory_space<vmem_shared>>
        tpu.wait_indirect_dma semaphore(%run_scoped3A : memref<!tpu.dma_semaphore, #tpu.memory_space<semaphore_mem>>) src(%arg9 : memref<80x128xf32, #tpu.memory_space<vmem>>) dst(%dma_wait3A_76 : memref<10008x128xf32, #tpu.memory_space<vmem_shared>>)
        tpu.yield
      }) : () -> ()
    }
    %scan3A_41 = arith.constant 125 : i32
    %barrier3A_42 = arith.constant 0 : index
    tpu.barrier barrier_id(%barrier3A_42)
    %mul3A_43 = arith.constant 624 : i32
    %mul3A_44 = arith.muli %arg1, %mul3A_43 : i32
    %mul3A_45 = arith.constant 624 : i32
    %mul3A_46 = arith.muli %arg1, %mul3A_45 : i32
    "tpu.region"() ({
      %run_scoped3A = tpu.sem_alloc : memref<!tpu.dma_semaphore, #tpu.memory_space<semaphore_mem>>
      %dma_start3A_52 = arith.constant 0 : i32
      %dma_start3A_53 = tpu.memref_slice %arg6[%arg0, %mul3A_46, %dma_start3A_52] : memref<2x10000x128xf32, #tpu.memory_space<hbm>> -> memref<1x624x128xf32, #tpu.memory_space<hbm>>
      %dma_start3A_54 = tpu.memref_squeeze %dma_start3A_53 : memref<1x624x128xf32, #tpu.memory_space<hbm>> -> memref<624x128xf32, #tpu.memory_space<hbm>>
      %dma_start3A_55 = arith.constant 0 : i32
      %dma_start3A_56 = tpu.memref_slice %arg10[%mul3A_44, %dma_start3A_55] : memref<10008x128xf32, #tpu.memory_space<vmem_shared>> -> memref<624x128xf32, #tpu.memory_space<vmem_shared>>
      tpu.enqueue_dma source(%dma_start3A_56 : memref<624x128xf32, #tpu.memory_space<vmem_shared>>) target(%dma_start3A_54 : memref<624x128xf32, #tpu.memory_space<hbm>>) target_semaphore(%run_scoped3A : memref<!tpu.dma_semaphore, #tpu.memory_space<semaphore_mem>>)
      %dma_wait3A_57 = arith.constant 0 : i32
      %dma_wait3A_58 = tpu.memref_slice %arg6[%arg0, %mul3A_46, %dma_wait3A_57] : memref<2x10000x128xf32, #tpu.memory_space<hbm>> -> memref<1x624x128xf32, #tpu.memory_space<hbm>>
      %dma_wait3A_59 = tpu.memref_squeeze %dma_wait3A_58 : memref<1x624x128xf32, #tpu.memory_space<hbm>> -> memref<624x128xf32, #tpu.memory_space<hbm>>
      %dma_wait3A_60 = arith.constant 0 : i32
      %dma_wait3A_61 = tpu.memref_slice %arg10[%mul3A_44, %dma_wait3A_60] : memref<10008x128xf32, #tpu.memory_space<vmem_shared>> -> memref<624x128xf32, #tpu.memory_space<vmem_shared>>
      tpu.wait_dma2 semaphore(%run_scoped3A : memref<!tpu.dma_semaphore, #tpu.memory_space<semaphore_mem>>) src(%dma_wait3A_61 : memref<624x128xf32, #tpu.memory_space<vmem_shared>>) dst(%dma_wait3A_59 : memref<624x128xf32, #tpu.memory_space<hbm>>)
      tpu.yield
    }) : () -> ()
    %eq3A_47 = arith.constant 15 : i32
    %eq3A_48 = arith.cmpi eq, %arg1, %eq3A_47 : i32
    %convert_element_type3A_49 = arith.extui %eq3A_48 : i1 to i32
    %cond3A_50 = arith.constant 0 : i32
    %cond3A_51 = arith.cmpi ne, %convert_element_type3A_49, %cond3A_50 : i32
    scf.if %cond3A_51 {
      "tpu.region"() ({
        %run_scoped3A = tpu.sem_alloc : memref<!tpu.dma_semaphore, #tpu.memory_space<semaphore_mem>>
        %dma_start3A_52 = arith.constant 9984 : i32
        %dma_start3A_53 = arith.constant 0 : i32
        %dma_start3A_54 = tpu.memref_slice %arg6[%arg0, %dma_start3A_52, %dma_start3A_53] : memref<2x10000x128xf32, #tpu.memory_space<hbm>> -> memref<1x16x128xf32, #tpu.memory_space<hbm>>
        %dma_start3A_55 = tpu.memref_squeeze %dma_start3A_54 : memref<1x16x128xf32, #tpu.memory_space<hbm>> -> memref<16x128xf32, #tpu.memory_space<hbm>>
        %dma_start3A_56 = arith.constant 9984 : i32
        %dma_start3A_57 = arith.constant 0 : i32
        %dma_start3A_58 = tpu.memref_slice %arg10[%dma_start3A_56, %dma_start3A_57] : memref<10008x128xf32, #tpu.memory_space<vmem_shared>> -> memref<16x128xf32, #tpu.memory_space<vmem_shared>>
        tpu.enqueue_dma source(%dma_start3A_58 : memref<16x128xf32, #tpu.memory_space<vmem_shared>>) target(%dma_start3A_55 : memref<16x128xf32, #tpu.memory_space<hbm>>) target_semaphore(%run_scoped3A : memref<!tpu.dma_semaphore, #tpu.memory_space<semaphore_mem>>)
        %dma_wait3A_59 = arith.constant 9984 : i32
        %dma_wait3A_60 = arith.constant 0 : i32
        %dma_wait3A_61 = tpu.memref_slice %arg6[%arg0, %dma_wait3A_59, %dma_wait3A_60] : memref<2x10000x128xf32, #tpu.memory_space<hbm>> -> memref<1x16x128xf32, #tpu.memory_space<hbm>>
        %dma_wait3A_62 = tpu.memref_squeeze %dma_wait3A_61 : memref<1x16x128xf32, #tpu.memory_space<hbm>> -> memref<16x128xf32, #tpu.memory_space<hbm>>
        %dma_wait3A_63 = arith.constant 9984 : i32
        %dma_wait3A_64 = arith.constant 0 : i32
        %dma_wait3A_65 = tpu.memref_slice %arg10[%dma_wait3A_63, %dma_wait3A_64] : memref<10008x128xf32, #tpu.memory_space<vmem_shared>> -> memref<16x128xf32, #tpu.memory_space<vmem_shared>>
        tpu.wait_dma2 semaphore(%run_scoped3A : memref<!tpu.dma_semaphore, #tpu.memory_space<semaphore_mem>>) src(%dma_wait3A_65 : memref<16x128xf32, #tpu.memory_space<vmem_shared>>) dst(%dma_wait3A_62 : memref<16x128xf32, #tpu.memory_space<hbm>>)
        tpu.yield
      }) : () -> ()
    } else {
    }
    return
  }
}

module attributes {stable_mosaic.version = 14 : i64} {
  func.func @_tc_pre_body(%arg0: memref<10000x128xf32, #tpu.memory_space<vmem>>, %arg1: memref<128x128xf32, #tpu.memory_space<vmem>>, %arg2: memref<1x128xf32, #tpu.memory_space<vmem>>, %arg3: memref<128x64xf32, #tpu.memory_space<vmem>>, %arg4: memref<64x1xf32, #tpu.memory_space<vmem>>, %arg5: memref<1x1xf32, #tpu.memory_space<vmem>>, %arg6: memref<32x10000xf32, #tpu.memory_space<vmem>>, %arg7: memref<10000x128xf32, #tpu.memory_space<vmem>>, %arg8: memref<10008x128xf32, #tpu.memory_space<vmem>>, %arg9: memref<10000x1xf32, #tpu.memory_space<vmem>>, %arg10: memref<10000x1xf32, #tpu.memory_space<vmem>>) attributes {dimension_semantics = [], scalar_prefetch = 0 : i64, scratch_operands = 0 : i64, tpu.core_type = #tpu.core_type<tc>} {
    %get3A = arith.constant 0 : index
    %get3A_0 = arith.constant 0 : index
    %get3A_1 = vector.load %arg0[%get3A, %get3A_0] : memref<10000x128xf32, #tpu.memory_space<vmem>>, vector<10000x128xf32>
    %get3A_2 = arith.constant 0 : index
    %get3A_3 = arith.constant 0 : index
    %get3A_4 = vector.load %arg1[%get3A_2, %get3A_3] : memref<128x128xf32, #tpu.memory_space<vmem>>, vector<128x128xf32>
    %dot_general3A = arith.constant dense<0.000000e+00> : vector<10000x128xf32>
    %dot_general3A_5 = tpu.matmul %get3A_1, %get3A_4, %dot_general3A {dimension_numbers = #tpu.dot_dimension_numbers<[1], [0], [0], [1], [0, 0, 1, 1], [], []>, transpose_lhs_hint = false} : vector<10000x128xf32>, vector<128x128xf32>, vector<10000x128xf32> -> vector<10000x128xf32>
    %get3A_6 = arith.constant 0 : index
    %get3A_7 = arith.constant 0 : index
    %get3A_8 = vector.load %arg2[%get3A_6, %get3A_7] : memref<1x128xf32, #tpu.memory_space<vmem>>, vector<1x128xf32>
    %add3A = vector.broadcast %get3A_8 : vector<1x128xf32> to vector<10000x128xf32>
    %add3A_9 = arith.addf %dot_general3A_5, %add3A : vector<10000x128xf32>
    %max3A = arith.constant 0.000000e+00 : f32
    %max3A_10 = vector.broadcast %max3A : f32 to vector<10000x128xf32>
    %max3A_11 = arith.maximumf %add3A_9, %max3A_10 : vector<10000x128xf32>
    %get3A_12 = arith.constant 0 : index
    %get3A_13 = arith.constant 0 : index
    %get3A_14 = vector.load %arg3[%get3A_12, %get3A_13] : memref<128x64xf32, #tpu.memory_space<vmem>>, vector<128x64xf32>
    %dot_general3A_15 = arith.constant dense<0.000000e+00> : vector<10000x64xf32>
    %dot_general3A_16 = tpu.matmul %get3A_1, %get3A_14, %dot_general3A_15 {dimension_numbers = #tpu.dot_dimension_numbers<[1], [0], [0], [1], [0, 0, 1, 1], [], []>, transpose_lhs_hint = false} : vector<10000x128xf32>, vector<128x64xf32>, vector<10000x64xf32> -> vector<10000x64xf32>
    %reduce_max3A = arith.constant dense<0xFF800000> : vector<10000xf32>
    %reduce_max3A_17 = vector.multi_reduction <maximumf>, %dot_general3A_16, %reduce_max3A [1] : vector<10000x64xf32> to vector<10000xf32>
    %broadcast_in_dim3A = vector.shape_cast %reduce_max3A_17 : vector<10000xf32> to vector<10000x1xf32>
    %sub3A = vector.broadcast %broadcast_in_dim3A : vector<10000x1xf32> to vector<10000x64xf32>
    %sub3A_18 = arith.subf %dot_general3A_16, %sub3A : vector<10000x64xf32>
    %exp3A = math.exp %sub3A_18 : vector<10000x64xf32>
    %reduce_sum3A = arith.constant dense<0.000000e+00> : vector<10000xf32>
    %reduce_sum3A_19 = vector.multi_reduction <add>, %exp3A, %reduce_sum3A [1] : vector<10000x64xf32> to vector<10000xf32>
    %broadcast_in_dim3A_20 = vector.shape_cast %reduce_sum3A_19 : vector<10000xf32> to vector<10000x1xf32>
    %div3A = vector.broadcast %broadcast_in_dim3A_20 : vector<10000x1xf32> to vector<10000x64xf32>
    %div3A_21 = arith.divf %exp3A, %div3A : vector<10000x64xf32>
    %get3A_22 = arith.constant 0 : index
    %get3A_23 = arith.constant 0 : index
    %get3A_24 = vector.load %arg4[%get3A_22, %get3A_23] : memref<64x1xf32, #tpu.memory_space<vmem>>, vector<64x1xf32>
    %dot_general3A_25 = arith.constant dense<0.000000e+00> : vector<10000x1xf32>
    %dot_general3A_26 = tpu.matmul %div3A_21, %get3A_24, %dot_general3A_25 {dimension_numbers = #tpu.dot_dimension_numbers<[1], [0], [0], [1], [0, 0, 1, 1], [], []>, transpose_lhs_hint = false} : vector<10000x64xf32>, vector<64x1xf32>, vector<10000x1xf32> -> vector<10000x1xf32>
    %get3A_27 = arith.constant 0 : index
    %get3A_28 = arith.constant 0 : index
    %get3A_29 = vector.load %arg5[%get3A_27, %get3A_28] : memref<1x1xf32, #tpu.memory_space<vmem>>, vector<1x1xf32>
    %add3A_30 = vector.broadcast %get3A_29 : vector<1x1xf32> to vector<10000x1xf32>
    %add3A_31 = arith.addf %dot_general3A_26, %add3A_30 : vector<10000x1xf32>
    %logistic3A = arith.negf %add3A_31 : vector<10000x1xf32>
    %logistic3A_32 = math.exp %logistic3A : vector<10000x1xf32>
    %logistic3A_33 = arith.constant 1.000000e+00 : f32
    %logistic3A_34 = vector.broadcast %logistic3A_33 : f32 to vector<10000x1xf32>
    %logistic3A_35 = arith.addf %logistic3A_34, %logistic3A_32 : vector<10000x1xf32>
    %logistic3A_36 = arith.divf %logistic3A_34, %logistic3A_35 : vector<10000x1xf32>
    %get3A_37 = arith.constant 0 : index
    %get3A_38 = arith.constant 0 : index
    %get3A_39 = vector.load %arg6[%get3A_37, %get3A_38] : memref<32x10000xf32, #tpu.memory_space<vmem>>, vector<32x10000xf32>
    %reduce_sum3A_40 = arith.constant dense<0.000000e+00> : vector<10000xf32>
    %reduce_sum3A_41 = vector.multi_reduction <add>, %get3A_39, %reduce_sum3A_40 [0] : vector<32x10000xf32> to vector<10000xf32>
    %broadcast_in_dim3A_42 = vector.shape_cast %reduce_sum3A_41 : vector<10000xf32> to vector<1x10000xf32>
    %max3A_43 = arith.constant 1.000000e+00 : f32
    %max3A_44 = vector.broadcast %max3A_43 : f32 to vector<1x10000xf32>
    %max3A_45 = arith.maximumf %broadcast_in_dim3A_42, %max3A_44 : vector<1x10000xf32>
    %rsqrt3A = math.rsqrt %max3A_45 : vector<1x10000xf32>
    %reshape3A = vector.shape_cast %rsqrt3A : vector<1x10000xf32> to vector<10000x1xf32>
    %swap3A = arith.constant 0 : index
    %swap3A_46 = arith.constant 0 : index
    %swap3A_47 = vector.load %arg7[%swap3A, %swap3A_46] : memref<10000x128xf32, #tpu.memory_space<vmem>>, vector<10000x128xf32>
    tpu.vector_store %arg7[%swap3A, %swap3A_46], %max3A_11 {strides = array<i32>} : memref<10000x128xf32, #tpu.memory_space<vmem>>, vector<10000x128xf32>,
    %mul3A = vector.broadcast %reshape3A : vector<10000x1xf32> to vector<10000x128xf32>
    %mul3A_48 = arith.mulf %max3A_11, %mul3A : vector<10000x128xf32>
    %swap3A_49 = arith.constant 0 : index
    %swap3A_50 = arith.constant 0 : index
    %swap3A_51 = vector.load %arg8[%swap3A_49, %swap3A_50] : memref<10008x128xf32, #tpu.memory_space<vmem>>, vector<10000x128xf32>
    tpu.vector_store %arg8[%swap3A_49, %swap3A_50], %mul3A_48 {strides = array<i32>} : memref<10008x128xf32, #tpu.memory_space<vmem>>, vector<10000x128xf32>,
    %broadcast_in_dim3A_52 = arith.constant 0.000000e+00 : f32
    %broadcast_in_dim3A_53 = vector.broadcast %broadcast_in_dim3A_52 : f32 to vector<8x128xf32>
    %swap3A_54 = arith.constant 10000 : index
    %swap3A_55 = arith.constant 0 : index
    %swap3A_56 = vector.load %arg8[%swap3A_54, %swap3A_55] : memref<10008x128xf32, #tpu.memory_space<vmem>>, vector<8x128xf32>
    tpu.vector_store %arg8[%swap3A_54, %swap3A_55], %broadcast_in_dim3A_53 {strides = array<i32>} : memref<10008x128xf32, #tpu.memory_space<vmem>>, vector<8x128xf32>,
    %swap3A_57 = arith.constant 0 : index
    %swap3A_58 = arith.constant 0 : index
    %swap3A_59 = vector.load %arg9[%swap3A_57, %swap3A_58] : memref<10000x1xf32, #tpu.memory_space<vmem>>, vector<10000x1xf32>
    tpu.vector_store %arg9[%swap3A_57, %swap3A_58], %logistic3A_36 {strides = array<i32>} : memref<10000x1xf32, #tpu.memory_space<vmem>>, vector<10000x1xf32>,
    %swap3A_60 = arith.constant 0 : index
    %swap3A_61 = arith.constant 0 : index
    %swap3A_62 = vector.load %arg10[%swap3A_60, %swap3A_61] : memref<10000x1xf32, #tpu.memory_space<vmem>>, vector<10000x1xf32>
    tpu.vector_store %arg10[%swap3A_60, %swap3A_61], %reshape3A {strides = array<i32>} : memref<10000x1xf32, #tpu.memory_space<vmem>>, vector<10000x1xf32>,
    return
  }
}

module attributes {stable_mosaic.version = 14 : i64} {
  func.func @_tc_upd_body(%arg0: memref<2x10000x128xf32, #tpu.memory_space<vmem>>, %arg1: memref<10000x1xf32, #tpu.memory_space<vmem>>, %arg2: memref<10000x1xf32, #tpu.memory_space<vmem>>, %arg3: memref<10000x128xf32, #tpu.memory_space<vmem>>, %arg4: memref<10000x128xf32, #tpu.memory_space<vmem>>, %arg5: memref<10008x128xf32, #tpu.memory_space<vmem>>) attributes {dimension_semantics = [], scalar_prefetch = 0 : i64, scratch_operands = 0 : i64, tpu.core_type = #tpu.core_type<tc>} {
    %get3A = arith.constant 0 : index
    %get3A_0 = arith.constant 0 : index
    %get3A_1 = vector.load %arg2[%get3A, %get3A_0] : memref<10000x1xf32, #tpu.memory_space<vmem>>, vector<10000x1xf32>
    %get3A_2 = arith.constant 0 : index
    %get3A_3 = arith.constant 0 : index
    %get3A_4 = vector.load %arg1[%get3A_2, %get3A_3] : memref<10000x1xf32, #tpu.memory_space<vmem>>, vector<10000x1xf32>
    %get3A_5 = arith.constant 0 : index
    %get3A_6 = arith.constant 0 : index
    %get3A_7 = arith.constant 0 : index
    %get3A_8 = vector.load %arg0[%get3A_5, %get3A_6, %get3A_7] : memref<2x10000x128xf32, #tpu.memory_space<vmem>>, vector<1x10000x128xf32>
    %get3A_9 = vector.shape_cast %get3A_8 : vector<1x10000x128xf32> to vector<10000x128xf32>
    %get3A_10 = arith.constant 1 : index
    %get3A_11 = arith.constant 0 : index
    %get3A_12 = arith.constant 0 : index
    %get3A_13 = vector.load %arg0[%get3A_10, %get3A_11, %get3A_12] : memref<2x10000x128xf32, #tpu.memory_space<vmem>>, vector<1x10000x128xf32>
    %get3A_14 = vector.shape_cast %get3A_13 : vector<1x10000x128xf32> to vector<10000x128xf32>
    %add3A = arith.addf %get3A_9, %get3A_14 : vector<10000x128xf32>
    %mul3A = vector.broadcast %get3A_1 : vector<10000x1xf32> to vector<10000x128xf32>
    %mul3A_15 = arith.mulf %add3A, %mul3A : vector<10000x128xf32>
    %sub3A = arith.constant 1.000000e+00 : f32
    %sub3A_16 = vector.broadcast %sub3A : f32 to vector<10000x1xf32>
    %sub3A_17 = arith.subf %sub3A_16, %get3A_4 : vector<10000x1xf32>
    %mul3A_18 = vector.broadcast %sub3A_17 : vector<10000x1xf32> to vector<10000x128xf32>
    %mul3A_19 = arith.mulf %mul3A_18, %mul3A_15 : vector<10000x128xf32>
    %get3A_20 = arith.constant 0 : index
    %get3A_21 = arith.constant 0 : index
    %get3A_22 = vector.load %arg3[%get3A_20, %get3A_21] : memref<10000x128xf32, #tpu.memory_space<vmem>>, vector<10000x128xf32>
    %mul3A_23 = vector.broadcast %get3A_4 : vector<10000x1xf32> to vector<10000x128xf32>
    %mul3A_24 = arith.mulf %mul3A_23, %get3A_22 : vector<10000x128xf32>
    %add3A_25 = arith.addf %mul3A_19, %mul3A_24 : vector<10000x128xf32>
    %swap3A = arith.constant 0 : index
    %swap3A_26 = arith.constant 0 : index
    %swap3A_27 = vector.load %arg4[%swap3A, %swap3A_26] : memref<10000x128xf32, #tpu.memory_space<vmem>>, vector<10000x128xf32>
    tpu.vector_store %arg4[%swap3A, %swap3A_26], %add3A_25 {strides = array<i32>} : memref<10000x128xf32, #tpu.memory_space<vmem>>, vector<10000x128xf32>,
    %mul3A_28 = vector.broadcast %get3A_1 : vector<10000x1xf32> to vector<10000x128xf32>
    %mul3A_29 = arith.mulf %add3A_25, %mul3A_28 : vector<10000x128xf32>
    %swap3A_30 = arith.constant 0 : index
    %swap3A_31 = arith.constant 0 : index
    %swap3A_32 = vector.load %arg5[%swap3A_30, %swap3A_31] : memref<10008x128xf32, #tpu.memory_space<vmem>>, vector<10000x128xf32>
    tpu.vector_store %arg5[%swap3A_30, %swap3A_31], %mul3A_29 {strides = array<i32>} : memref<10008x128xf32, #tpu.memory_space<vmem>>, vector<10000x128xf32>,
    %broadcast_in_dim3A = arith.constant 0.000000e+00 : f32
    %broadcast_in_dim3A_33 = vector.broadcast %broadcast_in_dim3A : f32 to vector<8x128xf32>
    %swap3A_34 = arith.constant 10000 : index
    %swap3A_35 = arith.constant 0 : index
    %swap3A_36 = vector.load %arg5[%swap3A_34, %swap3A_35] : memref<10008x128xf32, #tpu.memory_space<vmem>>, vector<8x128xf32>
    tpu.vector_store %arg5[%swap3A_34, %swap3A_35], %broadcast_in_dim3A_33 {strides = array<i32>} : memref<10008x128xf32, #tpu.memory_space<vmem>>, vector<8x128xf32>,
    return
  }
}

module attributes {stable_mosaic.version = 14 : i64} {
  func.func @_tc_upd_body(%arg0: memref<2x10000x128xf32, #tpu.memory_space<vmem>>, %arg1: memref<10000x1xf32, #tpu.memory_space<vmem>>, %arg2: memref<10000x1xf32, #tpu.memory_space<vmem>>, %arg3: memref<10000x128xf32, #tpu.memory_space<vmem>>, %arg4: memref<10000x128xf32, #tpu.memory_space<vmem>>, %arg5: memref<10008x128xf32, #tpu.memory_space<vmem>>) attributes {dimension_semantics = [], scalar_prefetch = 0 : i64, scratch_operands = 0 : i64, tpu.core_type = #tpu.core_type<tc>} {
    %get3A = arith.constant 0 : index
    %get3A_0 = arith.constant 0 : index
    %get3A_1 = vector.load %arg2[%get3A, %get3A_0] : memref<10000x1xf32, #tpu.memory_space<vmem>>, vector<10000x1xf32>
    %get3A_2 = arith.constant 0 : index
    %get3A_3 = arith.constant 0 : index
    %get3A_4 = vector.load %arg1[%get3A_2, %get3A_3] : memref<10000x1xf32, #tpu.memory_space<vmem>>, vector<10000x1xf32>
    %get3A_5 = arith.constant 0 : index
    %get3A_6 = arith.constant 0 : index
    %get3A_7 = arith.constant 0 : index
    %get3A_8 = vector.load %arg0[%get3A_5, %get3A_6, %get3A_7] : memref<2x10000x128xf32, #tpu.memory_space<vmem>>, vector<1x10000x128xf32>
    %get3A_9 = vector.shape_cast %get3A_8 : vector<1x10000x128xf32> to vector<10000x128xf32>
    %get3A_10 = arith.constant 1 : index
    %get3A_11 = arith.constant 0 : index
    %get3A_12 = arith.constant 0 : index
    %get3A_13 = vector.load %arg0[%get3A_10, %get3A_11, %get3A_12] : memref<2x10000x128xf32, #tpu.memory_space<vmem>>, vector<1x10000x128xf32>
    %get3A_14 = vector.shape_cast %get3A_13 : vector<1x10000x128xf32> to vector<10000x128xf32>
    %add3A = arith.addf %get3A_9, %get3A_14 : vector<10000x128xf32>
    %mul3A = vector.broadcast %get3A_1 : vector<10000x1xf32> to vector<10000x128xf32>
    %mul3A_15 = arith.mulf %add3A, %mul3A : vector<10000x128xf32>
    %sub3A = arith.constant 1.000000e+00 : f32
    %sub3A_16 = vector.broadcast %sub3A : f32 to vector<10000x1xf32>
    %sub3A_17 = arith.subf %sub3A_16, %get3A_4 : vector<10000x1xf32>
    %mul3A_18 = vector.broadcast %sub3A_17 : vector<10000x1xf32> to vector<10000x128xf32>
    %mul3A_19 = arith.mulf %mul3A_18, %mul3A_15 : vector<10000x128xf32>
    %get3A_20 = arith.constant 0 : index
    %get3A_21 = arith.constant 0 : index
    %get3A_22 = vector.load %arg3[%get3A_20, %get3A_21] : memref<10000x128xf32, #tpu.memory_space<vmem>>, vector<10000x128xf32>
    %mul3A_23 = vector.broadcast %get3A_4 : vector<10000x1xf32> to vector<10000x128xf32>
    %mul3A_24 = arith.mulf %mul3A_23, %get3A_22 : vector<10000x128xf32>
    %add3A_25 = arith.addf %mul3A_19, %mul3A_24 : vector<10000x128xf32>
    %swap3A = arith.constant 0 : index
    %swap3A_26 = arith.constant 0 : index
    %swap3A_27 = vector.load %arg4[%swap3A, %swap3A_26] : memref<10000x128xf32, #tpu.memory_space<vmem>>, vector<10000x128xf32>
    tpu.vector_store %arg4[%swap3A, %swap3A_26], %add3A_25 {strides = array<i32>} : memref<10000x128xf32, #tpu.memory_space<vmem>>, vector<10000x128xf32>,
    %mul3A_28 = vector.broadcast %get3A_1 : vector<10000x1xf32> to vector<10000x128xf32>
    %mul3A_29 = arith.mulf %add3A_25, %mul3A_28 : vector<10000x128xf32>
    %swap3A_30 = arith.constant 0 : index
    %swap3A_31 = arith.constant 0 : index
    %swap3A_32 = vector.load %arg5[%swap3A_30, %swap3A_31] : memref<10008x128xf32, #tpu.memory_space<vmem>>, vector<10000x128xf32>
    tpu.vector_store %arg5[%swap3A_30, %swap3A_31], %mul3A_29 {strides = array<i32>} : memref<10008x128xf32, #tpu.memory_space<vmem>>, vector<10000x128xf32>,
    %broadcast_in_dim3A = arith.constant 0.000000e+00 : f32
    %broadcast_in_dim3A_33 = vector.broadcast %broadcast_in_dim3A : f32 to vector<8x128xf32>
    %swap3A_34 = arith.constant 10000 : index
    %swap3A_35 = arith.constant 0 : index
    %swap3A_36 = vector.load %arg5[%swap3A_34, %swap3A_35] : memref<10008x128xf32, #tpu.memory_space<vmem>>, vector<8x128xf32>
    tpu.vector_store %arg5[%swap3A_34, %swap3A_35], %broadcast_in_dim3A_33 {strides = array<i32>} : memref<10008x128xf32, #tpu.memory_space<vmem>>, vector<8x128xf32>,
    return
  }
}

</mosaic_0001>

<sc_bundles>
// kernel: kernel.24.cloned.1.call-start
scs
__scs_entry_jumppad:
0x0: {  	(pc) =	sbr.rel $0x88, $3  }
0x1: {  	(tag) =	ssettag $0x0;
	lr =	simm.s32 $0x1  }
0x2: {  	[smem:$0x3F9A] =	sst lr;
	_ =	strace $0xD0000000  }
0x3: {  	_ = 	snop  }
0x4: {  	_ = 	snop  }
0x5: {  	_ = 	snop  }
0x6: {  	_ = 	snop  }
0x7: {  	_ = 	snop  }
__scs_overlays_trampoline_lowered:
0x8: {  	[smem:$0x3FA9] =	sst s0  }
0x9: {  	[smem:$0x3FAA] =	sst s1  }
0xa: {  	[smem:$0x3FAB] =	sst s2  }
0xb: {  	[smem:$0x3FAC] =	sst s3  }
0xc: {  	[smem:$0x3FAD] =	sst s4  }
0xd: {  	[smem:$0x3FAE] =	sst s5  }
0xe: {  	[smem:$0x3FAF] =	sst s6  }
0xf: {  	[smem:$0x3FB0] =	sst s7  }
0x10: {  	[smem:$0x3FB1] =	sst s8  }
0x11: {  	[smem:$0x3FB2] =	sst s9;
	s0 =	simm.s32 @!p0 $0x0  }
0x12: {  	s1 =	sld [smem:$0x3F98];
	s0 =	simm.s32 @p0 $0x1  }
0x13: {  	[smem:$0x3FB3] =	sst s0;
	s0 =	simm.s32 @!p1 $0x0  }
0x14: {  	s2 =	sld [smem:$0x3F97];
	s0 =	simm.s32 @p1 $0x1  }
0x15: {  	[smem:$0x3FB4] =	sst s0;
	s0 =	simm.s32 @!p2 $0x0  }
0x16: {  	s3 =	sld [smem:$0x3FDB];
	s0 =	simm.s32 @p2 $0x1  }
0x17: {  	s4 =	simm.s32 $0x1BF5;
	[smem:$0x3FB6] =	sst s0  }
0x18: {  	s0 =	sld [smem:$0x3F99];
	_ =	swait.ge [sflag:s4], $0x0  }
0x19: {  	s7 =	sld [smem:$0x3F9A]  }
0x1a: {  	s8 =	sadd.s32 $0xFFFFE003, lr  }
0x1b: {  	s9 =	sadd.s32 $0xFFFFFEF7, lr;
	s5 =	simm.s32 $0xFFFFFFFF;
	p2 =	slt.u32 s8, $0xFFFFF086  }
0x1c: {  	p1 =	slt.u32 s9, $0xF7A;
	s5 =	simm.s32 @!p2 $0x0  }
0x1d: {  	s5 =	simm.s32 @p1 $0x1;
	p0 =	seq.s32 s7, s2  }
0x1e: {  	s7 =	smul.u32 @!p0 $0xF7A, s2;
	p2 =	seq.s32 @!p0 s5, $0x0  }
0x1f: {  	s9 =	smul.u32 $0xF7A, s1;
	s8 =	simm.s32 @!p0 $0x1BF5;
	p2 =	por !p2, p0  }
0x20: {  	[sflag:s8] =	ssyncset.s32 @!p0 $0xFFFFF086;
	s6 =	sadd.s32 @!p0 s3, s7;
	s7 =	simm.s32 @!p0 $0x108  }
0x21: {  	s3 =	sadd.s32 s3, s9;
	s6 =	sadd.s32 @!p0 $0x88, s6;
	s7 =	simm.s32 @p2 $0x1082  }
0x22: {  	[simem:s7], [sflag:s8] =	dma.local @!p0 [hbm:s6], $0xF7A  }
0x23: {  	s9 =	sor.u32 $0xD0000000, s2;
	s6 =	simm.s32 $0x108;
	_ =	swait.ge @!p0 [sflag:s8], $0x0  }
0x24: {  	s3 =	sadd.s32 $0x88, s3;
	s6 =	simm.s32 @!p1 $0x1082;
	[sflag:s4] =	ssyncset.s32 $0xFFFFF086  }
0x25: {  	[simem:s6], [sflag:s4] =	dma.local [hbm:s3], $0xF7A  }
0x26: {  	[smem:$0x3F9A] =	sst s1;
	(tag) =	ssettag s2;
	_ =	strace s9  }
0x27: {  	s1 =	sld [smem:$0x3FAA]  }
0x28: {  	s2 =	sld [smem:$0x3FAB]  }
0x29: {  	s4 =	sld [smem:$0x3FAD]  }
0x2a: {  	p0 =	seq.s32 s5, $0x0;
	s5 =	sld [smem:$0x3FAE]  }
0x2b: {  	s6 =	sld [smem:$0x3FAF]  }
0x2c: {  	s7 =	sld [smem:$0x3FB0]  }
0x2d: {  	s3 =	simm.s32 $0x108;
	s8 =	sld [smem:$0x3FB1]  }
0x2e: {  	s3 =	simm.s32 @!p0 $0x1082;
	s9 =	sld [smem:$0x3FB2]  }
0x2f: {  	lr =	sadd.s32 s0, s3;
	s0 =	sld [smem:$0x3FA9]  }
0x30: {  	s3 =	sld [smem:$0x3FAC]  }
0x31: {  	[smem:$0x3FB5] =	sst s10  }
0x32: {  	s10 =	sld [smem:$0x3FB3];
	_ =	sdelay $0x3  }
0x33: {  	p0 =	seq.s32 s10, $0x1;
	s10 =	sld [smem:$0x3FB5];
	_ =	sdelay $0x3  }
0x34: {  	[smem:$0x3FB5] =	sst s10  }
0x35: {  	s10 =	sld [smem:$0x3FB4];
	_ =	sdelay $0x3  }
0x36: {  	p1 =	seq.s32 s10, $0x1;
	s10 =	sld [smem:$0x3FB5];
	_ =	sdelay $0x3  }
0x37: {  	[smem:$0x3FB5] =	sst s10  }
0x38: {  	s10 =	sld [smem:$0x3FB6]  }
0x39: {  	_ = 	snop;
	(pc) =	sbr.ind lr, $3  }
0x3a: {  	_ = 	snop  }
0x3b: {  	_ = 	snop  }
0x3c: {  	p2 =	seq.s32 s10, $0x1;
	s10 =	sld [smem:$0x3FB5]  }
0x3d: {  	_ =	shalt  }
0x3e: {  	_ =	shalt  }
0x3f: {  	_ =	shalt  }
0x40: {  	_ =	shalt  }
0x41: {  	_ =	shalt  }
0x42: {  	_ =	shalt  }
0x43: {  	_ =	shalt  }
0x44: {  	_ =	shalt  }
0x45: {  	_ =	shalt  }
0x46: {  	_ =	shalt  }
0x47: {  	_ =	shalt  }
0x48: {  	_ =	shalt  }
0x49: {  	_ =	shalt  }
0x4a: {  	_ =	shalt  }
0x4b: {  	_ =	shalt  }
0x4c: {  	_ =	shalt  }
0x4d: {  	_ =	shalt  }
0x4e: {  	_ =	shalt  }
0x4f: {  	_ =	shalt  }
0x50: {  	_ =	shalt  }
0x51: {  	_ =	shalt  }
0x52: {  	_ =	shalt  }
0x53: {  	_ =	shalt  }
0x54: {  	_ =	shalt  }
0x55: {  	_ =	shalt  }
0x56: {  	_ =	shalt  }
0x57: {  	_ =	shalt  }
0x58: {  	_ =	shalt  }
0x59: {  	_ =	shalt  }
0x5a: {  	_ =	shalt  }
0x5b: {  	_ =	shalt  }
0x5c: {  	_ =	shalt  }
0x5d: {  	_ =	shalt  }
0x5e: {  	_ =	shalt  }
0x5f: {  	_ =	shalt  }
0x60: {  	_ =	shalt  }
0x61: {  	_ =	shalt  }
0x62: {  	_ =	shalt  }
0x63: {  	_ =	shalt  }
0x64: {  	_ =	shalt  }
0x65: {  	_ =	shalt  }
0x66: {  	_ =	shalt  }
0x67: {  	_ =	shalt  }
0x68: {  	_ =	shalt  }
0x69: {  	_ =	shalt  }
0x6a: {  	_ =	shalt  }
0x6b: {  	_ =	shalt  }
0x6c: {  	_ =	shalt  }
0x6d: {  	_ =	shalt  }
0x6e: {  	_ =	shalt  }
0x6f: {  	_ =	shalt  }
0x70: {  	_ =	shalt  }
0x71: {  	_ =	shalt  }
0x72: {  	_ =	shalt  }
0x73: {  	_ =	shalt  }
0x74: {  	_ =	shalt  }
0x75: {  	_ =	shalt  }
0x76: {  	_ =	shalt  }
0x77: {  	_ =	shalt  }
0x78: {  	_ =	shalt  }
0x79: {  	_ =	shalt  }
0x7a: {  	_ =	shalt  }
0x7b: {  	_ =	shalt  }
0x7c: {  	_ =	shalt  }
0x7d: {  	_ =	shalt  }
0x7e: {  	_ =	shalt  }
0x7f: {  	_ =	shalt  }
0x80: {  	_ =	shalt  }
0x81: {  	_ =	shalt  }
0x82: {  	_ =	shalt  }
0x83: {  	_ =	shalt  }
0x84: {  	_ =	shalt  }
0x85: {  	_ =	shalt  }
0x86: {  	_ =	shalt  }
0x87: {  	_ =	shalt  }
.Lfunc_end0:
.L_simem_size_0:
called_computation_lowered:
.L_overlay_start_0:
0x88: {  	s2 =	sld [smem:$0x3FD9]  }
0x89: {  	s3 =	sld [smem:$0x3FFE];
	_ =	sdelay $0x1  }
0x8a: {  	s1 =	srdreg.scid  }
0x8b: {  	s0 =	sand.u32 $0x1, s1  }
0x8c: {  	s17 =	sshll.u32 s0, $0xA;
	s2 =	sadd.s32 s3, s2  }
0x8d: {  	s2 =	sadd.s32 s2, s17  }
0x8e: {  	[smem:$0x3FC1] =	sst s2  }
0x8f: {  	_ = 	snop  }
0x90: {  	s2 =	sld [smem:$0x3FD0];
	(tm) =	ssettm $0x1  }
0x91: {  	s18 =	sld [smem:$0x3FFB];
	_ =	sdelay $0x3  }
0x92: {  	_ =	strace s18  }
0x93: {  	s3 =	sld [smem:$0x3FFC];
	_ =	sdelay $0x3  }
0x94: {  	_ =	strace s3  }
0x95: {  	s3 =	sld [smem:$0x3FFD];
	_ =	sdelay $0x3  }
0x96: {  	_ =	strace s3  }
0x97: {  	_ =	strace $0x8FFFFFFF  }
0x98: {  	s19 =	sld [smem:$0x3FDB];
	_ =	sdelay $0x1  }
0x99: {  	s4 =	simm.s32 $_scs_section_size  }
0x9a: {  	s5 =	simm.s32 $_size__tile_overlayer_lowered;
	s6 =	simm.s32 $_tile_overlayer_lowered  }
0x9b: {  	s22 =	simm.s32 $0x1BFF;
	s21 =	sshll.u32 s6, $0x1;
	s3 =	sadd.s32 s4, s19  }
0x9c: {  	s7 =	simm.s32 $0x0;
	s20 =	sshll.u32 s5, $0x1;
	s5 =	sadd.s32 s21, s3  }
0x9d: {  	[timem:s7], [sflag:s22] =	dma.local [hbm:s5], s20  }
0x9e: {  	_ =	swait.ge [sflag:s22], s20  }
0x9f: {  	s4 =	ssub.s32 $0x0, s20;
	[sflag:s22] =	ssyncset.done $0x0  }
0xa0: {  	[sflag:s22] =	ssyncadd.s32 s4;
	_ =	sdelay $0x1  }
0xa1: {  	s23 =	simm.s32 $0x1B8B  }
0xa2: {  	_ =	swait.ge [sflag:s23], $0x1  }
0xa3: {  	[sflag:s23] =	ssyncset.done $0x0  }
0xa4: {  	s25 =	simm.s32 $0x1B8E;
	s24 =	sld [smem:$0x3FFE];
	[sflag:s23] =	ssyncadd.s32 $0xFFFFFFFF  }
0xa5: {  	s26 =	simm.s32 $execute0_lowered;
	[smem:$0x3FD2] =	sst s25  }
0xa6: {  	s5 =	sshll.u32 s26, $0x1;
	_ =	strace $0x80000046;
	[dreg:$0x1] =	wrdreg $0xFFFFFFFF  }
0xa7: {  	s28 =	simm.s32 $_size_execute0_lowered;
	s3 =	sadd.s32 s3, s5;
	[dreg:$0x0] =	wrdreg $0x0  }
0xa8: {  	s5 =	sshll.u32 s28, $0x1;
	[dreg:$0x2] =	wrdreg s3  }
0xa9: {  	[dreg:$0x3] =	wrdreg s5  }
0xaa: {  	[dreg:$0x4] =	wrdreg $0xC0  }
0xab: {  	_ =	task [dreg:s7], $0x5FFFF  }
0xac: {  	[dreg:$0x1] =	wrdreg $0xFFFFFFFF  }
0xad: {  	[dreg:$0x0] =	wrdreg $0x60  }
0xae: {  	[dreg:$0x2] =	wrdreg s24  }
0xaf: {  	[dreg:$0x3] =	wrdreg s2  }
0xb0: {  	[dreg:$0x4] =	wrdreg $0x9  }
0xb1: {  	_ =	task.clear_ibuf [dreg:s7], $0x5FFFF;
	_ =	strace $0x90000046  }
0xb2: {  	s29 =	simm.s32 $0x9;
	_ =	strace $0x80000048  }
0xb3: {  	_ =	swait.ge [sflag:s29], $0x1  }
0xb4: {  	[sflag:s29] =	ssyncadd.s32 $0xFFFFFFFF  }
0xb5: {  	_ =	strace $0x90000048  }
0xb6: {  	_ =	sfence  }
0xb7: {  	s30 =	sld [smem:$0x0];
	_ =	sdelay $0x2  }
0xb8: {  	s31 =	sshll.u32 s1, $0xD;
	s1 =	sshrl.u32 s1, $0x2  }
0xb9: {  	s3 =	sand.u32 $0x4000, s31;
	s1 =	sadd.s32 s1, s30  }
0xba: {  	s0 =	sor.u32 s3, s0;
	s1 =	sshll.u32 s1, $0x11  }
0xbb: {  	s0 =	sor.u32 s1, s0  }
0xbc: {  	s0 =	sadd.s32 $0x8F2B, s0  }
0xbd: {  	[sflag:s0] =	ssyncadd.remote.s32 $0x1  }
0xbe: {  	_ =	sfence.sel $0xFFFF  }
0xbf: {  	[dreg:$0x0] =	wrdreg $0xFFFFFFFF;
	(pc) =	sbr.abs _section_cstart, $3  }
0xc0: {  	[dreg:$0x1] =	wrdreg $0xFFFFFFFF  }
0xc1: {  	_ =	task.clear_ibuf [dreg:s7], $0x2FFFF;
	_ =	strace $0x9FFFFFFF  }
0xc2: {  	(tm) =	ssettm $0x7FFFFFFF  }
0xc3: {  	_ =	shalt  }
tec
execute0_lowered:
.L_overlay_start_1:
0x0: {  	(tag) =	ssettag $0x1  }
0x1: {  	s3 =	rddreg [dreg:$0x0]  }
0x2: {  	s1 =	srdreg.scid;
	s0 =	stileid.u32  }
0x3: {  	s4 =	rddreg [dreg:$0x1];
	s9 =	simm.s32 $0x400;
	s10 =	simm.s32 $0x0  }
0x4: {  	s5 =	sand.u32 $0x1, s1;
	s2 =	sshll.u32 s0, $0x1;
	s1 =	rddreg [dreg:$0x2]  }
0x5: {  	s7 =	sshrl.u32 s0, $0x2;
	s6 =	sor.u32 s5, s2;
	s2 =	simm.s32 $0x0  }
0x6: {  	s7 =	smul.u32 $0x13C00, s7;
	s5 =	ssub.s32 $0x2, s5;
	s8 =	sshll.u32 s6, $0x7  }
0x7: {  	[smem:$0x7FF] =	sst s2;
	s6 =	smul.u32 $0x4E2, s6;
	s31 =	sshrl.u32 s5, $0x1  }
0x8: {  	s8 =	sand.u32 $0x380, s8;
	_ =	strace $0x80000047;
	s5 =	ssub.s32 s5, s31  }
0x9: {  	s7 =	sor.u32 s7, s8;
	s3 =	sadd.s32 s6, s3;
	s5 =	smax.u32 s5, $0x1  }
0xa: {  	s6 =	simm.s32 $0x1;
	s8 =	simm.s32 $0x80;
	s7 =	sshrl.u32 s7, $0x3  }
0xb: {  	v0 =	vimm.f32 $0.0e+00;
	v1 =	vimm.f32 $1.000000000e+00;
	s3 =	sadd.s32 $0x4E00, s3;
	s4 =	sadd.s32 s4, s7;
	s7 =	simm.s32 $0x2780  }
.LBB2_1:
0xc: {  	[tilespmem:s2], [sflag:$0x1] =	stream.linear.gather [hbm4b:s3+s2], $0x2710, $0x38;
	[tilespmem:$0x4F00] =	vst v63  }
0xd: {  	_ =	swait.ge [sflag:s6], $0x2710  }
0xe: {  	[sflag:s6] =	ssyncset.done $0x0  }
0xf: {  	s11 =	simm.s32 $0x0;
	[sflag:s6] =	ssyncadd.s32 $0xFFFFD8F0  }
.LBB2_2:
0x10: {  	p0 =	sne.s32 s11, $0x9C00  }
.Ltmp0:
0x11: {  	_ = 	snop;
	(pc) =	sbr.rel @p0 .LBB2_2-.Ltmp0, $3  }
0x12: {  	_ =	sdelay $0x1  }
0x13: {  	s12 =	sshra.s32 s11, $0x2  }
0x14: {  	s11 =	sadd.s32 $0x40, s11;
	[tilespmem:s12+$0x2780] =	vst v0  }
0x15: {  	s12 =	simm.s32 $0x0;
	s11 =	simm.s32 $0x40  }
.LBB2_4:
0x16: {  	p0 =	sne.s32 s11, $0x9C00;
	v2 =	vld [tilespmem:s12+$0x0];
	_ =	sdelay $0x3  }
.Ltmp1:
0x17: {  	(pc) =	sbr.rel @p0 .LBB2_4-.Ltmp1, $2  }
0x18: {  	_ =	sdelay $0x2  }
0x19: {  	s12 =	sshra.s32 s11, $0x2;
	s11 =	sadd.s32 $0x40, s11;
	[tilespmem:v2+s7+$0x0] =	vst.idx.add.f32.msk $0xffff, v1  }
0x1a: {  	v2 =	vld [tilespmem:s12+$0x0];
	_ =	sdelay $0x5  }
0x1b: {  	s10 =	sadd.s32 $0x1, s10  }
0x1c: {  	p0 =	sne.s32 s10, s5  }
.Ltmp2:
0x1d: {  	[tilespmem:v2+s7+$0x0] =	vst.idx.add.f32.msk $0xffff, v1;
	(pc) =	sbr.rel @p0 .LBB2_1-.Ltmp2, $4  }
0x1e: {  	[hbm4b:s4+s8] =	stream.strided.scatter [tilespmem:s7], [sflag:$0x1], $0x2780, s9, s8, $0x38;
	[tilespmem:$0x4F00] =	vst v63  }
0x1f: {  	_ =	swait.ge [sflag:s6], $0x2780  }
0x20: {  	[sflag:s6] =	ssyncset.done $0x0  }
0x21: {  	[sflag:s6] =	ssyncadd.s32 $0xFFFFD880  }
0x22: {  	_ =	sfence.sel $0x180000  }
0x23: {  	[bflag:$0x0] =	sbarrier.arrive $0xFFFF  }
0x24: {  	p0 =	sne.s32 s0, $0x0;
	_ =	strace $0x90000047  }
0x25: {  	s0 =	sadd.s32 @!p0 $0x100000, s1;
	[bflag:$0x2] =	sbarrier.arrive $0xFFFF  }
0x26: {  	[sflag:s0] =	ssyncadd.tile.s32 @!p0 $0x1;
	_ =	shalt  }
.Lfunc_end2:
_tile_overlayer_lowered:
.L_overlay_start_2:
0x27: {  	(tag) =	ssettag $0x2  }
0x28: {  	s0 =	rddreg [dreg:$0x0];
	s2 =	stileid.u32  }
0x29: {  	s1 =	rddreg [dreg:$0x1];
	p0 =	sne.s32 s2, $0x0  }
0x2a: {  	s3 =	rddreg [dreg:$0x2];
	[bflag:$0x3] =	sbarrier.arrive $0xFFFF;
	s2 =	simm.s32 @!p0 $0x1C01  }
0x2b: {  	[timem:s3], [sflag:s2] =	dma.local @!p0 [hbm:s0], s1  }
0x2c: {  	s0 =	simm.s32 @!p0 $0x1  }
0x2d: {  	_ =	swait.ge @!p0 [sflag:s0], s1  }
0x2e: {  	s1 =	ssub.s32 @!p0 $0x0, s1;
	[sflag:s0] =	ssyncset.done @!p0 $0x0  }
0x2f: {  	[sflag:s0] =	ssyncadd.s32 @!p0 s1  }
0x30: {  	[bflag:$0x3] =	sbarrier.arrive $0xFFFF  }
0x31: {  	_ =	shalt  }

// kernel: kernel.27.cloned.1.call-start
scs
__scs_entry_jumppad:
0x0: {  	(pc) =	sbr.rel $0x88, $3  }
0x1: {  	(tag) =	ssettag $0x0;
	lr =	simm.s32 $0x1  }
0x2: {  	[smem:$0x3F9A] =	sst lr;
	_ =	strace $0xD0000000  }
0x3: {  	_ = 	snop  }
0x4: {  	_ = 	snop  }
0x5: {  	_ = 	snop  }
0x6: {  	_ = 	snop  }
0x7: {  	_ = 	snop  }
__scs_overlays_trampoline_lowered:
0x8: {  	[smem:$0x3FA9] =	sst s0  }
0x9: {  	[smem:$0x3FAA] =	sst s1  }
0xa: {  	[smem:$0x3FAB] =	sst s2  }
0xb: {  	[smem:$0x3FAC] =	sst s3  }
0xc: {  	[smem:$0x3FAD] =	sst s4  }
0xd: {  	[smem:$0x3FAE] =	sst s5  }
0xe: {  	[smem:$0x3FAF] =	sst s6  }
0xf: {  	[smem:$0x3FB0] =	sst s7  }
0x10: {  	[smem:$0x3FB1] =	sst s8  }
0x11: {  	[smem:$0x3FB2] =	sst s9;
	s0 =	simm.s32 @!p0 $0x0  }
0x12: {  	s1 =	sld [smem:$0x3F98];
	s0 =	simm.s32 @p0 $0x1  }
0x13: {  	[smem:$0x3FB3] =	sst s0;
	s0 =	simm.s32 @!p1 $0x0  }
0x14: {  	s2 =	sld [smem:$0x3F97];
	s0 =	simm.s32 @p1 $0x1  }
0x15: {  	[smem:$0x3FB4] =	sst s0;
	s0 =	simm.s32 @!p2 $0x0  }
0x16: {  	s3 =	sld [smem:$0x3FDB];
	s0 =	simm.s32 @p2 $0x1  }
0x17: {  	s4 =	simm.s32 $0x1BF5;
	[smem:$0x3FB6] =	sst s0  }
0x18: {  	s0 =	sld [smem:$0x3F99];
	_ =	swait.ge [sflag:s4], $0x0  }
0x19: {  	s7 =	sld [smem:$0x3F9A]  }
0x1a: {  	s8 =	sadd.s32 $0xFFFFE003, lr  }
0x1b: {  	s9 =	sadd.s32 $0xFFFFFEF7, lr;
	s5 =	simm.s32 $0xFFFFFFFF;
	p2 =	slt.u32 s8, $0xFFFFF086  }
0x1c: {  	p1 =	slt.u32 s9, $0xF7A;
	s5 =	simm.s32 @!p2 $0x0  }
0x1d: {  	s5 =	simm.s32 @p1 $0x1;
	p0 =	seq.s32 s7, s2  }
0x1e: {  	s7 =	smul.u32 @!p0 $0xF7A, s2;
	p2 =	seq.s32 @!p0 s5, $0x0  }
0x1f: {  	s9 =	smul.u32 $0xF7A, s1;
	s8 =	simm.s32 @!p0 $0x1BF5;
	p2 =	por !p2, p0  }
0x20: {  	[sflag:s8] =	ssyncset.s32 @!p0 $0xFFFFF086;
	s6 =	sadd.s32 @!p0 s3, s7;
	s7 =	simm.s32 @!p0 $0x108  }
0x21: {  	s3 =	sadd.s32 s3, s9;
	s6 =	sadd.s32 @!p0 $0x88, s6;
	s7 =	simm.s32 @p2 $0x1082  }
0x22: {  	[simem:s7], [sflag:s8] =	dma.local @!p0 [hbm:s6], $0xF7A  }
0x23: {  	s9 =	sor.u32 $0xD0000000, s2;
	s6 =	simm.s32 $0x108;
	_ =	swait.ge @!p0 [sflag:s8], $0x0  }
0x24: {  	s3 =	sadd.s32 $0x88, s3;
	s6 =	simm.s32 @!p1 $0x1082;
	[sflag:s4] =	ssyncset.s32 $0xFFFFF086  }
0x25: {  	[simem:s6], [sflag:s4] =	dma.local [hbm:s3], $0xF7A  }
0x26: {  	[smem:$0x3F9A] =	sst s1;
	(tag) =	ssettag s2;
	_ =	strace s9  }
0x27: {  	s1 =	sld [smem:$0x3FAA]  }
0x28: {  	s2 =	sld [smem:$0x3FAB]  }
0x29: {  	s4 =	sld [smem:$0x3FAD]  }
0x2a: {  	p0 =	seq.s32 s5, $0x0;
	s5 =	sld [smem:$0x3FAE]  }
0x2b: {  	s6 =	sld [smem:$0x3FAF]  }
0x2c: {  	s7 =	sld [smem:$0x3FB0]  }
0x2d: {  	s3 =	simm.s32 $0x108;
	s8 =	sld [smem:$0x3FB1]  }
0x2e: {  	s3 =	simm.s32 @!p0 $0x1082;
	s9 =	sld [smem:$0x3FB2]  }
0x2f: {  	lr =	sadd.s32 s0, s3;
	s0 =	sld [smem:$0x3FA9]  }
0x30: {  	s3 =	sld [smem:$0x3FAC]  }
0x31: {  	[smem:$0x3FB5] =	sst s10  }
0x32: {  	s10 =	sld [smem:$0x3FB3];
	_ =	sdelay $0x3  }
0x33: {  	p0 =	seq.s32 s10, $0x1;
	s10 =	sld [smem:$0x3FB5];
	_ =	sdelay $0x3  }
0x34: {  	[smem:$0x3FB5] =	sst s10  }
0x35: {  	s10 =	sld [smem:$0x3FB4];
	_ =	sdelay $0x3  }
0x36: {  	p1 =	seq.s32 s10, $0x1;
	s10 =	sld [smem:$0x3FB5];
	_ =	sdelay $0x3  }
0x37: {  	[smem:$0x3FB5] =	sst s10  }
0x38: {  	s10 =	sld [smem:$0x3FB6]  }
0x39: {  	_ = 	snop;
	(pc) =	sbr.ind lr, $3  }
0x3a: {  	_ = 	snop  }
0x3b: {  	_ = 	snop  }
0x3c: {  	p2 =	seq.s32 s10, $0x1;
	s10 =	sld [smem:$0x3FB5]  }
0x3d: {  	_ =	shalt  }
0x3e: {  	_ =	shalt  }
0x3f: {  	_ =	shalt  }
0x40: {  	_ =	shalt  }
0x41: {  	_ =	shalt  }
0x42: {  	_ =	shalt  }
0x43: {  	_ =	shalt  }
0x44: {  	_ =	shalt  }
0x45: {  	_ =	shalt  }
0x46: {  	_ =	shalt  }
0x47: {  	_ =	shalt  }
0x48: {  	_ =	shalt  }
0x49: {  	_ =	shalt  }
0x4a: {  	_ =	shalt  }
0x4b: {  	_ =	shalt  }
0x4c: {  	_ =	shalt  }
0x4d: {  	_ =	shalt  }
0x4e: {  	_ =	shalt  }
0x4f: {  	_ =	shalt  }
0x50: {  	_ =	shalt  }
0x51: {  	_ =	shalt  }
0x52: {  	_ =	shalt  }
0x53: {  	_ =	shalt  }
0x54: {  	_ =	shalt  }
0x55: {  	_ =	shalt  }
0x56: {  	_ =	shalt  }
0x57: {  	_ =	shalt  }
0x58: {  	_ =	shalt  }
0x59: {  	_ =	shalt  }
0x5a: {  	_ =	shalt  }
0x5b: {  	_ =	shalt  }
0x5c: {  	_ =	shalt  }
0x5d: {  	_ =	shalt  }
0x5e: {  	_ =	shalt  }
0x5f: {  	_ =	shalt  }
0x60: {  	_ =	shalt  }
0x61: {  	_ =	shalt  }
0x62: {  	_ =	shalt  }
0x63: {  	_ =	shalt  }
0x64: {  	_ =	shalt  }
0x65: {  	_ =	shalt  }
0x66: {  	_ =	shalt  }
0x67: {  	_ =	shalt  }
0x68: {  	_ =	shalt  }
0x69: {  	_ =	shalt  }
0x6a: {  	_ =	shalt  }
0x6b: {  	_ =	shalt  }
0x6c: {  	_ =	shalt  }
0x6d: {  	_ =	shalt  }
0x6e: {  	_ =	shalt  }
0x6f: {  	_ =	shalt  }
0x70: {  	_ =	shalt  }
0x71: {  	_ =	shalt  }
0x72: {  	_ =	shalt  }
0x73: {  	_ =	shalt  }
0x74: {  	_ =	shalt  }
0x75: {  	_ =	shalt  }
0x76: {  	_ =	shalt  }
0x77: {  	_ =	shalt  }
0x78: {  	_ =	shalt  }
0x79: {  	_ =	shalt  }
0x7a: {  	_ =	shalt  }
0x7b: {  	_ =	shalt  }
0x7c: {  	_ =	shalt  }
0x7d: {  	_ =	shalt  }
0x7e: {  	_ =	shalt  }
0x7f: {  	_ =	shalt  }
0x80: {  	_ =	shalt  }
0x81: {  	_ =	shalt  }
0x82: {  	_ =	shalt  }
0x83: {  	_ =	shalt  }
0x84: {  	_ =	shalt  }
0x85: {  	_ =	shalt  }
0x86: {  	_ =	shalt  }
0x87: {  	_ =	shalt  }
.Lfunc_end0:
.L_simem_size_0:
called_computation.1_lowered:
.L_overlay_start_0:
0x88: {  	s2 =	sld [smem:$0x3FD9]  }
0x89: {  	s3 =	sld [smem:$0x3FFE];
	_ =	sdelay $0x1  }
0x8a: {  	s1 =	srdreg.scid  }
0x8b: {  	s0 =	sand.u32 $0x1, s1  }
0x8c: {  	s16 =	sshll.u32 s0, $0xA;
	s2 =	sadd.s32 s3, s2  }
0x8d: {  	s2 =	sadd.s32 s2, s16  }
0x8e: {  	[smem:$0x3FC1] =	sst s2  }
0x8f: {  	_ = 	snop  }
0x90: {  	(tm) =	ssettm $0x1  }
0x91: {  	s17 =	sld [smem:$0x3FFB];
	_ =	sdelay $0x3  }
0x92: {  	_ =	strace s17  }
0x93: {  	s2 =	sld [smem:$0x3FFC];
	_ =	sdelay $0x3  }
0x94: {  	_ =	strace s2  }
0x95: {  	s2 =	sld [smem:$0x3FFD];
	_ =	sdelay $0x3  }
0x96: {  	_ =	strace s2  }
0x97: {  	_ =	strace $0x8FFFFFFF  }
0x98: {  	s18 =	sld [smem:$0x3FDB];
	_ =	sdelay $0x1  }
0x99: {  	s19 =	simm.s32 $_scs_section_size  }
0x9a: {  	s4 =	simm.s32 $_size__tile_overlayer_lowered;
	s5 =	simm.s32 $_tile_overlayer_lowered  }
0x9b: {  	s22 =	simm.s32 $0x1BFF;
	s21 =	sshll.u32 s5, $0x1;
	s2 =	sadd.s32 s19, s18  }
0x9c: {  	s6 =	simm.s32 $0x0;
	s20 =	sshll.u32 s4, $0x1;
	s4 =	sadd.s32 s21, s2  }
0x9d: {  	[timem:s6], [sflag:s22] =	dma.local [hbm:s4], s20  }
0x9e: {  	_ =	swait.ge [sflag:s22], s20  }
0x9f: {  	s3 =	ssub.s32 $0x0, s20;
	[sflag:s22] =	ssyncset.done $0x0  }
0xa0: {  	[sflag:s22] =	ssyncadd.s32 s3;
	_ =	sdelay $0x1  }
0xa1: {  	s23 =	simm.s32 $0x1B8B  }
0xa2: {  	_ =	swait.ge [sflag:s23], $0x1  }
0xa3: {  	[sflag:s23] =	ssyncset.done $0x0  }
0xa4: {  	s25 =	simm.s32 $0x1B8E;
	s24 =	sld [smem:$0x3FFE];
	[sflag:s23] =	ssyncadd.s32 $0xFFFFFFFF  }
0xa5: {  	s26 =	simm.s32 $execute0_lowered;
	[smem:$0x3FD2] =	sst s25  }
0xa6: {  	s4 =	sshll.u32 s26, $0x1;
	_ =	strace $0x80000049;
	[dreg:$0x1] =	wrdreg $0xFFFFFFFF  }
0xa7: {  	s28 =	simm.s32 $_size_execute0_lowered;
	s2 =	sadd.s32 s2, s4;
	[dreg:$0x0] =	wrdreg $0x0  }
0xa8: {  	s4 =	sshll.u32 s28, $0x1;
	[dreg:$0x2] =	wrdreg s2  }
0xa9: {  	[dreg:$0x3] =	wrdreg s4  }
0xaa: {  	[dreg:$0x4] =	wrdreg $0xC0  }
0xab: {  	_ =	task [dreg:s6], $0x5FFFF  }
0xac: {  	[dreg:$0x1] =	wrdreg $0xFFFFFFFF  }
0xad: {  	[dreg:$0x0] =	wrdreg $0x60  }
0xae: {  	[dreg:$0x2] =	wrdreg s24  }
0xaf: {  	[dreg:$0x3] =	wrdreg $0xA8000  }
0xb0: {  	[dreg:$0x4] =	wrdreg $0x9  }
0xb1: {  	_ =	task.clear_ibuf [dreg:s6], $0x5FFFF;
	_ =	strace $0x90000049  }
0xb2: {  	s29 =	simm.s32 $0x9;
	_ =	strace $0x8000004B  }
0xb3: {  	_ =	swait.ge [sflag:s29], $0x1  }
0xb4: {  	[sflag:s29] =	ssyncadd.s32 $0xFFFFFFFF  }
0xb5: {  	_ =	strace $0x9000004B  }
0xb6: {  	_ =	sfence  }
0xb7: {  	s30 =	sld [smem:$0x0];
	_ =	sdelay $0x2  }
0xb8: {  	s31 =	sshll.u32 s1, $0xD;
	s1 =	sshrl.u32 s1, $0x2  }
0xb9: {  	s3 =	sand.u32 $0x4000, s31;
	s1 =	sadd.s32 s1, s30  }
0xba: {  	s0 =	sor.u32 s3, s0;
	s1 =	sshll.u32 s1, $0x11  }
0xbb: {  	s0 =	sor.u32 s1, s0  }
0xbc: {  	s0 =	sadd.s32 $0x8F2B, s0  }
0xbd: {  	[sflag:s0] =	ssyncadd.remote.s32 $0x1  }
0xbe: {  	_ =	sfence.sel $0xFFFF  }
0xbf: {  	[dreg:$0x0] =	wrdreg $0xFFFFFFFF;
	(pc) =	sbr.abs _section_cstart, $3  }
0xc0: {  	[dreg:$0x1] =	wrdreg $0xFFFFFFFF  }
0xc1: {  	_ =	task.clear_ibuf [dreg:s6], $0x2FFFF;
	_ =	strace $0x9FFFFFFF  }
0xc2: {  	(tm) =	ssettm $0x7FFFFFFF  }
0xc3: {  	_ =	shalt  }
tec
execute0_lowered:
.L_overlay_start_1:
0x0: {  	(tag) =	ssettag $0x1  }
0x1: {  	s9 =	rddreg [dreg:$0x0]  }
0x2: {  	s1 =	rddreg [dreg:$0x1]  }
0x3: {  	s0 =	rddreg [dreg:$0x2];
	s3 =	simm.s32 $0x0;
	s4 =	srdreg.scid  }
0x4: {  	s2 =	stileid.u32;
	s17 =	simm.s32 $0x1;
	s18 =	simm.s32 $0x2  }
0x5: {  	s19 =	simm.s32 $0x50;
	s20 =	simm.s32 $0x8000;
	s21 =	simm.s32 $0x3  }
0x6: {  	s22 =	simm.s32 $0x0;
	[smem:$0x7FF] =	sst s3;
	s7 =	sand.u32 $0x1, s4  }
0x7: {  	s5 =	sshll.u32 s2, $0xC;
	s10 =	smul.u32 $0x13800, s2;
	s4 =	sadd.s32 $0x2EE00, s9  }
0x8: {  	s12 =	smul.u32 $0x4E000, s2;
	s13 =	sadd.s32 $0x7D200, s9;
	s30 =	sshll.u32 s2, $0x6  }
0x9: {  	s16 =	sadd.s32 $0x138000, s1;
	p0 =	sne.s32 s2, $0xF;
	s6 =	sshll.u32 s7, $0xB  }
0xa: {  	_ =	strace $0x8000004A;
	s8 =	ssub.s32 $0x2, s7;
	s29 =	smul.u32 $0x138800, s7  }
0xb: {  	s16 =	sshrl.u32 @!p0 s16, $0x3;
	s5 =	sor.u32 s6, s5;
	s25 =	sshrl.u32 s10, $0x3  }
0xc: {  	s26 =	sshrl.u32 s8, $0x1;
	s28 =	sshrl.u32 s12, $0x2;
	s6 =	sadd.s32 s5, s9  }
0xd: {  	s11 =	sadd.s32 s25, s9;
	s14 =	ssub.s32 s8, s26;
	s15 =	sadd.s32 s28, s1  }
0xe: {  	s8 =	sor.u32 $0x1C04, s30;
	s10 =	sadd.s32 s10, s29;
	s31 =	sshrl.u32 s29, $0x3  }
0xf: {  	s9 =	sadd.s32 $0x7D000, s9;
	s5 =	sadd.s32 $0x1EE00, s6;
	s6 =	sadd.s32 $0xEC00, s6  }
0x10: {  	s7 =	sadd.s32 $0x56000, s11;
	s10 =	sshrl.u32 s10, $0x3;
	s11 =	sadd.s32 s13, s31  }
0x11: {  	s12 =	smax.u32 s14, $0x1;
	s14 =	sshrl.u32 s15, $0x3;
	s15 =	simm.s32 $0x4  }
0x12: {  	s10 =	sadd.s32 s13, s10;
	s11 =	sadd.s32 $0x27000, s11;
	s13 =	simm.s32 $0x4000  }
.LBB2_1:
0x13: {  	[tilespmem:s3], [sflag:$0x1] =	stream.linear.gather [hbm4b:s5+s3], $0x3E80, $0x38;
	[tilespmem:$0x1E0C0] =	vst v63  }
0x14: {  	_ = 	snop  }
0x15: {  	[tilespmem:s13], [sflag:$0x2] =	stream.linear.gather [hbm4b:s6+s3], $0x3E80, $0x38;
	[tilespmem:$0x1E0C0] =	vst v63  }
0x16: {  	[spmem:s14], [sflag:s8] =	dma.local [hbm:s7], $0x2700  }
0x17: {  	_ =	swait.ge [sflag:s15], $0x2700  }
0x18: {  	[sflag:s15] =	ssyncset.done $0x0  }
0x19: {  	s23 =	simm.s32 @!p0 $0x4;
	[sflag:s15] =	ssyncadd.s32 $0xFFFFD900  }
0x1a: {  	[spmem:s16], [sflag:s8] =	dma.local @!p0 [hbm:s9], $0x180  }
0x1b: {  	_ =	swait.ge @!p0 [sflag:s23], $0x180  }
0x1c: {  	[sflag:s23] =	ssyncset.done @!p0 $0x0  }
0x1d: {  	[sflag:s23] =	ssyncadd.s32 @!p0 $0xFFFFFE80  }
0x1e: {  	_ =	swait.ge [sflag:s17], $0x3E80  }
0x1f: {  	[sflag:s17] =	ssyncset.done $0x0  }
0x20: {  	[sflag:s17] =	ssyncadd.s32 $0xFFFFC180  }
0x21: {  	_ =	swait.ge [sflag:s18], $0x3E80  }
0x22: {  	[sflag:s18] =	ssyncset.done $0x0  }
0x23: {  	[sflag:s18] =	ssyncadd.s32 $0xFFFFC180  }
0x24: {  	s30 =	simm.s32 $0x0;
	[bflag:$0x0] =	sbarrier.arrive $0xFFFF  }
0x25: {  	[tilespmem:s20], [sflag:$0x3] =	stream.indirect.gather [hbm4b:s4+s19], $0x80, s30, s19, $0xb8;
	[tilespmem:$0x1E0C0] =	vst v63  }
0x26: {  	_ =	swait.ge [sflag:s21], $0x2800  }
0x27: {  	[sflag:s21] =	ssyncset.done $0x0  }
0x28: {  	s31 =	simm.s32 $0x4000;
	[sflag:s21] =	ssyncadd.s32 $0xFFFFD800  }
0x29: {  	[spmem:s1] =	stream.indirect.scatter.add.f32 [tilespmem:s20], [sflag:$0x4], $0x80, s31, s19, $0xb8;
	[tilespmem:$0x1E0C0] =	vst v63  }
0x2a: {  	_ =	swait.ge [sflag:s15], $0x2800  }
0x2b: {  	s24 =	simm.s32 $0x400;
	s23 =	simm.s32 $0x200;
	[sflag:s15] =	ssyncset.done $0x0  }
.LBB2_2:
0x2c: {  	s25 =	sshra.s32 s23, $0x2  }
0x2d: {  	[sflag:s15] =	ssyncadd.s32 $0xFFFFD800;
	s23 =	smov.u32 s24;
	s26 =	sadd.s32 $0x200, s24  }
0x2e: {  	[tilespmem:s20], [sflag:$0x3] =	stream.indirect.gather [hbm4b:s4+s19], $0x80, s25, s19, $0xb8;
	[tilespmem:$0x1E0C0] =	vst v63  }
0x2f: {  	p1 =	sne.s32 s24, $0xF800;
	_ =	swait.ge [sflag:s21], $0x2800  }
.Ltmp0:
0x30: {  	[sflag:s21] =	ssyncset.done $0x0;
	(pc) =	sbr.rel @p1 .LBB2_2-.Ltmp0, $4  }
0x31: {  	s24 =	sadd.s32 $0x4000, s25;
	[sflag:s21] =	ssyncadd.s32 $0xFFFFD800  }
0x32: {  	[spmem:s1] =	stream.indirect.scatter.add.f32 [tilespmem:s20], [sflag:$0x4], $0x80, s24, s19, $0xb8;
	[tilespmem:$0x1E0C0] =	vst v63  }
0x33: {  	_ =	swait.ge [sflag:s15], $0x2800  }
0x34: {  	s24 =	smov.u32 s26;
	[sflag:s15] =	ssyncset.done $0x0  }
0x35: {  	s23 =	sshra.s32 s23, $0x2;
	[sflag:s15] =	ssyncadd.s32 $0xFFFFD800  }
0x36: {  	[tilespmem:s20], [sflag:$0x3] =	stream.indirect.gather [hbm4b:s4+s19], $0x80, s23, s19, $0xb8;
	[tilespmem:$0x1E0C0] =	vst v63  }
0x37: {  	_ =	swait.ge [sflag:s21], $0x2800  }
0x38: {  	[sflag:s21] =	ssyncset.done $0x0  }
0x39: {  	s23 =	sadd.s32 $0x4000, s23;
	[sflag:s21] =	ssyncadd.s32 $0xFFFFD800  }
0x3a: {  	[spmem:s1] =	stream.indirect.scatter.add.f32 [tilespmem:s20], [sflag:$0x4], $0x80, s23, s19, $0xb8;
	[tilespmem:$0x1E0C0] =	vst v63  }
0x3b: {  	_ =	swait.ge [sflag:s15], $0x2800  }
0x3c: {  	[sflag:s15] =	ssyncset.done $0x0  }
0x3d: {  	[sflag:s15] =	ssyncadd.s32 $0xFFFFD800  }
0x3e: {  	[bflag:$0x0] =	sbarrier.arrive $0xFFFF  }
0x3f: {  	[hbm:s10], [sflag:s8] =	dma.local [spmem:s14], $0x2700  }
0x40: {  	s22 =	sadd.s32 $0x1, s22;
	_ =	swait.ge [sflag:s15], $0x2700  }
0x41: {  	p1 =	sne.s32 s22, s12;
	[sflag:s15] =	ssyncset.done $0x0  }
.Ltmp1:
0x42: {  	s23 =	simm.s32 @!p0 $0x4;
	[sflag:s15] =	ssyncadd.s32 $0xFFFFD900;
	(pc) =	sbr.rel @p1 .LBB2_1-.Ltmp1, $4  }
0x43: {  	[hbm:s11], [sflag:s8] =	dma.local @!p0 [spmem:s16], $0x100  }
0x44: {  	_ =	swait.ge @!p0 [sflag:s23], $0x100  }
0x45: {  	[sflag:s23] =	ssyncset.done @!p0 $0x0  }
0x46: {  	[sflag:s23] =	ssyncadd.s32 @!p0 $0xFFFFFF00  }
0x47: {  	_ =	sfence.sel $0x180000  }
0x48: {  	[bflag:$0x0] =	sbarrier.arrive $0xFFFF  }
0x49: {  	p0 =	sne.s32 s2, $0x0;
	_ =	strace $0x9000004A  }
0x4a: {  	s0 =	sadd.s32 @!p0 $0x100000, s0;
	[bflag:$0x2] =	sbarrier.arrive $0xFFFF  }
0x4b: {  	[sflag:s0] =	ssyncadd.tile.s32 @!p0 $0x1;
	_ =	shalt  }
.Lfunc_end2:
_tile_overlayer_lowered:
.L_overlay_start_2:
0x4c: {  	(tag) =	ssettag $0x2  }
0x4d: {  	s0 =	rddreg [dreg:$0x0];
	s2 =	stileid.u32  }
0x4e: {  	s1 =	rddreg [dreg:$0x1];
	p0 =	sne.s32 s2, $0x0  }
0x4f: {  	s3 =	rddreg [dreg:$0x2];
	[bflag:$0x3] =	sbarrier.arrive $0xFFFF;
	s2 =	simm.s32 @!p0 $0x1C04  }
0x50: {  	[timem:s3], [sflag:s2] =	dma.local @!p0 [hbm:s0], s1  }
0x51: {  	s0 =	simm.s32 @!p0 $0x4  }
0x52: {  	_ =	swait.ge @!p0 [sflag:s0], s1  }
0x53: {  	s1 =	ssub.s32 @!p0 $0x0, s1;
	[sflag:s0] =	ssyncset.done @!p0 $0x0  }
0x54: {  	[sflag:s0] =	ssyncadd.s32 @!p0 s1  }
0x55: {  	[bflag:$0x3] =	sbarrier.arrive $0xFFFF  }
0x56: {  	_ =	shalt  }

// kernel: kernel.30.cloned.1.call-start
scs
__scs_entry_jumppad:
0x0: {  	(pc) =	sbr.rel $0x88, $3  }
0x1: {  	(tag) =	ssettag $0x0;
	lr =	simm.s32 $0x1  }
0x2: {  	[smem:$0x3F9A] =	sst lr;
	_ =	strace $0xD0000000  }
0x3: {  	_ = 	snop  }
0x4: {  	_ = 	snop  }
0x5: {  	_ = 	snop  }
0x6: {  	_ = 	snop  }
0x7: {  	_ = 	snop  }
__scs_overlays_trampoline_lowered:
0x8: {  	[smem:$0x3FA9] =	sst s0  }
0x9: {  	[smem:$0x3FAA] =	sst s1  }
0xa: {  	[smem:$0x3FAB] =	sst s2  }
0xb: {  	[smem:$0x3FAC] =	sst s3  }
0xc: {  	[smem:$0x3FAD] =	sst s4  }
0xd: {  	[smem:$0x3FAE] =	sst s5  }
0xe: {  	[smem:$0x3FAF] =	sst s6  }
0xf: {  	[smem:$0x3FB0] =	sst s7  }
0x10: {  	[smem:$0x3FB1] =	sst s8  }
0x11: {  	[smem:$0x3FB2] =	sst s9;
	s0 =	simm.s32 @!p0 $0x0  }
0x12: {  	s1 =	sld [smem:$0x3F98];
	s0 =	simm.s32 @p0 $0x1  }
0x13: {  	[smem:$0x3FB3] =	sst s0;
	s0 =	simm.s32 @!p1 $0x0  }
0x14: {  	s2 =	sld [smem:$0x3F97];
	s0 =	simm.s32 @p1 $0x1  }
0x15: {  	[smem:$0x3FB4] =	sst s0;
	s0 =	simm.s32 @!p2 $0x0  }
0x16: {  	s3 =	sld [smem:$0x3FDB];
	s0 =	simm.s32 @p2 $0x1  }
0x17: {  	s4 =	simm.s32 $0x1BF5;
	[smem:$0x3FB6] =	sst s0  }
0x18: {  	s0 =	sld [smem:$0x3F99];
	_ =	swait.ge [sflag:s4], $0x0  }
0x19: {  	s7 =	sld [smem:$0x3F9A]  }
0x1a: {  	s8 =	sadd.s32 $0xFFFFE003, lr  }
0x1b: {  	s9 =	sadd.s32 $0xFFFFFEF7, lr;
	s5 =	simm.s32 $0xFFFFFFFF;
	p2 =	slt.u32 s8, $0xFFFFF086  }
0x1c: {  	p1 =	slt.u32 s9, $0xF7A;
	s5 =	simm.s32 @!p2 $0x0  }
0x1d: {  	s5 =	simm.s32 @p1 $0x1;
	p0 =	seq.s32 s7, s2  }
0x1e: {  	s7 =	smul.u32 @!p0 $0xF7A, s2;
	p2 =	seq.s32 @!p0 s5, $0x0  }
0x1f: {  	s9 =	smul.u32 $0xF7A, s1;
	s8 =	simm.s32 @!p0 $0x1BF5;
	p2 =	por !p2, p0  }
0x20: {  	[sflag:s8] =	ssyncset.s32 @!p0 $0xFFFFF086;
	s6 =	sadd.s32 @!p0 s3, s7;
	s7 =	simm.s32 @!p0 $0x108  }
0x21: {  	s3 =	sadd.s32 s3, s9;
	s6 =	sadd.s32 @!p0 $0x88, s6;
	s7 =	simm.s32 @p2 $0x1082  }
0x22: {  	[simem:s7], [sflag:s8] =	dma.local @!p0 [hbm:s6], $0xF7A  }
0x23: {  	s9 =	sor.u32 $0xD0000000, s2;
	s6 =	simm.s32 $0x108;
	_ =	swait.ge @!p0 [sflag:s8], $0x0  }
0x24: {  	s3 =	sadd.s32 $0x88, s3;
	s6 =	simm.s32 @!p1 $0x1082;
	[sflag:s4] =	ssyncset.s32 $0xFFFFF086  }
0x25: {  	[simem:s6], [sflag:s4] =	dma.local [hbm:s3], $0xF7A  }
0x26: {  	[smem:$0x3F9A] =	sst s1;
	(tag) =	ssettag s2;
	_ =	strace s9  }
0x27: {  	s1 =	sld [smem:$0x3FAA]  }
0x28: {  	s2 =	sld [smem:$0x3FAB]  }
0x29: {  	s4 =	sld [smem:$0x3FAD]  }
0x2a: {  	p0 =	seq.s32 s5, $0x0;
	s5 =	sld [smem:$0x3FAE]  }
0x2b: {  	s6 =	sld [smem:$0x3FAF]  }
0x2c: {  	s7 =	sld [smem:$0x3FB0]  }
0x2d: {  	s3 =	simm.s32 $0x108;
	s8 =	sld [smem:$0x3FB1]  }
0x2e: {  	s3 =	simm.s32 @!p0 $0x1082;
	s9 =	sld [smem:$0x3FB2]  }
0x2f: {  	lr =	sadd.s32 s0, s3;
	s0 =	sld [smem:$0x3FA9]  }
0x30: {  	s3 =	sld [smem:$0x3FAC]  }
0x31: {  	[smem:$0x3FB5] =	sst s10  }
0x32: {  	s10 =	sld [smem:$0x3FB3];
	_ =	sdelay $0x3  }
0x33: {  	p0 =	seq.s32 s10, $0x1;
	s10 =	sld [smem:$0x3FB5];
	_ =	sdelay $0x3  }
0x34: {  	[smem:$0x3FB5] =	sst s10  }
0x35: {  	s10 =	sld [smem:$0x3FB4];
	_ =	sdelay $0x3  }
0x36: {  	p1 =	seq.s32 s10, $0x1;
	s10 =	sld [smem:$0x3FB5];
	_ =	sdelay $0x3  }
0x37: {  	[smem:$0x3FB5] =	sst s10  }
0x38: {  	s10 =	sld [smem:$0x3FB6]  }
0x39: {  	_ = 	snop;
	(pc) =	sbr.ind lr, $3  }
0x3a: {  	_ = 	snop  }
0x3b: {  	_ = 	snop  }
0x3c: {  	p2 =	seq.s32 s10, $0x1;
	s10 =	sld [smem:$0x3FB5]  }
0x3d: {  	_ =	shalt  }
0x3e: {  	_ =	shalt  }
0x3f: {  	_ =	shalt  }
0x40: {  	_ =	shalt  }
0x41: {  	_ =	shalt  }
0x42: {  	_ =	shalt  }
0x43: {  	_ =	shalt  }
0x44: {  	_ =	shalt  }
0x45: {  	_ =	shalt  }
0x46: {  	_ =	shalt  }
0x47: {  	_ =	shalt  }
0x48: {  	_ =	shalt  }
0x49: {  	_ =	shalt  }
0x4a: {  	_ =	shalt  }
0x4b: {  	_ =	shalt  }
0x4c: {  	_ =	shalt  }
0x4d: {  	_ =	shalt  }
0x4e: {  	_ =	shalt  }
0x4f: {  	_ =	shalt  }
0x50: {  	_ =	shalt  }
0x51: {  	_ =	shalt  }
0x52: {  	_ =	shalt  }
0x53: {  	_ =	shalt  }
0x54: {  	_ =	shalt  }
0x55: {  	_ =	shalt  }
0x56: {  	_ =	shalt  }
0x57: {  	_ =	shalt  }
0x58: {  	_ =	shalt  }
0x59: {  	_ =	shalt  }
0x5a: {  	_ =	shalt  }
0x5b: {  	_ =	shalt  }
0x5c: {  	_ =	shalt  }
0x5d: {  	_ =	shalt  }
0x5e: {  	_ =	shalt  }
0x5f: {  	_ =	shalt  }
0x60: {  	_ =	shalt  }
0x61: {  	_ =	shalt  }
0x62: {  	_ =	shalt  }
0x63: {  	_ =	shalt  }
0x64: {  	_ =	shalt  }
0x65: {  	_ =	shalt  }
0x66: {  	_ =	shalt  }
0x67: {  	_ =	shalt  }
0x68: {  	_ =	shalt  }
0x69: {  	_ =	shalt  }
0x6a: {  	_ =	shalt  }
0x6b: {  	_ =	shalt  }
0x6c: {  	_ =	shalt  }
0x6d: {  	_ =	shalt  }
0x6e: {  	_ =	shalt  }
0x6f: {  	_ =	shalt  }
0x70: {  	_ =	shalt  }
0x71: {  	_ =	shalt  }
0x72: {  	_ =	shalt  }
0x73: {  	_ =	shalt  }
0x74: {  	_ =	shalt  }
0x75: {  	_ =	shalt  }
0x76: {  	_ =	shalt  }
0x77: {  	_ =	shalt  }
0x78: {  	_ =	shalt  }
0x79: {  	_ =	shalt  }
0x7a: {  	_ =	shalt  }
0x7b: {  	_ =	shalt  }
0x7c: {  	_ =	shalt  }
0x7d: {  	_ =	shalt  }
0x7e: {  	_ =	shalt  }
0x7f: {  	_ =	shalt  }
0x80: {  	_ =	shalt  }
0x81: {  	_ =	shalt  }
0x82: {  	_ =	shalt  }
0x83: {  	_ =	shalt  }
0x84: {  	_ =	shalt  }
0x85: {  	_ =	shalt  }
0x86: {  	_ =	shalt  }
0x87: {  	_ =	shalt  }
.Lfunc_end0:
.L_simem_size_0:
called_computation.2_lowered:
.L_overlay_start_0:
0x88: {  	s2 =	sld [smem:$0x3FD9]  }
0x89: {  	s3 =	sld [smem:$0x3FFE];
	_ =	sdelay $0x1  }
0x8a: {  	s1 =	srdreg.scid  }
0x8b: {  	s0 =	sand.u32 $0x1, s1  }
0x8c: {  	s16 =	sshll.u32 s0, $0xA;
	s2 =	sadd.s32 s3, s2  }
0x8d: {  	s2 =	sadd.s32 s2, s16  }
0x8e: {  	[smem:$0x3FC1] =	sst s2  }
0x8f: {  	_ = 	snop  }
0x90: {  	(tm) =	ssettm $0x1  }
0x91: {  	s17 =	sld [smem:$0x3FFB];
	_ =	sdelay $0x3  }
0x92: {  	_ =	strace s17  }
0x93: {  	s2 =	sld [smem:$0x3FFC];
	_ =	sdelay $0x3  }
0x94: {  	_ =	strace s2  }
0x95: {  	s2 =	sld [smem:$0x3FFD];
	_ =	sdelay $0x3  }
0x96: {  	_ =	strace s2  }
0x97: {  	_ =	strace $0x8FFFFFFF  }
0x98: {  	s18 =	sld [smem:$0x3FDB];
	_ =	sdelay $0x1  }
0x99: {  	s19 =	simm.s32 $_scs_section_size  }
0x9a: {  	s4 =	simm.s32 $_size__tile_overlayer_lowered;
	s5 =	simm.s32 $_tile_overlayer_lowered  }
0x9b: {  	s22 =	simm.s32 $0x1BFF;
	s21 =	sshll.u32 s5, $0x1;
	s2 =	sadd.s32 s19, s18  }
0x9c: {  	s6 =	simm.s32 $0x0;
	s20 =	sshll.u32 s4, $0x1;
	s4 =	sadd.s32 s21, s2  }
0x9d: {  	[timem:s6], [sflag:s22] =	dma.local [hbm:s4], s20  }
0x9e: {  	_ =	swait.ge [sflag:s22], s20  }
0x9f: {  	s3 =	ssub.s32 $0x0, s20;
	[sflag:s22] =	ssyncset.done $0x0  }
0xa0: {  	[sflag:s22] =	ssyncadd.s32 s3;
	_ =	sdelay $0x1  }
0xa1: {  	s23 =	simm.s32 $0x1B8B  }
0xa2: {  	_ =	swait.ge [sflag:s23], $0x1  }
0xa3: {  	[sflag:s23] =	ssyncset.done $0x0  }
0xa4: {  	s25 =	simm.s32 $0x1B8E;
	s24 =	sld [smem:$0x3FFE];
	[sflag:s23] =	ssyncadd.s32 $0xFFFFFFFF  }
0xa5: {  	s26 =	simm.s32 $execute0_lowered;
	[smem:$0x3FD2] =	sst s25  }
0xa6: {  	s4 =	sshll.u32 s26, $0x1;
	_ =	strace $0x8000004C;
	[dreg:$0x1] =	wrdreg $0xFFFFFFFF  }
0xa7: {  	s28 =	simm.s32 $_size_execute0_lowered;
	s2 =	sadd.s32 s2, s4;
	[dreg:$0x0] =	wrdreg $0x0  }
0xa8: {  	s4 =	sshll.u32 s28, $0x1;
	[dreg:$0x2] =	wrdreg s2  }
0xa9: {  	[dreg:$0x3] =	wrdreg s4  }
0xaa: {  	[dreg:$0x4] =	wrdreg $0xC0  }
0xab: {  	_ =	task [dreg:s6], $0x5FFFF  }
0xac: {  	[dreg:$0x1] =	wrdreg $0xFFFFFFFF  }
0xad: {  	[dreg:$0x0] =	wrdreg $0x60  }
0xae: {  	[dreg:$0x2] =	wrdreg s24  }
0xaf: {  	[dreg:$0x3] =	wrdreg $0xA8000  }
0xb0: {  	[dreg:$0x4] =	wrdreg $0x9  }
0xb1: {  	_ =	task.clear_ibuf [dreg:s6], $0x5FFFF;
	_ =	strace $0x9000004C  }
0xb2: {  	s29 =	simm.s32 $0x9;
	_ =	strace $0x8000004E  }
0xb3: {  	_ =	swait.ge [sflag:s29], $0x1  }
0xb4: {  	[sflag:s29] =	ssyncadd.s32 $0xFFFFFFFF  }
0xb5: {  	_ =	strace $0x9000004E  }
0xb6: {  	_ =	sfence  }
0xb7: {  	s30 =	sld [smem:$0x0];
	_ =	sdelay $0x2  }
0xb8: {  	s31 =	sshll.u32 s1, $0xD;
	s1 =	sshrl.u32 s1, $0x2  }
0xb9: {  	s3 =	sand.u32 $0x4000, s31;
	s1 =	sadd.s32 s1, s30  }
0xba: {  	s0 =	sor.u32 s3, s0;
	s1 =	sshll.u32 s1, $0x11  }
0xbb: {  	s0 =	sor.u32 s1, s0  }
0xbc: {  	s0 =	sadd.s32 $0x8F2B, s0  }
0xbd: {  	[sflag:s0] =	ssyncadd.remote.s32 $0x1  }
0xbe: {  	_ =	sfence.sel $0xFFFF  }
0xbf: {  	[dreg:$0x0] =	wrdreg $0xFFFFFFFF;
	(pc) =	sbr.abs _section_cstart, $3  }
0xc0: {  	[dreg:$0x1] =	wrdreg $0xFFFFFFFF  }
0xc1: {  	_ =	task.clear_ibuf [dreg:s6], $0x2FFFF;
	_ =	strace $0x9FFFFFFF  }
0xc2: {  	(tm) =	ssettm $0x7FFFFFFF  }
0xc3: {  	_ =	shalt  }
tec
execute0_lowered:
.L_overlay_start_1:
0x0: {  	(tag) =	ssettag $0x1  }
0x1: {  	s9 =	rddreg [dreg:$0x0]  }
0x2: {  	s1 =	rddreg [dreg:$0x1]  }
0x3: {  	s0 =	rddreg [dreg:$0x2];
	s3 =	simm.s32 $0x0;
	s4 =	srdreg.scid  }
0x4: {  	s2 =	stileid.u32;
	s17 =	simm.s32 $0x1;
	s18 =	simm.s32 $0x2  }
0x5: {  	s19 =	simm.s32 $0x50;
	s20 =	simm.s32 $0x8000;
	s21 =	simm.s32 $0x3  }
0x6: {  	s22 =	simm.s32 $0x0;
	[smem:$0x7FF] =	sst s3;
	s7 =	sand.u32 $0x1, s4  }
0x7: {  	s5 =	sshll.u32 s2, $0xC;
	s10 =	smul.u32 $0x13800, s2;
	s4 =	sadd.s32 $0x2EE00, s9  }
0x8: {  	s12 =	smul.u32 $0x4E000, s2;
	s13 =	sadd.s32 $0x7D200, s9;
	s30 =	sshll.u32 s2, $0x6  }
0x9: {  	s16 =	sadd.s32 $0x138000, s1;
	p0 =	sne.s32 s2, $0xF;
	s6 =	sshll.u32 s7, $0xB  }
0xa: {  	_ =	strace $0x8000004D;
	s8 =	ssub.s32 $0x2, s7;
	s29 =	smul.u32 $0x138800, s7  }
0xb: {  	s16 =	sshrl.u32 @!p0 s16, $0x3;
	s5 =	sor.u32 s6, s5;
	s25 =	sshrl.u32 s10, $0x3  }
0xc: {  	s26 =	sshrl.u32 s8, $0x1;
	s28 =	sshrl.u32 s12, $0x2;
	s6 =	sadd.s32 s5, s9  }
0xd: {  	s11 =	sadd.s32 s25, s9;
	s14 =	ssub.s32 s8, s26;
	s15 =	sadd.s32 s28, s1  }
0xe: {  	s8 =	sor.u32 $0x1C04, s30;
	s10 =	sadd.s32 s10, s29;
	s31 =	sshrl.u32 s29, $0x3  }
0xf: {  	s9 =	sadd.s32 $0x7D000, s9;
	s5 =	sadd.s32 $0x1EE00, s6;
	s6 =	sadd.s32 $0xEC00, s6  }
0x10: {  	s7 =	sadd.s32 $0x56000, s11;
	s10 =	sshrl.u32 s10, $0x3;
	s11 =	sadd.s32 s13, s31  }
0x11: {  	s12 =	smax.u32 s14, $0x1;
	s14 =	sshrl.u32 s15, $0x3;
	s15 =	simm.s32 $0x4  }
0x12: {  	s10 =	sadd.s32 s13, s10;
	s11 =	sadd.s32 $0x27000, s11;
	s13 =	simm.s32 $0x4000  }
.LBB2_1:
0x13: {  	[tilespmem:s3], [sflag:$0x1] =	stream.linear.gather [hbm4b:s5+s3], $0x3E80, $0x38;
	[tilespmem:$0x1E0C0] =	vst v63  }
0x14: {  	_ = 	snop  }
0x15: {  	[tilespmem:s13], [sflag:$0x2] =	stream.linear.gather [hbm4b:s6+s3], $0x3E80, $0x38;
	[tilespmem:$0x1E0C0] =	vst v63  }
0x16: {  	[spmem:s14], [sflag:s8] =	dma.local [hbm:s7], $0x2700  }
0x17: {  	_ =	swait.ge [sflag:s15], $0x2700  }
0x18: {  	[sflag:s15] =	ssyncset.done $0x0  }
0x19: {  	s23 =	simm.s32 @!p0 $0x4;
	[sflag:s15] =	ssyncadd.s32 $0xFFFFD900  }
0x1a: {  	[spmem:s16], [sflag:s8] =	dma.local @!p0 [hbm:s9], $0x180  }
0x1b: {  	_ =	swait.ge @!p0 [sflag:s23], $0x180  }
0x1c: {  	[sflag:s23] =	ssyncset.done @!p0 $0x0  }
0x1d: {  	[sflag:s23] =	ssyncadd.s32 @!p0 $0xFFFFFE80  }
0x1e: {  	_ =	swait.ge [sflag:s17], $0x3E80  }
0x1f: {  	[sflag:s17] =	ssyncset.done $0x0  }
0x20: {  	[sflag:s17] =	ssyncadd.s32 $0xFFFFC180  }
0x21: {  	_ =	swait.ge [sflag:s18], $0x3E80  }
0x22: {  	[sflag:s18] =	ssyncset.done $0x0  }
0x23: {  	[sflag:s18] =	ssyncadd.s32 $0xFFFFC180  }
0x24: {  	s30 =	simm.s32 $0x0;
	[bflag:$0x0] =	sbarrier.arrive $0xFFFF  }
0x25: {  	[tilespmem:s20], [sflag:$0x3] =	stream.indirect.gather [hbm4b:s4+s19], $0x80, s30, s19, $0xb8;
	[tilespmem:$0x1E0C0] =	vst v63  }
0x26: {  	_ =	swait.ge [sflag:s21], $0x2800  }
0x27: {  	[sflag:s21] =	ssyncset.done $0x0  }
0x28: {  	s31 =	simm.s32 $0x4000;
	[sflag:s21] =	ssyncadd.s32 $0xFFFFD800  }
0x29: {  	[spmem:s1] =	stream.indirect.scatter.add.f32 [tilespmem:s20], [sflag:$0x4], $0x80, s31, s19, $0xb8;
	[tilespmem:$0x1E0C0] =	vst v63  }
0x2a: {  	_ =	swait.ge [sflag:s15], $0x2800  }
0x2b: {  	s24 =	simm.s32 $0x400;
	s23 =	simm.s32 $0x200;
	[sflag:s15] =	ssyncset.done $0x0  }
.LBB2_2:
0x2c: {  	s25 =	sshra.s32 s23, $0x2  }
0x2d: {  	[sflag:s15] =	ssyncadd.s32 $0xFFFFD800;
	s23 =	smov.u32 s24;
	s26 =	sadd.s32 $0x200, s24  }
0x2e: {  	[tilespmem:s20], [sflag:$0x3] =	stream.indirect.gather [hbm4b:s4+s19], $0x80, s25, s19, $0xb8;
	[tilespmem:$0x1E0C0] =	vst v63  }
0x2f: {  	p1 =	sne.s32 s24, $0xF800;
	_ =	swait.ge [sflag:s21], $0x2800  }
.Ltmp0:
0x30: {  	[sflag:s21] =	ssyncset.done $0x0;
	(pc) =	sbr.rel @p1 .LBB2_2-.Ltmp0, $4  }
0x31: {  	s24 =	sadd.s32 $0x4000, s25;
	[sflag:s21] =	ssyncadd.s32 $0xFFFFD800  }
0x32: {  	[spmem:s1] =	stream.indirect.scatter.add.f32 [tilespmem:s20], [sflag:$0x4], $0x80, s24, s19, $0xb8;
	[tilespmem:$0x1E0C0] =	vst v63  }
0x33: {  	_ =	swait.ge [sflag:s15], $0x2800  }
0x34: {  	s24 =	smov.u32 s26;
	[sflag:s15] =	ssyncset.done $0x0  }
0x35: {  	s23 =	sshra.s32 s23, $0x2;
	[sflag:s15] =	ssyncadd.s32 $0xFFFFD800  }
0x36: {  	[tilespmem:s20], [sflag:$0x3] =	stream.indirect.gather [hbm4b:s4+s19], $0x80, s23, s19, $0xb8;
	[tilespmem:$0x1E0C0] =	vst v63  }
0x37: {  	_ =	swait.ge [sflag:s21], $0x2800  }
0x38: {  	[sflag:s21] =	ssyncset.done $0x0  }
0x39: {  	s23 =	sadd.s32 $0x4000, s23;
	[sflag:s21] =	ssyncadd.s32 $0xFFFFD800  }
0x3a: {  	[spmem:s1] =	stream.indirect.scatter.add.f32 [tilespmem:s20], [sflag:$0x4], $0x80, s23, s19, $0xb8;
	[tilespmem:$0x1E0C0] =	vst v63  }
0x3b: {  	_ =	swait.ge [sflag:s15], $0x2800  }
0x3c: {  	[sflag:s15] =	ssyncset.done $0x0  }
0x3d: {  	[sflag:s15] =	ssyncadd.s32 $0xFFFFD800  }
0x3e: {  	[bflag:$0x0] =	sbarrier.arrive $0xFFFF  }
0x3f: {  	[hbm:s10], [sflag:s8] =	dma.local [spmem:s14], $0x2700  }
0x40: {  	s22 =	sadd.s32 $0x1, s22;
	_ =	swait.ge [sflag:s15], $0x2700  }
0x41: {  	p1 =	sne.s32 s22, s12;
	[sflag:s15] =	ssyncset.done $0x0  }
.Ltmp1:
0x42: {  	s23 =	simm.s32 @!p0 $0x4;
	[sflag:s15] =	ssyncadd.s32 $0xFFFFD900;
	(pc) =	sbr.rel @p1 .LBB2_1-.Ltmp1, $4  }
0x43: {  	[hbm:s11], [sflag:s8] =	dma.local @!p0 [spmem:s16], $0x100  }
0x44: {  	_ =	swait.ge @!p0 [sflag:s23], $0x100  }
0x45: {  	[sflag:s23] =	ssyncset.done @!p0 $0x0  }
0x46: {  	[sflag:s23] =	ssyncadd.s32 @!p0 $0xFFFFFF00  }
0x47: {  	_ =	sfence.sel $0x180000  }
0x48: {  	[bflag:$0x0] =	sbarrier.arrive $0xFFFF  }
0x49: {  	p0 =	sne.s32 s2, $0x0;
	_ =	strace $0x9000004D  }
0x4a: {  	s0 =	sadd.s32 @!p0 $0x100000, s0;
	[bflag:$0x2] =	sbarrier.arrive $0xFFFF  }
0x4b: {  	[sflag:s0] =	ssyncadd.tile.s32 @!p0 $0x1;
	_ =	shalt  }
.Lfunc_end2:
_tile_overlayer_lowered:
.L_overlay_start_2:
0x4c: {  	(tag) =	ssettag $0x2  }
0x4d: {  	s0 =	rddreg [dreg:$0x0];
	s2 =	stileid.u32  }
0x4e: {  	s1 =	rddreg [dreg:$0x1];
	p0 =	sne.s32 s2, $0x0  }
0x4f: {  	s3 =	rddreg [dreg:$0x2];
	[bflag:$0x3] =	sbarrier.arrive $0xFFFF;
	s2 =	simm.s32 @!p0 $0x1C04  }
0x50: {  	[timem:s3], [sflag:s2] =	dma.local @!p0 [hbm:s0], s1  }
0x51: {  	s0 =	simm.s32 @!p0 $0x4  }
0x52: {  	_ =	swait.ge @!p0 [sflag:s0], s1  }
0x53: {  	s1 =	ssub.s32 @!p0 $0x0, s1;
	[sflag:s0] =	ssyncset.done @!p0 $0x0  }
0x54: {  	[sflag:s0] =	ssyncadd.s32 @!p0 s1  }
0x55: {  	[bflag:$0x3] =	sbarrier.arrive $0xFFFF  }
0x56: {  	_ =	shalt  }

// kernel: kernel.33.cloned.1.call-start
scs
__scs_entry_jumppad:
0x0: {  	(pc) =	sbr.rel $0x88, $3  }
0x1: {  	(tag) =	ssettag $0x0;
	lr =	simm.s32 $0x1  }
0x2: {  	[smem:$0x3F9A] =	sst lr;
	_ =	strace $0xD0000000  }
0x3: {  	_ = 	snop  }
0x4: {  	_ = 	snop  }
0x5: {  	_ = 	snop  }
0x6: {  	_ = 	snop  }
0x7: {  	_ = 	snop  }
__scs_overlays_trampoline_lowered:
0x8: {  	[smem:$0x3FA9] =	sst s0  }
0x9: {  	[smem:$0x3FAA] =	sst s1  }
0xa: {  	[smem:$0x3FAB] =	sst s2  }
0xb: {  	[smem:$0x3FAC] =	sst s3  }
0xc: {  	[smem:$0x3FAD] =	sst s4  }
0xd: {  	[smem:$0x3FAE] =	sst s5  }
0xe: {  	[smem:$0x3FAF] =	sst s6  }
0xf: {  	[smem:$0x3FB0] =	sst s7  }
0x10: {  	[smem:$0x3FB1] =	sst s8  }
0x11: {  	[smem:$0x3FB2] =	sst s9;
	s0 =	simm.s32 @!p0 $0x0  }
0x12: {  	s1 =	sld [smem:$0x3F98];
	s0 =	simm.s32 @p0 $0x1  }
0x13: {  	[smem:$0x3FB3] =	sst s0;
	s0 =	simm.s32 @!p1 $0x0  }
0x14: {  	s2 =	sld [smem:$0x3F97];
	s0 =	simm.s32 @p1 $0x1  }
0x15: {  	[smem:$0x3FB4] =	sst s0;
	s0 =	simm.s32 @!p2 $0x0  }
0x16: {  	s3 =	sld [smem:$0x3FDB];
	s0 =	simm.s32 @p2 $0x1  }
0x17: {  	s4 =	simm.s32 $0x1BF5;
	[smem:$0x3FB6] =	sst s0  }
0x18: {  	s0 =	sld [smem:$0x3F99];
	_ =	swait.ge [sflag:s4], $0x0  }
0x19: {  	s7 =	sld [smem:$0x3F9A]  }
0x1a: {  	s8 =	sadd.s32 $0xFFFFE003, lr  }
0x1b: {  	s9 =	sadd.s32 $0xFFFFFEF7, lr;
	s5 =	simm.s32 $0xFFFFFFFF;
	p2 =	slt.u32 s8, $0xFFFFF086  }
0x1c: {  	p1 =	slt.u32 s9, $0xF7A;
	s5 =	simm.s32 @!p2 $0x0  }
0x1d: {  	s5 =	simm.s32 @p1 $0x1;
	p0 =	seq.s32 s7, s2  }
0x1e: {  	s7 =	smul.u32 @!p0 $0xF7A, s2;
	p2 =	seq.s32 @!p0 s5, $0x0  }
0x1f: {  	s9 =	smul.u32 $0xF7A, s1;
	s8 =	simm.s32 @!p0 $0x1BF5;
	p2 =	por !p2, p0  }
0x20: {  	[sflag:s8] =	ssyncset.s32 @!p0 $0xFFFFF086;
	s6 =	sadd.s32 @!p0 s3, s7;
	s7 =	simm.s32 @!p0 $0x108  }
0x21: {  	s3 =	sadd.s32 s3, s9;
	s6 =	sadd.s32 @!p0 $0x88, s6;
	s7 =	simm.s32 @p2 $0x1082  }
0x22: {  	[simem:s7], [sflag:s8] =	dma.local @!p0 [hbm:s6], $0xF7A  }
0x23: {  	s9 =	sor.u32 $0xD0000000, s2;
	s6 =	simm.s32 $0x108;
	_ =	swait.ge @!p0 [sflag:s8], $0x0  }
0x24: {  	s3 =	sadd.s32 $0x88, s3;
	s6 =	simm.s32 @!p1 $0x1082;
	[sflag:s4] =	ssyncset.s32 $0xFFFFF086  }
0x25: {  	[simem:s6], [sflag:s4] =	dma.local [hbm:s3], $0xF7A  }
0x26: {  	[smem:$0x3F9A] =	sst s1;
	(tag) =	ssettag s2;
	_ =	strace s9  }
0x27: {  	s1 =	sld [smem:$0x3FAA]  }
0x28: {  	s2 =	sld [smem:$0x3FAB]  }
0x29: {  	s4 =	sld [smem:$0x3FAD]  }
0x2a: {  	p0 =	seq.s32 s5, $0x0;
	s5 =	sld [smem:$0x3FAE]  }
0x2b: {  	s6 =	sld [smem:$0x3FAF]  }
0x2c: {  	s7 =	sld [smem:$0x3FB0]  }
0x2d: {  	s3 =	simm.s32 $0x108;
	s8 =	sld [smem:$0x3FB1]  }
0x2e: {  	s3 =	simm.s32 @!p0 $0x1082;
	s9 =	sld [smem:$0x3FB2]  }
0x2f: {  	lr =	sadd.s32 s0, s3;
	s0 =	sld [smem:$0x3FA9]  }
0x30: {  	s3 =	sld [smem:$0x3FAC]  }
0x31: {  	[smem:$0x3FB5] =	sst s10  }
0x32: {  	s10 =	sld [smem:$0x3FB3];
	_ =	sdelay $0x3  }
0x33: {  	p0 =	seq.s32 s10, $0x1;
	s10 =	sld [smem:$0x3FB5];
	_ =	sdelay $0x3  }
0x34: {  	[smem:$0x3FB5] =	sst s10  }
0x35: {  	s10 =	sld [smem:$0x3FB4];
	_ =	sdelay $0x3  }
0x36: {  	p1 =	seq.s32 s10, $0x1;
	s10 =	sld [smem:$0x3FB5];
	_ =	sdelay $0x3  }
0x37: {  	[smem:$0x3FB5] =	sst s10  }
0x38: {  	s10 =	sld [smem:$0x3FB6]  }
0x39: {  	_ = 	snop;
	(pc) =	sbr.ind lr, $3  }
0x3a: {  	_ = 	snop  }
0x3b: {  	_ = 	snop  }
0x3c: {  	p2 =	seq.s32 s10, $0x1;
	s10 =	sld [smem:$0x3FB5]  }
0x3d: {  	_ =	shalt  }
0x3e: {  	_ =	shalt  }
0x3f: {  	_ =	shalt  }
0x40: {  	_ =	shalt  }
0x41: {  	_ =	shalt  }
0x42: {  	_ =	shalt  }
0x43: {  	_ =	shalt  }
0x44: {  	_ =	shalt  }
0x45: {  	_ =	shalt  }
0x46: {  	_ =	shalt  }
0x47: {  	_ =	shalt  }
0x48: {  	_ =	shalt  }
0x49: {  	_ =	shalt  }
0x4a: {  	_ =	shalt  }
0x4b: {  	_ =	shalt  }
0x4c: {  	_ =	shalt  }
0x4d: {  	_ =	shalt  }
0x4e: {  	_ =	shalt  }
0x4f: {  	_ =	shalt  }
0x50: {  	_ =	shalt  }
0x51: {  	_ =	shalt  }
0x52: {  	_ =	shalt  }
0x53: {  	_ =	shalt  }
0x54: {  	_ =	shalt  }
0x55: {  	_ =	shalt  }
0x56: {  	_ =	shalt  }
0x57: {  	_ =	shalt  }
0x58: {  	_ =	shalt  }
0x59: {  	_ =	shalt  }
0x5a: {  	_ =	shalt  }
0x5b: {  	_ =	shalt  }
0x5c: {  	_ =	shalt  }
0x5d: {  	_ =	shalt  }
0x5e: {  	_ =	shalt  }
0x5f: {  	_ =	shalt  }
0x60: {  	_ =	shalt  }
0x61: {  	_ =	shalt  }
0x62: {  	_ =	shalt  }
0x63: {  	_ =	shalt  }
0x64: {  	_ =	shalt  }
0x65: {  	_ =	shalt  }
0x66: {  	_ =	shalt  }
0x67: {  	_ =	shalt  }
0x68: {  	_ =	shalt  }
0x69: {  	_ =	shalt  }
0x6a: {  	_ =	shalt  }
0x6b: {  	_ =	shalt  }
0x6c: {  	_ =	shalt  }
0x6d: {  	_ =	shalt  }
0x6e: {  	_ =	shalt  }
0x6f: {  	_ =	shalt  }
0x70: {  	_ =	shalt  }
0x71: {  	_ =	shalt  }
0x72: {  	_ =	shalt  }
0x73: {  	_ =	shalt  }
0x74: {  	_ =	shalt  }
0x75: {  	_ =	shalt  }
0x76: {  	_ =	shalt  }
0x77: {  	_ =	shalt  }
0x78: {  	_ =	shalt  }
0x79: {  	_ =	shalt  }
0x7a: {  	_ =	shalt  }
0x7b: {  	_ =	shalt  }
0x7c: {  	_ =	shalt  }
0x7d: {  	_ =	shalt  }
0x7e: {  	_ =	shalt  }
0x7f: {  	_ =	shalt  }
0x80: {  	_ =	shalt  }
0x81: {  	_ =	shalt  }
0x82: {  	_ =	shalt  }
0x83: {  	_ =	shalt  }
0x84: {  	_ =	shalt  }
0x85: {  	_ =	shalt  }
0x86: {  	_ =	shalt  }
0x87: {  	_ =	shalt  }
.Lfunc_end0:
.L_simem_size_0:
called_computation.3_lowered:
.L_overlay_start_0:
0x88: {  	s2 =	sld [smem:$0x3FD9]  }
0x89: {  	s3 =	sld [smem:$0x3FFE];
	_ =	sdelay $0x1  }
0x8a: {  	s1 =	srdreg.scid  }
0x8b: {  	s0 =	sand.u32 $0x1, s1  }
0x8c: {  	s16 =	sshll.u32 s0, $0xA;
	s2 =	sadd.s32 s3, s2  }
0x8d: {  	s2 =	sadd.s32 s2, s16  }
0x8e: {  	[smem:$0x3FC1] =	sst s2  }
0x8f: {  	_ = 	snop  }
0x90: {  	(tm) =	ssettm $0x1  }
0x91: {  	s17 =	sld [smem:$0x3FFB];
	_ =	sdelay $0x3  }
0x92: {  	_ =	strace s17  }
0x93: {  	s2 =	sld [smem:$0x3FFC];
	_ =	sdelay $0x3  }
0x94: {  	_ =	strace s2  }
0x95: {  	s2 =	sld [smem:$0x3FFD];
	_ =	sdelay $0x3  }
0x96: {  	_ =	strace s2  }
0x97: {  	_ =	strace $0x8FFFFFFF  }
0x98: {  	s18 =	sld [smem:$0x3FDB];
	_ =	sdelay $0x1  }
0x99: {  	s19 =	simm.s32 $_scs_section_size  }
0x9a: {  	s4 =	simm.s32 $_size__tile_overlayer_lowered;
	s5 =	simm.s32 $_tile_overlayer_lowered  }
0x9b: {  	s22 =	simm.s32 $0x1BFF;
	s21 =	sshll.u32 s5, $0x1;
	s2 =	sadd.s32 s19, s18  }
0x9c: {  	s6 =	simm.s32 $0x0;
	s20 =	sshll.u32 s4, $0x1;
	s4 =	sadd.s32 s21, s2  }
0x9d: {  	[timem:s6], [sflag:s22] =	dma.local [hbm:s4], s20  }
0x9e: {  	_ =	swait.ge [sflag:s22], s20  }
0x9f: {  	s3 =	ssub.s32 $0x0, s20;
	[sflag:s22] =	ssyncset.done $0x0  }
0xa0: {  	[sflag:s22] =	ssyncadd.s32 s3;
	_ =	sdelay $0x1  }
0xa1: {  	s23 =	simm.s32 $0x1B8B  }
0xa2: {  	_ =	swait.ge [sflag:s23], $0x1  }
0xa3: {  	[sflag:s23] =	ssyncset.done $0x0  }
0xa4: {  	s25 =	simm.s32 $0x1B8E;
	s24 =	sld [smem:$0x3FFE];
	[sflag:s23] =	ssyncadd.s32 $0xFFFFFFFF  }
0xa5: {  	s26 =	simm.s32 $execute0_lowered;
	[smem:$0x3FD2] =	sst s25  }
0xa6: {  	s4 =	sshll.u32 s26, $0x1;
	_ =	strace $0x8000004F;
	[dreg:$0x1] =	wrdreg $0xFFFFFFFF  }
0xa7: {  	s28 =	simm.s32 $_size_execute0_lowered;
	s2 =	sadd.s32 s2, s4;
	[dreg:$0x0] =	wrdreg $0x0  }
0xa8: {  	s4 =	sshll.u32 s28, $0x1;
	[dreg:$0x2] =	wrdreg s2  }
0xa9: {  	[dreg:$0x3] =	wrdreg s4  }
0xaa: {  	[dreg:$0x4] =	wrdreg $0xC0  }
0xab: {  	_ =	task [dreg:s6], $0x5FFFF  }
0xac: {  	[dreg:$0x1] =	wrdreg $0xFFFFFFFF  }
0xad: {  	[dreg:$0x0] =	wrdreg $0x60  }
0xae: {  	[dreg:$0x2] =	wrdreg s24  }
0xaf: {  	[dreg:$0x3] =	wrdreg $0xA8000  }
0xb0: {  	[dreg:$0x4] =	wrdreg $0x9  }
0xb1: {  	_ =	task.clear_ibuf [dreg:s6], $0x5FFFF;
	_ =	strace $0x9000004F  }
0xb2: {  	s29 =	simm.s32 $0x9;
	_ =	strace $0x80000051  }
0xb3: {  	_ =	swait.ge [sflag:s29], $0x1  }
0xb4: {  	[sflag:s29] =	ssyncadd.s32 $0xFFFFFFFF  }
0xb5: {  	_ =	strace $0x90000051  }
0xb6: {  	_ =	sfence  }
0xb7: {  	s30 =	sld [smem:$0x0];
	_ =	sdelay $0x2  }
0xb8: {  	s31 =	sshll.u32 s1, $0xD;
	s1 =	sshrl.u32 s1, $0x2  }
0xb9: {  	s3 =	sand.u32 $0x4000, s31;
	s1 =	sadd.s32 s1, s30  }
0xba: {  	s0 =	sor.u32 s3, s0;
	s1 =	sshll.u32 s1, $0x11  }
0xbb: {  	s0 =	sor.u32 s1, s0  }
0xbc: {  	s0 =	sadd.s32 $0x8F2B, s0  }
0xbd: {  	[sflag:s0] =	ssyncadd.remote.s32 $0x1  }
0xbe: {  	_ =	sfence.sel $0xFFFF  }
0xbf: {  	[dreg:$0x0] =	wrdreg $0xFFFFFFFF;
	(pc) =	sbr.abs _section_cstart, $3  }
0xc0: {  	[dreg:$0x1] =	wrdreg $0xFFFFFFFF  }
0xc1: {  	_ =	task.clear_ibuf [dreg:s6], $0x2FFFF;
	_ =	strace $0x9FFFFFFF  }
0xc2: {  	(tm) =	ssettm $0x7FFFFFFF  }
0xc3: {  	_ =	shalt  }
tec
execute0_lowered:
.L_overlay_start_1:
0x0: {  	(tag) =	ssettag $0x1  }
0x1: {  	s9 =	rddreg [dreg:$0x0]  }
0x2: {  	s1 =	rddreg [dreg:$0x1]  }
0x3: {  	s0 =	rddreg [dreg:$0x2];
	s3 =	simm.s32 $0x0;
	s4 =	srdreg.scid  }
0x4: {  	s2 =	stileid.u32;
	s17 =	simm.s32 $0x1;
	s18 =	simm.s32 $0x2  }
0x5: {  	s19 =	simm.s32 $0x50;
	s20 =	simm.s32 $0x8000;
	s21 =	simm.s32 $0x3  }
0x6: {  	s22 =	simm.s32 $0x0;
	[smem:$0x7FF] =	sst s3;
	s7 =	sand.u32 $0x1, s4  }
0x7: {  	s5 =	sshll.u32 s2, $0xC;
	s10 =	smul.u32 $0x13800, s2;
	s4 =	sadd.s32 $0x2EE00, s9  }
0x8: {  	s12 =	smul.u32 $0x4E000, s2;
	s13 =	sadd.s32 $0x7D200, s9;
	s30 =	sshll.u32 s2, $0x6  }
0x9: {  	s16 =	sadd.s32 $0x138000, s1;
	p0 =	sne.s32 s2, $0xF;
	s6 =	sshll.u32 s7, $0xB  }
0xa: {  	_ =	strace $0x80000050;
	s8 =	ssub.s32 $0x2, s7;
	s29 =	smul.u32 $0x138800, s7  }
0xb: {  	s16 =	sshrl.u32 @!p0 s16, $0x3;
	s5 =	sor.u32 s6, s5;
	s25 =	sshrl.u32 s10, $0x3  }
0xc: {  	s26 =	sshrl.u32 s8, $0x1;
	s28 =	sshrl.u32 s12, $0x2;
	s6 =	sadd.s32 s5, s9  }
0xd: {  	s11 =	sadd.s32 s25, s9;
	s14 =	ssub.s32 s8, s26;
	s15 =	sadd.s32 s28, s1  }
0xe: {  	s8 =	sor.u32 $0x1C04, s30;
	s10 =	sadd.s32 s10, s29;
	s31 =	sshrl.u32 s29, $0x3  }
0xf: {  	s9 =	sadd.s32 $0x7D000, s9;
	s5 =	sadd.s32 $0x1EE00, s6;
	s6 =	sadd.s32 $0xEC00, s6  }
0x10: {  	s7 =	sadd.s32 $0x56000, s11;
	s10 =	sshrl.u32 s10, $0x3;
	s11 =	sadd.s32 s13, s31  }
0x11: {  	s12 =	smax.u32 s14, $0x1;
	s14 =	sshrl.u32 s15, $0x3;
	s15 =	simm.s32 $0x4  }
0x12: {  	s10 =	sadd.s32 s13, s10;
	s11 =	sadd.s32 $0x27000, s11;
	s13 =	simm.s32 $0x4000  }
.LBB2_1:
0x13: {  	[tilespmem:s3], [sflag:$0x1] =	stream.linear.gather [hbm4b:s5+s3], $0x3E80, $0x38;
	[tilespmem:$0x1E0C0] =	vst v63  }
0x14: {  	_ = 	snop  }
0x15: {  	[tilespmem:s13], [sflag:$0x2] =	stream.linear.gather [hbm4b:s6+s3], $0x3E80, $0x38;
	[tilespmem:$0x1E0C0] =	vst v63  }
0x16: {  	[spmem:s14], [sflag:s8] =	dma.local [hbm:s7], $0x2700  }
0x17: {  	_ =	swait.ge [sflag:s15], $0x2700  }
0x18: {  	[sflag:s15] =	ssyncset.done $0x0  }
0x19: {  	s23 =	simm.s32 @!p0 $0x4;
	[sflag:s15] =	ssyncadd.s32 $0xFFFFD900  }
0x1a: {  	[spmem:s16], [sflag:s8] =	dma.local @!p0 [hbm:s9], $0x180  }
0x1b: {  	_ =	swait.ge @!p0 [sflag:s23], $0x180  }
0x1c: {  	[sflag:s23] =	ssyncset.done @!p0 $0x0  }
0x1d: {  	[sflag:s23] =	ssyncadd.s32 @!p0 $0xFFFFFE80  }
0x1e: {  	_ =	swait.ge [sflag:s17], $0x3E80  }
0x1f: {  	[sflag:s17] =	ssyncset.done $0x0  }
0x20: {  	[sflag:s17] =	ssyncadd.s32 $0xFFFFC180  }
0x21: {  	_ =	swait.ge [sflag:s18], $0x3E80  }
0x22: {  	[sflag:s18] =	ssyncset.done $0x0  }
0x23: {  	[sflag:s18] =	ssyncadd.s32 $0xFFFFC180  }
0x24: {  	s30 =	simm.s32 $0x0;
	[bflag:$0x0] =	sbarrier.arrive $0xFFFF  }
0x25: {  	[tilespmem:s20], [sflag:$0x3] =	stream.indirect.gather [hbm4b:s4+s19], $0x80, s30, s19, $0xb8;
	[tilespmem:$0x1E0C0] =	vst v63  }
0x26: {  	_ =	swait.ge [sflag:s21], $0x2800  }
0x27: {  	[sflag:s21] =	ssyncset.done $0x0  }
0x28: {  	s31 =	simm.s32 $0x4000;
	[sflag:s21] =	ssyncadd.s32 $0xFFFFD800  }
0x29: {  	[spmem:s1] =	stream.indirect.scatter.add.f32 [tilespmem:s20], [sflag:$0x4], $0x80, s31, s19, $0xb8;
	[tilespmem:$0x1E0C0] =	vst v63  }
0x2a: {  	_ =	swait.ge [sflag:s15], $0x2800  }
0x2b: {  	s24 =	simm.s32 $0x400;
	s23 =	simm.s32 $0x200;
	[sflag:s15] =	ssyncset.done $0x0  }
.LBB2_2:
0x2c: {  	s25 =	sshra.s32 s23, $0x2  }
0x2d: {  	[sflag:s15] =	ssyncadd.s32 $0xFFFFD800;
	s23 =	smov.u32 s24;
	s26 =	sadd.s32 $0x200, s24  }
0x2e: {  	[tilespmem:s20], [sflag:$0x3] =	stream.indirect.gather [hbm4b:s4+s19], $0x80, s25, s19, $0xb8;
	[tilespmem:$0x1E0C0] =	vst v63  }
0x2f: {  	p1 =	sne.s32 s24, $0xF800;
	_ =	swait.ge [sflag:s21], $0x2800  }
.Ltmp0:
0x30: {  	[sflag:s21] =	ssyncset.done $0x0;
	(pc) =	sbr.rel @p1 .LBB2_2-.Ltmp0, $4  }
0x31: {  	s24 =	sadd.s32 $0x4000, s25;
	[sflag:s21] =	ssyncadd.s32 $0xFFFFD800  }
0x32: {  	[spmem:s1] =	stream.indirect.scatter.add.f32 [tilespmem:s20], [sflag:$0x4], $0x80, s24, s19, $0xb8;
	[tilespmem:$0x1E0C0] =	vst v63  }
0x33: {  	_ =	swait.ge [sflag:s15], $0x2800  }
0x34: {  	s24 =	smov.u32 s26;
	[sflag:s15] =	ssyncset.done $0x0  }
0x35: {  	s23 =	sshra.s32 s23, $0x2;
	[sflag:s15] =	ssyncadd.s32 $0xFFFFD800  }
0x36: {  	[tilespmem:s20], [sflag:$0x3] =	stream.indirect.gather [hbm4b:s4+s19], $0x80, s23, s19, $0xb8;
	[tilespmem:$0x1E0C0] =	vst v63  }
0x37: {  	_ =	swait.ge [sflag:s21], $0x2800  }
0x38: {  	[sflag:s21] =	ssyncset.done $0x0  }
0x39: {  	s23 =	sadd.s32 $0x4000, s23;
	[sflag:s21] =	ssyncadd.s32 $0xFFFFD800  }
0x3a: {  	[spmem:s1] =	stream.indirect.scatter.add.f32 [tilespmem:s20], [sflag:$0x4], $0x80, s23, s19, $0xb8;
	[tilespmem:$0x1E0C0] =	vst v63  }
0x3b: {  	_ =	swait.ge [sflag:s15], $0x2800  }
0x3c: {  	[sflag:s15] =	ssyncset.done $0x0  }
0x3d: {  	[sflag:s15] =	ssyncadd.s32 $0xFFFFD800  }
0x3e: {  	[bflag:$0x0] =	sbarrier.arrive $0xFFFF  }
0x3f: {  	[hbm:s10], [sflag:s8] =	dma.local [spmem:s14], $0x2700  }
0x40: {  	s22 =	sadd.s32 $0x1, s22;
	_ =	swait.ge [sflag:s15], $0x2700  }
0x41: {  	p1 =	sne.s32 s22, s12;
	[sflag:s15] =	ssyncset.done $0x0  }
.Ltmp1:
0x42: {  	s23 =	simm.s32 @!p0 $0x4;
	[sflag:s15] =	ssyncadd.s32 $0xFFFFD900;
	(pc) =	sbr.rel @p1 .LBB2_1-.Ltmp1, $4  }
0x43: {  	[hbm:s11], [sflag:s8] =	dma.local @!p0 [spmem:s16], $0x100  }
0x44: {  	_ =	swait.ge @!p0 [sflag:s23], $0x100  }
0x45: {  	[sflag:s23] =	ssyncset.done @!p0 $0x0  }
0x46: {  	[sflag:s23] =	ssyncadd.s32 @!p0 $0xFFFFFF00  }
0x47: {  	_ =	sfence.sel $0x180000  }
0x48: {  	[bflag:$0x0] =	sbarrier.arrive $0xFFFF  }
0x49: {  	p0 =	sne.s32 s2, $0x0;
	_ =	strace $0x90000050  }
0x4a: {  	s0 =	sadd.s32 @!p0 $0x100000, s0;
	[bflag:$0x2] =	sbarrier.arrive $0xFFFF  }
0x4b: {  	[sflag:s0] =	ssyncadd.tile.s32 @!p0 $0x1;
	_ =	shalt  }
.Lfunc_end2:
_tile_overlayer_lowered:
.L_overlay_start_2:
0x4c: {  	(tag) =	ssettag $0x2  }
0x4d: {  	s0 =	rddreg [dreg:$0x0];
	s2 =	stileid.u32  }
0x4e: {  	s1 =	rddreg [dreg:$0x1];
	p0 =	sne.s32 s2, $0x0  }
0x4f: {  	s3 =	rddreg [dreg:$0x2];
	[bflag:$0x3] =	sbarrier.arrive $0xFFFF;
	s2 =	simm.s32 @!p0 $0x1C04  }
0x50: {  	[timem:s3], [sflag:s2] =	dma.local @!p0 [hbm:s0], s1  }
0x51: {  	s0 =	simm.s32 @!p0 $0x4  }
0x52: {  	_ =	swait.ge @!p0 [sflag:s0], s1  }
0x53: {  	s1 =	ssub.s32 @!p0 $0x0, s1;
	[sflag:s0] =	ssyncset.done @!p0 $0x0  }
0x54: {  	[sflag:s0] =	ssyncadd.s32 @!p0 s1  }
0x55: {  	[bflag:$0x3] =	sbarrier.arrive $0xFFFF  }
0x56: {  	_ =	shalt  }

// kernel: kernel.36.cloned.1.call-start
scs
__scs_entry_jumppad:
0x0: {  	(pc) =	sbr.rel $0x88, $3  }
0x1: {  	(tag) =	ssettag $0x0;
	lr =	simm.s32 $0x1  }
0x2: {  	[smem:$0x3F9A] =	sst lr;
	_ =	strace $0xD0000000  }
0x3: {  	_ = 	snop  }
0x4: {  	_ = 	snop  }
0x5: {  	_ = 	snop  }
0x6: {  	_ = 	snop  }
0x7: {  	_ = 	snop  }
__scs_overlays_trampoline_lowered:
0x8: {  	[smem:$0x3FA9] =	sst s0  }
0x9: {  	[smem:$0x3FAA] =	sst s1  }
0xa: {  	[smem:$0x3FAB] =	sst s2  }
0xb: {  	[smem:$0x3FAC] =	sst s3  }
0xc: {  	[smem:$0x3FAD] =	sst s4  }
0xd: {  	[smem:$0x3FAE] =	sst s5  }
0xe: {  	[smem:$0x3FAF] =	sst s6  }
0xf: {  	[smem:$0x3FB0] =	sst s7  }
0x10: {  	[smem:$0x3FB1] =	sst s8  }
0x11: {  	[smem:$0x3FB2] =	sst s9;
	s0 =	simm.s32 @!p0 $0x0  }
0x12: {  	s1 =	sld [smem:$0x3F98];
	s0 =	simm.s32 @p0 $0x1  }
0x13: {  	[smem:$0x3FB3] =	sst s0;
	s0 =	simm.s32 @!p1 $0x0  }
0x14: {  	s2 =	sld [smem:$0x3F97];
	s0 =	simm.s32 @p1 $0x1  }
0x15: {  	[smem:$0x3FB4] =	sst s0;
	s0 =	simm.s32 @!p2 $0x0  }
0x16: {  	s3 =	sld [smem:$0x3FDB];
	s0 =	simm.s32 @p2 $0x1  }
0x17: {  	s4 =	simm.s32 $0x1BF5;
	[smem:$0x3FB6] =	sst s0  }
0x18: {  	s0 =	sld [smem:$0x3F99];
	_ =	swait.ge [sflag:s4], $0x0  }
0x19: {  	s7 =	sld [smem:$0x3F9A]  }
0x1a: {  	s8 =	sadd.s32 $0xFFFFE003, lr  }
0x1b: {  	s9 =	sadd.s32 $0xFFFFFEF7, lr;
	s5 =	simm.s32 $0xFFFFFFFF;
	p2 =	slt.u32 s8, $0xFFFFF086  }
0x1c: {  	p1 =	slt.u32 s9, $0xF7A;
	s5 =	simm.s32 @!p2 $0x0  }
0x1d: {  	s5 =	simm.s32 @p1 $0x1;
	p0 =	seq.s32 s7, s2  }
0x1e: {  	s7 =	smul.u32 @!p0 $0xF7A, s2;
	p2 =	seq.s32 @!p0 s5, $0x0  }
0x1f: {  	s9 =	smul.u32 $0xF7A, s1;
	s8 =	simm.s32 @!p0 $0x1BF5;
	p2 =	por !p2, p0  }
0x20: {  	[sflag:s8] =	ssyncset.s32 @!p0 $0xFFFFF086;
	s6 =	sadd.s32 @!p0 s3, s7;
	s7 =	simm.s32 @!p0 $0x108  }
0x21: {  	s3 =	sadd.s32 s3, s9;
	s6 =	sadd.s32 @!p0 $0x88, s6;
	s7 =	simm.s32 @p2 $0x1082  }
0x22: {  	[simem:s7], [sflag:s8] =	dma.local @!p0 [hbm:s6], $0xF7A  }
0x23: {  	s9 =	sor.u32 $0xD0000000, s2;
	s6 =	simm.s32 $0x108;
	_ =	swait.ge @!p0 [sflag:s8], $0x0  }
0x24: {  	s3 =	sadd.s32 $0x88, s3;
	s6 =	simm.s32 @!p1 $0x1082;
	[sflag:s4] =	ssyncset.s32 $0xFFFFF086  }
0x25: {  	[simem:s6], [sflag:s4] =	dma.local [hbm:s3], $0xF7A  }
0x26: {  	[smem:$0x3F9A] =	sst s1;
	(tag) =	ssettag s2;
	_ =	strace s9  }
0x27: {  	s1 =	sld [smem:$0x3FAA]  }
0x28: {  	s2 =	sld [smem:$0x3FAB]  }
0x29: {  	s4 =	sld [smem:$0x3FAD]  }
0x2a: {  	p0 =	seq.s32 s5, $0x0;
	s5 =	sld [smem:$0x3FAE]  }
0x2b: {  	s6 =	sld [smem:$0x3FAF]  }
0x2c: {  	s7 =	sld [smem:$0x3FB0]  }
0x2d: {  	s3 =	simm.s32 $0x108;
	s8 =	sld [smem:$0x3FB1]  }
0x2e: {  	s3 =	simm.s32 @!p0 $0x1082;
	s9 =	sld [smem:$0x3FB2]  }
0x2f: {  	lr =	sadd.s32 s0, s3;
	s0 =	sld [smem:$0x3FA9]  }
0x30: {  	s3 =	sld [smem:$0x3FAC]  }
0x31: {  	[smem:$0x3FB5] =	sst s10  }
0x32: {  	s10 =	sld [smem:$0x3FB3];
	_ =	sdelay $0x3  }
0x33: {  	p0 =	seq.s32 s10, $0x1;
	s10 =	sld [smem:$0x3FB5];
	_ =	sdelay $0x3  }
0x34: {  	[smem:$0x3FB5] =	sst s10  }
0x35: {  	s10 =	sld [smem:$0x3FB4];
	_ =	sdelay $0x3  }
0x36: {  	p1 =	seq.s32 s10, $0x1;
	s10 =	sld [smem:$0x3FB5];
	_ =	sdelay $0x3  }
0x37: {  	[smem:$0x3FB5] =	sst s10  }
0x38: {  	s10 =	sld [smem:$0x3FB6]  }
0x39: {  	_ = 	snop;
	(pc) =	sbr.ind lr, $3  }
0x3a: {  	_ = 	snop  }
0x3b: {  	_ = 	snop  }
0x3c: {  	p2 =	seq.s32 s10, $0x1;
	s10 =	sld [smem:$0x3FB5]  }
0x3d: {  	_ =	shalt  }
0x3e: {  	_ =	shalt  }
0x3f: {  	_ =	shalt  }
0x40: {  	_ =	shalt  }
0x41: {  	_ =	shalt  }
0x42: {  	_ =	shalt  }
0x43: {  	_ =	shalt  }
0x44: {  	_ =	shalt  }
0x45: {  	_ =	shalt  }
0x46: {  	_ =	shalt  }
0x47: {  	_ =	shalt  }
0x48: {  	_ =	shalt  }
0x49: {  	_ =	shalt  }
0x4a: {  	_ =	shalt  }
0x4b: {  	_ =	shalt  }
0x4c: {  	_ =	shalt  }
0x4d: {  	_ =	shalt  }
0x4e: {  	_ =	shalt  }
0x4f: {  	_ =	shalt  }
0x50: {  	_ =	shalt  }
0x51: {  	_ =	shalt  }
0x52: {  	_ =	shalt  }
0x53: {  	_ =	shalt  }
0x54: {  	_ =	shalt  }
0x55: {  	_ =	shalt  }
0x56: {  	_ =	shalt  }
0x57: {  	_ =	shalt  }
0x58: {  	_ =	shalt  }
0x59: {  	_ =	shalt  }
0x5a: {  	_ =	shalt  }
0x5b: {  	_ =	shalt  }
0x5c: {  	_ =	shalt  }
0x5d: {  	_ =	shalt  }
0x5e: {  	_ =	shalt  }
0x5f: {  	_ =	shalt  }
0x60: {  	_ =	shalt  }
0x61: {  	_ =	shalt  }
0x62: {  	_ =	shalt  }
0x63: {  	_ =	shalt  }
0x64: {  	_ =	shalt  }
0x65: {  	_ =	shalt  }
0x66: {  	_ =	shalt  }
0x67: {  	_ =	shalt  }
0x68: {  	_ =	shalt  }
0x69: {  	_ =	shalt  }
0x6a: {  	_ =	shalt  }
0x6b: {  	_ =	shalt  }
0x6c: {  	_ =	shalt  }
0x6d: {  	_ =	shalt  }
0x6e: {  	_ =	shalt  }
0x6f: {  	_ =	shalt  }
0x70: {  	_ =	shalt  }
0x71: {  	_ =	shalt  }
0x72: {  	_ =	shalt  }
0x73: {  	_ =	shalt  }
0x74: {  	_ =	shalt  }
0x75: {  	_ =	shalt  }
0x76: {  	_ =	shalt  }
0x77: {  	_ =	shalt  }
0x78: {  	_ =	shalt  }
0x79: {  	_ =	shalt  }
0x7a: {  	_ =	shalt  }
0x7b: {  	_ =	shalt  }
0x7c: {  	_ =	shalt  }
0x7d: {  	_ =	shalt  }
0x7e: {  	_ =	shalt  }
0x7f: {  	_ =	shalt  }
0x80: {  	_ =	shalt  }
0x81: {  	_ =	shalt  }
0x82: {  	_ =	shalt  }
0x83: {  	_ =	shalt  }
0x84: {  	_ =	shalt  }
0x85: {  	_ =	shalt  }
0x86: {  	_ =	shalt  }
0x87: {  	_ =	shalt  }
.Lfunc_end0:
.L_simem_size_0:
called_computation.4_lowered:
.L_overlay_start_0:
0x88: {  	s2 =	sld [smem:$0x3FD9]  }
0x89: {  	s3 =	sld [smem:$0x3FFE];
	_ =	sdelay $0x1  }
0x8a: {  	s1 =	srdreg.scid  }
0x8b: {  	s0 =	sand.u32 $0x1, s1  }
0x8c: {  	s16 =	sshll.u32 s0, $0xA;
	s2 =	sadd.s32 s3, s2  }
0x8d: {  	s2 =	sadd.s32 s2, s16  }
0x8e: {  	[smem:$0x3FC1] =	sst s2  }
0x8f: {  	_ = 	snop  }
0x90: {  	(tm) =	ssettm $0x1  }
0x91: {  	s17 =	sld [smem:$0x3FFB];
	_ =	sdelay $0x3  }
0x92: {  	_ =	strace s17  }
0x93: {  	s2 =	sld [smem:$0x3FFC];
	_ =	sdelay $0x3  }
0x94: {  	_ =	strace s2  }
0x95: {  	s2 =	sld [smem:$0x3FFD];
	_ =	sdelay $0x3  }
0x96: {  	_ =	strace s2  }
0x97: {  	_ =	strace $0x8FFFFFFF  }
0x98: {  	s18 =	sld [smem:$0x3FDB];
	_ =	sdelay $0x1  }
0x99: {  	s19 =	simm.s32 $_scs_section_size  }
0x9a: {  	s4 =	simm.s32 $_size__tile_overlayer_lowered;
	s5 =	simm.s32 $_tile_overlayer_lowered  }
0x9b: {  	s22 =	simm.s32 $0x1BFF;
	s21 =	sshll.u32 s5, $0x1;
	s2 =	sadd.s32 s19, s18  }
0x9c: {  	s6 =	simm.s32 $0x0;
	s20 =	sshll.u32 s4, $0x1;
	s4 =	sadd.s32 s21, s2  }
0x9d: {  	[timem:s6], [sflag:s22] =	dma.local [hbm:s4], s20  }
0x9e: {  	_ =	swait.ge [sflag:s22], s20  }
0x9f: {  	s3 =	ssub.s32 $0x0, s20;
	[sflag:s22] =	ssyncset.done $0x0  }
0xa0: {  	[sflag:s22] =	ssyncadd.s32 s3;
	_ =	sdelay $0x1  }
0xa1: {  	s23 =	simm.s32 $0x1B8B  }
0xa2: {  	_ =	swait.ge [sflag:s23], $0x1  }
0xa3: {  	[sflag:s23] =	ssyncset.done $0x0  }
0xa4: {  	s25 =	simm.s32 $0x1B8E;
	s24 =	sld [smem:$0x3FFE];
	[sflag:s23] =	ssyncadd.s32 $0xFFFFFFFF  }
0xa5: {  	s26 =	simm.s32 $execute0_lowered;
	[smem:$0x3FD2] =	sst s25  }
0xa6: {  	s4 =	sshll.u32 s26, $0x1;
	_ =	strace $0x80000052;
	[dreg:$0x1] =	wrdreg $0xFFFFFFFF  }
0xa7: {  	s28 =	simm.s32 $_size_execute0_lowered;
	s2 =	sadd.s32 s2, s4;
	[dreg:$0x0] =	wrdreg $0x0  }
0xa8: {  	s4 =	sshll.u32 s28, $0x1;
	[dreg:$0x2] =	wrdreg s2  }
0xa9: {  	[dreg:$0x3] =	wrdreg s4  }
0xaa: {  	[dreg:$0x4] =	wrdreg $0xC0  }
0xab: {  	_ =	task [dreg:s6], $0x5FFFF  }
0xac: {  	[dreg:$0x1] =	wrdreg $0xFFFFFFFF  }
0xad: {  	[dreg:$0x0] =	wrdreg $0x60  }
0xae: {  	[dreg:$0x2] =	wrdreg s24  }
0xaf: {  	[dreg:$0x3] =	wrdreg $0xA8000  }
0xb0: {  	[dreg:$0x4] =	wrdreg $0x9  }
0xb1: {  	_ =	task.clear_ibuf [dreg:s6], $0x5FFFF;
	_ =	strace $0x90000052  }
0xb2: {  	s29 =	simm.s32 $0x9;
	_ =	strace $0x80000054  }
0xb3: {  	_ =	swait.ge [sflag:s29], $0x1  }
0xb4: {  	[sflag:s29] =	ssyncadd.s32 $0xFFFFFFFF  }
0xb5: {  	_ =	strace $0x90000054  }
0xb6: {  	_ =	sfence  }
0xb7: {  	s30 =	sld [smem:$0x0];
	_ =	sdelay $0x2  }
0xb8: {  	s31 =	sshll.u32 s1, $0xD;
	s1 =	sshrl.u32 s1, $0x2  }
0xb9: {  	s3 =	sand.u32 $0x4000, s31;
	s1 =	sadd.s32 s1, s30  }
0xba: {  	s0 =	sor.u32 s3, s0;
	s1 =	sshll.u32 s1, $0x11  }
0xbb: {  	s0 =	sor.u32 s1, s0  }
0xbc: {  	s0 =	sadd.s32 $0x8F2B, s0  }
0xbd: {  	[sflag:s0] =	ssyncadd.remote.s32 $0x1  }
0xbe: {  	_ =	sfence.sel $0xFFFF  }
0xbf: {  	[dreg:$0x0] =	wrdreg $0xFFFFFFFF;
	(pc) =	sbr.abs _section_cstart, $3  }
0xc0: {  	[dreg:$0x1] =	wrdreg $0xFFFFFFFF  }
0xc1: {  	_ =	task.clear_ibuf [dreg:s6], $0x2FFFF;
	_ =	strace $0x9FFFFFFF  }
0xc2: {  	(tm) =	ssettm $0x7FFFFFFF  }
0xc3: {  	_ =	shalt  }
tec
execute0_lowered:
.L_overlay_start_1:
0x0: {  	(tag) =	ssettag $0x1  }
0x1: {  	s9 =	rddreg [dreg:$0x0]  }
0x2: {  	s1 =	rddreg [dreg:$0x1]  }
0x3: {  	s0 =	rddreg [dreg:$0x2];
	s3 =	simm.s32 $0x0;
	s4 =	srdreg.scid  }
0x4: {  	s2 =	stileid.u32;
	s17 =	simm.s32 $0x1;
	s18 =	simm.s32 $0x2  }
0x5: {  	s19 =	simm.s32 $0x50;
	s20 =	simm.s32 $0x8000;
	s21 =	simm.s32 $0x3  }
0x6: {  	s22 =	simm.s32 $0x0;
	[smem:$0x7FF] =	sst s3;
	s7 =	sand.u32 $0x1, s4  }
0x7: {  	s5 =	sshll.u32 s2, $0xC;
	s10 =	smul.u32 $0x13800, s2;
	s4 =	sadd.s32 $0x2EE00, s9  }
0x8: {  	s12 =	smul.u32 $0x4E000, s2;
	s13 =	sadd.s32 $0x7D200, s9;
	s30 =	sshll.u32 s2, $0x6  }
0x9: {  	s16 =	sadd.s32 $0x138000, s1;
	p0 =	sne.s32 s2, $0xF;
	s6 =	sshll.u32 s7, $0xB  }
0xa: {  	_ =	strace $0x80000053;
	s8 =	ssub.s32 $0x2, s7;
	s29 =	smul.u32 $0x138800, s7  }
0xb: {  	s16 =	sshrl.u32 @!p0 s16, $0x3;
	s5 =	sor.u32 s6, s5;
	s25 =	sshrl.u32 s10, $0x3  }
0xc: {  	s26 =	sshrl.u32 s8, $0x1;
	s28 =	sshrl.u32 s12, $0x2;
	s6 =	sadd.s32 s5, s9  }
0xd: {  	s11 =	sadd.s32 s25, s9;
	s14 =	ssub.s32 s8, s26;
	s15 =	sadd.s32 s28, s1  }
0xe: {  	s8 =	sor.u32 $0x1C04, s30;
	s10 =	sadd.s32 s10, s29;
	s31 =	sshrl.u32 s29, $0x3  }
0xf: {  	s9 =	sadd.s32 $0x7D000, s9;
	s5 =	sadd.s32 $0x1EE00, s6;
	s6 =	sadd.s32 $0xEC00, s6  }
0x10: {  	s7 =	sadd.s32 $0x56000, s11;
	s10 =	sshrl.u32 s10, $0x3;
	s11 =	sadd.s32 s13, s31  }
0x11: {  	s12 =	smax.u32 s14, $0x1;
	s14 =	sshrl.u32 s15, $0x3;
	s15 =	simm.s32 $0x4  }
0x12: {  	s10 =	sadd.s32 s13, s10;
	s11 =	sadd.s32 $0x27000, s11;
	s13 =	simm.s32 $0x4000  }
.LBB2_1:
0x13: {  	[tilespmem:s3], [sflag:$0x1] =	stream.linear.gather [hbm4b:s5+s3], $0x3E80, $0x38;
	[tilespmem:$0x1E0C0] =	vst v63  }
0x14: {  	_ = 	snop  }
0x15: {  	[tilespmem:s13], [sflag:$0x2] =	stream.linear.gather [hbm4b:s6+s3], $0x3E80, $0x38;
	[tilespmem:$0x1E0C0] =	vst v63  }
0x16: {  	[spmem:s14], [sflag:s8] =	dma.local [hbm:s7], $0x2700  }
0x17: {  	_ =	swait.ge [sflag:s15], $0x2700  }
0x18: {  	[sflag:s15] =	ssyncset.done $0x0  }
0x19: {  	s23 =	simm.s32 @!p0 $0x4;
	[sflag:s15] =	ssyncadd.s32 $0xFFFFD900  }
0x1a: {  	[spmem:s16], [sflag:s8] =	dma.local @!p0 [hbm:s9], $0x180  }
0x1b: {  	_ =	swait.ge @!p0 [sflag:s23], $0x180  }
0x1c: {  	[sflag:s23] =	ssyncset.done @!p0 $0x0  }
0x1d: {  	[sflag:s23] =	ssyncadd.s32 @!p0 $0xFFFFFE80  }
0x1e: {  	_ =	swait.ge [sflag:s17], $0x3E80  }
0x1f: {  	[sflag:s17] =	ssyncset.done $0x0  }
0x20: {  	[sflag:s17] =	ssyncadd.s32 $0xFFFFC180  }
0x21: {  	_ =	swait.ge [sflag:s18], $0x3E80  }
0x22: {  	[sflag:s18] =	ssyncset.done $0x0  }
0x23: {  	[sflag:s18] =	ssyncadd.s32 $0xFFFFC180  }
0x24: {  	s30 =	simm.s32 $0x0;
	[bflag:$0x0] =	sbarrier.arrive $0xFFFF  }
0x25: {  	[tilespmem:s20], [sflag:$0x3] =	stream.indirect.gather [hbm4b:s4+s19], $0x80, s30, s19, $0xb8;
	[tilespmem:$0x1E0C0] =	vst v63  }
0x26: {  	_ =	swait.ge [sflag:s21], $0x2800  }
0x27: {  	[sflag:s21] =	ssyncset.done $0x0  }
0x28: {  	s31 =	simm.s32 $0x4000;
	[sflag:s21] =	ssyncadd.s32 $0xFFFFD800  }
0x29: {  	[spmem:s1] =	stream.indirect.scatter.add.f32 [tilespmem:s20], [sflag:$0x4], $0x80, s31, s19, $0xb8;
	[tilespmem:$0x1E0C0] =	vst v63  }
0x2a: {  	_ =	swait.ge [sflag:s15], $0x2800  }
0x2b: {  	s24 =	simm.s32 $0x400;
	s23 =	simm.s32 $0x200;
	[sflag:s15] =	ssyncset.done $0x0  }
.LBB2_2:
0x2c: {  	s25 =	sshra.s32 s23, $0x2  }
0x2d: {  	[sflag:s15] =	ssyncadd.s32 $0xFFFFD800;
	s23 =	smov.u32 s24;
	s26 =	sadd.s32 $0x200, s24  }
0x2e: {  	[tilespmem:s20], [sflag:$0x3] =	stream.indirect.gather [hbm4b:s4+s19], $0x80, s25, s19, $0xb8;
	[tilespmem:$0x1E0C0] =	vst v63  }
0x2f: {  	p1 =	sne.s32 s24, $0xF800;
	_ =	swait.ge [sflag:s21], $0x2800  }
.Ltmp0:
0x30: {  	[sflag:s21] =	ssyncset.done $0x0;
	(pc) =	sbr.rel @p1 .LBB2_2-.Ltmp0, $4  }
0x31: {  	s24 =	sadd.s32 $0x4000, s25;
	[sflag:s21] =	ssyncadd.s32 $0xFFFFD800  }
0x32: {  	[spmem:s1] =	stream.indirect.scatter.add.f32 [tilespmem:s20], [sflag:$0x4], $0x80, s24, s19, $0xb8;
	[tilespmem:$0x1E0C0] =	vst v63  }
0x33: {  	_ =	swait.ge [sflag:s15], $0x2800  }
0x34: {  	s24 =	smov.u32 s26;
	[sflag:s15] =	ssyncset.done $0x0  }
0x35: {  	s23 =	sshra.s32 s23, $0x2;
	[sflag:s15] =	ssyncadd.s32 $0xFFFFD800  }
0x36: {  	[tilespmem:s20], [sflag:$0x3] =	stream.indirect.gather [hbm4b:s4+s19], $0x80, s23, s19, $0xb8;
	[tilespmem:$0x1E0C0] =	vst v63  }
0x37: {  	_ =	swait.ge [sflag:s21], $0x2800  }
0x38: {  	[sflag:s21] =	ssyncset.done $0x0  }
0x39: {  	s23 =	sadd.s32 $0x4000, s23;
	[sflag:s21] =	ssyncadd.s32 $0xFFFFD800  }
0x3a: {  	[spmem:s1] =	stream.indirect.scatter.add.f32 [tilespmem:s20], [sflag:$0x4], $0x80, s23, s19, $0xb8;
	[tilespmem:$0x1E0C0] =	vst v63  }
0x3b: {  	_ =	swait.ge [sflag:s15], $0x2800  }
0x3c: {  	[sflag:s15] =	ssyncset.done $0x0  }
0x3d: {  	[sflag:s15] =	ssyncadd.s32 $0xFFFFD800  }
0x3e: {  	[bflag:$0x0] =	sbarrier.arrive $0xFFFF  }
0x3f: {  	[hbm:s10], [sflag:s8] =	dma.local [spmem:s14], $0x2700  }
0x40: {  	s22 =	sadd.s32 $0x1, s22;
	_ =	swait.ge [sflag:s15], $0x2700  }
0x41: {  	p1 =	sne.s32 s22, s12;
	[sflag:s15] =	ssyncset.done $0x0  }
.Ltmp1:
0x42: {  	s23 =	simm.s32 @!p0 $0x4;
	[sflag:s15] =	ssyncadd.s32 $0xFFFFD900;
	(pc) =	sbr.rel @p1 .LBB2_1-.Ltmp1, $4  }
0x43: {  	[hbm:s11], [sflag:s8] =	dma.local @!p0 [spmem:s16], $0x100  }
0x44: {  	_ =	swait.ge @!p0 [sflag:s23], $0x100  }
0x45: {  	[sflag:s23] =	ssyncset.done @!p0 $0x0  }
0x46: {  	[sflag:s23] =	ssyncadd.s32 @!p0 $0xFFFFFF00  }
0x47: {  	_ =	sfence.sel $0x180000  }
0x48: {  	[bflag:$0x0] =	sbarrier.arrive $0xFFFF  }
0x49: {  	p0 =	sne.s32 s2, $0x0;
	_ =	strace $0x90000053  }
0x4a: {  	s0 =	sadd.s32 @!p0 $0x100000, s0;
	[bflag:$0x2] =	sbarrier.arrive $0xFFFF  }
0x4b: {  	[sflag:s0] =	ssyncadd.tile.s32 @!p0 $0x1;
	_ =	shalt  }
.Lfunc_end2:
_tile_overlayer_lowered:
.L_overlay_start_2:
0x4c: {  	(tag) =	ssettag $0x2  }
0x4d: {  	s0 =	rddreg [dreg:$0x0];
	s2 =	stileid.u32  }
0x4e: {  	s1 =	rddreg [dreg:$0x1];
	p0 =	sne.s32 s2, $0x0  }
0x4f: {  	s3 =	rddreg [dreg:$0x2];
	[bflag:$0x3] =	sbarrier.arrive $0xFFFF;
	s2 =	simm.s32 @!p0 $0x1C04  }
0x50: {  	[timem:s3], [sflag:s2] =	dma.local @!p0 [hbm:s0], s1  }
0x51: {  	s0 =	simm.s32 @!p0 $0x4  }
0x52: {  	_ =	swait.ge @!p0 [sflag:s0], s1  }
0x53: {  	s1 =	ssub.s32 @!p0 $0x0, s1;
	[sflag:s0] =	ssyncset.done @!p0 $0x0  }
0x54: {  	[sflag:s0] =	ssyncadd.s32 @!p0 s1  }
0x55: {  	[bflag:$0x3] =	sbarrier.arrive $0xFFFF  }
0x56: {  	_ =	shalt  }

// kernel: kernel.39.cloned.1.call-start
scs
__scs_entry_jumppad:
0x0: {  	(pc) =	sbr.rel $0x88, $3  }
0x1: {  	(tag) =	ssettag $0x0;
	lr =	simm.s32 $0x1  }
0x2: {  	[smem:$0x3F9A] =	sst lr;
	_ =	strace $0xD0000000  }
0x3: {  	_ = 	snop  }
0x4: {  	_ = 	snop  }
0x5: {  	_ = 	snop  }
0x6: {  	_ = 	snop  }
0x7: {  	_ = 	snop  }
__scs_overlays_trampoline_lowered:
0x8: {  	[smem:$0x3FA9] =	sst s0  }
0x9: {  	[smem:$0x3FAA] =	sst s1  }
0xa: {  	[smem:$0x3FAB] =	sst s2  }
0xb: {  	[smem:$0x3FAC] =	sst s3  }
0xc: {  	[smem:$0x3FAD] =	sst s4  }
0xd: {  	[smem:$0x3FAE] =	sst s5  }
0xe: {  	[smem:$0x3FAF] =	sst s6  }
0xf: {  	[smem:$0x3FB0] =	sst s7  }
0x10: {  	[smem:$0x3FB1] =	sst s8  }
0x11: {  	[smem:$0x3FB2] =	sst s9;
	s0 =	simm.s32 @!p0 $0x0  }
0x12: {  	s1 =	sld [smem:$0x3F98];
	s0 =	simm.s32 @p0 $0x1  }
0x13: {  	[smem:$0x3FB3] =	sst s0;
	s0 =	simm.s32 @!p1 $0x0  }
0x14: {  	s2 =	sld [smem:$0x3F97];
	s0 =	simm.s32 @p1 $0x1  }
0x15: {  	[smem:$0x3FB4] =	sst s0;
	s0 =	simm.s32 @!p2 $0x0  }
0x16: {  	s3 =	sld [smem:$0x3FDB];
	s0 =	simm.s32 @p2 $0x1  }
0x17: {  	s4 =	simm.s32 $0x1BF5;
	[smem:$0x3FB6] =	sst s0  }
0x18: {  	s0 =	sld [smem:$0x3F99];
	_ =	swait.ge [sflag:s4], $0x0  }
0x19: {  	s7 =	sld [smem:$0x3F9A]  }
0x1a: {  	s8 =	sadd.s32 $0xFFFFE003, lr  }
0x1b: {  	s9 =	sadd.s32 $0xFFFFFEF7, lr;
	s5 =	simm.s32 $0xFFFFFFFF;
	p2 =	slt.u32 s8, $0xFFFFF086  }
0x1c: {  	p1 =	slt.u32 s9, $0xF7A;
	s5 =	simm.s32 @!p2 $0x0  }
0x1d: {  	s5 =	simm.s32 @p1 $0x1;
	p0 =	seq.s32 s7, s2  }
0x1e: {  	s7 =	smul.u32 @!p0 $0xF7A, s2;
	p2 =	seq.s32 @!p0 s5, $0x0  }
0x1f: {  	s9 =	smul.u32 $0xF7A, s1;
	s8 =	simm.s32 @!p0 $0x1BF5;
	p2 =	por !p2, p0  }
0x20: {  	[sflag:s8] =	ssyncset.s32 @!p0 $0xFFFFF086;
	s6 =	sadd.s32 @!p0 s3, s7;
	s7 =	simm.s32 @!p0 $0x108  }
0x21: {  	s3 =	sadd.s32 s3, s9;
	s6 =	sadd.s32 @!p0 $0x88, s6;
	s7 =	simm.s32 @p2 $0x1082  }
0x22: {  	[simem:s7], [sflag:s8] =	dma.local @!p0 [hbm:s6], $0xF7A  }
0x23: {  	s9 =	sor.u32 $0xD0000000, s2;
	s6 =	simm.s32 $0x108;
	_ =	swait.ge @!p0 [sflag:s8], $0x0  }
0x24: {  	s3 =	sadd.s32 $0x88, s3;
	s6 =	simm.s32 @!p1 $0x1082;
	[sflag:s4] =	ssyncset.s32 $0xFFFFF086  }
0x25: {  	[simem:s6], [sflag:s4] =	dma.local [hbm:s3], $0xF7A  }
0x26: {  	[smem:$0x3F9A] =	sst s1;
	(tag) =	ssettag s2;
	_ =	strace s9  }
0x27: {  	s1 =	sld [smem:$0x3FAA]  }
0x28: {  	s2 =	sld [smem:$0x3FAB]  }
0x29: {  	s4 =	sld [smem:$0x3FAD]  }
0x2a: {  	p0 =	seq.s32 s5, $0x0;
	s5 =	sld [smem:$0x3FAE]  }
0x2b: {  	s6 =	sld [smem:$0x3FAF]  }
0x2c: {  	s7 =	sld [smem:$0x3FB0]  }
0x2d: {  	s3 =	simm.s32 $0x108;
	s8 =	sld [smem:$0x3FB1]  }
0x2e: {  	s3 =	simm.s32 @!p0 $0x1082;
	s9 =	sld [smem:$0x3FB2]  }
0x2f: {  	lr =	sadd.s32 s0, s3;
	s0 =	sld [smem:$0x3FA9]  }
0x30: {  	s3 =	sld [smem:$0x3FAC]  }
0x31: {  	[smem:$0x3FB5] =	sst s10  }
0x32: {  	s10 =	sld [smem:$0x3FB3];
	_ =	sdelay $0x3  }
0x33: {  	p0 =	seq.s32 s10, $0x1;
	s10 =	sld [smem:$0x3FB5];
	_ =	sdelay $0x3  }
0x34: {  	[smem:$0x3FB5] =	sst s10  }
0x35: {  	s10 =	sld [smem:$0x3FB4];
	_ =	sdelay $0x3  }
0x36: {  	p1 =	seq.s32 s10, $0x1;
	s10 =	sld [smem:$0x3FB5];
	_ =	sdelay $0x3  }
0x37: {  	[smem:$0x3FB5] =	sst s10  }
0x38: {  	s10 =	sld [smem:$0x3FB6]  }
0x39: {  	_ = 	snop;
	(pc) =	sbr.ind lr, $3  }
0x3a: {  	_ = 	snop  }
0x3b: {  	_ = 	snop  }
0x3c: {  	p2 =	seq.s32 s10, $0x1;
	s10 =	sld [smem:$0x3FB5]  }
0x3d: {  	_ =	shalt  }
0x3e: {  	_ =	shalt  }
0x3f: {  	_ =	shalt  }
0x40: {  	_ =	shalt  }
0x41: {  	_ =	shalt  }
0x42: {  	_ =	shalt  }
0x43: {  	_ =	shalt  }
0x44: {  	_ =	shalt  }
0x45: {  	_ =	shalt  }
0x46: {  	_ =	shalt  }
0x47: {  	_ =	shalt  }
0x48: {  	_ =	shalt  }
0x49: {  	_ =	shalt  }
0x4a: {  	_ =	shalt  }
0x4b: {  	_ =	shalt  }
0x4c: {  	_ =	shalt  }
0x4d: {  	_ =	shalt  }
0x4e: {  	_ =	shalt  }
0x4f: {  	_ =	shalt  }
0x50: {  	_ =	shalt  }
0x51: {  	_ =	shalt  }
0x52: {  	_ =	shalt  }
0x53: {  	_ =	shalt  }
0x54: {  	_ =	shalt  }
0x55: {  	_ =	shalt  }
0x56: {  	_ =	shalt  }
0x57: {  	_ =	shalt  }
0x58: {  	_ =	shalt  }
0x59: {  	_ =	shalt  }
0x5a: {  	_ =	shalt  }
0x5b: {  	_ =	shalt  }
0x5c: {  	_ =	shalt  }
0x5d: {  	_ =	shalt  }
0x5e: {  	_ =	shalt  }
0x5f: {  	_ =	shalt  }
0x60: {  	_ =	shalt  }
0x61: {  	_ =	shalt  }
0x62: {  	_ =	shalt  }
0x63: {  	_ =	shalt  }
0x64: {  	_ =	shalt  }
0x65: {  	_ =	shalt  }
0x66: {  	_ =	shalt  }
0x67: {  	_ =	shalt  }
0x68: {  	_ =	shalt  }
0x69: {  	_ =	shalt  }
0x6a: {  	_ =	shalt  }
0x6b: {  	_ =	shalt  }
0x6c: {  	_ =	shalt  }
0x6d: {  	_ =	shalt  }
0x6e: {  	_ =	shalt  }
0x6f: {  	_ =	shalt  }
0x70: {  	_ =	shalt  }
0x71: {  	_ =	shalt  }
0x72: {  	_ =	shalt  }
0x73: {  	_ =	shalt  }
0x74: {  	_ =	shalt  }
0x75: {  	_ =	shalt  }
0x76: {  	_ =	shalt  }
0x77: {  	_ =	shalt  }
0x78: {  	_ =	shalt  }
0x79: {  	_ =	shalt  }
0x7a: {  	_ =	shalt  }
0x7b: {  	_ =	shalt  }
0x7c: {  	_ =	shalt  }
0x7d: {  	_ =	shalt  }
0x7e: {  	_ =	shalt  }
0x7f: {  	_ =	shalt  }
0x80: {  	_ =	shalt  }
0x81: {  	_ =	shalt  }
0x82: {  	_ =	shalt  }
0x83: {  	_ =	shalt  }
0x84: {  	_ =	shalt  }
0x85: {  	_ =	shalt  }
0x86: {  	_ =	shalt  }
0x87: {  	_ =	shalt  }
.Lfunc_end0:
.L_simem_size_0:
called_computation.5_lowered:
.L_overlay_start_0:
0x88: {  	s2 =	sld [smem:$0x3FD9]  }
0x89: {  	s3 =	sld [smem:$0x3FFE];
	_ =	sdelay $0x1  }
0x8a: {  	s1 =	srdreg.scid  }
0x8b: {  	s0 =	sand.u32 $0x1, s1  }
0x8c: {  	s16 =	sshll.u32 s0, $0xA;
	s2 =	sadd.s32 s3, s2  }
0x8d: {  	s2 =	sadd.s32 s2, s16  }
0x8e: {  	[smem:$0x3FC1] =	sst s2  }
0x8f: {  	_ = 	snop  }
0x90: {  	(tm) =	ssettm $0x1  }
0x91: {  	s17 =	sld [smem:$0x3FFB];
	_ =	sdelay $0x3  }
0x92: {  	_ =	strace s17  }
0x93: {  	s2 =	sld [smem:$0x3FFC];
	_ =	sdelay $0x3  }
0x94: {  	_ =	strace s2  }
0x95: {  	s2 =	sld [smem:$0x3FFD];
	_ =	sdelay $0x3  }
0x96: {  	_ =	strace s2  }
0x97: {  	_ =	strace $0x8FFFFFFF  }
0x98: {  	s18 =	sld [smem:$0x3FDB];
	_ =	sdelay $0x1  }
0x99: {  	s19 =	simm.s32 $_scs_section_size  }
0x9a: {  	s4 =	simm.s32 $_size__tile_overlayer_lowered;
	s5 =	simm.s32 $_tile_overlayer_lowered  }
0x9b: {  	s22 =	simm.s32 $0x1BFF;
	s21 =	sshll.u32 s5, $0x1;
	s2 =	sadd.s32 s19, s18  }
0x9c: {  	s6 =	simm.s32 $0x0;
	s20 =	sshll.u32 s4, $0x1;
	s4 =	sadd.s32 s21, s2  }
0x9d: {  	[timem:s6], [sflag:s22] =	dma.local [hbm:s4], s20  }
0x9e: {  	_ =	swait.ge [sflag:s22], s20  }
0x9f: {  	s3 =	ssub.s32 $0x0, s20;
	[sflag:s22] =	ssyncset.done $0x0  }
0xa0: {  	[sflag:s22] =	ssyncadd.s32 s3;
	_ =	sdelay $0x1  }
0xa1: {  	s23 =	simm.s32 $0x1B8B  }
0xa2: {  	_ =	swait.ge [sflag:s23], $0x1  }
0xa3: {  	[sflag:s23] =	ssyncset.done $0x0  }
0xa4: {  	s25 =	simm.s32 $0x1B8E;
	s24 =	sld [smem:$0x3FFE];
	[sflag:s23] =	ssyncadd.s32 $0xFFFFFFFF  }
0xa5: {  	s26 =	simm.s32 $execute0_lowered;
	[smem:$0x3FD2] =	sst s25  }
0xa6: {  	s4 =	sshll.u32 s26, $0x1;
	_ =	strace $0x80000055;
	[dreg:$0x1] =	wrdreg $0xFFFFFFFF  }
0xa7: {  	s28 =	simm.s32 $_size_execute0_lowered;
	s2 =	sadd.s32 s2, s4;
	[dreg:$0x0] =	wrdreg $0x0  }
0xa8: {  	s4 =	sshll.u32 s28, $0x1;
	[dreg:$0x2] =	wrdreg s2  }
0xa9: {  	[dreg:$0x3] =	wrdreg s4  }
0xaa: {  	[dreg:$0x4] =	wrdreg $0xC0  }
0xab: {  	_ =	task [dreg:s6], $0x5FFFF  }
0xac: {  	[dreg:$0x1] =	wrdreg $0xFFFFFFFF  }
0xad: {  	[dreg:$0x0] =	wrdreg $0x60  }
0xae: {  	[dreg:$0x2] =	wrdreg s24  }
0xaf: {  	[dreg:$0x3] =	wrdreg $0xA8000  }
0xb0: {  	[dreg:$0x4] =	wrdreg $0x9  }
0xb1: {  	_ =	task.clear_ibuf [dreg:s6], $0x5FFFF;
	_ =	strace $0x90000055  }
0xb2: {  	s29 =	simm.s32 $0x9;
	_ =	strace $0x80000057  }
0xb3: {  	_ =	swait.ge [sflag:s29], $0x1  }
0xb4: {  	[sflag:s29] =	ssyncadd.s32 $0xFFFFFFFF  }
0xb5: {  	_ =	strace $0x90000057  }
0xb6: {  	_ =	sfence  }
0xb7: {  	s30 =	sld [smem:$0x0];
	_ =	sdelay $0x2  }
0xb8: {  	s31 =	sshll.u32 s1, $0xD;
	s1 =	sshrl.u32 s1, $0x2  }
0xb9: {  	s3 =	sand.u32 $0x4000, s31;
	s1 =	sadd.s32 s1, s30  }
0xba: {  	s0 =	sor.u32 s3, s0;
	s1 =	sshll.u32 s1, $0x11  }
0xbb: {  	s0 =	sor.u32 s1, s0  }
0xbc: {  	s0 =	sadd.s32 $0x8F2B, s0  }
0xbd: {  	[sflag:s0] =	ssyncadd.remote.s32 $0x1  }
0xbe: {  	_ =	sfence.sel $0xFFFF  }
0xbf: {  	[dreg:$0x0] =	wrdreg $0xFFFFFFFF;
	(pc) =	sbr.abs _section_cstart, $3  }
0xc0: {  	[dreg:$0x1] =	wrdreg $0xFFFFFFFF  }
0xc1: {  	_ =	task.clear_ibuf [dreg:s6], $0x2FFFF;
	_ =	strace $0x9FFFFFFF  }
0xc2: {  	(tm) =	ssettm $0x7FFFFFFF  }
0xc3: {  	_ =	shalt  }
tec
execute0_lowered:
.L_overlay_start_1:
0x0: {  	(tag) =	ssettag $0x1  }
0x1: {  	s9 =	rddreg [dreg:$0x0]  }
0x2: {  	s1 =	rddreg [dreg:$0x1]  }
0x3: {  	s0 =	rddreg [dreg:$0x2];
	s3 =	simm.s32 $0x0;
	s4 =	srdreg.scid  }
0x4: {  	s2 =	stileid.u32;
	s17 =	simm.s32 $0x1;
	s18 =	simm.s32 $0x2  }
0x5: {  	s19 =	simm.s32 $0x50;
	s20 =	simm.s32 $0x8000;
	s21 =	simm.s32 $0x3  }
0x6: {  	s22 =	simm.s32 $0x0;
	[smem:$0x7FF] =	sst s3;
	s7 =	sand.u32 $0x1, s4  }
0x7: {  	s5 =	sshll.u32 s2, $0xC;
	s10 =	smul.u32 $0x13800, s2;
	s4 =	sadd.s32 $0x2EE00, s9  }
0x8: {  	s12 =	smul.u32 $0x4E000, s2;
	s13 =	sadd.s32 $0x7D200, s9;
	s30 =	sshll.u32 s2, $0x6  }
0x9: {  	s16 =	sadd.s32 $0x138000, s1;
	p0 =	sne.s32 s2, $0xF;
	s6 =	sshll.u32 s7, $0xB  }
0xa: {  	_ =	strace $0x80000056;
	s8 =	ssub.s32 $0x2, s7;
	s29 =	smul.u32 $0x138800, s7  }
0xb: {  	s16 =	sshrl.u32 @!p0 s16, $0x3;
	s5 =	sor.u32 s6, s5;
	s25 =	sshrl.u32 s10, $0x3  }
0xc: {  	s26 =	sshrl.u32 s8, $0x1;
	s28 =	sshrl.u32 s12, $0x2;
	s6 =	sadd.s32 s5, s9  }
0xd: {  	s11 =	sadd.s32 s25, s9;
	s14 =	ssub.s32 s8, s26;
	s15 =	sadd.s32 s28, s1  }
0xe: {  	s8 =	sor.u32 $0x1C04, s30;
	s10 =	sadd.s32 s10, s29;
	s31 =	sshrl.u32 s29, $0x3  }
0xf: {  	s9 =	sadd.s32 $0x7D000, s9;
	s5 =	sadd.s32 $0x1EE00, s6;
	s6 =	sadd.s32 $0xEC00, s6  }
0x10: {  	s7 =	sadd.s32 $0x56000, s11;
	s10 =	sshrl.u32 s10, $0x3;
	s11 =	sadd.s32 s13, s31  }
0x11: {  	s12 =	smax.u32 s14, $0x1;
	s14 =	sshrl.u32 s15, $0x3;
	s15 =	simm.s32 $0x4  }
0x12: {  	s10 =	sadd.s32 s13, s10;
	s11 =	sadd.s32 $0x27000, s11;
	s13 =	simm.s32 $0x4000  }
.LBB2_1:
0x13: {  	[tilespmem:s3], [sflag:$0x1] =	stream.linear.gather [hbm4b:s5+s3], $0x3E80, $0x38;
	[tilespmem:$0x1E0C0] =	vst v63  }
0x14: {  	_ = 	snop  }
0x15: {  	[tilespmem:s13], [sflag:$0x2] =	stream.linear.gather [hbm4b:s6+s3], $0x3E80, $0x38;
	[tilespmem:$0x1E0C0] =	vst v63  }
0x16: {  	[spmem:s14], [sflag:s8] =	dma.local [hbm:s7], $0x2700  }
0x17: {  	_ =	swait.ge [sflag:s15], $0x2700  }
0x18: {  	[sflag:s15] =	ssyncset.done $0x0  }
0x19: {  	s23 =	simm.s32 @!p0 $0x4;
	[sflag:s15] =	ssyncadd.s32 $0xFFFFD900  }
0x1a: {  	[spmem:s16], [sflag:s8] =	dma.local @!p0 [hbm:s9], $0x180  }
0x1b: {  	_ =	swait.ge @!p0 [sflag:s23], $0x180  }
0x1c: {  	[sflag:s23] =	ssyncset.done @!p0 $0x0  }
0x1d: {  	[sflag:s23] =	ssyncadd.s32 @!p0 $0xFFFFFE80  }
0x1e: {  	_ =	swait.ge [sflag:s17], $0x3E80  }
0x1f: {  	[sflag:s17] =	ssyncset.done $0x0  }
0x20: {  	[sflag:s17] =	ssyncadd.s32 $0xFFFFC180  }
0x21: {  	_ =	swait.ge [sflag:s18], $0x3E80  }
0x22: {  	[sflag:s18] =	ssyncset.done $0x0  }
0x23: {  	[sflag:s18] =	ssyncadd.s32 $0xFFFFC180  }
0x24: {  	s30 =	simm.s32 $0x0;
	[bflag:$0x0] =	sbarrier.arrive $0xFFFF  }
0x25: {  	[tilespmem:s20], [sflag:$0x3] =	stream.indirect.gather [hbm4b:s4+s19], $0x80, s30, s19, $0xb8;
	[tilespmem:$0x1E0C0] =	vst v63  }
0x26: {  	_ =	swait.ge [sflag:s21], $0x2800  }
0x27: {  	[sflag:s21] =	ssyncset.done $0x0  }
0x28: {  	s31 =	simm.s32 $0x4000;
	[sflag:s21] =	ssyncadd.s32 $0xFFFFD800  }
0x29: {  	[spmem:s1] =	stream.indirect.scatter.add.f32 [tilespmem:s20], [sflag:$0x4], $0x80, s31, s19, $0xb8;
	[tilespmem:$0x1E0C0] =	vst v63  }
0x2a: {  	_ =	swait.ge [sflag:s15], $0x2800  }
0x2b: {  	s24 =	simm.s32 $0x400;
	s23 =	simm.s32 $0x200;
	[sflag:s15] =	ssyncset.done $0x0  }
.LBB2_2:
0x2c: {  	s25 =	sshra.s32 s23, $0x2  }
0x2d: {  	[sflag:s15] =	ssyncadd.s32 $0xFFFFD800;
	s23 =	smov.u32 s24;
	s26 =	sadd.s32 $0x200, s24  }
0x2e: {  	[tilespmem:s20], [sflag:$0x3] =	stream.indirect.gather [hbm4b:s4+s19], $0x80, s25, s19, $0xb8;
	[tilespmem:$0x1E0C0] =	vst v63  }
0x2f: {  	p1 =	sne.s32 s24, $0xF800;
	_ =	swait.ge [sflag:s21], $0x2800  }
.Ltmp0:
0x30: {  	[sflag:s21] =	ssyncset.done $0x0;
	(pc) =	sbr.rel @p1 .LBB2_2-.Ltmp0, $4  }
0x31: {  	s24 =	sadd.s32 $0x4000, s25;
	[sflag:s21] =	ssyncadd.s32 $0xFFFFD800  }
0x32: {  	[spmem:s1] =	stream.indirect.scatter.add.f32 [tilespmem:s20], [sflag:$0x4], $0x80, s24, s19, $0xb8;
	[tilespmem:$0x1E0C0] =	vst v63  }
0x33: {  	_ =	swait.ge [sflag:s15], $0x2800  }
0x34: {  	s24 =	smov.u32 s26;
	[sflag:s15] =	ssyncset.done $0x0  }
0x35: {  	s23 =	sshra.s32 s23, $0x2;
	[sflag:s15] =	ssyncadd.s32 $0xFFFFD800  }
0x36: {  	[tilespmem:s20], [sflag:$0x3] =	stream.indirect.gather [hbm4b:s4+s19], $0x80, s23, s19, $0xb8;
	[tilespmem:$0x1E0C0] =	vst v63  }
0x37: {  	_ =	swait.ge [sflag:s21], $0x2800  }
0x38: {  	[sflag:s21] =	ssyncset.done $0x0  }
0x39: {  	s23 =	sadd.s32 $0x4000, s23;
	[sflag:s21] =	ssyncadd.s32 $0xFFFFD800  }
0x3a: {  	[spmem:s1] =	stream.indirect.scatter.add.f32 [tilespmem:s20], [sflag:$0x4], $0x80, s23, s19, $0xb8;
	[tilespmem:$0x1E0C0] =	vst v63  }
0x3b: {  	_ =	swait.ge [sflag:s15], $0x2800  }
0x3c: {  	[sflag:s15] =	ssyncset.done $0x0  }
0x3d: {  	[sflag:s15] =	ssyncadd.s32 $0xFFFFD800  }
0x3e: {  	[bflag:$0x0] =	sbarrier.arrive $0xFFFF  }
0x3f: {  	[hbm:s10], [sflag:s8] =	dma.local [spmem:s14], $0x2700  }
0x40: {  	s22 =	sadd.s32 $0x1, s22;
	_ =	swait.ge [sflag:s15], $0x2700  }
0x41: {  	p1 =	sne.s32 s22, s12;
	[sflag:s15] =	ssyncset.done $0x0  }
.Ltmp1:
0x42: {  	s23 =	simm.s32 @!p0 $0x4;
	[sflag:s15] =	ssyncadd.s32 $0xFFFFD900;
	(pc) =	sbr.rel @p1 .LBB2_1-.Ltmp1, $4  }
0x43: {  	[hbm:s11], [sflag:s8] =	dma.local @!p0 [spmem:s16], $0x100  }
0x44: {  	_ =	swait.ge @!p0 [sflag:s23], $0x100  }
0x45: {  	[sflag:s23] =	ssyncset.done @!p0 $0x0  }
0x46: {  	[sflag:s23] =	ssyncadd.s32 @!p0 $0xFFFFFF00  }
0x47: {  	_ =	sfence.sel $0x180000  }
0x48: {  	[bflag:$0x0] =	sbarrier.arrive $0xFFFF  }
0x49: {  	p0 =	sne.s32 s2, $0x0;
	_ =	strace $0x90000056  }
0x4a: {  	s0 =	sadd.s32 @!p0 $0x100000, s0;
	[bflag:$0x2] =	sbarrier.arrive $0xFFFF  }
0x4b: {  	[sflag:s0] =	ssyncadd.tile.s32 @!p0 $0x1;
	_ =	shalt  }
.Lfunc_end2:
_tile_overlayer_lowered:
.L_overlay_start_2:
0x4c: {  	(tag) =	ssettag $0x2  }
0x4d: {  	s0 =	rddreg [dreg:$0x0];
	s2 =	stileid.u32  }
0x4e: {  	s1 =	rddreg [dreg:$0x1];
	p0 =	sne.s32 s2, $0x0  }
0x4f: {  	s3 =	rddreg [dreg:$0x2];
	[bflag:$0x3] =	sbarrier.arrive $0xFFFF;
	s2 =	simm.s32 @!p0 $0x1C04  }
0x50: {  	[timem:s3], [sflag:s2] =	dma.local @!p0 [hbm:s0], s1  }
0x51: {  	s0 =	simm.s32 @!p0 $0x4  }
0x52: {  	_ =	swait.ge @!p0 [sflag:s0], s1  }
0x53: {  	s1 =	ssub.s32 @!p0 $0x0, s1;
	[sflag:s0] =	ssyncset.done @!p0 $0x0  }
0x54: {  	[sflag:s0] =	ssyncadd.s32 @!p0 s1  }
0x55: {  	[bflag:$0x3] =	sbarrier.arrive $0xFFFF  }
0x56: {  	_ =	shalt  }

// kernel: kernel.42.cloned.1.call-start
scs
__scs_entry_jumppad:
0x0: {  	(pc) =	sbr.rel $0x88, $3  }
0x1: {  	(tag) =	ssettag $0x0;
	lr =	simm.s32 $0x1  }
0x2: {  	[smem:$0x3F9A] =	sst lr;
	_ =	strace $0xD0000000  }
0x3: {  	_ = 	snop  }
0x4: {  	_ = 	snop  }
0x5: {  	_ = 	snop  }
0x6: {  	_ = 	snop  }
0x7: {  	_ = 	snop  }
__scs_overlays_trampoline_lowered:
0x8: {  	[smem:$0x3FA9] =	sst s0  }
0x9: {  	[smem:$0x3FAA] =	sst s1  }
0xa: {  	[smem:$0x3FAB] =	sst s2  }
0xb: {  	[smem:$0x3FAC] =	sst s3  }
0xc: {  	[smem:$0x3FAD] =	sst s4  }
0xd: {  	[smem:$0x3FAE] =	sst s5  }
0xe: {  	[smem:$0x3FAF] =	sst s6  }
0xf: {  	[smem:$0x3FB0] =	sst s7  }
0x10: {  	[smem:$0x3FB1] =	sst s8  }
0x11: {  	[smem:$0x3FB2] =	sst s9;
	s0 =	simm.s32 @!p0 $0x0  }
0x12: {  	s1 =	sld [smem:$0x3F98];
	s0 =	simm.s32 @p0 $0x1  }
0x13: {  	[smem:$0x3FB3] =	sst s0;
	s0 =	simm.s32 @!p1 $0x0  }
0x14: {  	s2 =	sld [smem:$0x3F97];
	s0 =	simm.s32 @p1 $0x1  }
0x15: {  	[smem:$0x3FB4] =	sst s0;
	s0 =	simm.s32 @!p2 $0x0  }
0x16: {  	s3 =	sld [smem:$0x3FDB];
	s0 =	simm.s32 @p2 $0x1  }
0x17: {  	s4 =	simm.s32 $0x1BF5;
	[smem:$0x3FB6] =	sst s0  }
0x18: {  	s0 =	sld [smem:$0x3F99];
	_ =	swait.ge [sflag:s4], $0x0  }
0x19: {  	s7 =	sld [smem:$0x3F9A]  }
0x1a: {  	s8 =	sadd.s32 $0xFFFFE003, lr  }
0x1b: {  	s9 =	sadd.s32 $0xFFFFFEF7, lr;
	s5 =	simm.s32 $0xFFFFFFFF;
	p2 =	slt.u32 s8, $0xFFFFF086  }
0x1c: {  	p1 =	slt.u32 s9, $0xF7A;
	s5 =	simm.s32 @!p2 $0x0  }
0x1d: {  	s5 =	simm.s32 @p1 $0x1;
	p0 =	seq.s32 s7, s2  }
0x1e: {  	s7 =	smul.u32 @!p0 $0xF7A, s2;
	p2 =	seq.s32 @!p0 s5, $0x0  }
0x1f: {  	s9 =	smul.u32 $0xF7A, s1;
	s8 =	simm.s32 @!p0 $0x1BF5;
	p2 =	por !p2, p0  }
0x20: {  	[sflag:s8] =	ssyncset.s32 @!p0 $0xFFFFF086;
	s6 =	sadd.s32 @!p0 s3, s7;
	s7 =	simm.s32 @!p0 $0x108  }
0x21: {  	s3 =	sadd.s32 s3, s9;
	s6 =	sadd.s32 @!p0 $0x88, s6;
	s7 =	simm.s32 @p2 $0x1082  }
0x22: {  	[simem:s7], [sflag:s8] =	dma.local @!p0 [hbm:s6], $0xF7A  }
0x23: {  	s9 =	sor.u32 $0xD0000000, s2;
	s6 =	simm.s32 $0x108;
	_ =	swait.ge @!p0 [sflag:s8], $0x0  }
0x24: {  	s3 =	sadd.s32 $0x88, s3;
	s6 =	simm.s32 @!p1 $0x1082;
	[sflag:s4] =	ssyncset.s32 $0xFFFFF086  }
0x25: {  	[simem:s6], [sflag:s4] =	dma.local [hbm:s3], $0xF7A  }
0x26: {  	[smem:$0x3F9A] =	sst s1;
	(tag) =	ssettag s2;
	_ =	strace s9  }
0x27: {  	s1 =	sld [smem:$0x3FAA]  }
0x28: {  	s2 =	sld [smem:$0x3FAB]  }
0x29: {  	s4 =	sld [smem:$0x3FAD]  }
0x2a: {  	p0 =	seq.s32 s5, $0x0;
	s5 =	sld [smem:$0x3FAE]  }
0x2b: {  	s6 =	sld [smem:$0x3FAF]  }
0x2c: {  	s7 =	sld [smem:$0x3FB0]  }
0x2d: {  	s3 =	simm.s32 $0x108;
	s8 =	sld [smem:$0x3FB1]  }
0x2e: {  	s3 =	simm.s32 @!p0 $0x1082;
	s9 =	sld [smem:$0x3FB2]  }
0x2f: {  	lr =	sadd.s32 s0, s3;
	s0 =	sld [smem:$0x3FA9]  }
0x30: {  	s3 =	sld [smem:$0x3FAC]  }
0x31: {  	[smem:$0x3FB5] =	sst s10  }
0x32: {  	s10 =	sld [smem:$0x3FB3];
	_ =	sdelay $0x3  }
0x33: {  	p0 =	seq.s32 s10, $0x1;
	s10 =	sld [smem:$0x3FB5];
	_ =	sdelay $0x3  }
0x34: {  	[smem:$0x3FB5] =	sst s10  }
0x35: {  	s10 =	sld [smem:$0x3FB4];
	_ =	sdelay $0x3  }
0x36: {  	p1 =	seq.s32 s10, $0x1;
	s10 =	sld [smem:$0x3FB5];
	_ =	sdelay $0x3  }
0x37: {  	[smem:$0x3FB5] =	sst s10  }
0x38: {  	s10 =	sld [smem:$0x3FB6]  }
0x39: {  	_ = 	snop;
	(pc) =	sbr.ind lr, $3  }
0x3a: {  	_ = 	snop  }
0x3b: {  	_ = 	snop  }
0x3c: {  	p2 =	seq.s32 s10, $0x1;
	s10 =	sld [smem:$0x3FB5]  }
0x3d: {  	_ =	shalt  }
0x3e: {  	_ =	shalt  }
0x3f: {  	_ =	shalt  }
0x40: {  	_ =	shalt  }
0x41: {  	_ =	shalt  }
0x42: {  	_ =	shalt  }
0x43: {  	_ =	shalt  }
0x44: {  	_ =	shalt  }
0x45: {  	_ =	shalt  }
0x46: {  	_ =	shalt  }
0x47: {  	_ =	shalt  }
0x48: {  	_ =	shalt  }
0x49: {  	_ =	shalt  }
0x4a: {  	_ =	shalt  }
0x4b: {  	_ =	shalt  }
0x4c: {  	_ =	shalt  }
0x4d: {  	_ =	shalt  }
0x4e: {  	_ =	shalt  }
0x4f: {  	_ =	shalt  }
0x50: {  	_ =	shalt  }
0x51: {  	_ =	shalt  }
0x52: {  	_ =	shalt  }
0x53: {  	_ =	shalt  }
0x54: {  	_ =	shalt  }
0x55: {  	_ =	shalt  }
0x56: {  	_ =	shalt  }
0x57: {  	_ =	shalt  }
0x58: {  	_ =	shalt  }
0x59: {  	_ =	shalt  }
0x5a: {  	_ =	shalt  }
0x5b: {  	_ =	shalt  }
0x5c: {  	_ =	shalt  }
0x5d: {  	_ =	shalt  }
0x5e: {  	_ =	shalt  }
0x5f: {  	_ =	shalt  }
0x60: {  	_ =	shalt  }
0x61: {  	_ =	shalt  }
0x62: {  	_ =	shalt  }
0x63: {  	_ =	shalt  }
0x64: {  	_ =	shalt  }
0x65: {  	_ =	shalt  }
0x66: {  	_ =	shalt  }
0x67: {  	_ =	shalt  }
0x68: {  	_ =	shalt  }
0x69: {  	_ =	shalt  }
0x6a: {  	_ =	shalt  }
0x6b: {  	_ =	shalt  }
0x6c: {  	_ =	shalt  }
0x6d: {  	_ =	shalt  }
0x6e: {  	_ =	shalt  }
0x6f: {  	_ =	shalt  }
0x70: {  	_ =	shalt  }
0x71: {  	_ =	shalt  }
0x72: {  	_ =	shalt  }
0x73: {  	_ =	shalt  }
0x74: {  	_ =	shalt  }
0x75: {  	_ =	shalt  }
0x76: {  	_ =	shalt  }
0x77: {  	_ =	shalt  }
0x78: {  	_ =	shalt  }
0x79: {  	_ =	shalt  }
0x7a: {  	_ =	shalt  }
0x7b: {  	_ =	shalt  }
0x7c: {  	_ =	shalt  }
0x7d: {  	_ =	shalt  }
0x7e: {  	_ =	shalt  }
0x7f: {  	_ =	shalt  }
0x80: {  	_ =	shalt  }
0x81: {  	_ =	shalt  }
0x82: {  	_ =	shalt  }
0x83: {  	_ =	shalt  }
0x84: {  	_ =	shalt  }
0x85: {  	_ =	shalt  }
0x86: {  	_ =	shalt  }
0x87: {  	_ =	shalt  }
.Lfunc_end0:
.L_simem_size_0:
called_computation.6_lowered:
.L_overlay_start_0:
0x88: {  	s2 =	sld [smem:$0x3FD9]  }
0x89: {  	s3 =	sld [smem:$0x3FFE];
	_ =	sdelay $0x1  }
0x8a: {  	s1 =	srdreg.scid  }
0x8b: {  	s0 =	sand.u32 $0x1, s1  }
0x8c: {  	s16 =	sshll.u32 s0, $0xA;
	s2 =	sadd.s32 s3, s2  }
0x8d: {  	s2 =	sadd.s32 s2, s16  }
0x8e: {  	[smem:$0x3FC1] =	sst s2  }
0x8f: {  	_ = 	snop  }
0x90: {  	(tm) =	ssettm $0x1  }
0x91: {  	s17 =	sld [smem:$0x3FFB];
	_ =	sdelay $0x3  }
0x92: {  	_ =	strace s17  }
0x93: {  	s2 =	sld [smem:$0x3FFC];
	_ =	sdelay $0x3  }
0x94: {  	_ =	strace s2  }
0x95: {  	s2 =	sld [smem:$0x3FFD];
	_ =	sdelay $0x3  }
0x96: {  	_ =	strace s2  }
0x97: {  	_ =	strace $0x8FFFFFFF  }
0x98: {  	s18 =	sld [smem:$0x3FDB];
	_ =	sdelay $0x1  }
0x99: {  	s19 =	simm.s32 $_scs_section_size  }
0x9a: {  	s4 =	simm.s32 $_size__tile_overlayer_lowered;
	s5 =	simm.s32 $_tile_overlayer_lowered  }
0x9b: {  	s22 =	simm.s32 $0x1BFF;
	s21 =	sshll.u32 s5, $0x1;
	s2 =	sadd.s32 s19, s18  }
0x9c: {  	s6 =	simm.s32 $0x0;
	s20 =	sshll.u32 s4, $0x1;
	s4 =	sadd.s32 s21, s2  }
0x9d: {  	[timem:s6], [sflag:s22] =	dma.local [hbm:s4], s20  }
0x9e: {  	_ =	swait.ge [sflag:s22], s20  }
0x9f: {  	s3 =	ssub.s32 $0x0, s20;
	[sflag:s22] =	ssyncset.done $0x0  }
0xa0: {  	[sflag:s22] =	ssyncadd.s32 s3;
	_ =	sdelay $0x1  }
0xa1: {  	s23 =	simm.s32 $0x1B8B  }
0xa2: {  	_ =	swait.ge [sflag:s23], $0x1  }
0xa3: {  	[sflag:s23] =	ssyncset.done $0x0  }
0xa4: {  	s25 =	simm.s32 $0x1B8E;
	s24 =	sld [smem:$0x3FFE];
	[sflag:s23] =	ssyncadd.s32 $0xFFFFFFFF  }
0xa5: {  	s26 =	simm.s32 $execute0_lowered;
	[smem:$0x3FD2] =	sst s25  }
0xa6: {  	s4 =	sshll.u32 s26, $0x1;
	_ =	strace $0x80000058;
	[dreg:$0x1] =	wrdreg $0xFFFFFFFF  }
0xa7: {  	s28 =	simm.s32 $_size_execute0_lowered;
	s2 =	sadd.s32 s2, s4;
	[dreg:$0x0] =	wrdreg $0x0  }
0xa8: {  	s4 =	sshll.u32 s28, $0x1;
	[dreg:$0x2] =	wrdreg s2  }
0xa9: {  	[dreg:$0x3] =	wrdreg s4  }
0xaa: {  	[dreg:$0x4] =	wrdreg $0xC0  }
0xab: {  	_ =	task [dreg:s6], $0x5FFFF  }
0xac: {  	[dreg:$0x1] =	wrdreg $0xFFFFFFFF  }
0xad: {  	[dreg:$0x0] =	wrdreg $0x60  }
0xae: {  	[dreg:$0x2] =	wrdreg s24  }
0xaf: {  	[dreg:$0x3] =	wrdreg $0xA8000  }
0xb0: {  	[dreg:$0x4] =	wrdreg $0x9  }
0xb1: {  	_ =	task.clear_ibuf [dreg:s6], $0x5FFFF;
	_ =	strace $0x90000058  }
0xb2: {  	s29 =	simm.s32 $0x9;
	_ =	strace $0x8000005A  }
0xb3: {  	_ =	swait.ge [sflag:s29], $0x1  }
0xb4: {  	[sflag:s29] =	ssyncadd.s32 $0xFFFFFFFF  }
0xb5: {  	_ =	strace $0x9000005A  }
0xb6: {  	_ =	sfence  }
0xb7: {  	s30 =	sld [smem:$0x0];
	_ =	sdelay $0x2  }
0xb8: {  	s31 =	sshll.u32 s1, $0xD;
	s1 =	sshrl.u32 s1, $0x2  }
0xb9: {  	s3 =	sand.u32 $0x4000, s31;
	s1 =	sadd.s32 s1, s30  }
0xba: {  	s0 =	sor.u32 s3, s0;
	s1 =	sshll.u32 s1, $0x11  }
0xbb: {  	s0 =	sor.u32 s1, s0  }
0xbc: {  	s0 =	sadd.s32 $0x8F2B, s0  }
0xbd: {  	[sflag:s0] =	ssyncadd.remote.s32 $0x1  }
0xbe: {  	_ =	sfence.sel $0xFFFF  }
0xbf: {  	[dreg:$0x0] =	wrdreg $0xFFFFFFFF;
	(pc) =	sbr.abs _section_cstart, $3  }
0xc0: {  	[dreg:$0x1] =	wrdreg $0xFFFFFFFF  }
0xc1: {  	_ =	task.clear_ibuf [dreg:s6], $0x2FFFF;
	_ =	strace $0x9FFFFFFF  }
0xc2: {  	(tm) =	ssettm $0x7FFFFFFF  }
0xc3: {  	_ =	shalt  }
tec
execute0_lowered:
.L_overlay_start_1:
0x0: {  	(tag) =	ssettag $0x1  }
0x1: {  	s9 =	rddreg [dreg:$0x0]  }
0x2: {  	s1 =	rddreg [dreg:$0x1]  }
0x3: {  	s0 =	rddreg [dreg:$0x2];
	s3 =	simm.s32 $0x0;
	s4 =	srdreg.scid  }
0x4: {  	s2 =	stileid.u32;
	s17 =	simm.s32 $0x1;
	s18 =	simm.s32 $0x2  }
0x5: {  	s19 =	simm.s32 $0x50;
	s20 =	simm.s32 $0x8000;
	s21 =	simm.s32 $0x3  }
0x6: {  	s22 =	simm.s32 $0x0;
	[smem:$0x7FF] =	sst s3;
	s7 =	sand.u32 $0x1, s4  }
0x7: {  	s5 =	sshll.u32 s2, $0xC;
	s10 =	smul.u32 $0x13800, s2;
	s4 =	sadd.s32 $0x2EE00, s9  }
0x8: {  	s12 =	smul.u32 $0x4E000, s2;
	s13 =	sadd.s32 $0x7D200, s9;
	s30 =	sshll.u32 s2, $0x6  }
0x9: {  	s16 =	sadd.s32 $0x138000, s1;
	p0 =	sne.s32 s2, $0xF;
	s6 =	sshll.u32 s7, $0xB  }
0xa: {  	_ =	strace $0x80000059;
	s8 =	ssub.s32 $0x2, s7;
	s29 =	smul.u32 $0x138800, s7  }
0xb: {  	s16 =	sshrl.u32 @!p0 s16, $0x3;
	s5 =	sor.u32 s6, s5;
	s25 =	sshrl.u32 s10, $0x3  }
0xc: {  	s26 =	sshrl.u32 s8, $0x1;
	s28 =	sshrl.u32 s12, $0x2;
	s6 =	sadd.s32 s5, s9  }
0xd: {  	s11 =	sadd.s32 s25, s9;
	s14 =	ssub.s32 s8, s26;
	s15 =	sadd.s32 s28, s1  }
0xe: {  	s8 =	sor.u32 $0x1C04, s30;
	s10 =	sadd.s32 s10, s29;
	s31 =	sshrl.u32 s29, $0x3  }
0xf: {  	s9 =	sadd.s32 $0x7D000, s9;
	s5 =	sadd.s32 $0x1EE00, s6;
	s6 =	sadd.s32 $0xEC00, s6  }
0x10: {  	s7 =	sadd.s32 $0x56000, s11;
	s10 =	sshrl.u32 s10, $0x3;
	s11 =	sadd.s32 s13, s31  }
0x11: {  	s12 =	smax.u32 s14, $0x1;
	s14 =	sshrl.u32 s15, $0x3;
	s15 =	simm.s32 $0x4  }
0x12: {  	s10 =	sadd.s32 s13, s10;
	s11 =	sadd.s32 $0x27000, s11;
	s13 =	simm.s32 $0x4000  }
.LBB2_1:
0x13: {  	[tilespmem:s3], [sflag:$0x1] =	stream.linear.gather [hbm4b:s5+s3], $0x3E80, $0x38;
	[tilespmem:$0x1E0C0] =	vst v63  }
0x14: {  	_ = 	snop  }
0x15: {  	[tilespmem:s13], [sflag:$0x2] =	stream.linear.gather [hbm4b:s6+s3], $0x3E80, $0x38;
	[tilespmem:$0x1E0C0] =	vst v63  }
0x16: {  	[spmem:s14], [sflag:s8] =	dma.local [hbm:s7], $0x2700  }
0x17: {  	_ =	swait.ge [sflag:s15], $0x2700  }
0x18: {  	[sflag:s15] =	ssyncset.done $0x0  }
0x19: {  	s23 =	simm.s32 @!p0 $0x4;
	[sflag:s15] =	ssyncadd.s32 $0xFFFFD900  }
0x1a: {  	[spmem:s16], [sflag:s8] =	dma.local @!p0 [hbm:s9], $0x180  }
0x1b: {  	_ =	swait.ge @!p0 [sflag:s23], $0x180  }
0x1c: {  	[sflag:s23] =	ssyncset.done @!p0 $0x0  }
0x1d: {  	[sflag:s23] =	ssyncadd.s32 @!p0 $0xFFFFFE80  }
0x1e: {  	_ =	swait.ge [sflag:s17], $0x3E80  }
0x1f: {  	[sflag:s17] =	ssyncset.done $0x0  }
0x20: {  	[sflag:s17] =	ssyncadd.s32 $0xFFFFC180  }
0x21: {  	_ =	swait.ge [sflag:s18], $0x3E80  }
0x22: {  	[sflag:s18] =	ssyncset.done $0x0  }
0x23: {  	[sflag:s18] =	ssyncadd.s32 $0xFFFFC180  }
0x24: {  	s30 =	simm.s32 $0x0;
	[bflag:$0x0] =	sbarrier.arrive $0xFFFF  }
0x25: {  	[tilespmem:s20], [sflag:$0x3] =	stream.indirect.gather [hbm4b:s4+s19], $0x80, s30, s19, $0xb8;
	[tilespmem:$0x1E0C0] =	vst v63  }
0x26: {  	_ =	swait.ge [sflag:s21], $0x2800  }
0x27: {  	[sflag:s21] =	ssyncset.done $0x0  }
0x28: {  	s31 =	simm.s32 $0x4000;
	[sflag:s21] =	ssyncadd.s32 $0xFFFFD800  }
0x29: {  	[spmem:s1] =	stream.indirect.scatter.add.f32 [tilespmem:s20], [sflag:$0x4], $0x80, s31, s19, $0xb8;
	[tilespmem:$0x1E0C0] =	vst v63  }
0x2a: {  	_ =	swait.ge [sflag:s15], $0x2800  }
0x2b: {  	s24 =	simm.s32 $0x400;
	s23 =	simm.s32 $0x200;
	[sflag:s15] =	ssyncset.done $0x0  }
.LBB2_2:
0x2c: {  	s25 =	sshra.s32 s23, $0x2  }
0x2d: {  	[sflag:s15] =	ssyncadd.s32 $0xFFFFD800;
	s23 =	smov.u32 s24;
	s26 =	sadd.s32 $0x200, s24  }
0x2e: {  	[tilespmem:s20], [sflag:$0x3] =	stream.indirect.gather [hbm4b:s4+s19], $0x80, s25, s19, $0xb8;
	[tilespmem:$0x1E0C0] =	vst v63  }
0x2f: {  	p1 =	sne.s32 s24, $0xF800;
	_ =	swait.ge [sflag:s21], $0x2800  }
.Ltmp0:
0x30: {  	[sflag:s21] =	ssyncset.done $0x0;
	(pc) =	sbr.rel @p1 .LBB2_2-.Ltmp0, $4  }
0x31: {  	s24 =	sadd.s32 $0x4000, s25;
	[sflag:s21] =	ssyncadd.s32 $0xFFFFD800  }
0x32: {  	[spmem:s1] =	stream.indirect.scatter.add.f32 [tilespmem:s20], [sflag:$0x4], $0x80, s24, s19, $0xb8;
	[tilespmem:$0x1E0C0] =	vst v63  }
0x33: {  	_ =	swait.ge [sflag:s15], $0x2800  }
0x34: {  	s24 =	smov.u32 s26;
	[sflag:s15] =	ssyncset.done $0x0  }
0x35: {  	s23 =	sshra.s32 s23, $0x2;
	[sflag:s15] =	ssyncadd.s32 $0xFFFFD800  }
0x36: {  	[tilespmem:s20], [sflag:$0x3] =	stream.indirect.gather [hbm4b:s4+s19], $0x80, s23, s19, $0xb8;
	[tilespmem:$0x1E0C0] =	vst v63  }
0x37: {  	_ =	swait.ge [sflag:s21], $0x2800  }
0x38: {  	[sflag:s21] =	ssyncset.done $0x0  }
0x39: {  	s23 =	sadd.s32 $0x4000, s23;
	[sflag:s21] =	ssyncadd.s32 $0xFFFFD800  }
0x3a: {  	[spmem:s1] =	stream.indirect.scatter.add.f32 [tilespmem:s20], [sflag:$0x4], $0x80, s23, s19, $0xb8;
	[tilespmem:$0x1E0C0] =	vst v63  }
0x3b: {  	_ =	swait.ge [sflag:s15], $0x2800  }
0x3c: {  	[sflag:s15] =	ssyncset.done $0x0  }
0x3d: {  	[sflag:s15] =	ssyncadd.s32 $0xFFFFD800  }
0x3e: {  	[bflag:$0x0] =	sbarrier.arrive $0xFFFF  }
0x3f: {  	[hbm:s10], [sflag:s8] =	dma.local [spmem:s14], $0x2700  }
0x40: {  	s22 =	sadd.s32 $0x1, s22;
	_ =	swait.ge [sflag:s15], $0x2700  }
0x41: {  	p1 =	sne.s32 s22, s12;
	[sflag:s15] =	ssyncset.done $0x0  }
.Ltmp1:
0x42: {  	s23 =	simm.s32 @!p0 $0x4;
	[sflag:s15] =	ssyncadd.s32 $0xFFFFD900;
	(pc) =	sbr.rel @p1 .LBB2_1-.Ltmp1, $4  }
0x43: {  	[hbm:s11], [sflag:s8] =	dma.local @!p0 [spmem:s16], $0x100  }
0x44: {  	_ =	swait.ge @!p0 [sflag:s23], $0x100  }
0x45: {  	[sflag:s23] =	ssyncset.done @!p0 $0x0  }
0x46: {  	[sflag:s23] =	ssyncadd.s32 @!p0 $0xFFFFFF00  }
0x47: {  	_ =	sfence.sel $0x180000  }
0x48: {  	[bflag:$0x0] =	sbarrier.arrive $0xFFFF  }
0x49: {  	p0 =	sne.s32 s2, $0x0;
	_ =	strace $0x90000059  }
0x4a: {  	s0 =	sadd.s32 @!p0 $0x100000, s0;
	[bflag:$0x2] =	sbarrier.arrive $0xFFFF  }
0x4b: {  	[sflag:s0] =	ssyncadd.tile.s32 @!p0 $0x1;
	_ =	shalt  }
.Lfunc_end2:
_tile_overlayer_lowered:
.L_overlay_start_2:
0x4c: {  	(tag) =	ssettag $0x2  }
0x4d: {  	s0 =	rddreg [dreg:$0x0];
	s2 =	stileid.u32  }
0x4e: {  	s1 =	rddreg [dreg:$0x1];
	p0 =	sne.s32 s2, $0x0  }
0x4f: {  	s3 =	rddreg [dreg:$0x2];
	[bflag:$0x3] =	sbarrier.arrive $0xFFFF;
	s2 =	simm.s32 @!p0 $0x1C04  }
0x50: {  	[timem:s3], [sflag:s2] =	dma.local @!p0 [hbm:s0], s1  }
0x51: {  	s0 =	simm.s32 @!p0 $0x4  }
0x52: {  	_ =	swait.ge @!p0 [sflag:s0], s1  }
0x53: {  	s1 =	ssub.s32 @!p0 $0x0, s1;
	[sflag:s0] =	ssyncset.done @!p0 $0x0  }
0x54: {  	[sflag:s0] =	ssyncadd.s32 @!p0 s1  }
0x55: {  	[bflag:$0x3] =	sbarrier.arrive $0xFFFF  }
0x56: {  	_ =	shalt  }

// kernel: kernel.45.cloned.1.call-start
scs
__scs_entry_jumppad:
0x0: {  	(pc) =	sbr.rel $0x88, $3  }
0x1: {  	(tag) =	ssettag $0x0;
	lr =	simm.s32 $0x1  }
0x2: {  	[smem:$0x3F9A] =	sst lr;
	_ =	strace $0xD0000000  }
0x3: {  	_ = 	snop  }
0x4: {  	_ = 	snop  }
0x5: {  	_ = 	snop  }
0x6: {  	_ = 	snop  }
0x7: {  	_ = 	snop  }
__scs_overlays_trampoline_lowered:
0x8: {  	[smem:$0x3FA9] =	sst s0  }
0x9: {  	[smem:$0x3FAA] =	sst s1  }
0xa: {  	[smem:$0x3FAB] =	sst s2  }
0xb: {  	[smem:$0x3FAC] =	sst s3  }
0xc: {  	[smem:$0x3FAD] =	sst s4  }
0xd: {  	[smem:$0x3FAE] =	sst s5  }
0xe: {  	[smem:$0x3FAF] =	sst s6  }
0xf: {  	[smem:$0x3FB0] =	sst s7  }
0x10: {  	[smem:$0x3FB1] =	sst s8  }
0x11: {  	[smem:$0x3FB2] =	sst s9;
	s0 =	simm.s32 @!p0 $0x0  }
0x12: {  	s1 =	sld [smem:$0x3F98];
	s0 =	simm.s32 @p0 $0x1  }
0x13: {  	[smem:$0x3FB3] =	sst s0;
	s0 =	simm.s32 @!p1 $0x0  }
0x14: {  	s2 =	sld [smem:$0x3F97];
	s0 =	simm.s32 @p1 $0x1  }
0x15: {  	[smem:$0x3FB4] =	sst s0;
	s0 =	simm.s32 @!p2 $0x0  }
0x16: {  	s3 =	sld [smem:$0x3FDB];
	s0 =	simm.s32 @p2 $0x1  }
0x17: {  	s4 =	simm.s32 $0x1BF5;
	[smem:$0x3FB6] =	sst s0  }
0x18: {  	s0 =	sld [smem:$0x3F99];
	_ =	swait.ge [sflag:s4], $0x0  }
0x19: {  	s7 =	sld [smem:$0x3F9A]  }
0x1a: {  	s8 =	sadd.s32 $0xFFFFE003, lr  }
0x1b: {  	s9 =	sadd.s32 $0xFFFFFEF7, lr;
	s5 =	simm.s32 $0xFFFFFFFF;
	p2 =	slt.u32 s8, $0xFFFFF086  }
0x1c: {  	p1 =	slt.u32 s9, $0xF7A;
	s5 =	simm.s32 @!p2 $0x0  }
0x1d: {  	s5 =	simm.s32 @p1 $0x1;
	p0 =	seq.s32 s7, s2  }
0x1e: {  	s7 =	smul.u32 @!p0 $0xF7A, s2;
	p2 =	seq.s32 @!p0 s5, $0x0  }
0x1f: {  	s9 =	smul.u32 $0xF7A, s1;
	s8 =	simm.s32 @!p0 $0x1BF5;
	p2 =	por !p2, p0  }
0x20: {  	[sflag:s8] =	ssyncset.s32 @!p0 $0xFFFFF086;
	s6 =	sadd.s32 @!p0 s3, s7;
	s7 =	simm.s32 @!p0 $0x108  }
0x21: {  	s3 =	sadd.s32 s3, s9;
	s6 =	sadd.s32 @!p0 $0x88, s6;
	s7 =	simm.s32 @p2 $0x1082  }
0x22: {  	[simem:s7], [sflag:s8] =	dma.local @!p0 [hbm:s6], $0xF7A  }
0x23: {  	s9 =	sor.u32 $0xD0000000, s2;
	s6 =	simm.s32 $0x108;
	_ =	swait.ge @!p0 [sflag:s8], $0x0  }
0x24: {  	s3 =	sadd.s32 $0x88, s3;
	s6 =	simm.s32 @!p1 $0x1082;
	[sflag:s4] =	ssyncset.s32 $0xFFFFF086  }
0x25: {  	[simem:s6], [sflag:s4] =	dma.local [hbm:s3], $0xF7A  }
0x26: {  	[smem:$0x3F9A] =	sst s1;
	(tag) =	ssettag s2;
	_ =	strace s9  }
0x27: {  	s1 =	sld [smem:$0x3FAA]  }
0x28: {  	s2 =	sld [smem:$0x3FAB]  }
0x29: {  	s4 =	sld [smem:$0x3FAD]  }
0x2a: {  	p0 =	seq.s32 s5, $0x0;
	s5 =	sld [smem:$0x3FAE]  }
0x2b: {  	s6 =	sld [smem:$0x3FAF]  }
0x2c: {  	s7 =	sld [smem:$0x3FB0]  }
0x2d: {  	s3 =	simm.s32 $0x108;
	s8 =	sld [smem:$0x3FB1]  }
0x2e: {  	s3 =	simm.s32 @!p0 $0x1082;
	s9 =	sld [smem:$0x3FB2]  }
0x2f: {  	lr =	sadd.s32 s0, s3;
	s0 =	sld [smem:$0x3FA9]  }
0x30: {  	s3 =	sld [smem:$0x3FAC]  }
0x31: {  	[smem:$0x3FB5] =	sst s10  }
0x32: {  	s10 =	sld [smem:$0x3FB3];
	_ =	sdelay $0x3  }
0x33: {  	p0 =	seq.s32 s10, $0x1;
	s10 =	sld [smem:$0x3FB5];
	_ =	sdelay $0x3  }
0x34: {  	[smem:$0x3FB5] =	sst s10  }
0x35: {  	s10 =	sld [smem:$0x3FB4];
	_ =	sdelay $0x3  }
0x36: {  	p1 =	seq.s32 s10, $0x1;
	s10 =	sld [smem:$0x3FB5];
	_ =	sdelay $0x3  }
0x37: {  	[smem:$0x3FB5] =	sst s10  }
0x38: {  	s10 =	sld [smem:$0x3FB6]  }
0x39: {  	_ = 	snop;
	(pc) =	sbr.ind lr, $3  }
0x3a: {  	_ = 	snop  }
0x3b: {  	_ = 	snop  }
0x3c: {  	p2 =	seq.s32 s10, $0x1;
	s10 =	sld [smem:$0x3FB5]  }
0x3d: {  	_ =	shalt  }
0x3e: {  	_ =	shalt  }
0x3f: {  	_ =	shalt  }
0x40: {  	_ =	shalt  }
0x41: {  	_ =	shalt  }
0x42: {  	_ =	shalt  }
0x43: {  	_ =	shalt  }
0x44: {  	_ =	shalt  }
0x45: {  	_ =	shalt  }
0x46: {  	_ =	shalt  }
0x47: {  	_ =	shalt  }
0x48: {  	_ =	shalt  }
0x49: {  	_ =	shalt  }
0x4a: {  	_ =	shalt  }
0x4b: {  	_ =	shalt  }
0x4c: {  	_ =	shalt  }
0x4d: {  	_ =	shalt  }
0x4e: {  	_ =	shalt  }
0x4f: {  	_ =	shalt  }
0x50: {  	_ =	shalt  }
0x51: {  	_ =	shalt  }
0x52: {  	_ =	shalt  }
0x53: {  	_ =	shalt  }
0x54: {  	_ =	shalt  }
0x55: {  	_ =	shalt  }
0x56: {  	_ =	shalt  }
0x57: {  	_ =	shalt  }
0x58: {  	_ =	shalt  }
0x59: {  	_ =	shalt  }
0x5a: {  	_ =	shalt  }
0x5b: {  	_ =	shalt  }
0x5c: {  	_ =	shalt  }
0x5d: {  	_ =	shalt  }
0x5e: {  	_ =	shalt  }
0x5f: {  	_ =	shalt  }
0x60: {  	_ =	shalt  }
0x61: {  	_ =	shalt  }
0x62: {  	_ =	shalt  }
0x63: {  	_ =	shalt  }
0x64: {  	_ =	shalt  }
0x65: {  	_ =	shalt  }
0x66: {  	_ =	shalt  }
0x67: {  	_ =	shalt  }
0x68: {  	_ =	shalt  }
0x69: {  	_ =	shalt  }
0x6a: {  	_ =	shalt  }
0x6b: {  	_ =	shalt  }
0x6c: {  	_ =	shalt  }
0x6d: {  	_ =	shalt  }
0x6e: {  	_ =	shalt  }
0x6f: {  	_ =	shalt  }
0x70: {  	_ =	shalt  }
0x71: {  	_ =	shalt  }
0x72: {  	_ =	shalt  }
0x73: {  	_ =	shalt  }
0x74: {  	_ =	shalt  }
0x75: {  	_ =	shalt  }
0x76: {  	_ =	shalt  }
0x77: {  	_ =	shalt  }
0x78: {  	_ =	shalt  }
0x79: {  	_ =	shalt  }
0x7a: {  	_ =	shalt  }
0x7b: {  	_ =	shalt  }
0x7c: {  	_ =	shalt  }
0x7d: {  	_ =	shalt  }
0x7e: {  	_ =	shalt  }
0x7f: {  	_ =	shalt  }
0x80: {  	_ =	shalt  }
0x81: {  	_ =	shalt  }
0x82: {  	_ =	shalt  }
0x83: {  	_ =	shalt  }
0x84: {  	_ =	shalt  }
0x85: {  	_ =	shalt  }
0x86: {  	_ =	shalt  }
0x87: {  	_ =	shalt  }
.Lfunc_end0:
.L_simem_size_0:
called_computation.7_lowered:
.L_overlay_start_0:
0x88: {  	s2 =	sld [smem:$0x3FD9]  }
0x89: {  	s3 =	sld [smem:$0x3FFE];
	_ =	sdelay $0x1  }
0x8a: {  	s1 =	srdreg.scid  }
0x8b: {  	s0 =	sand.u32 $0x1, s1  }
0x8c: {  	s16 =	sshll.u32 s0, $0xA;
	s2 =	sadd.s32 s3, s2  }
0x8d: {  	s2 =	sadd.s32 s2, s16  }
0x8e: {  	[smem:$0x3FC1] =	sst s2  }
0x8f: {  	_ = 	snop  }
0x90: {  	(tm) =	ssettm $0x1  }
0x91: {  	s17 =	sld [smem:$0x3FFB];
	_ =	sdelay $0x3  }
0x92: {  	_ =	strace s17  }
0x93: {  	s2 =	sld [smem:$0x3FFC];
	_ =	sdelay $0x3  }
0x94: {  	_ =	strace s2  }
0x95: {  	s2 =	sld [smem:$0x3FFD];
	_ =	sdelay $0x3  }
0x96: {  	_ =	strace s2  }
0x97: {  	_ =	strace $0x8FFFFFFF  }
0x98: {  	s18 =	sld [smem:$0x3FDB];
	_ =	sdelay $0x1  }
0x99: {  	s19 =	simm.s32 $_scs_section_size  }
0x9a: {  	s4 =	simm.s32 $_size__tile_overlayer_lowered;
	s5 =	simm.s32 $_tile_overlayer_lowered  }
0x9b: {  	s22 =	simm.s32 $0x1BFF;
	s21 =	sshll.u32 s5, $0x1;
	s2 =	sadd.s32 s19, s18  }
0x9c: {  	s6 =	simm.s32 $0x0;
	s20 =	sshll.u32 s4, $0x1;
	s4 =	sadd.s32 s21, s2  }
0x9d: {  	[timem:s6], [sflag:s22] =	dma.local [hbm:s4], s20  }
0x9e: {  	_ =	swait.ge [sflag:s22], s20  }
0x9f: {  	s3 =	ssub.s32 $0x0, s20;
	[sflag:s22] =	ssyncset.done $0x0  }
0xa0: {  	[sflag:s22] =	ssyncadd.s32 s3;
	_ =	sdelay $0x1  }
0xa1: {  	s23 =	simm.s32 $0x1B8B  }
0xa2: {  	_ =	swait.ge [sflag:s23], $0x1  }
0xa3: {  	[sflag:s23] =	ssyncset.done $0x0  }
0xa4: {  	s25 =	simm.s32 $0x1B8E;
	s24 =	sld [smem:$0x3FFE];
	[sflag:s23] =	ssyncadd.s32 $0xFFFFFFFF  }
0xa5: {  	s26 =	simm.s32 $execute0_lowered;
	[smem:$0x3FD2] =	sst s25  }
0xa6: {  	s4 =	sshll.u32 s26, $0x1;
	_ =	strace $0x8000005B;
	[dreg:$0x1] =	wrdreg $0xFFFFFFFF  }
0xa7: {  	s28 =	simm.s32 $_size_execute0_lowered;
	s2 =	sadd.s32 s2, s4;
	[dreg:$0x0] =	wrdreg $0x0  }
0xa8: {  	s4 =	sshll.u32 s28, $0x1;
	[dreg:$0x2] =	wrdreg s2  }
0xa9: {  	[dreg:$0x3] =	wrdreg s4  }
0xaa: {  	[dreg:$0x4] =	wrdreg $0xC0  }
0xab: {  	_ =	task [dreg:s6], $0x5FFFF  }
0xac: {  	[dreg:$0x1] =	wrdreg $0xFFFFFFFF  }
0xad: {  	[dreg:$0x0] =	wrdreg $0x60  }
0xae: {  	[dreg:$0x2] =	wrdreg s24  }
0xaf: {  	[dreg:$0x3] =	wrdreg $0xA8000  }
0xb0: {  	[dreg:$0x4] =	wrdreg $0x9  }
0xb1: {  	_ =	task.clear_ibuf [dreg:s6], $0x5FFFF;
	_ =	strace $0x9000005B  }
0xb2: {  	s29 =	simm.s32 $0x9;
	_ =	strace $0x8000005D  }
0xb3: {  	_ =	swait.ge [sflag:s29], $0x1  }
0xb4: {  	[sflag:s29] =	ssyncadd.s32 $0xFFFFFFFF  }
0xb5: {  	_ =	strace $0x9000005D  }
0xb6: {  	_ =	sfence  }
0xb7: {  	s30 =	sld [smem:$0x0];
	_ =	sdelay $0x2  }
0xb8: {  	s31 =	sshll.u32 s1, $0xD;
	s1 =	sshrl.u32 s1, $0x2  }
0xb9: {  	s3 =	sand.u32 $0x4000, s31;
	s1 =	sadd.s32 s1, s30  }
0xba: {  	s0 =	sor.u32 s3, s0;
	s1 =	sshll.u32 s1, $0x11  }
0xbb: {  	s0 =	sor.u32 s1, s0  }
0xbc: {  	s0 =	sadd.s32 $0x8F2B, s0  }
0xbd: {  	[sflag:s0] =	ssyncadd.remote.s32 $0x1  }
0xbe: {  	_ =	sfence.sel $0xFFFF  }
0xbf: {  	[dreg:$0x0] =	wrdreg $0xFFFFFFFF;
	(pc) =	sbr.abs _section_cstart, $3  }
0xc0: {  	[dreg:$0x1] =	wrdreg $0xFFFFFFFF  }
0xc1: {  	_ =	task.clear_ibuf [dreg:s6], $0x2FFFF;
	_ =	strace $0x9FFFFFFF  }
0xc2: {  	(tm) =	ssettm $0x7FFFFFFF  }
0xc3: {  	_ =	shalt  }
tec
execute0_lowered:
.L_overlay_start_1:
0x0: {  	(tag) =	ssettag $0x1  }
0x1: {  	s9 =	rddreg [dreg:$0x0]  }
0x2: {  	s1 =	rddreg [dreg:$0x1]  }
0x3: {  	s0 =	rddreg [dreg:$0x2];
	s3 =	simm.s32 $0x0;
	s4 =	srdreg.scid  }
0x4: {  	s2 =	stileid.u32;
	s17 =	simm.s32 $0x1;
	s18 =	simm.s32 $0x2  }
0x5: {  	s19 =	simm.s32 $0x50;
	s20 =	simm.s32 $0x8000;
	s21 =	simm.s32 $0x3  }
0x6: {  	s22 =	simm.s32 $0x0;
	[smem:$0x7FF] =	sst s3;
	s7 =	sand.u32 $0x1, s4  }
0x7: {  	s5 =	sshll.u32 s2, $0xC;
	s10 =	smul.u32 $0x13800, s2;
	s4 =	sadd.s32 $0x2EE00, s9  }
0x8: {  	s12 =	smul.u32 $0x4E000, s2;
	s13 =	sadd.s32 $0x7D200, s9;
	s30 =	sshll.u32 s2, $0x6  }
0x9: {  	s16 =	sadd.s32 $0x138000, s1;
	p0 =	sne.s32 s2, $0xF;
	s6 =	sshll.u32 s7, $0xB  }
0xa: {  	_ =	strace $0x8000005C;
	s8 =	ssub.s32 $0x2, s7;
	s29 =	smul.u32 $0x138800, s7  }
0xb: {  	s16 =	sshrl.u32 @!p0 s16, $0x3;
	s5 =	sor.u32 s6, s5;
	s25 =	sshrl.u32 s10, $0x3  }
0xc: {  	s26 =	sshrl.u32 s8, $0x1;
	s28 =	sshrl.u32 s12, $0x2;
	s6 =	sadd.s32 s5, s9  }
0xd: {  	s11 =	sadd.s32 s25, s9;
	s14 =	ssub.s32 s8, s26;
	s15 =	sadd.s32 s28, s1  }
0xe: {  	s8 =	sor.u32 $0x1C04, s30;
	s10 =	sadd.s32 s10, s29;
	s31 =	sshrl.u32 s29, $0x3  }
0xf: {  	s9 =	sadd.s32 $0x7D000, s9;
	s5 =	sadd.s32 $0x1EE00, s6;
	s6 =	sadd.s32 $0xEC00, s6  }
0x10: {  	s7 =	sadd.s32 $0x56000, s11;
	s10 =	sshrl.u32 s10, $0x3;
	s11 =	sadd.s32 s13, s31  }
0x11: {  	s12 =	smax.u32 s14, $0x1;
	s14 =	sshrl.u32 s15, $0x3;
	s15 =	simm.s32 $0x4  }
0x12: {  	s10 =	sadd.s32 s13, s10;
	s11 =	sadd.s32 $0x27000, s11;
	s13 =	simm.s32 $0x4000  }
.LBB2_1:
0x13: {  	[tilespmem:s3], [sflag:$0x1] =	stream.linear.gather [hbm4b:s5+s3], $0x3E80, $0x38;
	[tilespmem:$0x1E0C0] =	vst v63  }
0x14: {  	_ = 	snop  }
0x15: {  	[tilespmem:s13], [sflag:$0x2] =	stream.linear.gather [hbm4b:s6+s3], $0x3E80, $0x38;
	[tilespmem:$0x1E0C0] =	vst v63  }
0x16: {  	[spmem:s14], [sflag:s8] =	dma.local [hbm:s7], $0x2700  }
0x17: {  	_ =	swait.ge [sflag:s15], $0x2700  }
0x18: {  	[sflag:s15] =	ssyncset.done $0x0  }
0x19: {  	s23 =	simm.s32 @!p0 $0x4;
	[sflag:s15] =	ssyncadd.s32 $0xFFFFD900  }
0x1a: {  	[spmem:s16], [sflag:s8] =	dma.local @!p0 [hbm:s9], $0x180  }
0x1b: {  	_ =	swait.ge @!p0 [sflag:s23], $0x180  }
0x1c: {  	[sflag:s23] =	ssyncset.done @!p0 $0x0  }
0x1d: {  	[sflag:s23] =	ssyncadd.s32 @!p0 $0xFFFFFE80  }
0x1e: {  	_ =	swait.ge [sflag:s17], $0x3E80  }
0x1f: {  	[sflag:s17] =	ssyncset.done $0x0  }
0x20: {  	[sflag:s17] =	ssyncadd.s32 $0xFFFFC180  }
0x21: {  	_ =	swait.ge [sflag:s18], $0x3E80  }
0x22: {  	[sflag:s18] =	ssyncset.done $0x0  }
0x23: {  	[sflag:s18] =	ssyncadd.s32 $0xFFFFC180  }
0x24: {  	s30 =	simm.s32 $0x0;
	[bflag:$0x0] =	sbarrier.arrive $0xFFFF  }
0x25: {  	[tilespmem:s20], [sflag:$0x3] =	stream.indirect.gather [hbm4b:s4+s19], $0x80, s30, s19, $0xb8;
	[tilespmem:$0x1E0C0] =	vst v63  }
0x26: {  	_ =	swait.ge [sflag:s21], $0x2800  }
0x27: {  	[sflag:s21] =	ssyncset.done $0x0  }
0x28: {  	s31 =	simm.s32 $0x4000;
	[sflag:s21] =	ssyncadd.s32 $0xFFFFD800  }
0x29: {  	[spmem:s1] =	stream.indirect.scatter.add.f32 [tilespmem:s20], [sflag:$0x4], $0x80, s31, s19, $0xb8;
	[tilespmem:$0x1E0C0] =	vst v63  }
0x2a: {  	_ =	swait.ge [sflag:s15], $0x2800  }
0x2b: {  	s24 =	simm.s32 $0x400;
	s23 =	simm.s32 $0x200;
	[sflag:s15] =	ssyncset.done $0x0  }
.LBB2_2:
0x2c: {  	s25 =	sshra.s32 s23, $0x2  }
0x2d: {  	[sflag:s15] =	ssyncadd.s32 $0xFFFFD800;
	s23 =	smov.u32 s24;
	s26 =	sadd.s32 $0x200, s24  }
0x2e: {  	[tilespmem:s20], [sflag:$0x3] =	stream.indirect.gather [hbm4b:s4+s19], $0x80, s25, s19, $0xb8;
	[tilespmem:$0x1E0C0] =	vst v63  }
0x2f: {  	p1 =	sne.s32 s24, $0xF800;
	_ =	swait.ge [sflag:s21], $0x2800  }
.Ltmp0:
0x30: {  	[sflag:s21] =	ssyncset.done $0x0;
	(pc) =	sbr.rel @p1 .LBB2_2-.Ltmp0, $4  }
0x31: {  	s24 =	sadd.s32 $0x4000, s25;
	[sflag:s21] =	ssyncadd.s32 $0xFFFFD800  }
0x32: {  	[spmem:s1] =	stream.indirect.scatter.add.f32 [tilespmem:s20], [sflag:$0x4], $0x80, s24, s19, $0xb8;
	[tilespmem:$0x1E0C0] =	vst v63  }
0x33: {  	_ =	swait.ge [sflag:s15], $0x2800  }
0x34: {  	s24 =	smov.u32 s26;
	[sflag:s15] =	ssyncset.done $0x0  }
0x35: {  	s23 =	sshra.s32 s23, $0x2;
	[sflag:s15] =	ssyncadd.s32 $0xFFFFD800  }
0x36: {  	[tilespmem:s20], [sflag:$0x3] =	stream.indirect.gather [hbm4b:s4+s19], $0x80, s23, s19, $0xb8;
	[tilespmem:$0x1E0C0] =	vst v63  }
0x37: {  	_ =	swait.ge [sflag:s21], $0x2800  }
0x38: {  	[sflag:s21] =	ssyncset.done $0x0  }
0x39: {  	s23 =	sadd.s32 $0x4000, s23;
	[sflag:s21] =	ssyncadd.s32 $0xFFFFD800  }
0x3a: {  	[spmem:s1] =	stream.indirect.scatter.add.f32 [tilespmem:s20], [sflag:$0x4], $0x80, s23, s19, $0xb8;
	[tilespmem:$0x1E0C0] =	vst v63  }
0x3b: {  	_ =	swait.ge [sflag:s15], $0x2800  }
0x3c: {  	[sflag:s15] =	ssyncset.done $0x0  }
0x3d: {  	[sflag:s15] =	ssyncadd.s32 $0xFFFFD800  }
0x3e: {  	[bflag:$0x0] =	sbarrier.arrive $0xFFFF  }
0x3f: {  	[hbm:s10], [sflag:s8] =	dma.local [spmem:s14], $0x2700  }
0x40: {  	s22 =	sadd.s32 $0x1, s22;
	_ =	swait.ge [sflag:s15], $0x2700  }
0x41: {  	p1 =	sne.s32 s22, s12;
	[sflag:s15] =	ssyncset.done $0x0  }
.Ltmp1:
0x42: {  	s23 =	simm.s32 @!p0 $0x4;
	[sflag:s15] =	ssyncadd.s32 $0xFFFFD900;
	(pc) =	sbr.rel @p1 .LBB2_1-.Ltmp1, $4  }
0x43: {  	[hbm:s11], [sflag:s8] =	dma.local @!p0 [spmem:s16], $0x100  }
0x44: {  	_ =	swait.ge @!p0 [sflag:s23], $0x100  }
0x45: {  	[sflag:s23] =	ssyncset.done @!p0 $0x0  }
0x46: {  	[sflag:s23] =	ssyncadd.s32 @!p0 $0xFFFFFF00  }
0x47: {  	_ =	sfence.sel $0x180000  }
0x48: {  	[bflag:$0x0] =	sbarrier.arrive $0xFFFF  }
0x49: {  	p0 =	sne.s32 s2, $0x0;
	_ =	strace $0x9000005C  }
0x4a: {  	s0 =	sadd.s32 @!p0 $0x100000, s0;
	[bflag:$0x2] =	sbarrier.arrive $0xFFFF  }
0x4b: {  	[sflag:s0] =	ssyncadd.tile.s32 @!p0 $0x1;
	_ =	shalt  }
.Lfunc_end2:
_tile_overlayer_lowered:
.L_overlay_start_2:
0x4c: {  	(tag) =	ssettag $0x2  }
0x4d: {  	s0 =	rddreg [dreg:$0x0];
	s2 =	stileid.u32  }
0x4e: {  	s1 =	rddreg [dreg:$0x1];
	p0 =	sne.s32 s2, $0x0  }
0x4f: {  	s3 =	rddreg [dreg:$0x2];
	[bflag:$0x3] =	sbarrier.arrive $0xFFFF;
	s2 =	simm.s32 @!p0 $0x1C04  }
0x50: {  	[timem:s3], [sflag:s2] =	dma.local @!p0 [hbm:s0], s1  }
0x51: {  	s0 =	simm.s32 @!p0 $0x4  }
0x52: {  	_ =	swait.ge @!p0 [sflag:s0], s1  }
0x53: {  	s1 =	ssub.s32 @!p0 $0x0, s1;
	[sflag:s0] =	ssyncset.done @!p0 $0x0  }
0x54: {  	[sflag:s0] =	ssyncadd.s32 @!p0 s1  }
0x55: {  	[bflag:$0x3] =	sbarrier.arrive $0xFFFF  }
0x56: {  	_ =	shalt  }

// kernel: kernel.48.cloned.1.call-start
scs
__scs_entry_jumppad:
0x0: {  	(pc) =	sbr.rel $0x88, $3  }
0x1: {  	(tag) =	ssettag $0x0;
	lr =	simm.s32 $0x1  }
0x2: {  	[smem:$0x3F9A] =	sst lr;
	_ =	strace $0xD0000000  }
0x3: {  	_ = 	snop  }
0x4: {  	_ = 	snop  }
0x5: {  	_ = 	snop  }
0x6: {  	_ = 	snop  }
0x7: {  	_ = 	snop  }
__scs_overlays_trampoline_lowered:
0x8: {  	[smem:$0x3FA9] =	sst s0  }
0x9: {  	[smem:$0x3FAA] =	sst s1  }
0xa: {  	[smem:$0x3FAB] =	sst s2  }
0xb: {  	[smem:$0x3FAC] =	sst s3  }
0xc: {  	[smem:$0x3FAD] =	sst s4  }
0xd: {  	[smem:$0x3FAE] =	sst s5  }
0xe: {  	[smem:$0x3FAF] =	sst s6  }
0xf: {  	[smem:$0x3FB0] =	sst s7  }
0x10: {  	[smem:$0x3FB1] =	sst s8  }
0x11: {  	[smem:$0x3FB2] =	sst s9;
	s0 =	simm.s32 @!p0 $0x0  }
0x12: {  	s1 =	sld [smem:$0x3F98];
	s0 =	simm.s32 @p0 $0x1  }
0x13: {  	[smem:$0x3FB3] =	sst s0;
	s0 =	simm.s32 @!p1 $0x0  }
0x14: {  	s2 =	sld [smem:$0x3F97];
	s0 =	simm.s32 @p1 $0x1  }
0x15: {  	[smem:$0x3FB4] =	sst s0;
	s0 =	simm.s32 @!p2 $0x0  }
0x16: {  	s3 =	sld [smem:$0x3FDB];
	s0 =	simm.s32 @p2 $0x1  }
0x17: {  	s4 =	simm.s32 $0x1BF5;
	[smem:$0x3FB6] =	sst s0  }
0x18: {  	s0 =	sld [smem:$0x3F99];
	_ =	swait.ge [sflag:s4], $0x0  }
0x19: {  	s7 =	sld [smem:$0x3F9A]  }
0x1a: {  	s8 =	sadd.s32 $0xFFFFE003, lr  }
0x1b: {  	s9 =	sadd.s32 $0xFFFFFEF7, lr;
	s5 =	simm.s32 $0xFFFFFFFF;
	p2 =	slt.u32 s8, $0xFFFFF086  }
0x1c: {  	p1 =	slt.u32 s9, $0xF7A;
	s5 =	simm.s32 @!p2 $0x0  }
0x1d: {  	s5 =	simm.s32 @p1 $0x1;
	p0 =	seq.s32 s7, s2  }
0x1e: {  	s7 =	smul.u32 @!p0 $0xF7A, s2;
	p2 =	seq.s32 @!p0 s5, $0x0  }
0x1f: {  	s9 =	smul.u32 $0xF7A, s1;
	s8 =	simm.s32 @!p0 $0x1BF5;
	p2 =	por !p2, p0  }
0x20: {  	[sflag:s8] =	ssyncset.s32 @!p0 $0xFFFFF086;
	s6 =	sadd.s32 @!p0 s3, s7;
	s7 =	simm.s32 @!p0 $0x108  }
0x21: {  	s3 =	sadd.s32 s3, s9;
	s6 =	sadd.s32 @!p0 $0x88, s6;
	s7 =	simm.s32 @p2 $0x1082  }
0x22: {  	[simem:s7], [sflag:s8] =	dma.local @!p0 [hbm:s6], $0xF7A  }
0x23: {  	s9 =	sor.u32 $0xD0000000, s2;
	s6 =	simm.s32 $0x108;
	_ =	swait.ge @!p0 [sflag:s8], $0x0  }
0x24: {  	s3 =	sadd.s32 $0x88, s3;
	s6 =	simm.s32 @!p1 $0x1082;
	[sflag:s4] =	ssyncset.s32 $0xFFFFF086  }
0x25: {  	[simem:s6], [sflag:s4] =	dma.local [hbm:s3], $0xF7A  }
0x26: {  	[smem:$0x3F9A] =	sst s1;
	(tag) =	ssettag s2;
	_ =	strace s9  }
0x27: {  	s1 =	sld [smem:$0x3FAA]  }
0x28: {  	s2 =	sld [smem:$0x3FAB]  }
0x29: {  	s4 =	sld [smem:$0x3FAD]  }
0x2a: {  	p0 =	seq.s32 s5, $0x0;
	s5 =	sld [smem:$0x3FAE]  }
0x2b: {  	s6 =	sld [smem:$0x3FAF]  }
0x2c: {  	s7 =	sld [smem:$0x3FB0]  }
0x2d: {  	s3 =	simm.s32 $0x108;
	s8 =	sld [smem:$0x3FB1]  }
0x2e: {  	s3 =	simm.s32 @!p0 $0x1082;
	s9 =	sld [smem:$0x3FB2]  }
0x2f: {  	lr =	sadd.s32 s0, s3;
	s0 =	sld [smem:$0x3FA9]  }
0x30: {  	s3 =	sld [smem:$0x3FAC]  }
0x31: {  	[smem:$0x3FB5] =	sst s10  }
0x32: {  	s10 =	sld [smem:$0x3FB3];
	_ =	sdelay $0x3  }
0x33: {  	p0 =	seq.s32 s10, $0x1;
	s10 =	sld [smem:$0x3FB5];
	_ =	sdelay $0x3  }
0x34: {  	[smem:$0x3FB5] =	sst s10  }
0x35: {  	s10 =	sld [smem:$0x3FB4];
	_ =	sdelay $0x3  }
0x36: {  	p1 =	seq.s32 s10, $0x1;
	s10 =	sld [smem:$0x3FB5];
	_ =	sdelay $0x3  }
0x37: {  	[smem:$0x3FB5] =	sst s10  }
0x38: {  	s10 =	sld [smem:$0x3FB6]  }
0x39: {  	_ = 	snop;
	(pc) =	sbr.ind lr, $3  }
0x3a: {  	_ = 	snop  }
0x3b: {  	_ = 	snop  }
0x3c: {  	p2 =	seq.s32 s10, $0x1;
	s10 =	sld [smem:$0x3FB5]  }
0x3d: {  	_ =	shalt  }
0x3e: {  	_ =	shalt  }
0x3f: {  	_ =	shalt  }
0x40: {  	_ =	shalt  }
0x41: {  	_ =	shalt  }
0x42: {  	_ =	shalt  }
0x43: {  	_ =	shalt  }
0x44: {  	_ =	shalt  }
0x45: {  	_ =	shalt  }
0x46: {  	_ =	shalt  }
0x47: {  	_ =	shalt  }
0x48: {  	_ =	shalt  }
0x49: {  	_ =	shalt  }
0x4a: {  	_ =	shalt  }
0x4b: {  	_ =	shalt  }
0x4c: {  	_ =	shalt  }
0x4d: {  	_ =	shalt  }
0x4e: {  	_ =	shalt  }
0x4f: {  	_ =	shalt  }
0x50: {  	_ =	shalt  }
0x51: {  	_ =	shalt  }
0x52: {  	_ =	shalt  }
0x53: {  	_ =	shalt  }
0x54: {  	_ =	shalt  }
0x55: {  	_ =	shalt  }
0x56: {  	_ =	shalt  }
0x57: {  	_ =	shalt  }
0x58: {  	_ =	shalt  }
0x59: {  	_ =	shalt  }
0x5a: {  	_ =	shalt  }
0x5b: {  	_ =	shalt  }
0x5c: {  	_ =	shalt  }
0x5d: {  	_ =	shalt  }
0x5e: {  	_ =	shalt  }
0x5f: {  	_ =	shalt  }
0x60: {  	_ =	shalt  }
0x61: {  	_ =	shalt  }
0x62: {  	_ =	shalt  }
0x63: {  	_ =	shalt  }
0x64: {  	_ =	shalt  }
0x65: {  	_ =	shalt  }
0x66: {  	_ =	shalt  }
0x67: {  	_ =	shalt  }
0x68: {  	_ =	shalt  }
0x69: {  	_ =	shalt  }
0x6a: {  	_ =	shalt  }
0x6b: {  	_ =	shalt  }
0x6c: {  	_ =	shalt  }
0x6d: {  	_ =	shalt  }
0x6e: {  	_ =	shalt  }
0x6f: {  	_ =	shalt  }
0x70: {  	_ =	shalt  }
0x71: {  	_ =	shalt  }
0x72: {  	_ =	shalt  }
0x73: {  	_ =	shalt  }
0x74: {  	_ =	shalt  }
0x75: {  	_ =	shalt  }
0x76: {  	_ =	shalt  }
0x77: {  	_ =	shalt  }
0x78: {  	_ =	shalt  }
0x79: {  	_ =	shalt  }
0x7a: {  	_ =	shalt  }
0x7b: {  	_ =	shalt  }
0x7c: {  	_ =	shalt  }
0x7d: {  	_ =	shalt  }
0x7e: {  	_ =	shalt  }
0x7f: {  	_ =	shalt  }
0x80: {  	_ =	shalt  }
0x81: {  	_ =	shalt  }
0x82: {  	_ =	shalt  }
0x83: {  	_ =	shalt  }
0x84: {  	_ =	shalt  }
0x85: {  	_ =	shalt  }
0x86: {  	_ =	shalt  }
0x87: {  	_ =	shalt  }
.Lfunc_end0:
.L_simem_size_0:
called_computation.8_lowered:
.L_overlay_start_0:
0x88: {  	s2 =	sld [smem:$0x3FD9]  }
0x89: {  	s3 =	sld [smem:$0x3FFE];
	_ =	sdelay $0x1  }
0x8a: {  	s1 =	srdreg.scid  }
0x8b: {  	s0 =	sand.u32 $0x1, s1  }
0x8c: {  	s16 =	sshll.u32 s0, $0xA;
	s2 =	sadd.s32 s3, s2  }
0x8d: {  	s2 =	sadd.s32 s2, s16  }
0x8e: {  	[smem:$0x3FC1] =	sst s2  }
0x8f: {  	_ = 	snop  }
0x90: {  	(tm) =	ssettm $0x1  }
0x91: {  	s17 =	sld [smem:$0x3FFB];
	_ =	sdelay $0x3  }
0x92: {  	_ =	strace s17  }
0x93: {  	s2 =	sld [smem:$0x3FFC];
	_ =	sdelay $0x3  }
0x94: {  	_ =	strace s2  }
0x95: {  	s2 =	sld [smem:$0x3FFD];
	_ =	sdelay $0x3  }
0x96: {  	_ =	strace s2  }
0x97: {  	_ =	strace $0x8FFFFFFF  }
0x98: {  	s18 =	sld [smem:$0x3FDB];
	_ =	sdelay $0x1  }
0x99: {  	s19 =	simm.s32 $_scs_section_size  }
0x9a: {  	s4 =	simm.s32 $_size__tile_overlayer_lowered;
	s5 =	simm.s32 $_tile_overlayer_lowered  }
0x9b: {  	s22 =	simm.s32 $0x1BFF;
	s21 =	sshll.u32 s5, $0x1;
	s2 =	sadd.s32 s19, s18  }
0x9c: {  	s6 =	simm.s32 $0x0;
	s20 =	sshll.u32 s4, $0x1;
	s4 =	sadd.s32 s21, s2  }
0x9d: {  	[timem:s6], [sflag:s22] =	dma.local [hbm:s4], s20  }
0x9e: {  	_ =	swait.ge [sflag:s22], s20  }
0x9f: {  	s3 =	ssub.s32 $0x0, s20;
	[sflag:s22] =	ssyncset.done $0x0  }
0xa0: {  	[sflag:s22] =	ssyncadd.s32 s3;
	_ =	sdelay $0x1  }
0xa1: {  	s23 =	simm.s32 $0x1B8B  }
0xa2: {  	_ =	swait.ge [sflag:s23], $0x1  }
0xa3: {  	[sflag:s23] =	ssyncset.done $0x0  }
0xa4: {  	s25 =	simm.s32 $0x1B8E;
	s24 =	sld [smem:$0x3FFE];
	[sflag:s23] =	ssyncadd.s32 $0xFFFFFFFF  }
0xa5: {  	s26 =	simm.s32 $execute0_lowered;
	[smem:$0x3FD2] =	sst s25  }
0xa6: {  	s4 =	sshll.u32 s26, $0x1;
	_ =	strace $0x8000005E;
	[dreg:$0x1] =	wrdreg $0xFFFFFFFF  }
0xa7: {  	s28 =	simm.s32 $_size_execute0_lowered;
	s2 =	sadd.s32 s2, s4;
	[dreg:$0x0] =	wrdreg $0x0  }
0xa8: {  	s4 =	sshll.u32 s28, $0x1;
	[dreg:$0x2] =	wrdreg s2  }
0xa9: {  	[dreg:$0x3] =	wrdreg s4  }
0xaa: {  	[dreg:$0x4] =	wrdreg $0xC0  }
0xab: {  	_ =	task [dreg:s6], $0x5FFFF  }
0xac: {  	[dreg:$0x1] =	wrdreg $0xFFFFFFFF  }
0xad: {  	[dreg:$0x0] =	wrdreg $0x60  }
0xae: {  	[dreg:$0x2] =	wrdreg s24  }
0xaf: {  	[dreg:$0x3] =	wrdreg $0xA8000  }
0xb0: {  	[dreg:$0x4] =	wrdreg $0x9  }
0xb1: {  	_ =	task.clear_ibuf [dreg:s6], $0x5FFFF;
	_ =	strace $0x9000005E  }
0xb2: {  	s29 =	simm.s32 $0x9;
	_ =	strace $0x80000060  }
0xb3: {  	_ =	swait.ge [sflag:s29], $0x1  }
0xb4: {  	[sflag:s29] =	ssyncadd.s32 $0xFFFFFFFF  }
0xb5: {  	_ =	strace $0x90000060  }
0xb6: {  	_ =	sfence  }
0xb7: {  	s30 =	sld [smem:$0x0];
	_ =	sdelay $0x2  }
0xb8: {  	s31 =	sshll.u32 s1, $0xD;
	s1 =	sshrl.u32 s1, $0x2  }
0xb9: {  	s3 =	sand.u32 $0x4000, s31;
	s1 =	sadd.s32 s1, s30  }
0xba: {  	s0 =	sor.u32 s3, s0;
	s1 =	sshll.u32 s1, $0x11  }
0xbb: {  	s0 =	sor.u32 s1, s0  }
0xbc: {  	s0 =	sadd.s32 $0x8F2B, s0  }
0xbd: {  	[sflag:s0] =	ssyncadd.remote.s32 $0x1  }
0xbe: {  	_ =	sfence.sel $0xFFFF  }
0xbf: {  	[dreg:$0x0] =	wrdreg $0xFFFFFFFF;
	(pc) =	sbr.abs _section_cstart, $3  }
0xc0: {  	[dreg:$0x1] =	wrdreg $0xFFFFFFFF  }
0xc1: {  	_ =	task.clear_ibuf [dreg:s6], $0x2FFFF;
	_ =	strace $0x9FFFFFFF  }
0xc2: {  	(tm) =	ssettm $0x7FFFFFFF  }
0xc3: {  	_ =	shalt  }
tec
execute0_lowered:
.L_overlay_start_1:
0x0: {  	(tag) =	ssettag $0x1  }
0x1: {  	s9 =	rddreg [dreg:$0x0]  }
0x2: {  	s1 =	rddreg [dreg:$0x1]  }
0x3: {  	s0 =	rddreg [dreg:$0x2];
	s3 =	simm.s32 $0x0;
	s4 =	srdreg.scid  }
0x4: {  	s2 =	stileid.u32;
	s17 =	simm.s32 $0x1;
	s18 =	simm.s32 $0x2  }
0x5: {  	s19 =	simm.s32 $0x50;
	s20 =	simm.s32 $0x8000;
	s21 =	simm.s32 $0x3  }
0x6: {  	s22 =	simm.s32 $0x0;
	[smem:$0x7FF] =	sst s3;
	s7 =	sand.u32 $0x1, s4  }
0x7: {  	s5 =	sshll.u32 s2, $0xC;
	s10 =	smul.u32 $0x13800, s2;
	s4 =	sadd.s32 $0x2EE00, s9  }
0x8: {  	s12 =	smul.u32 $0x4E000, s2;
	s13 =	sadd.s32 $0x7D200, s9;
	s30 =	sshll.u32 s2, $0x6  }
0x9: {  	s16 =	sadd.s32 $0x138000, s1;
	p0 =	sne.s32 s2, $0xF;
	s6 =	sshll.u32 s7, $0xB  }
0xa: {  	_ =	strace $0x8000005F;
	s8 =	ssub.s32 $0x2, s7;
	s29 =	smul.u32 $0x138800, s7  }
0xb: {  	s16 =	sshrl.u32 @!p0 s16, $0x3;
	s5 =	sor.u32 s6, s5;
	s25 =	sshrl.u32 s10, $0x3  }
0xc: {  	s26 =	sshrl.u32 s8, $0x1;
	s28 =	sshrl.u32 s12, $0x2;
	s6 =	sadd.s32 s5, s9  }
0xd: {  	s11 =	sadd.s32 s25, s9;
	s14 =	ssub.s32 s8, s26;
	s15 =	sadd.s32 s28, s1  }
0xe: {  	s8 =	sor.u32 $0x1C04, s30;
	s10 =	sadd.s32 s10, s29;
	s31 =	sshrl.u32 s29, $0x3  }
0xf: {  	s9 =	sadd.s32 $0x7D000, s9;
	s5 =	sadd.s32 $0x1EE00, s6;
	s6 =	sadd.s32 $0xEC00, s6  }
0x10: {  	s7 =	sadd.s32 $0x56000, s11;
	s10 =	sshrl.u32 s10, $0x3;
	s11 =	sadd.s32 s13, s31  }
0x11: {  	s12 =	smax.u32 s14, $0x1;
	s14 =	sshrl.u32 s15, $0x3;
	s15 =	simm.s32 $0x4  }
0x12: {  	s10 =	sadd.s32 s13, s10;
	s11 =	sadd.s32 $0x27000, s11;
	s13 =	simm.s32 $0x4000  }
.LBB2_1:
0x13: {  	[tilespmem:s3], [sflag:$0x1] =	stream.linear.gather [hbm4b:s5+s3], $0x3E80, $0x38;
	[tilespmem:$0x1E0C0] =	vst v63  }
0x14: {  	_ = 	snop  }
0x15: {  	[tilespmem:s13], [sflag:$0x2] =	stream.linear.gather [hbm4b:s6+s3], $0x3E80, $0x38;
	[tilespmem:$0x1E0C0] =	vst v63  }
0x16: {  	[spmem:s14], [sflag:s8] =	dma.local [hbm:s7], $0x2700  }
0x17: {  	_ =	swait.ge [sflag:s15], $0x2700  }
0x18: {  	[sflag:s15] =	ssyncset.done $0x0  }
0x19: {  	s23 =	simm.s32 @!p0 $0x4;
	[sflag:s15] =	ssyncadd.s32 $0xFFFFD900  }
0x1a: {  	[spmem:s16], [sflag:s8] =	dma.local @!p0 [hbm:s9], $0x180  }
0x1b: {  	_ =	swait.ge @!p0 [sflag:s23], $0x180  }
0x1c: {  	[sflag:s23] =	ssyncset.done @!p0 $0x0  }
0x1d: {  	[sflag:s23] =	ssyncadd.s32 @!p0 $0xFFFFFE80  }
0x1e: {  	_ =	swait.ge [sflag:s17], $0x3E80  }
0x1f: {  	[sflag:s17] =	ssyncset.done $0x0  }
0x20: {  	[sflag:s17] =	ssyncadd.s32 $0xFFFFC180  }
0x21: {  	_ =	swait.ge [sflag:s18], $0x3E80  }
0x22: {  	[sflag:s18] =	ssyncset.done $0x0  }
0x23: {  	[sflag:s18] =	ssyncadd.s32 $0xFFFFC180  }
0x24: {  	s30 =	simm.s32 $0x0;
	[bflag:$0x0] =	sbarrier.arrive $0xFFFF  }
0x25: {  	[tilespmem:s20], [sflag:$0x3] =	stream.indirect.gather [hbm4b:s4+s19], $0x80, s30, s19, $0xb8;
	[tilespmem:$0x1E0C0] =	vst v63  }
0x26: {  	_ =	swait.ge [sflag:s21], $0x2800  }
0x27: {  	[sflag:s21] =	ssyncset.done $0x0  }
0x28: {  	s31 =	simm.s32 $0x4000;
	[sflag:s21] =	ssyncadd.s32 $0xFFFFD800  }
0x29: {  	[spmem:s1] =	stream.indirect.scatter.add.f32 [tilespmem:s20], [sflag:$0x4], $0x80, s31, s19, $0xb8;
	[tilespmem:$0x1E0C0] =	vst v63  }
0x2a: {  	_ =	swait.ge [sflag:s15], $0x2800  }
0x2b: {  	s24 =	simm.s32 $0x400;
	s23 =	simm.s32 $0x200;
	[sflag:s15] =	ssyncset.done $0x0  }
.LBB2_2:
0x2c: {  	s25 =	sshra.s32 s23, $0x2  }
0x2d: {  	[sflag:s15] =	ssyncadd.s32 $0xFFFFD800;
	s23 =	smov.u32 s24;
	s26 =	sadd.s32 $0x200, s24  }
0x2e: {  	[tilespmem:s20], [sflag:$0x3] =	stream.indirect.gather [hbm4b:s4+s19], $0x80, s25, s19, $0xb8;
	[tilespmem:$0x1E0C0] =	vst v63  }
0x2f: {  	p1 =	sne.s32 s24, $0xF800;
	_ =	swait.ge [sflag:s21], $0x2800  }
.Ltmp0:
0x30: {  	[sflag:s21] =	ssyncset.done $0x0;
	(pc) =	sbr.rel @p1 .LBB2_2-.Ltmp0, $4  }
0x31: {  	s24 =	sadd.s32 $0x4000, s25;
	[sflag:s21] =	ssyncadd.s32 $0xFFFFD800  }
0x32: {  	[spmem:s1] =	stream.indirect.scatter.add.f32 [tilespmem:s20], [sflag:$0x4], $0x80, s24, s19, $0xb8;
	[tilespmem:$0x1E0C0] =	vst v63  }
0x33: {  	_ =	swait.ge [sflag:s15], $0x2800  }
0x34: {  	s24 =	smov.u32 s26;
	[sflag:s15] =	ssyncset.done $0x0  }
0x35: {  	s23 =	sshra.s32 s23, $0x2;
	[sflag:s15] =	ssyncadd.s32 $0xFFFFD800  }
0x36: {  	[tilespmem:s20], [sflag:$0x3] =	stream.indirect.gather [hbm4b:s4+s19], $0x80, s23, s19, $0xb8;
	[tilespmem:$0x1E0C0] =	vst v63  }
0x37: {  	_ =	swait.ge [sflag:s21], $0x2800  }
0x38: {  	[sflag:s21] =	ssyncset.done $0x0  }
0x39: {  	s23 =	sadd.s32 $0x4000, s23;
	[sflag:s21] =	ssyncadd.s32 $0xFFFFD800  }
0x3a: {  	[spmem:s1] =	stream.indirect.scatter.add.f32 [tilespmem:s20], [sflag:$0x4], $0x80, s23, s19, $0xb8;
	[tilespmem:$0x1E0C0] =	vst v63  }
0x3b: {  	_ =	swait.ge [sflag:s15], $0x2800  }
0x3c: {  	[sflag:s15] =	ssyncset.done $0x0  }
0x3d: {  	[sflag:s15] =	ssyncadd.s32 $0xFFFFD800  }
0x3e: {  	[bflag:$0x0] =	sbarrier.arrive $0xFFFF  }
0x3f: {  	[hbm:s10], [sflag:s8] =	dma.local [spmem:s14], $0x2700  }
0x40: {  	s22 =	sadd.s32 $0x1, s22;
	_ =	swait.ge [sflag:s15], $0x2700  }
0x41: {  	p1 =	sne.s32 s22, s12;
	[sflag:s15] =	ssyncset.done $0x0  }
.Ltmp1:
0x42: {  	s23 =	simm.s32 @!p0 $0x4;
	[sflag:s15] =	ssyncadd.s32 $0xFFFFD900;
	(pc) =	sbr.rel @p1 .LBB2_1-.Ltmp1, $4  }
0x43: {  	[hbm:s11], [sflag:s8] =	dma.local @!p0 [spmem:s16], $0x100  }
0x44: {  	_ =	swait.ge @!p0 [sflag:s23], $0x100  }
0x45: {  	[sflag:s23] =	ssyncset.done @!p0 $0x0  }
0x46: {  	[sflag:s23] =	ssyncadd.s32 @!p0 $0xFFFFFF00  }
0x47: {  	_ =	sfence.sel $0x180000  }
0x48: {  	[bflag:$0x0] =	sbarrier.arrive $0xFFFF  }
0x49: {  	p0 =	sne.s32 s2, $0x0;
	_ =	strace $0x9000005F  }
0x4a: {  	s0 =	sadd.s32 @!p0 $0x100000, s0;
	[bflag:$0x2] =	sbarrier.arrive $0xFFFF  }
0x4b: {  	[sflag:s0] =	ssyncadd.tile.s32 @!p0 $0x1;
	_ =	shalt  }
.Lfunc_end2:
_tile_overlayer_lowered:
.L_overlay_start_2:
0x4c: {  	(tag) =	ssettag $0x2  }
0x4d: {  	s0 =	rddreg [dreg:$0x0];
	s2 =	stileid.u32  }
0x4e: {  	s1 =	rddreg [dreg:$0x1];
	p0 =	sne.s32 s2, $0x0  }
0x4f: {  	s3 =	rddreg [dreg:$0x2];
	[bflag:$0x3] =	sbarrier.arrive $0xFFFF;
	s2 =	simm.s32 @!p0 $0x1C04  }
0x50: {  	[timem:s3], [sflag:s2] =	dma.local @!p0 [hbm:s0], s1  }
0x51: {  	s0 =	simm.s32 @!p0 $0x4  }
0x52: {  	_ =	swait.ge @!p0 [sflag:s0], s1  }
0x53: {  	s1 =	ssub.s32 @!p0 $0x0, s1;
	[sflag:s0] =	ssyncset.done @!p0 $0x0  }
0x54: {  	[sflag:s0] =	ssyncadd.s32 @!p0 s1  }
0x55: {  	[bflag:$0x3] =	sbarrier.arrive $0xFFFF  }
0x56: {  	_ =	shalt  }

// kernel: kernel.51.cloned.1.call-start
scs
__scs_entry_jumppad:
0x0: {  	(pc) =	sbr.rel $0x88, $3  }
0x1: {  	(tag) =	ssettag $0x0;
	lr =	simm.s32 $0x1  }
0x2: {  	[smem:$0x3F9A] =	sst lr;
	_ =	strace $0xD0000000  }
0x3: {  	_ = 	snop  }
0x4: {  	_ = 	snop  }
0x5: {  	_ = 	snop  }
0x6: {  	_ = 	snop  }
0x7: {  	_ = 	snop  }
__scs_overlays_trampoline_lowered:
0x8: {  	[smem:$0x3FA9] =	sst s0  }
0x9: {  	[smem:$0x3FAA] =	sst s1  }
0xa: {  	[smem:$0x3FAB] =	sst s2  }
0xb: {  	[smem:$0x3FAC] =	sst s3  }
0xc: {  	[smem:$0x3FAD] =	sst s4  }
0xd: {  	[smem:$0x3FAE] =	sst s5  }
0xe: {  	[smem:$0x3FAF] =	sst s6  }
0xf: {  	[smem:$0x3FB0] =	sst s7  }
0x10: {  	[smem:$0x3FB1] =	sst s8  }
0x11: {  	[smem:$0x3FB2] =	sst s9;
	s0 =	simm.s32 @!p0 $0x0  }
0x12: {  	s1 =	sld [smem:$0x3F98];
	s0 =	simm.s32 @p0 $0x1  }
0x13: {  	[smem:$0x3FB3] =	sst s0;
	s0 =	simm.s32 @!p1 $0x0  }
0x14: {  	s2 =	sld [smem:$0x3F97];
	s0 =	simm.s32 @p1 $0x1  }
0x15: {  	[smem:$0x3FB4] =	sst s0;
	s0 =	simm.s32 @!p2 $0x0  }
0x16: {  	s3 =	sld [smem:$0x3FDB];
	s0 =	simm.s32 @p2 $0x1  }
0x17: {  	s4 =	simm.s32 $0x1BF5;
	[smem:$0x3FB6] =	sst s0  }
0x18: {  	s0 =	sld [smem:$0x3F99];
	_ =	swait.ge [sflag:s4], $0x0  }
0x19: {  	s7 =	sld [smem:$0x3F9A]  }
0x1a: {  	s8 =	sadd.s32 $0xFFFFE003, lr  }
0x1b: {  	s9 =	sadd.s32 $0xFFFFFEF7, lr;
	s5 =	simm.s32 $0xFFFFFFFF;
	p2 =	slt.u32 s8, $0xFFFFF086  }
0x1c: {  	p1 =	slt.u32 s9, $0xF7A;
	s5 =	simm.s32 @!p2 $0x0  }
0x1d: {  	s5 =	simm.s32 @p1 $0x1;
	p0 =	seq.s32 s7, s2  }
0x1e: {  	s7 =	smul.u32 @!p0 $0xF7A, s2;
	p2 =	seq.s32 @!p0 s5, $0x0  }
0x1f: {  	s9 =	smul.u32 $0xF7A, s1;
	s8 =	simm.s32 @!p0 $0x1BF5;
	p2 =	por !p2, p0  }
0x20: {  	[sflag:s8] =	ssyncset.s32 @!p0 $0xFFFFF086;
	s6 =	sadd.s32 @!p0 s3, s7;
	s7 =	simm.s32 @!p0 $0x108  }
0x21: {  	s3 =	sadd.s32 s3, s9;
	s6 =	sadd.s32 @!p0 $0x88, s6;
	s7 =	simm.s32 @p2 $0x1082  }
0x22: {  	[simem:s7], [sflag:s8] =	dma.local @!p0 [hbm:s6], $0xF7A  }
0x23: {  	s9 =	sor.u32 $0xD0000000, s2;
	s6 =	simm.s32 $0x108;
	_ =	swait.ge @!p0 [sflag:s8], $0x0  }
0x24: {  	s3 =	sadd.s32 $0x88, s3;
	s6 =	simm.s32 @!p1 $0x1082;
	[sflag:s4] =	ssyncset.s32 $0xFFFFF086  }
0x25: {  	[simem:s6], [sflag:s4] =	dma.local [hbm:s3], $0xF7A  }
0x26: {  	[smem:$0x3F9A] =	sst s1;
	(tag) =	ssettag s2;
	_ =	strace s9  }
0x27: {  	s1 =	sld [smem:$0x3FAA]  }
0x28: {  	s2 =	sld [smem:$0x3FAB]  }
0x29: {  	s4 =	sld [smem:$0x3FAD]  }
0x2a: {  	p0 =	seq.s32 s5, $0x0;
	s5 =	sld [smem:$0x3FAE]  }
0x2b: {  	s6 =	sld [smem:$0x3FAF]  }
0x2c: {  	s7 =	sld [smem:$0x3FB0]  }
0x2d: {  	s3 =	simm.s32 $0x108;
	s8 =	sld [smem:$0x3FB1]  }
0x2e: {  	s3 =	simm.s32 @!p0 $0x1082;
	s9 =	sld [smem:$0x3FB2]  }
0x2f: {  	lr =	sadd.s32 s0, s3;
	s0 =	sld [smem:$0x3FA9]  }
0x30: {  	s3 =	sld [smem:$0x3FAC]  }
0x31: {  	[smem:$0x3FB5] =	sst s10  }
0x32: {  	s10 =	sld [smem:$0x3FB3];
	_ =	sdelay $0x3  }
0x33: {  	p0 =	seq.s32 s10, $0x1;
	s10 =	sld [smem:$0x3FB5];
	_ =	sdelay $0x3  }
0x34: {  	[smem:$0x3FB5] =	sst s10  }
0x35: {  	s10 =	sld [smem:$0x3FB4];
	_ =	sdelay $0x3  }
0x36: {  	p1 =	seq.s32 s10, $0x1;
	s10 =	sld [smem:$0x3FB5];
	_ =	sdelay $0x3  }
0x37: {  	[smem:$0x3FB5] =	sst s10  }
0x38: {  	s10 =	sld [smem:$0x3FB6]  }
0x39: {  	_ = 	snop;
	(pc) =	sbr.ind lr, $3  }
0x3a: {  	_ = 	snop  }
0x3b: {  	_ = 	snop  }
0x3c: {  	p2 =	seq.s32 s10, $0x1;
	s10 =	sld [smem:$0x3FB5]  }
0x3d: {  	_ =	shalt  }
0x3e: {  	_ =	shalt  }
0x3f: {  	_ =	shalt  }
0x40: {  	_ =	shalt  }
0x41: {  	_ =	shalt  }
0x42: {  	_ =	shalt  }
0x43: {  	_ =	shalt  }
0x44: {  	_ =	shalt  }
0x45: {  	_ =	shalt  }
0x46: {  	_ =	shalt  }
0x47: {  	_ =	shalt  }
0x48: {  	_ =	shalt  }
0x49: {  	_ =	shalt  }
0x4a: {  	_ =	shalt  }
0x4b: {  	_ =	shalt  }
0x4c: {  	_ =	shalt  }
0x4d: {  	_ =	shalt  }
0x4e: {  	_ =	shalt  }
0x4f: {  	_ =	shalt  }
0x50: {  	_ =	shalt  }
0x51: {  	_ =	shalt  }
0x52: {  	_ =	shalt  }
0x53: {  	_ =	shalt  }
0x54: {  	_ =	shalt  }
0x55: {  	_ =	shalt  }
0x56: {  	_ =	shalt  }
0x57: {  	_ =	shalt  }
0x58: {  	_ =	shalt  }
0x59: {  	_ =	shalt  }
0x5a: {  	_ =	shalt  }
0x5b: {  	_ =	shalt  }
0x5c: {  	_ =	shalt  }
0x5d: {  	_ =	shalt  }
0x5e: {  	_ =	shalt  }
0x5f: {  	_ =	shalt  }
0x60: {  	_ =	shalt  }
0x61: {  	_ =	shalt  }
0x62: {  	_ =	shalt  }
0x63: {  	_ =	shalt  }
0x64: {  	_ =	shalt  }
0x65: {  	_ =	shalt  }
0x66: {  	_ =	shalt  }
0x67: {  	_ =	shalt  }
0x68: {  	_ =	shalt  }
0x69: {  	_ =	shalt  }
0x6a: {  	_ =	shalt  }
0x6b: {  	_ =	shalt  }
0x6c: {  	_ =	shalt  }
0x6d: {  	_ =	shalt  }
0x6e: {  	_ =	shalt  }
0x6f: {  	_ =	shalt  }
0x70: {  	_ =	shalt  }
0x71: {  	_ =	shalt  }
0x72: {  	_ =	shalt  }
0x73: {  	_ =	shalt  }
0x74: {  	_ =	shalt  }
0x75: {  	_ =	shalt  }
0x76: {  	_ =	shalt  }
0x77: {  	_ =	shalt  }
0x78: {  	_ =	shalt  }
0x79: {  	_ =	shalt  }
0x7a: {  	_ =	shalt  }
0x7b: {  	_ =	shalt  }
0x7c: {  	_ =	shalt  }
0x7d: {  	_ =	shalt  }
0x7e: {  	_ =	shalt  }
0x7f: {  	_ =	shalt  }
0x80: {  	_ =	shalt  }
0x81: {  	_ =	shalt  }
0x82: {  	_ =	shalt  }
0x83: {  	_ =	shalt  }
0x84: {  	_ =	shalt  }
0x85: {  	_ =	shalt  }
0x86: {  	_ =	shalt  }
0x87: {  	_ =	shalt  }
.Lfunc_end0:
.L_simem_size_0:
called_computation.9_lowered:
.L_overlay_start_0:
0x88: {  	s2 =	sld [smem:$0x3FD9]  }
0x89: {  	s3 =	sld [smem:$0x3FFE];
	_ =	sdelay $0x1  }
0x8a: {  	s1 =	srdreg.scid  }
0x8b: {  	s0 =	sand.u32 $0x1, s1  }
0x8c: {  	s16 =	sshll.u32 s0, $0xA;
	s2 =	sadd.s32 s3, s2  }
0x8d: {  	s2 =	sadd.s32 s2, s16  }
0x8e: {  	[smem:$0x3FC1] =	sst s2  }
0x8f: {  	_ = 	snop  }
0x90: {  	(tm) =	ssettm $0x1  }
0x91: {  	s17 =	sld [smem:$0x3FFB];
	_ =	sdelay $0x3  }
0x92: {  	_ =	strace s17  }
0x93: {  	s2 =	sld [smem:$0x3FFC];
	_ =	sdelay $0x3  }
0x94: {  	_ =	strace s2  }
0x95: {  	s2 =	sld [smem:$0x3FFD];
	_ =	sdelay $0x3  }
0x96: {  	_ =	strace s2  }
0x97: {  	_ =	strace $0x8FFFFFFF  }
0x98: {  	s18 =	sld [smem:$0x3FDB];
	_ =	sdelay $0x1  }
0x99: {  	s19 =	simm.s32 $_scs_section_size  }
0x9a: {  	s4 =	simm.s32 $_size__tile_overlayer_lowered;
	s5 =	simm.s32 $_tile_overlayer_lowered  }
0x9b: {  	s22 =	simm.s32 $0x1BFF;
	s21 =	sshll.u32 s5, $0x1;
	s2 =	sadd.s32 s19, s18  }
0x9c: {  	s6 =	simm.s32 $0x0;
	s20 =	sshll.u32 s4, $0x1;
	s4 =	sadd.s32 s21, s2  }
0x9d: {  	[timem:s6], [sflag:s22] =	dma.local [hbm:s4], s20  }
0x9e: {  	_ =	swait.ge [sflag:s22], s20  }
0x9f: {  	s3 =	ssub.s32 $0x0, s20;
	[sflag:s22] =	ssyncset.done $0x0  }
0xa0: {  	[sflag:s22] =	ssyncadd.s32 s3;
	_ =	sdelay $0x1  }
0xa1: {  	s23 =	simm.s32 $0x1B8B  }
0xa2: {  	_ =	swait.ge [sflag:s23], $0x1  }
0xa3: {  	[sflag:s23] =	ssyncset.done $0x0  }
0xa4: {  	s25 =	simm.s32 $0x1B8E;
	s24 =	sld [smem:$0x3FFE];
	[sflag:s23] =	ssyncadd.s32 $0xFFFFFFFF  }
0xa5: {  	s26 =	simm.s32 $execute0_lowered;
	[smem:$0x3FD2] =	sst s25  }
0xa6: {  	s4 =	sshll.u32 s26, $0x1;
	_ =	strace $0x80000061;
	[dreg:$0x1] =	wrdreg $0xFFFFFFFF  }
0xa7: {  	s28 =	simm.s32 $_size_execute0_lowered;
	s2 =	sadd.s32 s2, s4;
	[dreg:$0x0] =	wrdreg $0x0  }
0xa8: {  	s4 =	sshll.u32 s28, $0x1;
	[dreg:$0x2] =	wrdreg s2  }
0xa9: {  	[dreg:$0x3] =	wrdreg s4  }
0xaa: {  	[dreg:$0x4] =	wrdreg $0xC0  }
0xab: {  	_ =	task [dreg:s6], $0x5FFFF  }
0xac: {  	[dreg:$0x1] =	wrdreg $0xFFFFFFFF  }
0xad: {  	[dreg:$0x0] =	wrdreg $0x60  }
0xae: {  	[dreg:$0x2] =	wrdreg s24  }
0xaf: {  	[dreg:$0x3] =	wrdreg $0xA8000  }
0xb0: {  	[dreg:$0x4] =	wrdreg $0x9  }
0xb1: {  	_ =	task.clear_ibuf [dreg:s6], $0x5FFFF;
	_ =	strace $0x90000061  }
0xb2: {  	s29 =	simm.s32 $0x9;
	_ =	strace $0x80000063  }
0xb3: {  	_ =	swait.ge [sflag:s29], $0x1  }
0xb4: {  	[sflag:s29] =	ssyncadd.s32 $0xFFFFFFFF  }
0xb5: {  	_ =	strace $0x90000063  }
0xb6: {  	_ =	sfence  }
0xb7: {  	s30 =	sld [smem:$0x0];
	_ =	sdelay $0x2  }
0xb8: {  	s31 =	sshll.u32 s1, $0xD;
	s1 =	sshrl.u32 s1, $0x2  }
0xb9: {  	s3 =	sand.u32 $0x4000, s31;
	s1 =	sadd.s32 s1, s30  }
0xba: {  	s0 =	sor.u32 s3, s0;
	s1 =	sshll.u32 s1, $0x11  }
0xbb: {  	s0 =	sor.u32 s1, s0  }
0xbc: {  	s0 =	sadd.s32 $0x8F2B, s0  }
0xbd: {  	[sflag:s0] =	ssyncadd.remote.s32 $0x1  }
0xbe: {  	_ =	sfence.sel $0xFFFF  }
0xbf: {  	[dreg:$0x0] =	wrdreg $0xFFFFFFFF;
	(pc) =	sbr.abs _section_cstart, $3  }
0xc0: {  	[dreg:$0x1] =	wrdreg $0xFFFFFFFF  }
0xc1: {  	_ =	task.clear_ibuf [dreg:s6], $0x2FFFF;
	_ =	strace $0x9FFFFFFF  }
0xc2: {  	(tm) =	ssettm $0x7FFFFFFF  }
0xc3: {  	_ =	shalt  }
tec
execute0_lowered:
.L_overlay_start_1:
0x0: {  	(tag) =	ssettag $0x1  }
0x1: {  	s9 =	rddreg [dreg:$0x0]  }
0x2: {  	s1 =	rddreg [dreg:$0x1]  }
0x3: {  	s0 =	rddreg [dreg:$0x2];
	s3 =	simm.s32 $0x0;
	s4 =	srdreg.scid  }
0x4: {  	s2 =	stileid.u32;
	s17 =	simm.s32 $0x1;
	s18 =	simm.s32 $0x2  }
0x5: {  	s19 =	simm.s32 $0x50;
	s20 =	simm.s32 $0x8000;
	s21 =	simm.s32 $0x3  }
0x6: {  	s22 =	simm.s32 $0x0;
	[smem:$0x7FF] =	sst s3;
	s7 =	sand.u32 $0x1, s4  }
0x7: {  	s5 =	sshll.u32 s2, $0xC;
	s10 =	smul.u32 $0x13800, s2;
	s4 =	sadd.s32 $0x2EE00, s9  }
0x8: {  	s12 =	smul.u32 $0x4E000, s2;
	s13 =	sadd.s32 $0x7D200, s9;
	s30 =	sshll.u32 s2, $0x6  }
0x9: {  	s16 =	sadd.s32 $0x138000, s1;
	p0 =	sne.s32 s2, $0xF;
	s6 =	sshll.u32 s7, $0xB  }
0xa: {  	_ =	strace $0x80000062;
	s8 =	ssub.s32 $0x2, s7;
	s29 =	smul.u32 $0x138800, s7  }
0xb: {  	s16 =	sshrl.u32 @!p0 s16, $0x3;
	s5 =	sor.u32 s6, s5;
	s25 =	sshrl.u32 s10, $0x3  }
0xc: {  	s26 =	sshrl.u32 s8, $0x1;
	s28 =	sshrl.u32 s12, $0x2;
	s6 =	sadd.s32 s5, s9  }
0xd: {  	s11 =	sadd.s32 s25, s9;
	s14 =	ssub.s32 s8, s26;
	s15 =	sadd.s32 s28, s1  }
0xe: {  	s8 =	sor.u32 $0x1C04, s30;
	s10 =	sadd.s32 s10, s29;
	s31 =	sshrl.u32 s29, $0x3  }
0xf: {  	s9 =	sadd.s32 $0x7D000, s9;
	s5 =	sadd.s32 $0x1EE00, s6;
	s6 =	sadd.s32 $0xEC00, s6  }
0x10: {  	s7 =	sadd.s32 $0x56000, s11;
	s10 =	sshrl.u32 s10, $0x3;
	s11 =	sadd.s32 s13, s31  }
0x11: {  	s12 =	smax.u32 s14, $0x1;
	s14 =	sshrl.u32 s15, $0x3;
	s15 =	simm.s32 $0x4  }
0x12: {  	s10 =	sadd.s32 s13, s10;
	s11 =	sadd.s32 $0x27000, s11;
	s13 =	simm.s32 $0x4000  }
.LBB2_1:
0x13: {  	[tilespmem:s3], [sflag:$0x1] =	stream.linear.gather [hbm4b:s5+s3], $0x3E80, $0x38;
	[tilespmem:$0x1E0C0] =	vst v63  }
0x14: {  	_ = 	snop  }
0x15: {  	[tilespmem:s13], [sflag:$0x2] =	stream.linear.gather [hbm4b:s6+s3], $0x3E80, $0x38;
	[tilespmem:$0x1E0C0] =	vst v63  }
0x16: {  	[spmem:s14], [sflag:s8] =	dma.local [hbm:s7], $0x2700  }
0x17: {  	_ =	swait.ge [sflag:s15], $0x2700  }
0x18: {  	[sflag:s15] =	ssyncset.done $0x0  }
0x19: {  	s23 =	simm.s32 @!p0 $0x4;
	[sflag:s15] =	ssyncadd.s32 $0xFFFFD900  }
0x1a: {  	[spmem:s16], [sflag:s8] =	dma.local @!p0 [hbm:s9], $0x180  }
0x1b: {  	_ =	swait.ge @!p0 [sflag:s23], $0x180  }
0x1c: {  	[sflag:s23] =	ssyncset.done @!p0 $0x0  }
0x1d: {  	[sflag:s23] =	ssyncadd.s32 @!p0 $0xFFFFFE80  }
0x1e: {  	_ =	swait.ge [sflag:s17], $0x3E80  }
0x1f: {  	[sflag:s17] =	ssyncset.done $0x0  }
0x20: {  	[sflag:s17] =	ssyncadd.s32 $0xFFFFC180  }
0x21: {  	_ =	swait.ge [sflag:s18], $0x3E80  }
0x22: {  	[sflag:s18] =	ssyncset.done $0x0  }
0x23: {  	[sflag:s18] =	ssyncadd.s32 $0xFFFFC180  }
0x24: {  	s30 =	simm.s32 $0x0;
	[bflag:$0x0] =	sbarrier.arrive $0xFFFF  }
0x25: {  	[tilespmem:s20], [sflag:$0x3] =	stream.indirect.gather [hbm4b:s4+s19], $0x80, s30, s19, $0xb8;
	[tilespmem:$0x1E0C0] =	vst v63  }
0x26: {  	_ =	swait.ge [sflag:s21], $0x2800  }
0x27: {  	[sflag:s21] =	ssyncset.done $0x0  }
0x28: {  	s31 =	simm.s32 $0x4000;
	[sflag:s21] =	ssyncadd.s32 $0xFFFFD800  }
0x29: {  	[spmem:s1] =	stream.indirect.scatter.add.f32 [tilespmem:s20], [sflag:$0x4], $0x80, s31, s19, $0xb8;
	[tilespmem:$0x1E0C0] =	vst v63  }
0x2a: {  	_ =	swait.ge [sflag:s15], $0x2800  }
0x2b: {  	s24 =	simm.s32 $0x400;
	s23 =	simm.s32 $0x200;
	[sflag:s15] =	ssyncset.done $0x0  }
.LBB2_2:
0x2c: {  	s25 =	sshra.s32 s23, $0x2  }
0x2d: {  	[sflag:s15] =	ssyncadd.s32 $0xFFFFD800;
	s23 =	smov.u32 s24;
	s26 =	sadd.s32 $0x200, s24  }
0x2e: {  	[tilespmem:s20], [sflag:$0x3] =	stream.indirect.gather [hbm4b:s4+s19], $0x80, s25, s19, $0xb8;
	[tilespmem:$0x1E0C0] =	vst v63  }
0x2f: {  	p1 =	sne.s32 s24, $0xF800;
	_ =	swait.ge [sflag:s21], $0x2800  }
.Ltmp0:
0x30: {  	[sflag:s21] =	ssyncset.done $0x0;
	(pc) =	sbr.rel @p1 .LBB2_2-.Ltmp0, $4  }
0x31: {  	s24 =	sadd.s32 $0x4000, s25;
	[sflag:s21] =	ssyncadd.s32 $0xFFFFD800  }
0x32: {  	[spmem:s1] =	stream.indirect.scatter.add.f32 [tilespmem:s20], [sflag:$0x4], $0x80, s24, s19, $0xb8;
	[tilespmem:$0x1E0C0] =	vst v63  }
0x33: {  	_ =	swait.ge [sflag:s15], $0x2800  }
0x34: {  	s24 =	smov.u32 s26;
	[sflag:s15] =	ssyncset.done $0x0  }
0x35: {  	s23 =	sshra.s32 s23, $0x2;
	[sflag:s15] =	ssyncadd.s32 $0xFFFFD800  }
0x36: {  	[tilespmem:s20], [sflag:$0x3] =	stream.indirect.gather [hbm4b:s4+s19], $0x80, s23, s19, $0xb8;
	[tilespmem:$0x1E0C0] =	vst v63  }
0x37: {  	_ =	swait.ge [sflag:s21], $0x2800  }
0x38: {  	[sflag:s21] =	ssyncset.done $0x0  }
0x39: {  	s23 =	sadd.s32 $0x4000, s23;
	[sflag:s21] =	ssyncadd.s32 $0xFFFFD800  }
0x3a: {  	[spmem:s1] =	stream.indirect.scatter.add.f32 [tilespmem:s20], [sflag:$0x4], $0x80, s23, s19, $0xb8;
	[tilespmem:$0x1E0C0] =	vst v63  }
0x3b: {  	_ =	swait.ge [sflag:s15], $0x2800  }
0x3c: {  	[sflag:s15] =	ssyncset.done $0x0  }
0x3d: {  	[sflag:s15] =	ssyncadd.s32 $0xFFFFD800  }
0x3e: {  	[bflag:$0x0] =	sbarrier.arrive $0xFFFF  }
0x3f: {  	[hbm:s10], [sflag:s8] =	dma.local [spmem:s14], $0x2700  }
0x40: {  	s22 =	sadd.s32 $0x1, s22;
	_ =	swait.ge [sflag:s15], $0x2700  }
0x41: {  	p1 =	sne.s32 s22, s12;
	[sflag:s15] =	ssyncset.done $0x0  }
.Ltmp1:
0x42: {  	s23 =	simm.s32 @!p0 $0x4;
	[sflag:s15] =	ssyncadd.s32 $0xFFFFD900;
	(pc) =	sbr.rel @p1 .LBB2_1-.Ltmp1, $4  }
0x43: {  	[hbm:s11], [sflag:s8] =	dma.local @!p0 [spmem:s16], $0x100  }
0x44: {  	_ =	swait.ge @!p0 [sflag:s23], $0x100  }
0x45: {  	[sflag:s23] =	ssyncset.done @!p0 $0x0  }
0x46: {  	[sflag:s23] =	ssyncadd.s32 @!p0 $0xFFFFFF00  }
0x47: {  	_ =	sfence.sel $0x180000  }
0x48: {  	[bflag:$0x0] =	sbarrier.arrive $0xFFFF  }
0x49: {  	p0 =	sne.s32 s2, $0x0;
	_ =	strace $0x90000062  }
0x4a: {  	s0 =	sadd.s32 @!p0 $0x100000, s0;
	[bflag:$0x2] =	sbarrier.arrive $0xFFFF  }
0x4b: {  	[sflag:s0] =	ssyncadd.tile.s32 @!p0 $0x1;
	_ =	shalt  }
.Lfunc_end2:
_tile_overlayer_lowered:
.L_overlay_start_2:
0x4c: {  	(tag) =	ssettag $0x2  }
0x4d: {  	s0 =	rddreg [dreg:$0x0];
	s2 =	stileid.u32  }
0x4e: {  	s1 =	rddreg [dreg:$0x1];
	p0 =	sne.s32 s2, $0x0  }
0x4f: {  	s3 =	rddreg [dreg:$0x2];
	[bflag:$0x3] =	sbarrier.arrive $0xFFFF;
	s2 =	simm.s32 @!p0 $0x1C04  }
0x50: {  	[timem:s3], [sflag:s2] =	dma.local @!p0 [hbm:s0], s1  }
0x51: {  	s0 =	simm.s32 @!p0 $0x4  }
0x52: {  	_ =	swait.ge @!p0 [sflag:s0], s1  }
0x53: {  	s1 =	ssub.s32 @!p0 $0x0, s1;
	[sflag:s0] =	ssyncset.done @!p0 $0x0  }
0x54: {  	[sflag:s0] =	ssyncadd.s32 @!p0 s1  }
0x55: {  	[bflag:$0x3] =	sbarrier.arrive $0xFFFF  }
0x56: {  	_ =	shalt  }

// kernel: kernel.54.cloned.1.call-start
scs
__scs_entry_jumppad:
0x0: {  	(pc) =	sbr.rel $0x88, $3  }
0x1: {  	(tag) =	ssettag $0x0;
	lr =	simm.s32 $0x1  }
0x2: {  	[smem:$0x3F9A] =	sst lr;
	_ =	strace $0xD0000000  }
0x3: {  	_ = 	snop  }
0x4: {  	_ = 	snop  }
0x5: {  	_ = 	snop  }
0x6: {  	_ = 	snop  }
0x7: {  	_ = 	snop  }
__scs_overlays_trampoline_lowered:
0x8: {  	[smem:$0x3FA9] =	sst s0  }
0x9: {  	[smem:$0x3FAA] =	sst s1  }
0xa: {  	[smem:$0x3FAB] =	sst s2  }
0xb: {  	[smem:$0x3FAC] =	sst s3  }
0xc: {  	[smem:$0x3FAD] =	sst s4  }
0xd: {  	[smem:$0x3FAE] =	sst s5  }
0xe: {  	[smem:$0x3FAF] =	sst s6  }
0xf: {  	[smem:$0x3FB0] =	sst s7  }
0x10: {  	[smem:$0x3FB1] =	sst s8  }
0x11: {  	[smem:$0x3FB2] =	sst s9;
	s0 =	simm.s32 @!p0 $0x0  }
0x12: {  	s1 =	sld [smem:$0x3F98];
	s0 =	simm.s32 @p0 $0x1  }
0x13: {  	[smem:$0x3FB3] =	sst s0;
	s0 =	simm.s32 @!p1 $0x0  }
0x14: {  	s2 =	sld [smem:$0x3F97];
	s0 =	simm.s32 @p1 $0x1  }
0x15: {  	[smem:$0x3FB4] =	sst s0;
	s0 =	simm.s32 @!p2 $0x0  }
0x16: {  	s3 =	sld [smem:$0x3FDB];
	s0 =	simm.s32 @p2 $0x1  }
0x17: {  	s4 =	simm.s32 $0x1BF5;
	[smem:$0x3FB6] =	sst s0  }
0x18: {  	s0 =	sld [smem:$0x3F99];
	_ =	swait.ge [sflag:s4], $0x0  }
0x19: {  	s7 =	sld [smem:$0x3F9A]  }
0x1a: {  	s8 =	sadd.s32 $0xFFFFE003, lr  }
0x1b: {  	s9 =	sadd.s32 $0xFFFFFEF7, lr;
	s5 =	simm.s32 $0xFFFFFFFF;
	p2 =	slt.u32 s8, $0xFFFFF086  }
0x1c: {  	p1 =	slt.u32 s9, $0xF7A;
	s5 =	simm.s32 @!p2 $0x0  }
0x1d: {  	s5 =	simm.s32 @p1 $0x1;
	p0 =	seq.s32 s7, s2  }
0x1e: {  	s7 =	smul.u32 @!p0 $0xF7A, s2;
	p2 =	seq.s32 @!p0 s5, $0x0  }
0x1f: {  	s9 =	smul.u32 $0xF7A, s1;
	s8 =	simm.s32 @!p0 $0x1BF5;
	p2 =	por !p2, p0  }
0x20: {  	[sflag:s8] =	ssyncset.s32 @!p0 $0xFFFFF086;
	s6 =	sadd.s32 @!p0 s3, s7;
	s7 =	simm.s32 @!p0 $0x108  }
0x21: {  	s3 =	sadd.s32 s3, s9;
	s6 =	sadd.s32 @!p0 $0x88, s6;
	s7 =	simm.s32 @p2 $0x1082  }
0x22: {  	[simem:s7], [sflag:s8] =	dma.local @!p0 [hbm:s6], $0xF7A  }
0x23: {  	s9 =	sor.u32 $0xD0000000, s2;
	s6 =	simm.s32 $0x108;
	_ =	swait.ge @!p0 [sflag:s8], $0x0  }
0x24: {  	s3 =	sadd.s32 $0x88, s3;
	s6 =	simm.s32 @!p1 $0x1082;
	[sflag:s4] =	ssyncset.s32 $0xFFFFF086  }
0x25: {  	[simem:s6], [sflag:s4] =	dma.local [hbm:s3], $0xF7A  }
0x26: {  	[smem:$0x3F9A] =	sst s1;
	(tag) =	ssettag s2;
	_ =	strace s9  }
0x27: {  	s1 =	sld [smem:$0x3FAA]  }
0x28: {  	s2 =	sld [smem:$0x3FAB]  }
0x29: {  	s4 =	sld [smem:$0x3FAD]  }
0x2a: {  	p0 =	seq.s32 s5, $0x0;
	s5 =	sld [smem:$0x3FAE]  }
0x2b: {  	s6 =	sld [smem:$0x3FAF]  }
0x2c: {  	s7 =	sld [smem:$0x3FB0]  }
0x2d: {  	s3 =	simm.s32 $0x108;
	s8 =	sld [smem:$0x3FB1]  }
0x2e: {  	s3 =	simm.s32 @!p0 $0x1082;
	s9 =	sld [smem:$0x3FB2]  }
0x2f: {  	lr =	sadd.s32 s0, s3;
	s0 =	sld [smem:$0x3FA9]  }
0x30: {  	s3 =	sld [smem:$0x3FAC]  }
0x31: {  	[smem:$0x3FB5] =	sst s10  }
0x32: {  	s10 =	sld [smem:$0x3FB3];
	_ =	sdelay $0x3  }
0x33: {  	p0 =	seq.s32 s10, $0x1;
	s10 =	sld [smem:$0x3FB5];
	_ =	sdelay $0x3  }
0x34: {  	[smem:$0x3FB5] =	sst s10  }
0x35: {  	s10 =	sld [smem:$0x3FB4];
	_ =	sdelay $0x3  }
0x36: {  	p1 =	seq.s32 s10, $0x1;
	s10 =	sld [smem:$0x3FB5];
	_ =	sdelay $0x3  }
0x37: {  	[smem:$0x3FB5] =	sst s10  }
0x38: {  	s10 =	sld [smem:$0x3FB6]  }
0x39: {  	_ = 	snop;
	(pc) =	sbr.ind lr, $3  }
0x3a: {  	_ = 	snop  }
0x3b: {  	_ = 	snop  }
0x3c: {  	p2 =	seq.s32 s10, $0x1;
	s10 =	sld [smem:$0x3FB5]  }
0x3d: {  	_ =	shalt  }
0x3e: {  	_ =	shalt  }
0x3f: {  	_ =	shalt  }
0x40: {  	_ =	shalt  }
0x41: {  	_ =	shalt  }
0x42: {  	_ =	shalt  }
0x43: {  	_ =	shalt  }
0x44: {  	_ =	shalt  }
0x45: {  	_ =	shalt  }
0x46: {  	_ =	shalt  }
0x47: {  	_ =	shalt  }
0x48: {  	_ =	shalt  }
0x49: {  	_ =	shalt  }
0x4a: {  	_ =	shalt  }
0x4b: {  	_ =	shalt  }
0x4c: {  	_ =	shalt  }
0x4d: {  	_ =	shalt  }
0x4e: {  	_ =	shalt  }
0x4f: {  	_ =	shalt  }
0x50: {  	_ =	shalt  }
0x51: {  	_ =	shalt  }
0x52: {  	_ =	shalt  }
0x53: {  	_ =	shalt  }
0x54: {  	_ =	shalt  }
0x55: {  	_ =	shalt  }
0x56: {  	_ =	shalt  }
0x57: {  	_ =	shalt  }
0x58: {  	_ =	shalt  }
0x59: {  	_ =	shalt  }
0x5a: {  	_ =	shalt  }
0x5b: {  	_ =	shalt  }
0x5c: {  	_ =	shalt  }
0x5d: {  	_ =	shalt  }
0x5e: {  	_ =	shalt  }
0x5f: {  	_ =	shalt  }
0x60: {  	_ =	shalt  }
0x61: {  	_ =	shalt  }
0x62: {  	_ =	shalt  }
0x63: {  	_ =	shalt  }
0x64: {  	_ =	shalt  }
0x65: {  	_ =	shalt  }
0x66: {  	_ =	shalt  }
0x67: {  	_ =	shalt  }
0x68: {  	_ =	shalt  }
0x69: {  	_ =	shalt  }
0x6a: {  	_ =	shalt  }
0x6b: {  	_ =	shalt  }
0x6c: {  	_ =	shalt  }
0x6d: {  	_ =	shalt  }
0x6e: {  	_ =	shalt  }
0x6f: {  	_ =	shalt  }
0x70: {  	_ =	shalt  }
0x71: {  	_ =	shalt  }
0x72: {  	_ =	shalt  }
0x73: {  	_ =	shalt  }
0x74: {  	_ =	shalt  }
0x75: {  	_ =	shalt  }
0x76: {  	_ =	shalt  }
0x77: {  	_ =	shalt  }
0x78: {  	_ =	shalt  }
0x79: {  	_ =	shalt  }
0x7a: {  	_ =	shalt  }
0x7b: {  	_ =	shalt  }
0x7c: {  	_ =	shalt  }
0x7d: {  	_ =	shalt  }
0x7e: {  	_ =	shalt  }
0x7f: {  	_ =	shalt  }
0x80: {  	_ =	shalt  }
0x81: {  	_ =	shalt  }
0x82: {  	_ =	shalt  }
0x83: {  	_ =	shalt  }
0x84: {  	_ =	shalt  }
0x85: {  	_ =	shalt  }
0x86: {  	_ =	shalt  }
0x87: {  	_ =	shalt  }
.Lfunc_end0:
.L_simem_size_0:
called_computation.10_lowered:
.L_overlay_start_0:
0x88: {  	s2 =	sld [smem:$0x3FD9]  }
0x89: {  	s3 =	sld [smem:$0x3FFE];
	_ =	sdelay $0x1  }
0x8a: {  	s1 =	srdreg.scid  }
0x8b: {  	s0 =	sand.u32 $0x1, s1  }
0x8c: {  	s16 =	sshll.u32 s0, $0xA;
	s2 =	sadd.s32 s3, s2  }
0x8d: {  	s2 =	sadd.s32 s2, s16  }
0x8e: {  	[smem:$0x3FC1] =	sst s2  }
0x8f: {  	_ = 	snop  }
0x90: {  	(tm) =	ssettm $0x1  }
0x91: {  	s17 =	sld [smem:$0x3FFB];
	_ =	sdelay $0x3  }
0x92: {  	_ =	strace s17  }
0x93: {  	s2 =	sld [smem:$0x3FFC];
	_ =	sdelay $0x3  }
0x94: {  	_ =	strace s2  }
0x95: {  	s2 =	sld [smem:$0x3FFD];
	_ =	sdelay $0x3  }
0x96: {  	_ =	strace s2  }
0x97: {  	_ =	strace $0x8FFFFFFF  }
0x98: {  	s18 =	sld [smem:$0x3FDB];
	_ =	sdelay $0x1  }
0x99: {  	s19 =	simm.s32 $_scs_section_size  }
0x9a: {  	s4 =	simm.s32 $_size__tile_overlayer_lowered;
	s5 =	simm.s32 $_tile_overlayer_lowered  }
0x9b: {  	s22 =	simm.s32 $0x1BFF;
	s21 =	sshll.u32 s5, $0x1;
	s2 =	sadd.s32 s19, s18  }
0x9c: {  	s6 =	simm.s32 $0x0;
	s20 =	sshll.u32 s4, $0x1;
	s4 =	sadd.s32 s21, s2  }
0x9d: {  	[timem:s6], [sflag:s22] =	dma.local [hbm:s4], s20  }
0x9e: {  	_ =	swait.ge [sflag:s22], s20  }
0x9f: {  	s3 =	ssub.s32 $0x0, s20;
	[sflag:s22] =	ssyncset.done $0x0  }
0xa0: {  	[sflag:s22] =	ssyncadd.s32 s3;
	_ =	sdelay $0x1  }
0xa1: {  	s23 =	simm.s32 $0x1B8B  }
0xa2: {  	_ =	swait.ge [sflag:s23], $0x1  }
0xa3: {  	[sflag:s23] =	ssyncset.done $0x0  }
0xa4: {  	s25 =	simm.s32 $0x1B8E;
	s24 =	sld [smem:$0x3FFE];
	[sflag:s23] =	ssyncadd.s32 $0xFFFFFFFF  }
0xa5: {  	s26 =	simm.s32 $execute0_lowered;
	[smem:$0x3FD2] =	sst s25  }
0xa6: {  	s4 =	sshll.u32 s26, $0x1;
	_ =	strace $0x80000064;
	[dreg:$0x1] =	wrdreg $0xFFFFFFFF  }
0xa7: {  	s28 =	simm.s32 $_size_execute0_lowered;
	s2 =	sadd.s32 s2, s4;
	[dreg:$0x0] =	wrdreg $0x0  }
0xa8: {  	s4 =	sshll.u32 s28, $0x1;
	[dreg:$0x2] =	wrdreg s2  }
0xa9: {  	[dreg:$0x3] =	wrdreg s4  }
0xaa: {  	[dreg:$0x4] =	wrdreg $0xC0  }
0xab: {  	_ =	task [dreg:s6], $0x5FFFF  }
0xac: {  	[dreg:$0x1] =	wrdreg $0xFFFFFFFF  }
0xad: {  	[dreg:$0x0] =	wrdreg $0x60  }
0xae: {  	[dreg:$0x2] =	wrdreg s24  }
0xaf: {  	[dreg:$0x3] =	wrdreg $0xA8000  }
0xb0: {  	[dreg:$0x4] =	wrdreg $0x9  }
0xb1: {  	_ =	task.clear_ibuf [dreg:s6], $0x5FFFF;
	_ =	strace $0x90000064  }
0xb2: {  	s29 =	simm.s32 $0x9;
	_ =	strace $0x80000066  }
0xb3: {  	_ =	swait.ge [sflag:s29], $0x1  }
0xb4: {  	[sflag:s29] =	ssyncadd.s32 $0xFFFFFFFF  }
0xb5: {  	_ =	strace $0x90000066  }
0xb6: {  	_ =	sfence  }
0xb7: {  	s30 =	sld [smem:$0x0];
	_ =	sdelay $0x2  }
0xb8: {  	s31 =	sshll.u32 s1, $0xD;
	s1 =	sshrl.u32 s1, $0x2  }
0xb9: {  	s3 =	sand.u32 $0x4000, s31;
	s1 =	sadd.s32 s1, s30  }
0xba: {  	s0 =	sor.u32 s3, s0;
	s1 =	sshll.u32 s1, $0x11  }
0xbb: {  	s0 =	sor.u32 s1, s0  }
0xbc: {  	s0 =	sadd.s32 $0x8F2B, s0  }
0xbd: {  	[sflag:s0] =	ssyncadd.remote.s32 $0x1  }
0xbe: {  	_ =	sfence.sel $0xFFFF  }
0xbf: {  	[dreg:$0x0] =	wrdreg $0xFFFFFFFF;
	(pc) =	sbr.abs _section_cstart, $3  }
0xc0: {  	[dreg:$0x1] =	wrdreg $0xFFFFFFFF  }
0xc1: {  	_ =	task.clear_ibuf [dreg:s6], $0x2FFFF;
	_ =	strace $0x9FFFFFFF  }
0xc2: {  	(tm) =	ssettm $0x7FFFFFFF  }
0xc3: {  	_ =	shalt  }
tec
execute0_lowered:
.L_overlay_start_1:
0x0: {  	(tag) =	ssettag $0x1  }
0x1: {  	s9 =	rddreg [dreg:$0x0]  }
0x2: {  	s1 =	rddreg [dreg:$0x1]  }
0x3: {  	s0 =	rddreg [dreg:$0x2];
	s3 =	simm.s32 $0x0;
	s4 =	srdreg.scid  }
0x4: {  	s2 =	stileid.u32;
	s17 =	simm.s32 $0x1;
	s18 =	simm.s32 $0x2  }
0x5: {  	s19 =	simm.s32 $0x50;
	s20 =	simm.s32 $0x8000;
	s21 =	simm.s32 $0x3  }
0x6: {  	s22 =	simm.s32 $0x0;
	[smem:$0x7FF] =	sst s3;
	s7 =	sand.u32 $0x1, s4  }
0x7: {  	s5 =	sshll.u32 s2, $0xC;
	s10 =	smul.u32 $0x13800, s2;
	s4 =	sadd.s32 $0x2EE00, s9  }
0x8: {  	s12 =	smul.u32 $0x4E000, s2;
	s13 =	sadd.s32 $0x7D200, s9;
	s30 =	sshll.u32 s2, $0x6  }
0x9: {  	s16 =	sadd.s32 $0x138000, s1;
	p0 =	sne.s32 s2, $0xF;
	s6 =	sshll.u32 s7, $0xB  }
0xa: {  	_ =	strace $0x80000065;
	s8 =	ssub.s32 $0x2, s7;
	s29 =	smul.u32 $0x138800, s7  }
0xb: {  	s16 =	sshrl.u32 @!p0 s16, $0x3;
	s5 =	sor.u32 s6, s5;
	s25 =	sshrl.u32 s10, $0x3  }
0xc: {  	s26 =	sshrl.u32 s8, $0x1;
	s28 =	sshrl.u32 s12, $0x2;
	s6 =	sadd.s32 s5, s9  }
0xd: {  	s11 =	sadd.s32 s25, s9;
	s14 =	ssub.s32 s8, s26;
	s15 =	sadd.s32 s28, s1  }
0xe: {  	s8 =	sor.u32 $0x1C04, s30;
	s10 =	sadd.s32 s10, s29;
	s31 =	sshrl.u32 s29, $0x3  }
0xf: {  	s9 =	sadd.s32 $0x7D000, s9;
	s5 =	sadd.s32 $0x1EE00, s6;
	s6 =	sadd.s32 $0xEC00, s6  }
0x10: {  	s7 =	sadd.s32 $0x56000, s11;
	s10 =	sshrl.u32 s10, $0x3;
	s11 =	sadd.s32 s13, s31  }
0x11: {  	s12 =	smax.u32 s14, $0x1;
	s14 =	sshrl.u32 s15, $0x3;
	s15 =	simm.s32 $0x4  }
0x12: {  	s10 =	sadd.s32 s13, s10;
	s11 =	sadd.s32 $0x27000, s11;
	s13 =	simm.s32 $0x4000  }
.LBB2_1:
0x13: {  	[tilespmem:s3], [sflag:$0x1] =	stream.linear.gather [hbm4b:s5+s3], $0x3E80, $0x38;
	[tilespmem:$0x1E0C0] =	vst v63  }
0x14: {  	_ = 	snop  }
0x15: {  	[tilespmem:s13], [sflag:$0x2] =	stream.linear.gather [hbm4b:s6+s3], $0x3E80, $0x38;
	[tilespmem:$0x1E0C0] =	vst v63  }
0x16: {  	[spmem:s14], [sflag:s8] =	dma.local [hbm:s7], $0x2700  }
0x17: {  	_ =	swait.ge [sflag:s15], $0x2700  }
0x18: {  	[sflag:s15] =	ssyncset.done $0x0  }
0x19: {  	s23 =	simm.s32 @!p0 $0x4;
	[sflag:s15] =	ssyncadd.s32 $0xFFFFD900  }
0x1a: {  	[spmem:s16], [sflag:s8] =	dma.local @!p0 [hbm:s9], $0x180  }
0x1b: {  	_ =	swait.ge @!p0 [sflag:s23], $0x180  }
0x1c: {  	[sflag:s23] =	ssyncset.done @!p0 $0x0  }
0x1d: {  	[sflag:s23] =	ssyncadd.s32 @!p0 $0xFFFFFE80  }
0x1e: {  	_ =	swait.ge [sflag:s17], $0x3E80  }
0x1f: {  	[sflag:s17] =	ssyncset.done $0x0  }
0x20: {  	[sflag:s17] =	ssyncadd.s32 $0xFFFFC180  }
0x21: {  	_ =	swait.ge [sflag:s18], $0x3E80  }
0x22: {  	[sflag:s18] =	ssyncset.done $0x0  }
0x23: {  	[sflag:s18] =	ssyncadd.s32 $0xFFFFC180  }
0x24: {  	s30 =	simm.s32 $0x0;
	[bflag:$0x0] =	sbarrier.arrive $0xFFFF  }
0x25: {  	[tilespmem:s20], [sflag:$0x3] =	stream.indirect.gather [hbm4b:s4+s19], $0x80, s30, s19, $0xb8;
	[tilespmem:$0x1E0C0] =	vst v63  }
0x26: {  	_ =	swait.ge [sflag:s21], $0x2800  }
0x27: {  	[sflag:s21] =	ssyncset.done $0x0  }
0x28: {  	s31 =	simm.s32 $0x4000;
	[sflag:s21] =	ssyncadd.s32 $0xFFFFD800  }
0x29: {  	[spmem:s1] =	stream.indirect.scatter.add.f32 [tilespmem:s20], [sflag:$0x4], $0x80, s31, s19, $0xb8;
	[tilespmem:$0x1E0C0] =	vst v63  }
0x2a: {  	_ =	swait.ge [sflag:s15], $0x2800  }
0x2b: {  	s24 =	simm.s32 $0x400;
	s23 =	simm.s32 $0x200;
	[sflag:s15] =	ssyncset.done $0x0  }
.LBB2_2:
0x2c: {  	s25 =	sshra.s32 s23, $0x2  }
0x2d: {  	[sflag:s15] =	ssyncadd.s32 $0xFFFFD800;
	s23 =	smov.u32 s24;
	s26 =	sadd.s32 $0x200, s24  }
0x2e: {  	[tilespmem:s20], [sflag:$0x3] =	stream.indirect.gather [hbm4b:s4+s19], $0x80, s25, s19, $0xb8;
	[tilespmem:$0x1E0C0] =	vst v63  }
0x2f: {  	p1 =	sne.s32 s24, $0xF800;
	_ =	swait.ge [sflag:s21], $0x2800  }
.Ltmp0:
0x30: {  	[sflag:s21] =	ssyncset.done $0x0;
	(pc) =	sbr.rel @p1 .LBB2_2-.Ltmp0, $4  }
0x31: {  	s24 =	sadd.s32 $0x4000, s25;
	[sflag:s21] =	ssyncadd.s32 $0xFFFFD800  }
0x32: {  	[spmem:s1] =	stream.indirect.scatter.add.f32 [tilespmem:s20], [sflag:$0x4], $0x80, s24, s19, $0xb8;
	[tilespmem:$0x1E0C0] =	vst v63  }
0x33: {  	_ =	swait.ge [sflag:s15], $0x2800  }
0x34: {  	s24 =	smov.u32 s26;
	[sflag:s15] =	ssyncset.done $0x0  }
0x35: {  	s23 =	sshra.s32 s23, $0x2;
	[sflag:s15] =	ssyncadd.s32 $0xFFFFD800  }
0x36: {  	[tilespmem:s20], [sflag:$0x3] =	stream.indirect.gather [hbm4b:s4+s19], $0x80, s23, s19, $0xb8;
	[tilespmem:$0x1E0C0] =	vst v63  }
0x37: {  	_ =	swait.ge [sflag:s21], $0x2800  }
0x38: {  	[sflag:s21] =	ssyncset.done $0x0  }
0x39: {  	s23 =	sadd.s32 $0x4000, s23;
	[sflag:s21] =	ssyncadd.s32 $0xFFFFD800  }
0x3a: {  	[spmem:s1] =	stream.indirect.scatter.add.f32 [tilespmem:s20], [sflag:$0x4], $0x80, s23, s19, $0xb8;
	[tilespmem:$0x1E0C0] =	vst v63  }
0x3b: {  	_ =	swait.ge [sflag:s15], $0x2800  }
0x3c: {  	[sflag:s15] =	ssyncset.done $0x0  }
0x3d: {  	[sflag:s15] =	ssyncadd.s32 $0xFFFFD800  }
0x3e: {  	[bflag:$0x0] =	sbarrier.arrive $0xFFFF  }
0x3f: {  	[hbm:s10], [sflag:s8] =	dma.local [spmem:s14], $0x2700  }
0x40: {  	s22 =	sadd.s32 $0x1, s22;
	_ =	swait.ge [sflag:s15], $0x2700  }
0x41: {  	p1 =	sne.s32 s22, s12;
	[sflag:s15] =	ssyncset.done $0x0  }
.Ltmp1:
0x42: {  	s23 =	simm.s32 @!p0 $0x4;
	[sflag:s15] =	ssyncadd.s32 $0xFFFFD900;
	(pc) =	sbr.rel @p1 .LBB2_1-.Ltmp1, $4  }
0x43: {  	[hbm:s11], [sflag:s8] =	dma.local @!p0 [spmem:s16], $0x100  }
0x44: {  	_ =	swait.ge @!p0 [sflag:s23], $0x100  }
0x45: {  	[sflag:s23] =	ssyncset.done @!p0 $0x0  }
0x46: {  	[sflag:s23] =	ssyncadd.s32 @!p0 $0xFFFFFF00  }
0x47: {  	_ =	sfence.sel $0x180000  }
0x48: {  	[bflag:$0x0] =	sbarrier.arrive $0xFFFF  }
0x49: {  	p0 =	sne.s32 s2, $0x0;
	_ =	strace $0x90000065  }
0x4a: {  	s0 =	sadd.s32 @!p0 $0x100000, s0;
	[bflag:$0x2] =	sbarrier.arrive $0xFFFF  }
0x4b: {  	[sflag:s0] =	ssyncadd.tile.s32 @!p0 $0x1;
	_ =	shalt  }
.Lfunc_end2:
_tile_overlayer_lowered:
.L_overlay_start_2:
0x4c: {  	(tag) =	ssettag $0x2  }
0x4d: {  	s0 =	rddreg [dreg:$0x0];
	s2 =	stileid.u32  }
0x4e: {  	s1 =	rddreg [dreg:$0x1];
	p0 =	sne.s32 s2, $0x0  }
0x4f: {  	s3 =	rddreg [dreg:$0x2];
	[bflag:$0x3] =	sbarrier.arrive $0xFFFF;
	s2 =	simm.s32 @!p0 $0x1C04  }
0x50: {  	[timem:s3], [sflag:s2] =	dma.local @!p0 [hbm:s0], s1  }
0x51: {  	s0 =	simm.s32 @!p0 $0x4  }
0x52: {  	_ =	swait.ge @!p0 [sflag:s0], s1  }
0x53: {  	s1 =	ssub.s32 @!p0 $0x0, s1;
	[sflag:s0] =	ssyncset.done @!p0 $0x0  }
0x54: {  	[sflag:s0] =	ssyncadd.s32 @!p0 s1  }
0x55: {  	[bflag:$0x3] =	sbarrier.arrive $0xFFFF  }
0x56: {  	_ =	shalt  }

</sc_bundles>
